<compile_context>
chip_gen: v7x
topology: tpu7x:2x2x1
jax: 0.10.2.dev20260603
libtpu: 0.0.44.dev20260713+nightly
codegen_flags: <defaults>
</compile_context>

<pallas_src>
import functools

import jax
import jax.numpy as jnp
from jax import lax
from jax.experimental import pallas as pl
from jax.experimental.pallas import tpu as pltpu
from jax.experimental.pallas import tpu_sc as plsc

N = 10000
E = 160000
C = 256
DM = 64
OMEGA = 0.1
K_HYP = 1.0
B_IDX = 2048
HN = 10240
BLK = 1000
GRID = N // BLK

_mesh = plsc.VectorSubcoreMesh(core_axis_name="c", subcore_axis_name="s")


@functools.partial(
    pl.kernel,
    out_type=[jax.ShapeDtypeStruct((2, 16, 1, HN), jnp.float32),
              jax.ShapeDtypeStruct((2, 16, 1, HN), jnp.float32)],
    mesh=_mesh,
    scratch_types=[
        pltpu.VMEM((1, 5120), jnp.int32),
        pltpu.VMEM((1, 64), jnp.int32),
        pltpu.VMEM((HN,), jnp.float32),
        pltpu.VMEM((HN,), jnp.float32),
    ],
    compiler_params=pltpu.CompilerParams(needs_layout_passes=False),
)
def _sc_hist(dstp_hbm, idxp_hbm, outd_hbm, outi_hbm, dst_v, idx_v,
             hd_v, hi_v):
    c = lax.axis_index("c")
    s = lax.axis_index("s")

    def zero(j, carry):
        hd_v[pl.ds(16 * j, 16)] = jnp.zeros((16,), jnp.float32)
        hi_v[pl.ds(16 * j, 16)] = jnp.zeros((16,), jnp.float32)
        return carry

    lax.fori_loop(0, HN // 16, zero, 0)
    pltpu.sync_copy(dstp_hbm.at[c, s], dst_v)
    pltpu.sync_copy(idxp_hbm.at[c, s], idx_v)

    ones = jnp.full((16,), 1.0, jnp.float32)

    def accum_d(j, carry):
        v = dst_v[0, pl.ds(16 * j, 16)]
        plsc.addupdate_scatter(hd_v, [v], ones)
        return carry

    lax.fori_loop(0, 5120 // 16, accum_d, 0)

    def accum_i(j, carry):
        v = idx_v[0, pl.ds(16 * j, 16)]
        plsc.addupdate_scatter(hi_v, [v], ones)
        return carry

    lax.fori_loop(0, 64 // 16, accum_i, 0)
    pltpu.sync_copy(hd_v, outd_hbm.at[c, s, 0])
    pltpu.sync_copy(hi_v, outi_hbm.at[c, s, 0])


@functools.partial(
    pl.kernel,
    out_type=jax.ShapeDtypeStruct((2, 2, N, 128), jnp.float32),
    mesh=_mesh,
    scratch_types=[
        pltpu.VMEM((128, 80), jnp.int32),
        pltpu.VMEM((8, 80), jnp.int32),
        pltpu.VMEM((80, 128), jnp.float32),
        pltpu.VMEM((80, 128), jnp.float32),
        pltpu.VMEM_SHARED((N, 128), jnp.float32),
        pltpu.SemaphoreType.DMA,
        pltpu.SemaphoreType.DMA,
        pltpu.SemaphoreType.DMA,
        pltpu.SemaphoreType.DMA,
        pltpu.SemaphoreType.DMA,
        pltpu.SemaphoreType.DMA,
        pltpu.SemaphoreType.DMA,
    ],
)
def _sc_scatter(t_hbm, edg_hbm, z_hbm, out_hbm,
                gi_v, sib, rbA, rbB, acc, g0, g1, g2, g3, s0, s1, wsem):
    rbufs = [rbA, rbB]
    gsems = [[g0, g1], [g2, g3]]
    ssems = [s0, s1]
    QS = [(0, 40), (40, 40)]
    c = lax.axis_index("c")
    s = lax.axis_index("s")
    pltpu.sync_copy(edg_hbm.at[c, s], gi_v)
    rbase = s * 640
    nch = jnp.where(s < 15, 8, 5)
    for p in range(2):

        def zch(j, carry):
            pltpu.async_copy(z_hbm, acc.at[pl.ds(rbase + 80 * j, 80)], wsem)
            return carry

        def wdrain(j, carry):
            pltpu.make_async_copy(z_hbm, acc.at[pl.ds(rbase, 80)],
                                  wsem).wait()
            return carry

        lax.fori_loop(0, nch, zch, 0)
        lax.fori_loop(0, nch, wdrain, 0)
        plsc.subcore_barrier()

        def gat(j, m):
            ga = pltpu.async_copy(
                t_hbm.at[c, p].at[gi_v.at[8 * j + m, pl.ds(0, 40)]],
                rbufs[m % 2].at[pl.ds(0, 40)], gsems[m % 2][0])
            gb = pltpu.async_copy(
                t_hbm.at[c, p].at[gi_v.at[8 * j + m, pl.ds(40, 40)]],
                rbufs[m % 2].at[pl.ds(40, 40)], gsems[m % 2][1])
            return ga, gb

        def sct(m):
            return pltpu.async_copy(
                rbufs[m % 2], acc.at[sib.at[m]], ssems[m % 2], add=True)

        def body(j, nreal):
            pltpu.sync_copy(edg_hbm.at[1 - c, s, pl.ds(8 * j, 8)], sib)
            g = {0: gat(j, 0)}
            if nreal > 1:
                g[1] = gat(j, 1)
            for m in range(nreal):
                g[m][0].wait()
                g[m][1].wait()
                sm = sct(m)
                sm.wait()
                if m + 2 <= nreal - 1:
                    g[m + 2] = gat(j, m + 2)

        def chunk8(j, carry):
            body(j, 8)
            return carry

        lax.fori_loop(0, 15, chunk8, 0)
        body(15, 5)
        plsc.subcore_barrier()

        def wch(j, carry):
            pltpu.async_copy(acc.at[pl.ds(rbase + 80 * j, 80)],
                             out_hbm.at[c, p, pl.ds(rbase + 80 * j, 80)],
                             wsem)
            return carry

        def wdrain2(j, carry):
            pltpu.make_async_copy(z_hbm, acc.at[pl.ds(rbase, 80)],
                                  wsem).wait()
            return carry

        lax.fori_loop(0, nch, wch, 0)
        lax.fori_loop(0, nch, wdrain2, 0)
        plsc.subcore_barrier()


def _tc_dense_body(x_ref, wc_ref, deg_ref, hd_ref, t_ref, dis_ref,
                   dsum_ref):
    i = pl.program_id(0)
    h = jnp.dot(x_ref[...], wc_ref[...], preferred_element_type=jnp.float32)
    degsl = jnp.sum(hd_ref[...], axis=1) + 1.0
    dis = lax.rsqrt(degsl)
    hs = h * dis[:, None]
    for p in range(2):
        t_ref[0, p] = hs[:, 128 * p:128 * (p + 1)]
        t_ref[1, p] = h[:, 128 * p:128 * (p + 1)]
    dis_ref[...] = dis[:, None]
    d_i = deg_ref[...]

    @pl.when(i == 0)
    def _():
        dsum_ref[...] = jnp.zeros_like(dsum_ref)

    dsum_ref[...] += jnp.sum(d_i.astype(jnp.float32))


def _tc_dense(x, W_conv, degree, hd):
    return pl.pallas_call(
        _tc_dense_body,
        grid=(GRID,),
        in_specs=[
            pl.BlockSpec((BLK, C), lambda i: (i, 0)),
            pl.BlockSpec((C, C), lambda i: (0, 0)),
            pl.BlockSpec((BLK, 1), lambda i: (i, 0)),
            pl.BlockSpec((BLK, 32), lambda i: (i, 0)),
        ],
        out_specs=[
            pl.BlockSpec((2, 2, BLK, 128), lambda i: (0, 0, i, 0)),
            pl.BlockSpec((BLK, 1), lambda i: (i, 0)),
            pl.BlockSpec((1, 1), lambda i: (0, 0)),
        ],
        out_shape=[
            jax.ShapeDtypeStruct((2, 2, N, 128), jnp.float32),
            jax.ShapeDtypeStruct((N, 1), jnp.float32),
            jax.ShapeDtypeStruct((1, 1), jnp.float32),
        ],
    )(x, W_conv, degree, hd)


def _tc_final_body(ac_ref, t_ref, dis_ref, deg_ref, pe_ref, wg_ref,
                   wb_ref, bg_ref, bb_ref, wa_ref, wr_ref, hi_ref, dsum_ref,
                   out_ref, lb_ref, lf_ref):
    i = pl.program_id(0)
    agg = jnp.concatenate([ac_ref[1, 0], ac_ref[1, 1]], axis=1) * (DM ** 0.5)
    deg_f = deg_ref[...].astype(jnp.float32)
    safe = jnp.where(deg_f == 0, 1.0, deg_f)
    i_n = jnp.where(deg_f == 0, 0.0, agg / safe)
    A = jnp.dot(i_n, wa_ref[...], preferred_element_type=jnp.float32)
    Rv = jnp.dot(i_n, wr_ref[...], preferred_element_type=jnp.float32)
    iota = lax.broadcasted_iota(jnp.int32, (BLK, 128), 1)
    onehot = (deg_ref[...] == iota).astype(jnp.float32)
    m_dv = jnp.dot(onehot, pe_ref[...], preferred_element_type=jnp.float32)

    def lrelu(v):
        return jnp.where(v >= 0, v, 0.01 * v)

    gam = lrelu(
        jnp.dot(m_dv, wg_ref[...], preferred_element_type=jnp.float32)
        + bg_ref[...])
    bet = lrelu(
        jnp.dot(m_dv, wb_ref[...], preferred_element_type=jnp.float32)
        + bb_ref[...])
    gp1 = gam + 1.0
    b_add = gp1 * A + bet
    b_rev = gp1 * Rv + bet
    Kv = dsum_ref[0, 0] * (K_HYP / N)
    R = (deg_f < Kv).astype(jnp.float32)
    bias = OMEGA * (R * b_add - (1.0 - R) * b_rev)
    hfull = jnp.concatenate([t_ref[0, 0], t_ref[0, 1]], axis=1)
    conv1 = jnp.concatenate([ac_ref[0, 0], ac_ref[0, 1]], axis=1)
    dis = dis_ref[...]
    out_ref[...] = conv1 * dis + hfull * (dis * dis) + bias
    na = jnp.sqrt(jnp.sum(b_add * b_add, axis=1, keepdims=True)) * R
    nr = jnp.sqrt(jnp.sum(b_rev * b_rev, axis=1, keepdims=True)) * (1.0 - R)
    ng = jnp.sqrt(jnp.sum(gam * gam, axis=1))
    nbv = jnp.sqrt(jnp.sum(bet * bet, axis=1))
    cnt = jnp.sum(hi_ref[...], axis=1)

    @pl.when(i == 0)
    def _():
        lb_ref[...] = jnp.zeros_like(lb_ref)
        lf_ref[...] = jnp.zeros_like(lf_ref)

    lb_ref[...] += jnp.sum(cnt * (na + nr)[:, 0])
    lf_ref[...] += jnp.sum(cnt * (ng + nbv))


def _tc_final(ac, t, dis, degree, pe, W_gamma, W_beta, b_gamma, b_beta,
              W_add, W_rev, hi, dsum):
    return pl.pallas_call(
        _tc_final_body,
        grid=(GRID,),
        in_specs=[
            pl.BlockSpec((2, 2, BLK, 128), lambda i: (0, 0, i, 0)),
            pl.BlockSpec((1, 2, BLK, 128), lambda i: (1, 0, i, 0)),
            pl.BlockSpec((BLK, 1), lambda i: (i, 0)),
            pl.BlockSpec((BLK, 1), lambda i: (i, 0)),
            pl.BlockSpec((128, DM), lambda i: (0, 0)),
            pl.BlockSpec((DM, C), lambda i: (0, 0)),
            pl.BlockSpec((DM, C), lambda i: (0, 0)),
            pl.BlockSpec((1, C), lambda i: (0, 0)),
            pl.BlockSpec((1, C), lambda i: (0, 0)),
            pl.BlockSpec((C, C), lambda i: (0, 0)),
            pl.BlockSpec((C, C), lambda i: (0, 0)),
            pl.BlockSpec((BLK, 32), lambda i: (i, 0)),
            pl.BlockSpec((1, 1), lambda i: (0, 0)),
        ],
        out_specs=[
            pl.BlockSpec((BLK, C), lambda i: (i, 0)),
            pl.BlockSpec((1, 1), lambda i: (0, 0)),
            pl.BlockSpec((1, 1), lambda i: (0, 0)),
        ],
        out_shape=[
            jax.ShapeDtypeStruct((N, C), jnp.float32),
            jax.ShapeDtypeStruct((1, 1), jnp.float32),
            jax.ShapeDtypeStruct((1, 1), jnp.float32),
        ],
    )(ac, t, dis, degree, pe, W_gamma, W_beta, b_gamma, b_beta,
      W_add, W_rev, hi, dsum)


def kernel(x, adj, degree, idx, edge, W_conv, W_gamma, W_beta, b_gamma,
           b_beta, W_add, W_rev, PE):
    src = adj[0]
    dst = adj[1]
    pad = N + (jnp.arange(3840, dtype=jnp.int32) % 16)
    dstp = jnp.concatenate([dst, pad]).reshape(2, 16, 1, 5120)
    idxp = idx.reshape(2, 16, 1, 64)
    epad = jnp.zeros((2, 16, 3, 80), jnp.int32)
    edg = jnp.concatenate([adj.reshape(2, 16, 125, 80), epad], axis=2)

    histd, histi = _sc_hist(dstp, idxp)
    hd = histd.reshape(32, HN)[:, :N].T
    hi = histi.reshape(32, HN)[:, :N].T

    T, dis, dsum = _tc_dense(x, W_conv, degree, hd)

    z = jnp.zeros((80, 128), jnp.float32)
    ac = _sc_scatter(T, edg, z)

    output, lb, lf = _tc_final(ac, T, dis, degree, PE[:128], W_gamma,
                               W_beta, b_gamma, b_beta, W_add, W_rev, hi,
                               dsum)
    nb = float(B_IDX)
    return output, lb[0, 0] / nb, lf[0, 0] / nb

# --- scband reference (transcript-rebuilt; emitter-appended) ---
"""Pipeline reference for scband-debias-v3-11862699671617 (READ-ONLY COPY).

The authoritative reference and input builder live on the scoring server;
editing this copy changes nothing except your own understanding.
"""

import jax, jax.numpy as jnp
import numpy as np

N = 10000
E = 160000
IN_C = 256
OUT_C = 256
DIM_M = 64
D_MAX = 100 + 512
OMEGA = 0.1
K_HYP = 1.0
B_IDX = 2048


def make_pe():
    pos = np.arange(D_MAX)[:, None].astype(np.float64)
    i = np.arange(DIM_M)[None, :].astype(np.float64)
    angle = pos / np.power(10000.0, (i - (i % 2)) / DIM_M)
    pe = angle.copy()
    pe[:, 0::2] = np.sin(angle[:, 0::2])
    pe[:, 1::2] = np.cos(angle[:, 1::2])
    return jnp.asarray(pe, dtype=jnp.float32)


def setup_inputs(seed: int = 0):
    key = jax.random.key(seed)
    ks = jax.random.split(key, 12)
    x = jax.random.normal(ks[0], (N, IN_C), dtype=jnp.float32)
    adj = jax.random.randint(ks[1], (2, E), 0, N, dtype=jnp.int32)
    degree = jax.random.randint(ks[2], (N, 1), 0, 100, dtype=jnp.int32)
    idx = jax.random.randint(ks[3], (B_IDX,), 0, N, dtype=jnp.int32)
    edge = jax.random.randint(ks[4], (2, E), 0, N, dtype=jnp.int32)
    W_conv = jax.random.normal(ks[5], (IN_C, OUT_C), dtype=jnp.float32) * 0.05
    W_gamma = jax.random.uniform(ks[6], (DIM_M, OUT_C), dtype=jnp.float32)
    W_beta = jax.random.uniform(ks[7], (DIM_M, OUT_C), dtype=jnp.float32)
    b_gamma = jax.random.uniform(ks[8], (1, OUT_C), dtype=jnp.float32)
    b_beta = jax.random.uniform(ks[9], (1, OUT_C), dtype=jnp.float32)
    W_add = jax.random.normal(ks[10], (OUT_C, OUT_C), dtype=jnp.float32) * 0.05
    W_rev = jax.random.normal(ks[11], (OUT_C, OUT_C), dtype=jnp.float32) * 0.05
    PE = make_pe()
    return {"x": x, "adj": adj, "degree": degree, "idx": idx, "edge": edge,
            "W_conv": W_conv, "W_gamma": W_gamma, "W_beta": W_beta,
            "b_gamma": b_gamma, "b_beta": b_beta, "W_add": W_add, "W_rev": W_rev,
            "PE": PE}


def _forward(x, W_conv, W_gamma, W_beta, b_gamma, b_beta, W_add, W_rev, adj, degree, idx, PE):
    src = adj[0]
    dst = adj[1]
    # GCNConv (base=1): lin -> hook captures h, then sym-normalized aggregation with self-loops
    h = x @ W_conv
    loop = jnp.arange(N, dtype=src.dtype)
    src_f = jnp.concatenate([src, loop])
    dst_f = jnp.concatenate([dst, loop])
    deg_sl = jax.ops.segment_sum(jnp.ones(src_f.shape[0], jnp.float32), dst_f, num_segments=N)
    dis = jnp.where(deg_sl > 0, 1.0 / jnp.sqrt(deg_sl), 0.0)
    normv = dis[src_f] * dis[dst_f]
    conv_out = jax.ops.segment_sum(h[src_f] * normv[:, None], dst_f, num_segments=N)
    # dataset != 'nba' -> scale lin features
    h2 = h * (DIM_M ** 0.5)
    m_dv = jnp.squeeze(PE[degree], axis=1)  # [N, DIM_M]
    gamma = jax.nn.leaky_relu(m_dv @ W_gamma + b_gamma, negative_slope=0.01)
    beta = jax.nn.leaky_relu(m_dv @ W_beta + b_beta, negative_slope=0.01)
    # i = spmm(adj, h2) / degree, rows with degree==0 zeroed
    agg = jax.ops.segment_sum(h2[dst], src, num_segments=N)
    deg_f = degree.astype(jnp.float32)  # [N, 1]
    deg_safe = jnp.where(deg_f == 0, 1.0, deg_f)
    i_n = agg / deg_safe
    i_n = jnp.where(deg_f == 0, 0.0, i_n)
    b_add = (gamma + 1.0) * (i_n @ W_add) + beta
    b_rev = (gamma + 1.0) * (i_n @ W_rev) + beta
    mean_degree = jnp.mean(deg_f)
    Kv = mean_degree * K_HYP
    R = (deg_f < Kv).astype(jnp.float32)  # [N, 1]
    nb = float(idx.shape[0])
    L_b = (jnp.sum(jnp.linalg.norm((R * b_add)[idx], axis=1)) +
           jnp.sum(jnp.linalg.norm(((1.0 - R) * b_rev)[idx], axis=1))) / nb
    L_film = (jnp.sum(jnp.linalg.norm(gamma[idx], axis=1)) +
              jnp.sum(jnp.linalg.norm(beta[idx], axis=1))) / nb
    bias = OMEGA * (R * b_add - (1.0 - R) * b_rev)
    output = conv_out + bias
    return output, L_b, L_film


def reference(x, adj, degree, idx, edge, W_conv, W_gamma, W_beta, b_gamma, b_beta, W_add, W_rev, PE):
    # edge is accepted by the torch forward but unused (base=1 path)
    return _forward(x, W_conv, W_gamma, W_beta, b_gamma, b_beta, W_add, W_rev, adj, degree, idx, PE)

if __name__ == "__main__":
    import jax
    _d = setup_inputs()
    print(jax.jit(kernel)(*tuple(_d.values())))

</pallas_src>

<mosaic_0001>
#map = affine_map<(d0, d1) -> (0, 0, 0, 0)>
module attributes {stable_mosaic.version = 14 : i64} {
  func.func @_sc_hist(%arg0: i32, %arg1: i32, %arg2: memref<2x16x1x5120xi32, #tpu.memory_space<hbm>>, %arg3: memref<2x16x1x64xi32, #tpu.memory_space<hbm>>, %arg4: memref<2x16x1x10240xf32, #tpu.memory_space<hbm>>, %arg5: memref<2x16x1x10240xf32, #tpu.memory_space<hbm>>, %arg6: memref<1x5120xi32, #tpu.memory_space<vmem>>, %arg7: memref<1x64xi32, #tpu.memory_space<vmem>>, %arg8: memref<10240xf32, #tpu.memory_space<vmem>>, %arg9: memref<10240xf32, #tpu.memory_space<vmem>>) attributes {dimension_semantics = [#tpu.dimension_semantics<core_parallel>, #tpu.dimension_semantics<subcore_parallel>], iteration_bounds = array<i64: 2, 16>, scalar_prefetch = 0 : i64, scratch_operands = 4 : i64, tpu.core_type = #tpu.core_type<sc_vector_subcore>, window_params = [{transform_indices = #map}, {transform_indices = #map}, {transform_indices = #map}, {transform_indices = #map}]} {
    %scan3A = arith.constant 0 : i32
    %scan3A_0 = arith.constant 0 : i32
    %scan3A_1 = arith.constant 640 : i32
    %scan3A_2 = arith.addi %scan3A_0, %scan3A_1 : i32
    %scan3A_3 = arith.constant 1 : i32
    scf.for %scan3A_19 = %scan3A_0 to %scan3A_2 step %scan3A_3  : i32 {
      %broadcast_in_dim3A_20 = arith.constant 0.000000e+00 : f32
      %broadcast_in_dim3A_21 = vector.broadcast %broadcast_in_dim3A_20 : f32 to vector<16xf32>
      %mul3A = arith.constant 16 : i32
      %mul3A_22 = arith.muli %mul3A, %scan3A_19 : i32
      %swap3A = arith.index_cast %mul3A_22 : i32 to index
      %swap3A_23 = tpu.vector_load %arg8[%swap3A] {strides = array<i32>} : memref<10240xf32, #tpu.memory_space<vmem>>, vector<16xf32>,
      tpu.vector_store %arg8[%swap3A], %broadcast_in_dim3A_21 {strides = array<i32>} : memref<10240xf32, #tpu.memory_space<vmem>>, vector<16xf32>,
      %broadcast_in_dim3A_24 = arith.constant 0.000000e+00 : f32
      %broadcast_in_dim3A_25 = vector.broadcast %broadcast_in_dim3A_24 : f32 to vector<16xf32>
      %mul3A_26 = arith.constant 16 : i32
      %mul3A_27 = arith.muli %mul3A_26, %scan3A_19 : i32
      %swap3A_28 = arith.index_cast %mul3A_27 : i32 to index
      %swap3A_29 = tpu.vector_load %arg9[%swap3A_28] {strides = array<i32>} : memref<10240xf32, #tpu.memory_space<vmem>>, vector<16xf32>,
      tpu.vector_store %arg9[%swap3A_28], %broadcast_in_dim3A_25 {strides = array<i32>} : memref<10240xf32, #tpu.memory_space<vmem>>, vector<16xf32>,
    }
    %scan3A_4 = arith.constant 640 : i32
    "tpu.region"() ({
      %run_scoped3A_19 = tpu.sem_alloc : memref<!tpu.dma_semaphore, #tpu.memory_space<semaphore_mem>>
      %dma_start3A = arith.constant 0 : i32
      %dma_start3A_20 = arith.constant 0 : i32
      %dma_start3A_21 = tpu.memref_slice %arg2[%arg0, %arg1, %dma_start3A, %dma_start3A_20] : memref<2x16x1x5120xi32, #tpu.memory_space<hbm>> -> memref<1x1x1x5120xi32, #tpu.memory_space<hbm>>
      %dma_start3A_22 = tpu.memref_squeeze %dma_start3A_21 : memref<1x1x1x5120xi32, #tpu.memory_space<hbm>> -> memref<1x5120xi32, #tpu.memory_space<hbm>>
      %dma_start3A_23 = arith.constant 0 : i32
      %dma_start3A_24 = arith.constant 0 : i32
      %dma_start3A_25 = tpu.memref_slice %arg2[%arg0, %arg1, %dma_start3A_23, %dma_start3A_24] : memref<2x16x1x5120xi32, #tpu.memory_space<hbm>> -> memref<1x1x1x5120xi32, #tpu.memory_space<hbm>>
      %dma_start3A_26 = tpu.memref_squeeze %dma_start3A_25 : memref<1x1x1x5120xi32, #tpu.memory_space<hbm>> -> memref<1x5120xi32, #tpu.memory_space<hbm>>
      tpu.enqueue_dma source(%dma_start3A_26 : memref<1x5120xi32, #tpu.memory_space<hbm>>) target(%arg6 : memref<1x5120xi32, #tpu.memory_space<vmem>>) target_semaphore(%run_scoped3A_19 : memref<!tpu.dma_semaphore, #tpu.memory_space<semaphore_mem>>)
      %dma_wait3A = arith.constant 0 : i32
      %dma_wait3A_27 = arith.constant 0 : i32
      %dma_wait3A_28 = tpu.memref_slice %arg2[%arg0, %arg1, %dma_wait3A, %dma_wait3A_27] : memref<2x16x1x5120xi32, #tpu.memory_space<hbm>> -> memref<1x1x1x5120xi32, #tpu.memory_space<hbm>>
      %dma_wait3A_29 = tpu.memref_squeeze %dma_wait3A_28 : memref<1x1x1x5120xi32, #tpu.memory_space<hbm>> -> memref<1x5120xi32, #tpu.memory_space<hbm>>
      %dma_wait3A_30 = arith.constant 0 : i32
      %dma_wait3A_31 = arith.constant 0 : i32
      %dma_wait3A_32 = tpu.memref_slice %arg2[%arg0, %arg1, %dma_wait3A_30, %dma_wait3A_31] : memref<2x16x1x5120xi32, #tpu.memory_space<hbm>> -> memref<1x1x1x5120xi32, #tpu.memory_space<hbm>>
      %dma_wait3A_33 = tpu.memref_squeeze %dma_wait3A_32 : memref<1x1x1x5120xi32, #tpu.memory_space<hbm>> -> memref<1x5120xi32, #tpu.memory_space<hbm>>
      tpu.wait_dma2 semaphore(%run_scoped3A_19 : memref<!tpu.dma_semaphore, #tpu.memory_space<semaphore_mem>>) src(%dma_wait3A_33 : memref<1x5120xi32, #tpu.memory_space<hbm>>) dst(%arg6 : memref<1x5120xi32, #tpu.memory_space<vmem>>)
      tpu.yield
    }) : () -> ()
    "tpu.region"() ({
      %run_scoped3A_19 = tpu.sem_alloc : memref<!tpu.dma_semaphore, #tpu.memory_space<semaphore_mem>>
      %dma_start3A = arith.constant 0 : i32
      %dma_start3A_20 = arith.constant 0 : i32
      %dma_start3A_21 = tpu.memref_slice %arg3[%arg0, %arg1, %dma_start3A, %dma_start3A_20] : memref<2x16x1x64xi32, #tpu.memory_space<hbm>> -> memref<1x1x1x64xi32, #tpu.memory_space<hbm>>
      %dma_start3A_22 = tpu.memref_squeeze %dma_start3A_21 : memref<1x1x1x64xi32, #tpu.memory_space<hbm>> -> memref<1x64xi32, #tpu.memory_space<hbm>>
      %dma_start3A_23 = arith.constant 0 : i32
      %dma_start3A_24 = arith.constant 0 : i32
      %dma_start3A_25 = tpu.memref_slice %arg3[%arg0, %arg1, %dma_start3A_23, %dma_start3A_24] : memref<2x16x1x64xi32, #tpu.memory_space<hbm>> -> memref<1x1x1x64xi32, #tpu.memory_space<hbm>>
      %dma_start3A_26 = tpu.memref_squeeze %dma_start3A_25 : memref<1x1x1x64xi32, #tpu.memory_space<hbm>> -> memref<1x64xi32, #tpu.memory_space<hbm>>
      tpu.enqueue_dma source(%dma_start3A_26 : memref<1x64xi32, #tpu.memory_space<hbm>>) target(%arg7 : memref<1x64xi32, #tpu.memory_space<vmem>>) target_semaphore(%run_scoped3A_19 : memref<!tpu.dma_semaphore, #tpu.memory_space<semaphore_mem>>)
      %dma_wait3A = arith.constant 0 : i32
      %dma_wait3A_27 = arith.constant 0 : i32
      %dma_wait3A_28 = tpu.memref_slice %arg3[%arg0, %arg1, %dma_wait3A, %dma_wait3A_27] : memref<2x16x1x64xi32, #tpu.memory_space<hbm>> -> memref<1x1x1x64xi32, #tpu.memory_space<hbm>>
      %dma_wait3A_29 = tpu.memref_squeeze %dma_wait3A_28 : memref<1x1x1x64xi32, #tpu.memory_space<hbm>> -> memref<1x64xi32, #tpu.memory_space<hbm>>
      %dma_wait3A_30 = arith.constant 0 : i32
      %dma_wait3A_31 = arith.constant 0 : i32
      %dma_wait3A_32 = tpu.memref_slice %arg3[%arg0, %arg1, %dma_wait3A_30, %dma_wait3A_31] : memref<2x16x1x64xi32, #tpu.memory_space<hbm>> -> memref<1x1x1x64xi32, #tpu.memory_space<hbm>>
      %dma_wait3A_33 = tpu.memref_squeeze %dma_wait3A_32 : memref<1x1x1x64xi32, #tpu.memory_space<hbm>> -> memref<1x64xi32, #tpu.memory_space<hbm>>
      tpu.wait_dma2 semaphore(%run_scoped3A_19 : memref<!tpu.dma_semaphore, #tpu.memory_space<semaphore_mem>>) src(%dma_wait3A_33 : memref<1x64xi32, #tpu.memory_space<hbm>>) dst(%arg7 : memref<1x64xi32, #tpu.memory_space<vmem>>)
      tpu.yield
    }) : () -> ()
    %broadcast_in_dim3A = arith.constant 1.000000e+00 : f32
    %broadcast_in_dim3A_5 = vector.broadcast %broadcast_in_dim3A : f32 to vector<16xf32>
    %scan3A_6 = arith.constant 0 : i32
    %scan3A_7 = arith.constant 0 : i32
    %scan3A_8 = arith.constant 320 : i32
    %scan3A_9 = arith.addi %scan3A_7, %scan3A_8 : i32
    %scan3A_10 = arith.constant 1 : i32
    scf.for %scan3A_19 = %scan3A_7 to %scan3A_9 step %scan3A_10  : i32 {
      %mul3A = arith.constant 16 : i32
      %mul3A_20 = arith.muli %mul3A, %scan3A_19 : i32
      %get3A = arith.constant 0 : i32
      %get3A_21 = arith.index_cast %get3A : i32 to index
      %get3A_22 = arith.index_cast %mul3A_20 : i32 to index
      %get3A_23 = tpu.vector_load %arg6[%get3A_21, %get3A_22] {strides = array<i32>} : memref<1x5120xi32, #tpu.memory_space<vmem>>, vector<16xi32>,
      tpu.vector_store_idx %arg8[%get3A_23], %broadcast_in_dim3A_5 {add = true} : memref<10240xf32, #tpu.memory_space<vmem>>[vector<16xi32>], vector<16xf32>,
    }
    %scan3A_11 = arith.constant 320 : i32
    %scan3A_12 = arith.constant 0 : i32
    %scan3A_13 = arith.constant 0 : i32
    %scan3A_14 = arith.constant 4 : i32
    %scan3A_15 = arith.addi %scan3A_13, %scan3A_14 : i32
    %scan3A_16 = arith.constant 1 : i32
    scf.for %scan3A_19 = %scan3A_13 to %scan3A_15 step %scan3A_16  : i32 {
      %mul3A = arith.constant 16 : i32
      %mul3A_20 = arith.muli %mul3A, %scan3A_19 : i32
      %get3A = arith.constant 0 : i32
      %get3A_21 = arith.index_cast %get3A : i32 to index
      %get3A_22 = arith.index_cast %mul3A_20 : i32 to index
      %get3A_23 = tpu.vector_load %arg7[%get3A_21, %get3A_22] {strides = array<i32>} : memref<1x64xi32, #tpu.memory_space<vmem>>, vector<16xi32>,
      tpu.vector_store_idx %arg9[%get3A_23], %broadcast_in_dim3A_5 {add = true} : memref<10240xf32, #tpu.memory_space<vmem>>[vector<16xi32>], vector<16xf32>,
    }
    %scan3A_17 = arith.constant 4 : i32
    %run_scoped3A = arith.constant 0 : i32
    "tpu.region"() ({
      %run_scoped3A_19 = tpu.sem_alloc : memref<!tpu.dma_semaphore, #tpu.memory_space<semaphore_mem>>
      %dma_start3A = arith.constant 0 : i32
      %dma_start3A_20 = tpu.memref_slice %arg4[%arg0, %arg1, %run_scoped3A, %dma_start3A] : memref<2x16x1x10240xf32, #tpu.memory_space<hbm>> -> memref<1x1x1x10240xf32, #tpu.memory_space<hbm>>
      %dma_start3A_21 = tpu.memref_squeeze %dma_start3A_20 : memref<1x1x1x10240xf32, #tpu.memory_space<hbm>> -> memref<10240xf32, #tpu.memory_space<hbm>>
      %dma_start3A_22 = arith.constant 0 : i32
      %dma_start3A_23 = tpu.memref_slice %arg4[%arg0, %arg1, %run_scoped3A, %dma_start3A_22] : memref<2x16x1x10240xf32, #tpu.memory_space<hbm>> -> memref<1x1x1x10240xf32, #tpu.memory_space<hbm>>
      %dma_start3A_24 = tpu.memref_squeeze %dma_start3A_23 : memref<1x1x1x10240xf32, #tpu.memory_space<hbm>> -> memref<10240xf32, #tpu.memory_space<hbm>>
      tpu.enqueue_dma source(%arg8 : memref<10240xf32, #tpu.memory_space<vmem>>) target(%dma_start3A_24 : memref<10240xf32, #tpu.memory_space<hbm>>) target_semaphore(%run_scoped3A_19 : memref<!tpu.dma_semaphore, #tpu.memory_space<semaphore_mem>>)
      %dma_wait3A = arith.constant 0 : i32
      %dma_wait3A_25 = tpu.memref_slice %arg4[%arg0, %arg1, %run_scoped3A, %dma_wait3A] : memref<2x16x1x10240xf32, #tpu.memory_space<hbm>> -> memref<1x1x1x10240xf32, #tpu.memory_space<hbm>>
      %dma_wait3A_26 = tpu.memref_squeeze %dma_wait3A_25 : memref<1x1x1x10240xf32, #tpu.memory_space<hbm>> -> memref<10240xf32, #tpu.memory_space<hbm>>
      %dma_wait3A_27 = arith.constant 0 : i32
      %dma_wait3A_28 = tpu.memref_slice %arg4[%arg0, %arg1, %run_scoped3A, %dma_wait3A_27] : memref<2x16x1x10240xf32, #tpu.memory_space<hbm>> -> memref<1x1x1x10240xf32, #tpu.memory_space<hbm>>
      %dma_wait3A_29 = tpu.memref_squeeze %dma_wait3A_28 : memref<1x1x1x10240xf32, #tpu.memory_space<hbm>> -> memref<10240xf32, #tpu.memory_space<hbm>>
      tpu.wait_dma2 semaphore(%run_scoped3A_19 : memref<!tpu.dma_semaphore, #tpu.memory_space<semaphore_mem>>) src(%arg8 : memref<10240xf32, #tpu.memory_space<vmem>>) dst(%dma_wait3A_29 : memref<10240xf32, #tpu.memory_space<hbm>>)
      tpu.yield
    }) : () -> ()
    %run_scoped3A_18 = arith.constant 0 : i32
    "tpu.region"() ({
      %run_scoped3A_19 = tpu.sem_alloc : memref<!tpu.dma_semaphore, #tpu.memory_space<semaphore_mem>>
      %dma_start3A = arith.constant 0 : i32
      %dma_start3A_20 = tpu.memref_slice %arg5[%arg0, %arg1, %run_scoped3A_18, %dma_start3A] : memref<2x16x1x10240xf32, #tpu.memory_space<hbm>> -> memref<1x1x1x10240xf32, #tpu.memory_space<hbm>>
      %dma_start3A_21 = tpu.memref_squeeze %dma_start3A_20 : memref<1x1x1x10240xf32, #tpu.memory_space<hbm>> -> memref<10240xf32, #tpu.memory_space<hbm>>
      %dma_start3A_22 = arith.constant 0 : i32
      %dma_start3A_23 = tpu.memref_slice %arg5[%arg0, %arg1, %run_scoped3A_18, %dma_start3A_22] : memref<2x16x1x10240xf32, #tpu.memory_space<hbm>> -> memref<1x1x1x10240xf32, #tpu.memory_space<hbm>>
      %dma_start3A_24 = tpu.memref_squeeze %dma_start3A_23 : memref<1x1x1x10240xf32, #tpu.memory_space<hbm>> -> memref<10240xf32, #tpu.memory_space<hbm>>
      tpu.enqueue_dma source(%arg9 : memref<10240xf32, #tpu.memory_space<vmem>>) target(%dma_start3A_24 : memref<10240xf32, #tpu.memory_space<hbm>>) target_semaphore(%run_scoped3A_19 : memref<!tpu.dma_semaphore, #tpu.memory_space<semaphore_mem>>)
      %dma_wait3A = arith.constant 0 : i32
      %dma_wait3A_25 = tpu.memref_slice %arg5[%arg0, %arg1, %run_scoped3A_18, %dma_wait3A] : memref<2x16x1x10240xf32, #tpu.memory_space<hbm>> -> memref<1x1x1x10240xf32, #tpu.memory_space<hbm>>
      %dma_wait3A_26 = tpu.memref_squeeze %dma_wait3A_25 : memref<1x1x1x10240xf32, #tpu.memory_space<hbm>> -> memref<10240xf32, #tpu.memory_space<hbm>>
      %dma_wait3A_27 = arith.constant 0 : i32
      %dma_wait3A_28 = tpu.memref_slice %arg5[%arg0, %arg1, %run_scoped3A_18, %dma_wait3A_27] : memref<2x16x1x10240xf32, #tpu.memory_space<hbm>> -> memref<1x1x1x10240xf32, #tpu.memory_space<hbm>>
      %dma_wait3A_29 = tpu.memref_squeeze %dma_wait3A_28 : memref<1x1x1x10240xf32, #tpu.memory_space<hbm>> -> memref<10240xf32, #tpu.memory_space<hbm>>
      tpu.wait_dma2 semaphore(%run_scoped3A_19 : memref<!tpu.dma_semaphore, #tpu.memory_space<semaphore_mem>>) src(%arg9 : memref<10240xf32, #tpu.memory_space<vmem>>) dst(%dma_wait3A_29 : memref<10240xf32, #tpu.memory_space<hbm>>)
      tpu.yield
    }) : () -> ()
    return
  }
}

#map = affine_map<(d0, d1) -> (0, 0, 0, 0)>
#map1 = affine_map<(d0, d1) -> (0, 0)>
module attributes {stable_mosaic.version = 14 : i64} {
  func.func @_sc_scatter(%arg0: i32, %arg1: i32, %arg2: memref<2x2x10000x128xf32, #tpu.memory_space<hbm>>, %arg3: memref<2x16x128x80xi32, #tpu.memory_space<hbm>>, %arg4: memref<80x128xf32, #tpu.memory_space<hbm>>, %arg5: memref<2x2x10000x128xf32, #tpu.memory_space<hbm>>, %arg6: memref<128x80xi32, #tpu.memory_space<vmem>>, %arg7: memref<8x80xi32, #tpu.memory_space<vmem>>, %arg8: memref<80x128xf32, #tpu.memory_space<vmem>>, %arg9: memref<80x128xf32, #tpu.memory_space<vmem>>, %arg10: memref<10000x128xf32, #tpu.memory_space<vmem_shared>>, %arg11: memref<!tpu.dma_semaphore, #tpu.memory_space<semaphore_mem>>, %arg12: memref<!tpu.dma_semaphore, #tpu.memory_space<semaphore_mem>>, %arg13: memref<!tpu.dma_semaphore, #tpu.memory_space<semaphore_mem>>, %arg14: memref<!tpu.dma_semaphore, #tpu.memory_space<semaphore_mem>>, %arg15: memref<!tpu.dma_semaphore, #tpu.memory_space<semaphore_mem>>, %arg16: memref<!tpu.dma_semaphore, #tpu.memory_space<semaphore_mem>>, %arg17: memref<!tpu.dma_semaphore, #tpu.memory_space<semaphore_mem>>) attributes {dimension_semantics = [#tpu.dimension_semantics<core_parallel>, #tpu.dimension_semantics<subcore_parallel>], iteration_bounds = array<i64: 2, 16>, scalar_prefetch = 0 : i64, scratch_operands = 12 : i64, tpu.core_type = #tpu.core_type<sc_vector_subcore>, window_params = [{transform_indices = #map}, {transform_indices = #map}, {transform_indices = #map1}, {transform_indices = #map}]} {
    "tpu.region"() ({
      %run_scoped3A = tpu.sem_alloc : memref<!tpu.dma_semaphore, #tpu.memory_space<semaphore_mem>>
      %dma_start3A_839 = arith.constant 0 : i32
      %dma_start3A_840 = arith.constant 0 : i32
      %dma_start3A_841 = tpu.memref_slice %arg3[%arg0, %arg1, %dma_start3A_839, %dma_start3A_840] : memref<2x16x128x80xi32, #tpu.memory_space<hbm>> -> memref<1x1x128x80xi32, #tpu.memory_space<hbm>>
      %dma_start3A_842 = tpu.memref_squeeze %dma_start3A_841 : memref<1x1x128x80xi32, #tpu.memory_space<hbm>> -> memref<128x80xi32, #tpu.memory_space<hbm>>
      %dma_start3A_843 = arith.constant 0 : i32
      %dma_start3A_844 = arith.constant 0 : i32
      %dma_start3A_845 = tpu.memref_slice %arg3[%arg0, %arg1, %dma_start3A_843, %dma_start3A_844] : memref<2x16x128x80xi32, #tpu.memory_space<hbm>> -> memref<1x1x128x80xi32, #tpu.memory_space<hbm>>
      %dma_start3A_846 = tpu.memref_squeeze %dma_start3A_845 : memref<1x1x128x80xi32, #tpu.memory_space<hbm>> -> memref<128x80xi32, #tpu.memory_space<hbm>>
      tpu.enqueue_dma source(%dma_start3A_846 : memref<128x80xi32, #tpu.memory_space<hbm>>) target(%arg6 : memref<128x80xi32, #tpu.memory_space<vmem>>) target_semaphore(%run_scoped3A : memref<!tpu.dma_semaphore, #tpu.memory_space<semaphore_mem>>)
      %dma_wait3A_847 = arith.constant 0 : i32
      %dma_wait3A_848 = arith.constant 0 : i32
      %dma_wait3A_849 = tpu.memref_slice %arg3[%arg0, %arg1, %dma_wait3A_847, %dma_wait3A_848] : memref<2x16x128x80xi32, #tpu.memory_space<hbm>> -> memref<1x1x128x80xi32, #tpu.memory_space<hbm>>
      %dma_wait3A_850 = tpu.memref_squeeze %dma_wait3A_849 : memref<1x1x128x80xi32, #tpu.memory_space<hbm>> -> memref<128x80xi32, #tpu.memory_space<hbm>>
      %dma_wait3A_851 = arith.constant 0 : i32
      %dma_wait3A_852 = arith.constant 0 : i32
      %dma_wait3A_853 = tpu.memref_slice %arg3[%arg0, %arg1, %dma_wait3A_851, %dma_wait3A_852] : memref<2x16x128x80xi32, #tpu.memory_space<hbm>> -> memref<1x1x128x80xi32, #tpu.memory_space<hbm>>
      %dma_wait3A_854 = tpu.memref_squeeze %dma_wait3A_853 : memref<1x1x128x80xi32, #tpu.memory_space<hbm>> -> memref<128x80xi32, #tpu.memory_space<hbm>>
      tpu.wait_dma2 semaphore(%run_scoped3A : memref<!tpu.dma_semaphore, #tpu.memory_space<semaphore_mem>>) src(%dma_wait3A_854 : memref<128x80xi32, #tpu.memory_space<hbm>>) dst(%arg6 : memref<128x80xi32, #tpu.memory_space<vmem>>)
      tpu.yield
    }) : () -> ()
    %mul3A = arith.constant 640 : i32
    %mul3A_0 = arith.muli %arg1, %mul3A : i32
    %lt3A = arith.constant 15 : i32
    %lt3A_1 = arith.cmpi slt, %arg1, %lt3A : i32
    %jit3A = arith.constant 8 : i32
    %jit3A_2 = arith.constant 5 : i32
    %select_n3A = arith.select %lt3A_1, %jit3A, %jit3A_2 : i32
    %while3A = arith.constant 0 : i32
    %while3A_3 = arith.constant 0 : i32
    %while3A_4 = arith.subi %select_n3A, %while3A_3 : i32
    %while3A_5 = arith.addi %while3A_3, %while3A_4 : i32
    %while3A_6 = arith.constant 1 : i32
    %while3A_7 = arith.divsi %while3A_4, %while3A_6 : i32
    %while3A_8 = arith.muli %while3A_7, %while3A_6 : i32
    %while3A_9 = arith.addi %while3A_3, %while3A_8 : i32
    %while3A_10 = arith.constant 1 : i32
    scf.for %while3A_839 = %while3A_3 to %while3A_9 step %while3A_10  : i32 {
      %mul3A_840 = arith.constant 80 : i32
      %mul3A_841 = arith.muli %mul3A_840, %while3A_839 : i32
      %add3A = arith.addi %mul3A_0, %mul3A_841 : i32
      %dma_start3A_842 = arith.constant 0 : i32
      %dma_start3A_843 = tpu.memref_slice %arg10[%add3A, %dma_start3A_842] : memref<10000x128xf32, #tpu.memory_space<vmem_shared>> -> memref<80x128xf32, #tpu.memory_space<vmem_shared>>
      tpu.enqueue_dma source(%arg4 : memref<80x128xf32, #tpu.memory_space<hbm>>) target(%dma_start3A_843 : memref<80x128xf32, #tpu.memory_space<vmem_shared>>) target_semaphore(%arg17 : memref<!tpu.dma_semaphore, #tpu.memory_space<semaphore_mem>>)
    }
    %while3A_11 = arith.constant 1 : i32
    scf.for %while3A_839 = %while3A_9 to %while3A_5 step %while3A_11  : i32 {
      %mul3A_840 = arith.constant 80 : i32
      %mul3A_841 = arith.muli %mul3A_840, %while3A_839 : i32
      %add3A = arith.addi %mul3A_0, %mul3A_841 : i32
      %dma_start3A_842 = arith.constant 0 : i32
      %dma_start3A_843 = tpu.memref_slice %arg10[%add3A, %dma_start3A_842] : memref<10000x128xf32, #tpu.memory_space<vmem_shared>> -> memref<80x128xf32, #tpu.memory_space<vmem_shared>>
      tpu.enqueue_dma source(%arg4 : memref<80x128xf32, #tpu.memory_space<hbm>>) target(%dma_start3A_843 : memref<80x128xf32, #tpu.memory_space<vmem_shared>>) target_semaphore(%arg17 : memref<!tpu.dma_semaphore, #tpu.memory_space<semaphore_mem>>)
    }
    %while3A_12 = arith.constant 0 : i32
    %while3A_13 = arith.constant 0 : i32
    %while3A_14 = arith.subi %select_n3A, %while3A_13 : i32
    %while3A_15 = arith.addi %while3A_13, %while3A_14 : i32
    %while3A_16 = arith.constant 1 : i32
    %while3A_17 = arith.divsi %while3A_14, %while3A_16 : i32
    %while3A_18 = arith.muli %while3A_17, %while3A_16 : i32
    %while3A_19 = arith.addi %while3A_13, %while3A_18 : i32
    %while3A_20 = arith.constant 1 : i32
    scf.for %while3A_839 = %while3A_13 to %while3A_19 step %while3A_20  : i32 {
      %dma_wait3A_840 = arith.constant 0 : i32
      %dma_wait3A_841 = tpu.memref_slice %arg10[%mul3A_0, %dma_wait3A_840] : memref<10000x128xf32, #tpu.memory_space<vmem_shared>> -> memref<80x128xf32, #tpu.memory_space<vmem_shared>>
      tpu.wait_dma2 semaphore(%arg17 : memref<!tpu.dma_semaphore, #tpu.memory_space<semaphore_mem>>) src(%arg4 : memref<80x128xf32, #tpu.memory_space<hbm>>) dst(%dma_wait3A_841 : memref<80x128xf32, #tpu.memory_space<vmem_shared>>)
    }
    %while3A_21 = arith.constant 1 : i32
    scf.for %while3A_839 = %while3A_19 to %while3A_15 step %while3A_21  : i32 {
      %dma_wait3A_840 = arith.constant 0 : i32
      %dma_wait3A_841 = tpu.memref_slice %arg10[%mul3A_0, %dma_wait3A_840] : memref<10000x128xf32, #tpu.memory_space<vmem_shared>> -> memref<80x128xf32, #tpu.memory_space<vmem_shared>>
      tpu.wait_dma2 semaphore(%arg17 : memref<!tpu.dma_semaphore, #tpu.memory_space<semaphore_mem>>) src(%arg4 : memref<80x128xf32, #tpu.memory_space<hbm>>) dst(%dma_wait3A_841 : memref<80x128xf32, #tpu.memory_space<vmem_shared>>)
    }
    %barrier3A = arith.constant 0 : index
    tpu.barrier barrier_id(%barrier3A)
    %scan3A = arith.constant 0 : i32
    %scan3A_22 = arith.constant 0 : i32
    %scan3A_23 = arith.constant 15 : i32
    %scan3A_24 = arith.addi %scan3A_22, %scan3A_23 : i32
    %scan3A_25 = arith.constant 1 : i32
    scf.for %scan3A_839 = %scan3A_22 to %scan3A_24 step %scan3A_25  : i32 {
      %sub3A_840 = arith.constant 1 : i32
      %sub3A_841 = arith.subi %sub3A_840, %arg0 : i32
      %mul3A_842 = arith.constant 8 : i32
      %mul3A_843 = arith.muli %mul3A_842, %scan3A_839 : i32
      "tpu.region"() ({
        %run_scoped3A = tpu.sem_alloc : memref<!tpu.dma_semaphore, #tpu.memory_space<semaphore_mem>>
        %dma_start3A_1467 = arith.constant 0 : i32
        %dma_start3A_1468 = tpu.memref_slice %arg3[%sub3A_841, %arg1, %mul3A_843, %dma_start3A_1467] : memref<2x16x128x80xi32, #tpu.memory_space<hbm>> -> memref<1x1x8x80xi32, #tpu.memory_space<hbm>>
        %dma_start3A_1469 = tpu.memref_squeeze %dma_start3A_1468 : memref<1x1x8x80xi32, #tpu.memory_space<hbm>> -> memref<8x80xi32, #tpu.memory_space<hbm>>
        %dma_start3A_1470 = arith.constant 0 : i32
        %dma_start3A_1471 = tpu.memref_slice %arg3[%sub3A_841, %arg1, %mul3A_843, %dma_start3A_1470] : memref<2x16x128x80xi32, #tpu.memory_space<hbm>> -> memref<1x1x8x80xi32, #tpu.memory_space<hbm>>
        %dma_start3A_1472 = tpu.memref_squeeze %dma_start3A_1471 : memref<1x1x8x80xi32, #tpu.memory_space<hbm>> -> memref<8x80xi32, #tpu.memory_space<hbm>>
        tpu.enqueue_dma source(%dma_start3A_1472 : memref<8x80xi32, #tpu.memory_space<hbm>>) target(%arg7 : memref<8x80xi32, #tpu.memory_space<vmem>>) target_semaphore(%run_scoped3A : memref<!tpu.dma_semaphore, #tpu.memory_space<semaphore_mem>>)
        %dma_wait3A_1473 = arith.constant 0 : i32
        %dma_wait3A_1474 = tpu.memref_slice %arg3[%sub3A_841, %arg1, %mul3A_843, %dma_wait3A_1473] : memref<2x16x128x80xi32, #tpu.memory_space<hbm>> -> memref<1x1x8x80xi32, #tpu.memory_space<hbm>>
        %dma_wait3A_1475 = tpu.memref_squeeze %dma_wait3A_1474 : memref<1x1x8x80xi32, #tpu.memory_space<hbm>> -> memref<8x80xi32, #tpu.memory_space<hbm>>
        %dma_wait3A_1476 = arith.constant 0 : i32
        %dma_wait3A_1477 = tpu.memref_slice %arg3[%sub3A_841, %arg1, %mul3A_843, %dma_wait3A_1476] : memref<2x16x128x80xi32, #tpu.memory_space<hbm>> -> memref<1x1x8x80xi32, #tpu.memory_space<hbm>>
        %dma_wait3A_1478 = tpu.memref_squeeze %dma_wait3A_1477 : memref<1x1x8x80xi32, #tpu.memory_space<hbm>> -> memref<8x80xi32, #tpu.memory_space<hbm>>
        tpu.wait_dma2 semaphore(%run_scoped3A : memref<!tpu.dma_semaphore, #tpu.memory_space<semaphore_mem>>) src(%dma_wait3A_1478 : memref<8x80xi32, #tpu.memory_space<hbm>>) dst(%arg7 : memref<8x80xi32, #tpu.memory_space<vmem>>)
        tpu.yield
      }) : () -> ()
      %mul3A_844 = arith.constant 8 : i32
      %mul3A_845 = arith.muli %mul3A_844, %scan3A_839 : i32
      %add3A = arith.constant 0 : i32
      %add3A_846 = arith.addi %mul3A_845, %add3A : i32
      %dma_start3A_847 = arith.constant 0 : i32
      %dma_start3A_848 = arith.constant 0 : i32
      %dma_start3A_849 = arith.constant 0 : i32
      %dma_start3A_850 = tpu.memref_slice %arg8[%dma_start3A_848, %dma_start3A_849] : memref<80x128xf32, #tpu.memory_space<vmem>> -> memref<40x128xf32, #tpu.memory_space<vmem>>
      %dma_start3A_851 = arith.constant 0 : i32
      %dma_start3A_852 = tpu.memref_slice %arg6[%add3A_846, %dma_start3A_851] : memref<128x80xi32, #tpu.memory_space<vmem>> -> memref<1x40xi32, #tpu.memory_space<vmem>>
      %dma_start3A_853 = tpu.memref_squeeze %dma_start3A_852 : memref<1x40xi32, #tpu.memory_space<vmem>> -> memref<40xi32, #tpu.memory_space<vmem>>
      %dma_start3A_854 = arith.constant 0 : i32
      %dma_start3A_855 = arith.constant 0 : i32
      %dma_start3A_856 = tpu.memref_slice %arg2[%arg0, %dma_start3A_847, %dma_start3A_854, %dma_start3A_855] : memref<2x2x10000x128xf32, #tpu.memory_space<hbm>> -> memref<1x1x10000x128xf32, #tpu.memory_space<hbm>>
      %dma_start3A_857 = tpu.memref_squeeze %dma_start3A_856 : memref<1x1x10000x128xf32, #tpu.memory_space<hbm>> -> memref<10000x128xf32, #tpu.memory_space<hbm>>
      %dma_start3A_858 = arith.constant 0 : i32
      %dma_start3A_859 = arith.constant 0 : i32
      %dma_start3A_860 = tpu.memref_slice %dma_start3A_857[%dma_start3A_858, %dma_start3A_859] : memref<10000x128xf32, #tpu.memory_space<hbm>> -> memref<10000x128xf32, #tpu.memory_space<hbm>>
      tpu.enqueue_indirect_dma source(%dma_start3A_860 : memref<10000x128xf32, #tpu.memory_space<hbm>>) target(%dma_start3A_850 : memref<40x128xf32, #tpu.memory_space<vmem>>) offsets(%dma_start3A_853 : memref<40xi32, #tpu.memory_space<vmem>>) semaphore(%arg11 : memref<!tpu.dma_semaphore, #tpu.memory_space<semaphore_mem>>)
      %mul3A_861 = arith.constant 8 : i32
      %mul3A_862 = arith.muli %mul3A_861, %scan3A_839 : i32
      %add3A_863 = arith.constant 0 : i32
      %add3A_864 = arith.addi %mul3A_862, %add3A_863 : i32
      %dma_start3A_865 = arith.constant 0 : i32
      %dma_start3A_866 = arith.constant 40 : i32
      %dma_start3A_867 = arith.constant 0 : i32
      %dma_start3A_868 = tpu.memref_slice %arg8[%dma_start3A_866, %dma_start3A_867] : memref<80x128xf32, #tpu.memory_space<vmem>> -> memref<40x128xf32, #tpu.memory_space<vmem>>
      %dma_start3A_869 = arith.constant 40 : i32
      %dma_start3A_870 = tpu.memref_slice %arg6[%add3A_864, %dma_start3A_869] : memref<128x80xi32, #tpu.memory_space<vmem>> -> memref<1x40xi32, #tpu.memory_space<vmem>>
      %dma_start3A_871 = tpu.memref_squeeze %dma_start3A_870 : memref<1x40xi32, #tpu.memory_space<vmem>> -> memref<40xi32, #tpu.memory_space<vmem>>
      %dma_start3A_872 = arith.constant 0 : i32
      %dma_start3A_873 = arith.constant 0 : i32
      %dma_start3A_874 = tpu.memref_slice %arg2[%arg0, %dma_start3A_865, %dma_start3A_872, %dma_start3A_873] : memref<2x2x10000x128xf32, #tpu.memory_space<hbm>> -> memref<1x1x10000x128xf32, #tpu.memory_space<hbm>>
      %dma_start3A_875 = tpu.memref_squeeze %dma_start3A_874 : memref<1x1x10000x128xf32, #tpu.memory_space<hbm>> -> memref<10000x128xf32, #tpu.memory_space<hbm>>
      %dma_start3A_876 = arith.constant 0 : i32
      %dma_start3A_877 = arith.constant 0 : i32
      %dma_start3A_878 = tpu.memref_slice %dma_start3A_875[%dma_start3A_876, %dma_start3A_877] : memref<10000x128xf32, #tpu.memory_space<hbm>> -> memref<10000x128xf32, #tpu.memory_space<hbm>>
      tpu.enqueue_indirect_dma source(%dma_start3A_878 : memref<10000x128xf32, #tpu.memory_space<hbm>>) target(%dma_start3A_868 : memref<40x128xf32, #tpu.memory_space<vmem>>) offsets(%dma_start3A_871 : memref<40xi32, #tpu.memory_space<vmem>>) semaphore(%arg12 : memref<!tpu.dma_semaphore, #tpu.memory_space<semaphore_mem>>)
      %mul3A_879 = arith.constant 8 : i32
      %mul3A_880 = arith.muli %mul3A_879, %scan3A_839 : i32
      %add3A_881 = arith.constant 1 : i32
      %add3A_882 = arith.addi %mul3A_880, %add3A_881 : i32
      %dma_start3A_883 = arith.constant 0 : i32
      %dma_start3A_884 = arith.constant 0 : i32
      %dma_start3A_885 = arith.constant 0 : i32
      %dma_start3A_886 = tpu.memref_slice %arg9[%dma_start3A_884, %dma_start3A_885] : memref<80x128xf32, #tpu.memory_space<vmem>> -> memref<40x128xf32, #tpu.memory_space<vmem>>
      %dma_start3A_887 = arith.constant 0 : i32
      %dma_start3A_888 = tpu.memref_slice %arg6[%add3A_882, %dma_start3A_887] : memref<128x80xi32, #tpu.memory_space<vmem>> -> memref<1x40xi32, #tpu.memory_space<vmem>>
      %dma_start3A_889 = tpu.memref_squeeze %dma_start3A_888 : memref<1x40xi32, #tpu.memory_space<vmem>> -> memref<40xi32, #tpu.memory_space<vmem>>
      %dma_start3A_890 = arith.constant 0 : i32
      %dma_start3A_891 = arith.constant 0 : i32
      %dma_start3A_892 = tpu.memref_slice %arg2[%arg0, %dma_start3A_883, %dma_start3A_890, %dma_start3A_891] : memref<2x2x10000x128xf32, #tpu.memory_space<hbm>> -> memref<1x1x10000x128xf32, #tpu.memory_space<hbm>>
      %dma_start3A_893 = tpu.memref_squeeze %dma_start3A_892 : memref<1x1x10000x128xf32, #tpu.memory_space<hbm>> -> memref<10000x128xf32, #tpu.memory_space<hbm>>
      %dma_start3A_894 = arith.constant 0 : i32
      %dma_start3A_895 = arith.constant 0 : i32
      %dma_start3A_896 = tpu.memref_slice %dma_start3A_893[%dma_start3A_894, %dma_start3A_895] : memref<10000x128xf32, #tpu.memory_space<hbm>> -> memref<10000x128xf32, #tpu.memory_space<hbm>>
      tpu.enqueue_indirect_dma source(%dma_start3A_896 : memref<10000x128xf32, #tpu.memory_space<hbm>>) target(%dma_start3A_886 : memref<40x128xf32, #tpu.memory_space<vmem>>) offsets(%dma_start3A_889 : memref<40xi32, #tpu.memory_space<vmem>>) semaphore(%arg13 : memref<!tpu.dma_semaphore, #tpu.memory_space<semaphore_mem>>)
      %mul3A_897 = arith.constant 8 : i32
      %mul3A_898 = arith.muli %mul3A_897, %scan3A_839 : i32
      %add3A_899 = arith.constant 1 : i32
      %add3A_900 = arith.addi %mul3A_898, %add3A_899 : i32
      %dma_start3A_901 = arith.constant 0 : i32
      %dma_start3A_902 = arith.constant 40 : i32
      %dma_start3A_903 = arith.constant 0 : i32
      %dma_start3A_904 = tpu.memref_slice %arg9[%dma_start3A_902, %dma_start3A_903] : memref<80x128xf32, #tpu.memory_space<vmem>> -> memref<40x128xf32, #tpu.memory_space<vmem>>
      %dma_start3A_905 = arith.constant 40 : i32
      %dma_start3A_906 = tpu.memref_slice %arg6[%add3A_900, %dma_start3A_905] : memref<128x80xi32, #tpu.memory_space<vmem>> -> memref<1x40xi32, #tpu.memory_space<vmem>>
      %dma_start3A_907 = tpu.memref_squeeze %dma_start3A_906 : memref<1x40xi32, #tpu.memory_space<vmem>> -> memref<40xi32, #tpu.memory_space<vmem>>
      %dma_start3A_908 = arith.constant 0 : i32
      %dma_start3A_909 = arith.constant 0 : i32
      %dma_start3A_910 = tpu.memref_slice %arg2[%arg0, %dma_start3A_901, %dma_start3A_908, %dma_start3A_909] : memref<2x2x10000x128xf32, #tpu.memory_space<hbm>> -> memref<1x1x10000x128xf32, #tpu.memory_space<hbm>>
      %dma_start3A_911 = tpu.memref_squeeze %dma_start3A_910 : memref<1x1x10000x128xf32, #tpu.memory_space<hbm>> -> memref<10000x128xf32, #tpu.memory_space<hbm>>
      %dma_start3A_912 = arith.constant 0 : i32
      %dma_start3A_913 = arith.constant 0 : i32
      %dma_start3A_914 = tpu.memref_slice %dma_start3A_911[%dma_start3A_912, %dma_start3A_913] : memref<10000x128xf32, #tpu.memory_space<hbm>> -> memref<10000x128xf32, #tpu.memory_space<hbm>>
      tpu.enqueue_indirect_dma source(%dma_start3A_914 : memref<10000x128xf32, #tpu.memory_space<hbm>>) target(%dma_start3A_904 : memref<40x128xf32, #tpu.memory_space<vmem>>) offsets(%dma_start3A_907 : memref<40xi32, #tpu.memory_space<vmem>>) semaphore(%arg14 : memref<!tpu.dma_semaphore, #tpu.memory_space<semaphore_mem>>)
      %dma_wait3A_915 = arith.constant 0 : i32
      %dma_wait3A_916 = arith.constant 0 : i32
      %dma_wait3A_917 = arith.constant 0 : i32
      %dma_wait3A_918 = tpu.memref_slice %arg8[%dma_wait3A_916, %dma_wait3A_917] : memref<80x128xf32, #tpu.memory_space<vmem>> -> memref<40x128xf32, #tpu.memory_space<vmem>>
      %dma_wait3A_919 = arith.constant 0 : i32
      %dma_wait3A_920 = tpu.memref_slice %arg6[%add3A_846, %dma_wait3A_919] : memref<128x80xi32, #tpu.memory_space<vmem>> -> memref<1x40xi32, #tpu.memory_space<vmem>>
      %dma_wait3A_921 = tpu.memref_squeeze %dma_wait3A_920 : memref<1x40xi32, #tpu.memory_space<vmem>> -> memref<40xi32, #tpu.memory_space<vmem>>
      %dma_wait3A_922 = arith.constant 0 : i32
      %dma_wait3A_923 = arith.constant 0 : i32
      %dma_wait3A_924 = tpu.memref_slice %arg2[%arg0, %dma_wait3A_915, %dma_wait3A_922, %dma_wait3A_923] : memref<2x2x10000x128xf32, #tpu.memory_space<hbm>> -> memref<1x1x10000x128xf32, #tpu.memory_space<hbm>>
      %dma_wait3A_925 = tpu.memref_squeeze %dma_wait3A_924 : memref<1x1x10000x128xf32, #tpu.memory_space<hbm>> -> memref<10000x128xf32, #tpu.memory_space<hbm>>
      %dma_wait3A_926 = arith.constant 0 : i32
      %dma_wait3A_927 = arith.constant 0 : i32
      %dma_wait3A_928 = tpu.memref_slice %dma_wait3A_925[%dma_wait3A_926, %dma_wait3A_927] : memref<10000x128xf32, #tpu.memory_space<hbm>> -> memref<10000x128xf32, #tpu.memory_space<hbm>>
      tpu.wait_indirect_dma semaphore(%arg11 : memref<!tpu.dma_semaphore, #tpu.memory_space<semaphore_mem>>) src(%dma_wait3A_928 : memref<10000x128xf32, #tpu.memory_space<hbm>>) dst(%dma_wait3A_918 : memref<40x128xf32, #tpu.memory_space<vmem>>)
      %dma_wait3A_929 = arith.constant 0 : i32
      %dma_wait3A_930 = arith.constant 40 : i32
      %dma_wait3A_931 = arith.constant 0 : i32
      %dma_wait3A_932 = tpu.memref_slice %arg8[%dma_wait3A_930, %dma_wait3A_931] : memref<80x128xf32, #tpu.memory_space<vmem>> -> memref<40x128xf32, #tpu.memory_space<vmem>>
      %dma_wait3A_933 = arith.constant 40 : i32
      %dma_wait3A_934 = tpu.memref_slice %arg6[%add3A_864, %dma_wait3A_933] : memref<128x80xi32, #tpu.memory_space<vmem>> -> memref<1x40xi32, #tpu.memory_space<vmem>>
      %dma_wait3A_935 = tpu.memref_squeeze %dma_wait3A_934 : memref<1x40xi32, #tpu.memory_space<vmem>> -> memref<40xi32, #tpu.memory_space<vmem>>
      %dma_wait3A_936 = arith.constant 0 : i32
      %dma_wait3A_937 = arith.constant 0 : i32
      %dma_wait3A_938 = tpu.memref_slice %arg2[%arg0, %dma_wait3A_929, %dma_wait3A_936, %dma_wait3A_937] : memref<2x2x10000x128xf32, #tpu.memory_space<hbm>> -> memref<1x1x10000x128xf32, #tpu.memory_space<hbm>>
      %dma_wait3A_939 = tpu.memref_squeeze %dma_wait3A_938 : memref<1x1x10000x128xf32, #tpu.memory_space<hbm>> -> memref<10000x128xf32, #tpu.memory_space<hbm>>
      %dma_wait3A_940 = arith.constant 0 : i32
      %dma_wait3A_941 = arith.constant 0 : i32
      %dma_wait3A_942 = tpu.memref_slice %dma_wait3A_939[%dma_wait3A_940, %dma_wait3A_941] : memref<10000x128xf32, #tpu.memory_space<hbm>> -> memref<10000x128xf32, #tpu.memory_space<hbm>>
      tpu.wait_indirect_dma semaphore(%arg12 : memref<!tpu.dma_semaphore, #tpu.memory_space<semaphore_mem>>) src(%dma_wait3A_942 : memref<10000x128xf32, #tpu.memory_space<hbm>>) dst(%dma_wait3A_932 : memref<40x128xf32, #tpu.memory_space<vmem>>)
      %dma_start3A_943 = arith.constant 0 : i32
      %dma_start3A_944 = arith.constant 0 : i32
      %dma_start3A_945 = tpu.memref_slice %arg7[%dma_start3A_943, %dma_start3A_944] : memref<8x80xi32, #tpu.memory_space<vmem>> -> memref<1x80xi32, #tpu.memory_space<vmem>>
      %dma_start3A_946 = tpu.memref_squeeze %dma_start3A_945 : memref<1x80xi32, #tpu.memory_space<vmem>> -> memref<80xi32, #tpu.memory_space<vmem>>
      %dma_start3A_947 = arith.constant 0 : i32
      %dma_start3A_948 = arith.constant 0 : i32
      %dma_start3A_949 = tpu.memref_slice %arg10[%dma_start3A_947, %dma_start3A_948] : memref<10000x128xf32, #tpu.memory_space<vmem_shared>> -> memref<10000x128xf32, #tpu.memory_space<vmem_shared>>
      tpu.enqueue_indirect_dma source(%arg8 : memref<80x128xf32, #tpu.memory_space<vmem>>) target(%dma_start3A_949 : memref<10000x128xf32, #tpu.memory_space<vmem_shared>>) offsets(%dma_start3A_946 : memref<80xi32, #tpu.memory_space<vmem>>) semaphore(%arg15 : memref<!tpu.dma_semaphore, #tpu.memory_space<semaphore_mem>>) {add = true}
      %dma_wait3A_950 = arith.constant 0 : i32
      %dma_wait3A_951 = arith.constant 0 : i32
      %dma_wait3A_952 = tpu.memref_slice %arg7[%dma_wait3A_950, %dma_wait3A_951] : memref<8x80xi32, #tpu.memory_space<vmem>> -> memref<1x80xi32, #tpu.memory_space<vmem>>
      %dma_wait3A_953 = tpu.memref_squeeze %dma_wait3A_952 : memref<1x80xi32, #tpu.memory_space<vmem>> -> memref<80xi32, #tpu.memory_space<vmem>>
      %dma_wait3A_954 = arith.constant 0 : i32
      %dma_wait3A_955 = arith.constant 0 : i32
      %dma_wait3A_956 = tpu.memref_slice %arg10[%dma_wait3A_954, %dma_wait3A_955] : memref<10000x128xf32, #tpu.memory_space<vmem_shared>> -> memref<10000x128xf32, #tpu.memory_space<vmem_shared>>
      tpu.wait_indirect_dma semaphore(%arg15 : memref<!tpu.dma_semaphore, #tpu.memory_space<semaphore_mem>>) src(%arg8 : memref<80x128xf32, #tpu.memory_space<vmem>>) dst(%dma_wait3A_956 : memref<10000x128xf32, #tpu.memory_space<vmem_shared>>)
      %mul3A_957 = arith.constant 8 : i32
      %mul3A_958 = arith.muli %mul3A_957, %scan3A_839 : i32
      %add3A_959 = arith.constant 2 : i32
      %add3A_960 = arith.addi %mul3A_958, %add3A_959 : i32
      %dma_start3A_961 = arith.constant 0 : i32
      %dma_start3A_962 = arith.constant 0 : i32
      %dma_start3A_963 = arith.constant 0 : i32
      %dma_start3A_964 = tpu.memref_slice %arg8[%dma_start3A_962, %dma_start3A_963] : memref<80x128xf32, #tpu.memory_space<vmem>> -> memref<40x128xf32, #tpu.memory_space<vmem>>
      %dma_start3A_965 = arith.constant 0 : i32
      %dma_start3A_966 = tpu.memref_slice %arg6[%add3A_960, %dma_start3A_965] : memref<128x80xi32, #tpu.memory_space<vmem>> -> memref<1x40xi32, #tpu.memory_space<vmem>>
      %dma_start3A_967 = tpu.memref_squeeze %dma_start3A_966 : memref<1x40xi32, #tpu.memory_space<vmem>> -> memref<40xi32, #tpu.memory_space<vmem>>
      %dma_start3A_968 = arith.constant 0 : i32
      %dma_start3A_969 = arith.constant 0 : i32
      %dma_start3A_970 = tpu.memref_slice %arg2[%arg0, %dma_start3A_961, %dma_start3A_968, %dma_start3A_969] : memref<2x2x10000x128xf32, #tpu.memory_space<hbm>> -> memref<1x1x10000x128xf32, #tpu.memory_space<hbm>>
      %dma_start3A_971 = tpu.memref_squeeze %dma_start3A_970 : memref<1x1x10000x128xf32, #tpu.memory_space<hbm>> -> memref<10000x128xf32, #tpu.memory_space<hbm>>
      %dma_start3A_972 = arith.constant 0 : i32
      %dma_start3A_973 = arith.constant 0 : i32
      %dma_start3A_974 = tpu.memref_slice %dma_start3A_971[%dma_start3A_972, %dma_start3A_973] : memref<10000x128xf32, #tpu.memory_space<hbm>> -> memref<10000x128xf32, #tpu.memory_space<hbm>>
      tpu.enqueue_indirect_dma source(%dma_start3A_974 : memref<10000x128xf32, #tpu.memory_space<hbm>>) target(%dma_start3A_964 : memref<40x128xf32, #tpu.memory_space<vmem>>) offsets(%dma_start3A_967 : memref<40xi32, #tpu.memory_space<vmem>>) semaphore(%arg11 : memref<!tpu.dma_semaphore, #tpu.memory_space<semaphore_mem>>)
      %mul3A_975 = arith.constant 8 : i32
      %mul3A_976 = arith.muli %mul3A_975, %scan3A_839 : i32
      %add3A_977 = arith.constant 2 : i32
      %add3A_978 = arith.addi %mul3A_976, %add3A_977 : i32
      %dma_start3A_979 = arith.constant 0 : i32
      %dma_start3A_980 = arith.constant 40 : i32
      %dma_start3A_981 = arith.constant 0 : i32
      %dma_start3A_982 = tpu.memref_slice %arg8[%dma_start3A_980, %dma_start3A_981] : memref<80x128xf32, #tpu.memory_space<vmem>> -> memref<40x128xf32, #tpu.memory_space<vmem>>
      %dma_start3A_983 = arith.constant 40 : i32
      %dma_start3A_984 = tpu.memref_slice %arg6[%add3A_978, %dma_start3A_983] : memref<128x80xi32, #tpu.memory_space<vmem>> -> memref<1x40xi32, #tpu.memory_space<vmem>>
      %dma_start3A_985 = tpu.memref_squeeze %dma_start3A_984 : memref<1x40xi32, #tpu.memory_space<vmem>> -> memref<40xi32, #tpu.memory_space<vmem>>
      %dma_start3A_986 = arith.constant 0 : i32
      %dma_start3A_987 = arith.constant 0 : i32
      %dma_start3A_988 = tpu.memref_slice %arg2[%arg0, %dma_start3A_979, %dma_start3A_986, %dma_start3A_987] : memref<2x2x10000x128xf32, #tpu.memory_space<hbm>> -> memref<1x1x10000x128xf32, #tpu.memory_space<hbm>>
      %dma_start3A_989 = tpu.memref_squeeze %dma_start3A_988 : memref<1x1x10000x128xf32, #tpu.memory_space<hbm>> -> memref<10000x128xf32, #tpu.memory_space<hbm>>
      %dma_start3A_990 = arith.constant 0 : i32
      %dma_start3A_991 = arith.constant 0 : i32
      %dma_start3A_992 = tpu.memref_slice %dma_start3A_989[%dma_start3A_990, %dma_start3A_991] : memref<10000x128xf32, #tpu.memory_space<hbm>> -> memref<10000x128xf32, #tpu.memory_space<hbm>>
      tpu.enqueue_indirect_dma source(%dma_start3A_992 : memref<10000x128xf32, #tpu.memory_space<hbm>>) target(%dma_start3A_982 : memref<40x128xf32, #tpu.memory_space<vmem>>) offsets(%dma_start3A_985 : memref<40xi32, #tpu.memory_space<vmem>>) semaphore(%arg12 : memref<!tpu.dma_semaphore, #tpu.memory_space<semaphore_mem>>)
      %dma_wait3A_993 = arith.constant 0 : i32
      %dma_wait3A_994 = arith.constant 0 : i32
      %dma_wait3A_995 = arith.constant 0 : i32
      %dma_wait3A_996 = tpu.memref_slice %arg9[%dma_wait3A_994, %dma_wait3A_995] : memref<80x128xf32, #tpu.memory_space<vmem>> -> memref<40x128xf32, #tpu.memory_space<vmem>>
      %dma_wait3A_997 = arith.constant 0 : i32
      %dma_wait3A_998 = tpu.memref_slice %arg6[%add3A_882, %dma_wait3A_997] : memref<128x80xi32, #tpu.memory_space<vmem>> -> memref<1x40xi32, #tpu.memory_space<vmem>>
      %dma_wait3A_999 = tpu.memref_squeeze %dma_wait3A_998 : memref<1x40xi32, #tpu.memory_space<vmem>> -> memref<40xi32, #tpu.memory_space<vmem>>
      %dma_wait3A_1000 = arith.constant 0 : i32
      %dma_wait3A_1001 = arith.constant 0 : i32
      %dma_wait3A_1002 = tpu.memref_slice %arg2[%arg0, %dma_wait3A_993, %dma_wait3A_1000, %dma_wait3A_1001] : memref<2x2x10000x128xf32, #tpu.memory_space<hbm>> -> memref<1x1x10000x128xf32, #tpu.memory_space<hbm>>
      %dma_wait3A_1003 = tpu.memref_squeeze %dma_wait3A_1002 : memref<1x1x10000x128xf32, #tpu.memory_space<hbm>> -> memref<10000x128xf32, #tpu.memory_space<hbm>>
      %dma_wait3A_1004 = arith.constant 0 : i32
      %dma_wait3A_1005 = arith.constant 0 : i32
      %dma_wait3A_1006 = tpu.memref_slice %dma_wait3A_1003[%dma_wait3A_1004, %dma_wait3A_1005] : memref<10000x128xf32, #tpu.memory_space<hbm>> -> memref<10000x128xf32, #tpu.memory_space<hbm>>
      tpu.wait_indirect_dma semaphore(%arg13 : memref<!tpu.dma_semaphore, #tpu.memory_space<semaphore_mem>>) src(%dma_wait3A_1006 : memref<10000x128xf32, #tpu.memory_space<hbm>>) dst(%dma_wait3A_996 : memref<40x128xf32, #tpu.memory_space<vmem>>)
      %dma_wait3A_1007 = arith.constant 0 : i32
      %dma_wait3A_1008 = arith.constant 40 : i32
      %dma_wait3A_1009 = arith.constant 0 : i32
      %dma_wait3A_1010 = tpu.memref_slice %arg9[%dma_wait3A_1008, %dma_wait3A_1009] : memref<80x128xf32, #tpu.memory_space<vmem>> -> memref<40x128xf32, #tpu.memory_space<vmem>>
      %dma_wait3A_1011 = arith.constant 40 : i32
      %dma_wait3A_1012 = tpu.memref_slice %arg6[%add3A_900, %dma_wait3A_1011] : memref<128x80xi32, #tpu.memory_space<vmem>> -> memref<1x40xi32, #tpu.memory_space<vmem>>
      %dma_wait3A_1013 = tpu.memref_squeeze %dma_wait3A_1012 : memref<1x40xi32, #tpu.memory_space<vmem>> -> memref<40xi32, #tpu.memory_space<vmem>>
      %dma_wait3A_1014 = arith.constant 0 : i32
      %dma_wait3A_1015 = arith.constant 0 : i32
      %dma_wait3A_1016 = tpu.memref_slice %arg2[%arg0, %dma_wait3A_1007, %dma_wait3A_1014, %dma_wait3A_1015] : memref<2x2x10000x128xf32, #tpu.memory_space<hbm>> -> memref<1x1x10000x128xf32, #tpu.memory_space<hbm>>
      %dma_wait3A_1017 = tpu.memref_squeeze %dma_wait3A_1016 : memref<1x1x10000x128xf32, #tpu.memory_space<hbm>> -> memref<10000x128xf32, #tpu.memory_space<hbm>>
      %dma_wait3A_1018 = arith.constant 0 : i32
      %dma_wait3A_1019 = arith.constant 0 : i32
      %dma_wait3A_1020 = tpu.memref_slice %dma_wait3A_1017[%dma_wait3A_1018, %dma_wait3A_1019] : memref<10000x128xf32, #tpu.memory_space<hbm>> -> memref<10000x128xf32, #tpu.memory_space<hbm>>
      tpu.wait_indirect_dma semaphore(%arg14 : memref<!tpu.dma_semaphore, #tpu.memory_space<semaphore_mem>>) src(%dma_wait3A_1020 : memref<10000x128xf32, #tpu.memory_space<hbm>>) dst(%dma_wait3A_1010 : memref<40x128xf32, #tpu.memory_space<vmem>>)
      %dma_start3A_1021 = arith.constant 1 : i32
      %dma_start3A_1022 = arith.constant 0 : i32
      %dma_start3A_1023 = tpu.memref_slice %arg7[%dma_start3A_1021, %dma_start3A_1022] : memref<8x80xi32, #tpu.memory_space<vmem>> -> memref<1x80xi32, #tpu.memory_space<vmem>>
      %dma_start3A_1024 = tpu.memref_squeeze %dma_start3A_1023 : memref<1x80xi32, #tpu.memory_space<vmem>> -> memref<80xi32, #tpu.memory_space<vmem>>
      %dma_start3A_1025 = arith.constant 0 : i32
      %dma_start3A_1026 = arith.constant 0 : i32
      %dma_start3A_1027 = tpu.memref_slice %arg10[%dma_start3A_1025, %dma_start3A_1026] : memref<10000x128xf32, #tpu.memory_space<vmem_shared>> -> memref<10000x128xf32, #tpu.memory_space<vmem_shared>>
      tpu.enqueue_indirect_dma source(%arg9 : memref<80x128xf32, #tpu.memory_space<vmem>>) target(%dma_start3A_1027 : memref<10000x128xf32, #tpu.memory_space<vmem_shared>>) offsets(%dma_start3A_1024 : memref<80xi32, #tpu.memory_space<vmem>>) semaphore(%arg16 : memref<!tpu.dma_semaphore, #tpu.memory_space<semaphore_mem>>) {add = true}
      %dma_wait3A_1028 = arith.constant 1 : i32
      %dma_wait3A_1029 = arith.constant 0 : i32
      %dma_wait3A_1030 = tpu.memref_slice %arg7[%dma_wait3A_1028, %dma_wait3A_1029] : memref<8x80xi32, #tpu.memory_space<vmem>> -> memref<1x80xi32, #tpu.memory_space<vmem>>
      %dma_wait3A_1031 = tpu.memref_squeeze %dma_wait3A_1030 : memref<1x80xi32, #tpu.memory_space<vmem>> -> memref<80xi32, #tpu.memory_space<vmem>>
      %dma_wait3A_1032 = arith.constant 0 : i32
      %dma_wait3A_1033 = arith.constant 0 : i32
      %dma_wait3A_1034 = tpu.memref_slice %arg10[%dma_wait3A_1032, %dma_wait3A_1033] : memref<10000x128xf32, #tpu.memory_space<vmem_shared>> -> memref<10000x128xf32, #tpu.memory_space<vmem_shared>>
      tpu.wait_indirect_dma semaphore(%arg16 : memref<!tpu.dma_semaphore, #tpu.memory_space<semaphore_mem>>) src(%arg9 : memref<80x128xf32, #tpu.memory_space<vmem>>) dst(%dma_wait3A_1034 : memref<10000x128xf32, #tpu.memory_space<vmem_shared>>)
      %mul3A_1035 = arith.constant 8 : i32
      %mul3A_1036 = arith.muli %mul3A_1035, %scan3A_839 : i32
      %add3A_1037 = arith.constant 3 : i32
      %add3A_1038 = arith.addi %mul3A_1036, %add3A_1037 : i32
      %dma_start3A_1039 = arith.constant 0 : i32
      %dma_start3A_1040 = arith.constant 0 : i32
      %dma_start3A_1041 = arith.constant 0 : i32
      %dma_start3A_1042 = tpu.memref_slice %arg9[%dma_start3A_1040, %dma_start3A_1041] : memref<80x128xf32, #tpu.memory_space<vmem>> -> memref<40x128xf32, #tpu.memory_space<vmem>>
      %dma_start3A_1043 = arith.constant 0 : i32
      %dma_start3A_1044 = tpu.memref_slice %arg6[%add3A_1038, %dma_start3A_1043] : memref<128x80xi32, #tpu.memory_space<vmem>> -> memref<1x40xi32, #tpu.memory_space<vmem>>
      %dma_start3A_1045 = tpu.memref_squeeze %dma_start3A_1044 : memref<1x40xi32, #tpu.memory_space<vmem>> -> memref<40xi32, #tpu.memory_space<vmem>>
      %dma_start3A_1046 = arith.constant 0 : i32
      %dma_start3A_1047 = arith.constant 0 : i32
      %dma_start3A_1048 = tpu.memref_slice %arg2[%arg0, %dma_start3A_1039, %dma_start3A_1046, %dma_start3A_1047] : memref<2x2x10000x128xf32, #tpu.memory_space<hbm>> -> memref<1x1x10000x128xf32, #tpu.memory_space<hbm>>
      %dma_start3A_1049 = tpu.memref_squeeze %dma_start3A_1048 : memref<1x1x10000x128xf32, #tpu.memory_space<hbm>> -> memref<10000x128xf32, #tpu.memory_space<hbm>>
      %dma_start3A_1050 = arith.constant 0 : i32
      %dma_start3A_1051 = arith.constant 0 : i32
      %dma_start3A_1052 = tpu.memref_slice %dma_start3A_1049[%dma_start3A_1050, %dma_start3A_1051] : memref<10000x128xf32, #tpu.memory_space<hbm>> -> memref<10000x128xf32, #tpu.memory_space<hbm>>
      tpu.enqueue_indirect_dma source(%dma_start3A_1052 : memref<10000x128xf32, #tpu.memory_space<hbm>>) target(%dma_start3A_1042 : memref<40x128xf32, #tpu.memory_space<vmem>>) offsets(%dma_start3A_1045 : memref<40xi32, #tpu.memory_space<vmem>>) semaphore(%arg13 : memref<!tpu.dma_semaphore, #tpu.memory_space<semaphore_mem>>)
      %mul3A_1053 = arith.constant 8 : i32
      %mul3A_1054 = arith.muli %mul3A_1053, %scan3A_839 : i32
      %add3A_1055 = arith.constant 3 : i32
      %add3A_1056 = arith.addi %mul3A_1054, %add3A_1055 : i32
      %dma_start3A_1057 = arith.constant 0 : i32
      %dma_start3A_1058 = arith.constant 40 : i32
      %dma_start3A_1059 = arith.constant 0 : i32
      %dma_start3A_1060 = tpu.memref_slice %arg9[%dma_start3A_1058, %dma_start3A_1059] : memref<80x128xf32, #tpu.memory_space<vmem>> -> memref<40x128xf32, #tpu.memory_space<vmem>>
      %dma_start3A_1061 = arith.constant 40 : i32
      %dma_start3A_1062 = tpu.memref_slice %arg6[%add3A_1056, %dma_start3A_1061] : memref<128x80xi32, #tpu.memory_space<vmem>> -> memref<1x40xi32, #tpu.memory_space<vmem>>
      %dma_start3A_1063 = tpu.memref_squeeze %dma_start3A_1062 : memref<1x40xi32, #tpu.memory_space<vmem>> -> memref<40xi32, #tpu.memory_space<vmem>>
      %dma_start3A_1064 = arith.constant 0 : i32
      %dma_start3A_1065 = arith.constant 0 : i32
      %dma_start3A_1066 = tpu.memref_slice %arg2[%arg0, %dma_start3A_1057, %dma_start3A_1064, %dma_start3A_1065] : memref<2x2x10000x128xf32, #tpu.memory_space<hbm>> -> memref<1x1x10000x128xf32, #tpu.memory_space<hbm>>
      %dma_start3A_1067 = tpu.memref_squeeze %dma_start3A_1066 : memref<1x1x10000x128xf32, #tpu.memory_space<hbm>> -> memref<10000x128xf32, #tpu.memory_space<hbm>>
      %dma_start3A_1068 = arith.constant 0 : i32
      %dma_start3A_1069 = arith.constant 0 : i32
      %dma_start3A_1070 = tpu.memref_slice %dma_start3A_1067[%dma_start3A_1068, %dma_start3A_1069] : memref<10000x128xf32, #tpu.memory_space<hbm>> -> memref<10000x128xf32, #tpu.memory_space<hbm>>
      tpu.enqueue_indirect_dma source(%dma_start3A_1070 : memref<10000x128xf32, #tpu.memory_space<hbm>>) target(%dma_start3A_1060 : memref<40x128xf32, #tpu.memory_space<vmem>>) offsets(%dma_start3A_1063 : memref<40xi32, #tpu.memory_space<vmem>>) semaphore(%arg14 : memref<!tpu.dma_semaphore, #tpu.memory_space<semaphore_mem>>)
      %dma_wait3A_1071 = arith.constant 0 : i32
      %dma_wait3A_1072 = arith.constant 0 : i32
      %dma_wait3A_1073 = arith.constant 0 : i32
      %dma_wait3A_1074 = tpu.memref_slice %arg8[%dma_wait3A_1072, %dma_wait3A_1073] : memref<80x128xf32, #tpu.memory_space<vmem>> -> memref<40x128xf32, #tpu.memory_space<vmem>>
      %dma_wait3A_1075 = arith.constant 0 : i32
      %dma_wait3A_1076 = tpu.memref_slice %arg6[%add3A_960, %dma_wait3A_1075] : memref<128x80xi32, #tpu.memory_space<vmem>> -> memref<1x40xi32, #tpu.memory_space<vmem>>
      %dma_wait3A_1077 = tpu.memref_squeeze %dma_wait3A_1076 : memref<1x40xi32, #tpu.memory_space<vmem>> -> memref<40xi32, #tpu.memory_space<vmem>>
      %dma_wait3A_1078 = arith.constant 0 : i32
      %dma_wait3A_1079 = arith.constant 0 : i32
      %dma_wait3A_1080 = tpu.memref_slice %arg2[%arg0, %dma_wait3A_1071, %dma_wait3A_1078, %dma_wait3A_1079] : memref<2x2x10000x128xf32, #tpu.memory_space<hbm>> -> memref<1x1x10000x128xf32, #tpu.memory_space<hbm>>
      %dma_wait3A_1081 = tpu.memref_squeeze %dma_wait3A_1080 : memref<1x1x10000x128xf32, #tpu.memory_space<hbm>> -> memref<10000x128xf32, #tpu.memory_space<hbm>>
      %dma_wait3A_1082 = arith.constant 0 : i32
      %dma_wait3A_1083 = arith.constant 0 : i32
      %dma_wait3A_1084 = tpu.memref_slice %dma_wait3A_1081[%dma_wait3A_1082, %dma_wait3A_1083] : memref<10000x128xf32, #tpu.memory_space<hbm>> -> memref<10000x128xf32, #tpu.memory_space<hbm>>
      tpu.wait_indirect_dma semaphore(%arg11 : memref<!tpu.dma_semaphore, #tpu.memory_space<semaphore_mem>>) src(%dma_wait3A_1084 : memref<10000x128xf32, #tpu.memory_space<hbm>>) dst(%dma_wait3A_1074 : memref<40x128xf32, #tpu.memory_space<vmem>>)
      %dma_wait3A_1085 = arith.constant 0 : i32
      %dma_wait3A_1086 = arith.constant 40 : i32
      %dma_wait3A_1087 = arith.constant 0 : i32
      %dma_wait3A_1088 = tpu.memref_slice %arg8[%dma_wait3A_1086, %dma_wait3A_1087] : memref<80x128xf32, #tpu.memory_space<vmem>> -> memref<40x128xf32, #tpu.memory_space<vmem>>
      %dma_wait3A_1089 = arith.constant 40 : i32
      %dma_wait3A_1090 = tpu.memref_slice %arg6[%add3A_978, %dma_wait3A_1089] : memref<128x80xi32, #tpu.memory_space<vmem>> -> memref<1x40xi32, #tpu.memory_space<vmem>>
      %dma_wait3A_1091 = tpu.memref_squeeze %dma_wait3A_1090 : memref<1x40xi32, #tpu.memory_space<vmem>> -> memref<40xi32, #tpu.memory_space<vmem>>
      %dma_wait3A_1092 = arith.constant 0 : i32
      %dma_wait3A_1093 = arith.constant 0 : i32
      %dma_wait3A_1094 = tpu.memref_slice %arg2[%arg0, %dma_wait3A_1085, %dma_wait3A_1092, %dma_wait3A_1093] : memref<2x2x10000x128xf32, #tpu.memory_space<hbm>> -> memref<1x1x10000x128xf32, #tpu.memory_space<hbm>>
      %dma_wait3A_1095 = tpu.memref_squeeze %dma_wait3A_1094 : memref<1x1x10000x128xf32, #tpu.memory_space<hbm>> -> memref<10000x128xf32, #tpu.memory_space<hbm>>
      %dma_wait3A_1096 = arith.constant 0 : i32
      %dma_wait3A_1097 = arith.constant 0 : i32
      %dma_wait3A_1098 = tpu.memref_slice %dma_wait3A_1095[%dma_wait3A_1096, %dma_wait3A_1097] : memref<10000x128xf32, #tpu.memory_space<hbm>> -> memref<10000x128xf32, #tpu.memory_space<hbm>>
      tpu.wait_indirect_dma semaphore(%arg12 : memref<!tpu.dma_semaphore, #tpu.memory_space<semaphore_mem>>) src(%dma_wait3A_1098 : memref<10000x128xf32, #tpu.memory_space<hbm>>) dst(%dma_wait3A_1088 : memref<40x128xf32, #tpu.memory_space<vmem>>)
      %dma_start3A_1099 = arith.constant 2 : i32
      %dma_start3A_1100 = arith.constant 0 : i32
      %dma_start3A_1101 = tpu.memref_slice %arg7[%dma_start3A_1099, %dma_start3A_1100] : memref<8x80xi32, #tpu.memory_space<vmem>> -> memref<1x80xi32, #tpu.memory_space<vmem>>
      %dma_start3A_1102 = tpu.memref_squeeze %dma_start3A_1101 : memref<1x80xi32, #tpu.memory_space<vmem>> -> memref<80xi32, #tpu.memory_space<vmem>>
      %dma_start3A_1103 = arith.constant 0 : i32
      %dma_start3A_1104 = arith.constant 0 : i32
      %dma_start3A_1105 = tpu.memref_slice %arg10[%dma_start3A_1103, %dma_start3A_1104] : memref<10000x128xf32, #tpu.memory_space<vmem_shared>> -> memref<10000x128xf32, #tpu.memory_space<vmem_shared>>
      tpu.enqueue_indirect_dma source(%arg8 : memref<80x128xf32, #tpu.memory_space<vmem>>) target(%dma_start3A_1105 : memref<10000x128xf32, #tpu.memory_space<vmem_shared>>) offsets(%dma_start3A_1102 : memref<80xi32, #tpu.memory_space<vmem>>) semaphore(%arg15 : memref<!tpu.dma_semaphore, #tpu.memory_space<semaphore_mem>>) {add = true}
      %dma_wait3A_1106 = arith.constant 2 : i32
      %dma_wait3A_1107 = arith.constant 0 : i32
      %dma_wait3A_1108 = tpu.memref_slice %arg7[%dma_wait3A_1106, %dma_wait3A_1107] : memref<8x80xi32, #tpu.memory_space<vmem>> -> memref<1x80xi32, #tpu.memory_space<vmem>>
      %dma_wait3A_1109 = tpu.memref_squeeze %dma_wait3A_1108 : memref<1x80xi32, #tpu.memory_space<vmem>> -> memref<80xi32, #tpu.memory_space<vmem>>
      %dma_wait3A_1110 = arith.constant 0 : i32
      %dma_wait3A_1111 = arith.constant 0 : i32
      %dma_wait3A_1112 = tpu.memref_slice %arg10[%dma_wait3A_1110, %dma_wait3A_1111] : memref<10000x128xf32, #tpu.memory_space<vmem_shared>> -> memref<10000x128xf32, #tpu.memory_space<vmem_shared>>
      tpu.wait_indirect_dma semaphore(%arg15 : memref<!tpu.dma_semaphore, #tpu.memory_space<semaphore_mem>>) src(%arg8 : memref<80x128xf32, #tpu.memory_space<vmem>>) dst(%dma_wait3A_1112 : memref<10000x128xf32, #tpu.memory_space<vmem_shared>>)
      %mul3A_1113 = arith.constant 8 : i32
      %mul3A_1114 = arith.muli %mul3A_1113, %scan3A_839 : i32
      %add3A_1115 = arith.constant 4 : i32
      %add3A_1116 = arith.addi %mul3A_1114, %add3A_1115 : i32
      %dma_start3A_1117 = arith.constant 0 : i32
      %dma_start3A_1118 = arith.constant 0 : i32
      %dma_start3A_1119 = arith.constant 0 : i32
      %dma_start3A_1120 = tpu.memref_slice %arg8[%dma_start3A_1118, %dma_start3A_1119] : memref<80x128xf32, #tpu.memory_space<vmem>> -> memref<40x128xf32, #tpu.memory_space<vmem>>
      %dma_start3A_1121 = arith.constant 0 : i32
      %dma_start3A_1122 = tpu.memref_slice %arg6[%add3A_1116, %dma_start3A_1121] : memref<128x80xi32, #tpu.memory_space<vmem>> -> memref<1x40xi32, #tpu.memory_space<vmem>>
      %dma_start3A_1123 = tpu.memref_squeeze %dma_start3A_1122 : memref<1x40xi32, #tpu.memory_space<vmem>> -> memref<40xi32, #tpu.memory_space<vmem>>
      %dma_start3A_1124 = arith.constant 0 : i32
      %dma_start3A_1125 = arith.constant 0 : i32
      %dma_start3A_1126 = tpu.memref_slice %arg2[%arg0, %dma_start3A_1117, %dma_start3A_1124, %dma_start3A_1125] : memref<2x2x10000x128xf32, #tpu.memory_space<hbm>> -> memref<1x1x10000x128xf32, #tpu.memory_space<hbm>>
      %dma_start3A_1127 = tpu.memref_squeeze %dma_start3A_1126 : memref<1x1x10000x128xf32, #tpu.memory_space<hbm>> -> memref<10000x128xf32, #tpu.memory_space<hbm>>
      %dma_start3A_1128 = arith.constant 0 : i32
      %dma_start3A_1129 = arith.constant 0 : i32
      %dma_start3A_1130 = tpu.memref_slice %dma_start3A_1127[%dma_start3A_1128, %dma_start3A_1129] : memref<10000x128xf32, #tpu.memory_space<hbm>> -> memref<10000x128xf32, #tpu.memory_space<hbm>>
      tpu.enqueue_indirect_dma source(%dma_start3A_1130 : memref<10000x128xf32, #tpu.memory_space<hbm>>) target(%dma_start3A_1120 : memref<40x128xf32, #tpu.memory_space<vmem>>) offsets(%dma_start3A_1123 : memref<40xi32, #tpu.memory_space<vmem>>) semaphore(%arg11 : memref<!tpu.dma_semaphore, #tpu.memory_space<semaphore_mem>>)
      %mul3A_1131 = arith.constant 8 : i32
      %mul3A_1132 = arith.muli %mul3A_1131, %scan3A_839 : i32
      %add3A_1133 = arith.constant 4 : i32
      %add3A_1134 = arith.addi %mul3A_1132, %add3A_1133 : i32
      %dma_start3A_1135 = arith.constant 0 : i32
      %dma_start3A_1136 = arith.constant 40 : i32
      %dma_start3A_1137 = arith.constant 0 : i32
      %dma_start3A_1138 = tpu.memref_slice %arg8[%dma_start3A_1136, %dma_start3A_1137] : memref<80x128xf32, #tpu.memory_space<vmem>> -> memref<40x128xf32, #tpu.memory_space<vmem>>
      %dma_start3A_1139 = arith.constant 40 : i32
      %dma_start3A_1140 = tpu.memref_slice %arg6[%add3A_1134, %dma_start3A_1139] : memref<128x80xi32, #tpu.memory_space<vmem>> -> memref<1x40xi32, #tpu.memory_space<vmem>>
      %dma_start3A_1141 = tpu.memref_squeeze %dma_start3A_1140 : memref<1x40xi32, #tpu.memory_space<vmem>> -> memref<40xi32, #tpu.memory_space<vmem>>
      %dma_start3A_1142 = arith.constant 0 : i32
      %dma_start3A_1143 = arith.constant 0 : i32
      %dma_start3A_1144 = tpu.memref_slice %arg2[%arg0, %dma_start3A_1135, %dma_start3A_1142, %dma_start3A_1143] : memref<2x2x10000x128xf32, #tpu.memory_space<hbm>> -> memref<1x1x10000x128xf32, #tpu.memory_space<hbm>>
      %dma_start3A_1145 = tpu.memref_squeeze %dma_start3A_1144 : memref<1x1x10000x128xf32, #tpu.memory_space<hbm>> -> memref<10000x128xf32, #tpu.memory_space<hbm>>
      %dma_start3A_1146 = arith.constant 0 : i32
      %dma_start3A_1147 = arith.constant 0 : i32
      %dma_start3A_1148 = tpu.memref_slice %dma_start3A_1145[%dma_start3A_1146, %dma_start3A_1147] : memref<10000x128xf32, #tpu.memory_space<hbm>> -> memref<10000x128xf32, #tpu.memory_space<hbm>>
      tpu.enqueue_indirect_dma source(%dma_start3A_1148 : memref<10000x128xf32, #tpu.memory_space<hbm>>) target(%dma_start3A_1138 : memref<40x128xf32, #tpu.memory_space<vmem>>) offsets(%dma_start3A_1141 : memref<40xi32, #tpu.memory_space<vmem>>) semaphore(%arg12 : memref<!tpu.dma_semaphore, #tpu.memory_space<semaphore_mem>>)
      %dma_wait3A_1149 = arith.constant 0 : i32
      %dma_wait3A_1150 = arith.constant 0 : i32
      %dma_wait3A_1151 = arith.constant 0 : i32
      %dma_wait3A_1152 = tpu.memref_slice %arg9[%dma_wait3A_1150, %dma_wait3A_1151] : memref<80x128xf32, #tpu.memory_space<vmem>> -> memref<40x128xf32, #tpu.memory_space<vmem>>
      %dma_wait3A_1153 = arith.constant 0 : i32
      %dma_wait3A_1154 = tpu.memref_slice %arg6[%add3A_1038, %dma_wait3A_1153] : memref<128x80xi32, #tpu.memory_space<vmem>> -> memref<1x40xi32, #tpu.memory_space<vmem>>
      %dma_wait3A_1155 = tpu.memref_squeeze %dma_wait3A_1154 : memref<1x40xi32, #tpu.memory_space<vmem>> -> memref<40xi32, #tpu.memory_space<vmem>>
      %dma_wait3A_1156 = arith.constant 0 : i32
      %dma_wait3A_1157 = arith.constant 0 : i32
      %dma_wait3A_1158 = tpu.memref_slice %arg2[%arg0, %dma_wait3A_1149, %dma_wait3A_1156, %dma_wait3A_1157] : memref<2x2x10000x128xf32, #tpu.memory_space<hbm>> -> memref<1x1x10000x128xf32, #tpu.memory_space<hbm>>
      %dma_wait3A_1159 = tpu.memref_squeeze %dma_wait3A_1158 : memref<1x1x10000x128xf32, #tpu.memory_space<hbm>> -> memref<10000x128xf32, #tpu.memory_space<hbm>>
      %dma_wait3A_1160 = arith.constant 0 : i32
      %dma_wait3A_1161 = arith.constant 0 : i32
      %dma_wait3A_1162 = tpu.memref_slice %dma_wait3A_1159[%dma_wait3A_1160, %dma_wait3A_1161] : memref<10000x128xf32, #tpu.memory_space<hbm>> -> memref<10000x128xf32, #tpu.memory_space<hbm>>
      tpu.wait_indirect_dma semaphore(%arg13 : memref<!tpu.dma_semaphore, #tpu.memory_space<semaphore_mem>>) src(%dma_wait3A_1162 : memref<10000x128xf32, #tpu.memory_space<hbm>>) dst(%dma_wait3A_1152 : memref<40x128xf32, #tpu.memory_space<vmem>>)
      %dma_wait3A_1163 = arith.constant 0 : i32
      %dma_wait3A_1164 = arith.constant 40 : i32
      %dma_wait3A_1165 = arith.constant 0 : i32
      %dma_wait3A_1166 = tpu.memref_slice %arg9[%dma_wait3A_1164, %dma_wait3A_1165] : memref<80x128xf32, #tpu.memory_space<vmem>> -> memref<40x128xf32, #tpu.memory_space<vmem>>
      %dma_wait3A_1167 = arith.constant 40 : i32
      %dma_wait3A_1168 = tpu.memref_slice %arg6[%add3A_1056, %dma_wait3A_1167] : memref<128x80xi32, #tpu.memory_space<vmem>> -> memref<1x40xi32, #tpu.memory_space<vmem>>
      %dma_wait3A_1169 = tpu.memref_squeeze %dma_wait3A_1168 : memref<1x40xi32, #tpu.memory_space<vmem>> -> memref<40xi32, #tpu.memory_space<vmem>>
      %dma_wait3A_1170 = arith.constant 0 : i32
      %dma_wait3A_1171 = arith.constant 0 : i32
      %dma_wait3A_1172 = tpu.memref_slice %arg2[%arg0, %dma_wait3A_1163, %dma_wait3A_1170, %dma_wait3A_1171] : memref<2x2x10000x128xf32, #tpu.memory_space<hbm>> -> memref<1x1x10000x128xf32, #tpu.memory_space<hbm>>
      %dma_wait3A_1173 = tpu.memref_squeeze %dma_wait3A_1172 : memref<1x1x10000x128xf32, #tpu.memory_space<hbm>> -> memref<10000x128xf32, #tpu.memory_space<hbm>>
      %dma_wait3A_1174 = arith.constant 0 : i32
      %dma_wait3A_1175 = arith.constant 0 : i32
      %dma_wait3A_1176 = tpu.memref_slice %dma_wait3A_1173[%dma_wait3A_1174, %dma_wait3A_1175] : memref<10000x128xf32, #tpu.memory_space<hbm>> -> memref<10000x128xf32, #tpu.memory_space<hbm>>
      tpu.wait_indirect_dma semaphore(%arg14 : memref<!tpu.dma_semaphore, #tpu.memory_space<semaphore_mem>>) src(%dma_wait3A_1176 : memref<10000x128xf32, #tpu.memory_space<hbm>>) dst(%dma_wait3A_1166 : memref<40x128xf32, #tpu.memory_space<vmem>>)
      %dma_start3A_1177 = arith.constant 3 : i32
      %dma_start3A_1178 = arith.constant 0 : i32
      %dma_start3A_1179 = tpu.memref_slice %arg7[%dma_start3A_1177, %dma_start3A_1178] : memref<8x80xi32, #tpu.memory_space<vmem>> -> memref<1x80xi32, #tpu.memory_space<vmem>>
      %dma_start3A_1180 = tpu.memref_squeeze %dma_start3A_1179 : memref<1x80xi32, #tpu.memory_space<vmem>> -> memref<80xi32, #tpu.memory_space<vmem>>
      %dma_start3A_1181 = arith.constant 0 : i32
      %dma_start3A_1182 = arith.constant 0 : i32
      %dma_start3A_1183 = tpu.memref_slice %arg10[%dma_start3A_1181, %dma_start3A_1182] : memref<10000x128xf32, #tpu.memory_space<vmem_shared>> -> memref<10000x128xf32, #tpu.memory_space<vmem_shared>>
      tpu.enqueue_indirect_dma source(%arg9 : memref<80x128xf32, #tpu.memory_space<vmem>>) target(%dma_start3A_1183 : memref<10000x128xf32, #tpu.memory_space<vmem_shared>>) offsets(%dma_start3A_1180 : memref<80xi32, #tpu.memory_space<vmem>>) semaphore(%arg16 : memref<!tpu.dma_semaphore, #tpu.memory_space<semaphore_mem>>) {add = true}
      %dma_wait3A_1184 = arith.constant 3 : i32
      %dma_wait3A_1185 = arith.constant 0 : i32
      %dma_wait3A_1186 = tpu.memref_slice %arg7[%dma_wait3A_1184, %dma_wait3A_1185] : memref<8x80xi32, #tpu.memory_space<vmem>> -> memref<1x80xi32, #tpu.memory_space<vmem>>
      %dma_wait3A_1187 = tpu.memref_squeeze %dma_wait3A_1186 : memref<1x80xi32, #tpu.memory_space<vmem>> -> memref<80xi32, #tpu.memory_space<vmem>>
      %dma_wait3A_1188 = arith.constant 0 : i32
      %dma_wait3A_1189 = arith.constant 0 : i32
      %dma_wait3A_1190 = tpu.memref_slice %arg10[%dma_wait3A_1188, %dma_wait3A_1189] : memref<10000x128xf32, #tpu.memory_space<vmem_shared>> -> memref<10000x128xf32, #tpu.memory_space<vmem_shared>>
      tpu.wait_indirect_dma semaphore(%arg16 : memref<!tpu.dma_semaphore, #tpu.memory_space<semaphore_mem>>) src(%arg9 : memref<80x128xf32, #tpu.memory_space<vmem>>) dst(%dma_wait3A_1190 : memref<10000x128xf32, #tpu.memory_space<vmem_shared>>)
      %mul3A_1191 = arith.constant 8 : i32
      %mul3A_1192 = arith.muli %mul3A_1191, %scan3A_839 : i32
      %add3A_1193 = arith.constant 5 : i32
      %add3A_1194 = arith.addi %mul3A_1192, %add3A_1193 : i32
      %dma_start3A_1195 = arith.constant 0 : i32
      %dma_start3A_1196 = arith.constant 0 : i32
      %dma_start3A_1197 = arith.constant 0 : i32
      %dma_start3A_1198 = tpu.memref_slice %arg9[%dma_start3A_1196, %dma_start3A_1197] : memref<80x128xf32, #tpu.memory_space<vmem>> -> memref<40x128xf32, #tpu.memory_space<vmem>>
      %dma_start3A_1199 = arith.constant 0 : i32
      %dma_start3A_1200 = tpu.memref_slice %arg6[%add3A_1194, %dma_start3A_1199] : memref<128x80xi32, #tpu.memory_space<vmem>> -> memref<1x40xi32, #tpu.memory_space<vmem>>
      %dma_start3A_1201 = tpu.memref_squeeze %dma_start3A_1200 : memref<1x40xi32, #tpu.memory_space<vmem>> -> memref<40xi32, #tpu.memory_space<vmem>>
      %dma_start3A_1202 = arith.constant 0 : i32
      %dma_start3A_1203 = arith.constant 0 : i32
      %dma_start3A_1204 = tpu.memref_slice %arg2[%arg0, %dma_start3A_1195, %dma_start3A_1202, %dma_start3A_1203] : memref<2x2x10000x128xf32, #tpu.memory_space<hbm>> -> memref<1x1x10000x128xf32, #tpu.memory_space<hbm>>
      %dma_start3A_1205 = tpu.memref_squeeze %dma_start3A_1204 : memref<1x1x10000x128xf32, #tpu.memory_space<hbm>> -> memref<10000x128xf32, #tpu.memory_space<hbm>>
      %dma_start3A_1206 = arith.constant 0 : i32
      %dma_start3A_1207 = arith.constant 0 : i32
      %dma_start3A_1208 = tpu.memref_slice %dma_start3A_1205[%dma_start3A_1206, %dma_start3A_1207] : memref<10000x128xf32, #tpu.memory_space<hbm>> -> memref<10000x128xf32, #tpu.memory_space<hbm>>
      tpu.enqueue_indirect_dma source(%dma_start3A_1208 : memref<10000x128xf32, #tpu.memory_space<hbm>>) target(%dma_start3A_1198 : memref<40x128xf32, #tpu.memory_space<vmem>>) offsets(%dma_start3A_1201 : memref<40xi32, #tpu.memory_space<vmem>>) semaphore(%arg13 : memref<!tpu.dma_semaphore, #tpu.memory_space<semaphore_mem>>)
      %mul3A_1209 = arith.constant 8 : i32
      %mul3A_1210 = arith.muli %mul3A_1209, %scan3A_839 : i32
      %add3A_1211 = arith.constant 5 : i32
      %add3A_1212 = arith.addi %mul3A_1210, %add3A_1211 : i32
      %dma_start3A_1213 = arith.constant 0 : i32
      %dma_start3A_1214 = arith.constant 40 : i32
      %dma_start3A_1215 = arith.constant 0 : i32
      %dma_start3A_1216 = tpu.memref_slice %arg9[%dma_start3A_1214, %dma_start3A_1215] : memref<80x128xf32, #tpu.memory_space<vmem>> -> memref<40x128xf32, #tpu.memory_space<vmem>>
      %dma_start3A_1217 = arith.constant 40 : i32
      %dma_start3A_1218 = tpu.memref_slice %arg6[%add3A_1212, %dma_start3A_1217] : memref<128x80xi32, #tpu.memory_space<vmem>> -> memref<1x40xi32, #tpu.memory_space<vmem>>
      %dma_start3A_1219 = tpu.memref_squeeze %dma_start3A_1218 : memref<1x40xi32, #tpu.memory_space<vmem>> -> memref<40xi32, #tpu.memory_space<vmem>>
      %dma_start3A_1220 = arith.constant 0 : i32
      %dma_start3A_1221 = arith.constant 0 : i32
      %dma_start3A_1222 = tpu.memref_slice %arg2[%arg0, %dma_start3A_1213, %dma_start3A_1220, %dma_start3A_1221] : memref<2x2x10000x128xf32, #tpu.memory_space<hbm>> -> memref<1x1x10000x128xf32, #tpu.memory_space<hbm>>
      %dma_start3A_1223 = tpu.memref_squeeze %dma_start3A_1222 : memref<1x1x10000x128xf32, #tpu.memory_space<hbm>> -> memref<10000x128xf32, #tpu.memory_space<hbm>>
      %dma_start3A_1224 = arith.constant 0 : i32
      %dma_start3A_1225 = arith.constant 0 : i32
      %dma_start3A_1226 = tpu.memref_slice %dma_start3A_1223[%dma_start3A_1224, %dma_start3A_1225] : memref<10000x128xf32, #tpu.memory_space<hbm>> -> memref<10000x128xf32, #tpu.memory_space<hbm>>
      tpu.enqueue_indirect_dma source(%dma_start3A_1226 : memref<10000x128xf32, #tpu.memory_space<hbm>>) target(%dma_start3A_1216 : memref<40x128xf32, #tpu.memory_space<vmem>>) offsets(%dma_start3A_1219 : memref<40xi32, #tpu.memory_space<vmem>>) semaphore(%arg14 : memref<!tpu.dma_semaphore, #tpu.memory_space<semaphore_mem>>)
      %dma_wait3A_1227 = arith.constant 0 : i32
      %dma_wait3A_1228 = arith.constant 0 : i32
      %dma_wait3A_1229 = arith.constant 0 : i32
      %dma_wait3A_1230 = tpu.memref_slice %arg8[%dma_wait3A_1228, %dma_wait3A_1229] : memref<80x128xf32, #tpu.memory_space<vmem>> -> memref<40x128xf32, #tpu.memory_space<vmem>>
      %dma_wait3A_1231 = arith.constant 0 : i32
      %dma_wait3A_1232 = tpu.memref_slice %arg6[%add3A_1116, %dma_wait3A_1231] : memref<128x80xi32, #tpu.memory_space<vmem>> -> memref<1x40xi32, #tpu.memory_space<vmem>>
      %dma_wait3A_1233 = tpu.memref_squeeze %dma_wait3A_1232 : memref<1x40xi32, #tpu.memory_space<vmem>> -> memref<40xi32, #tpu.memory_space<vmem>>
      %dma_wait3A_1234 = arith.constant 0 : i32
      %dma_wait3A_1235 = arith.constant 0 : i32
      %dma_wait3A_1236 = tpu.memref_slice %arg2[%arg0, %dma_wait3A_1227, %dma_wait3A_1234, %dma_wait3A_1235] : memref<2x2x10000x128xf32, #tpu.memory_space<hbm>> -> memref<1x1x10000x128xf32, #tpu.memory_space<hbm>>
      %dma_wait3A_1237 = tpu.memref_squeeze %dma_wait3A_1236 : memref<1x1x10000x128xf32, #tpu.memory_space<hbm>> -> memref<10000x128xf32, #tpu.memory_space<hbm>>
      %dma_wait3A_1238 = arith.constant 0 : i32
      %dma_wait3A_1239 = arith.constant 0 : i32
      %dma_wait3A_1240 = tpu.memref_slice %dma_wait3A_1237[%dma_wait3A_1238, %dma_wait3A_1239] : memref<10000x128xf32, #tpu.memory_space<hbm>> -> memref<10000x128xf32, #tpu.memory_space<hbm>>
      tpu.wait_indirect_dma semaphore(%arg11 : memref<!tpu.dma_semaphore, #tpu.memory_space<semaphore_mem>>) src(%dma_wait3A_1240 : memref<10000x128xf32, #tpu.memory_space<hbm>>) dst(%dma_wait3A_1230 : memref<40x128xf32, #tpu.memory_space<vmem>>)
      %dma_wait3A_1241 = arith.constant 0 : i32
      %dma_wait3A_1242 = arith.constant 40 : i32
      %dma_wait3A_1243 = arith.constant 0 : i32
      %dma_wait3A_1244 = tpu.memref_slice %arg8[%dma_wait3A_1242, %dma_wait3A_1243] : memref<80x128xf32, #tpu.memory_space<vmem>> -> memref<40x128xf32, #tpu.memory_space<vmem>>
      %dma_wait3A_1245 = arith.constant 40 : i32
      %dma_wait3A_1246 = tpu.memref_slice %arg6[%add3A_1134, %dma_wait3A_1245] : memref<128x80xi32, #tpu.memory_space<vmem>> -> memref<1x40xi32, #tpu.memory_space<vmem>>
      %dma_wait3A_1247 = tpu.memref_squeeze %dma_wait3A_1246 : memref<1x40xi32, #tpu.memory_space<vmem>> -> memref<40xi32, #tpu.memory_space<vmem>>
      %dma_wait3A_1248 = arith.constant 0 : i32
      %dma_wait3A_1249 = arith.constant 0 : i32
      %dma_wait3A_1250 = tpu.memref_slice %arg2[%arg0, %dma_wait3A_1241, %dma_wait3A_1248, %dma_wait3A_1249] : memref<2x2x10000x128xf32, #tpu.memory_space<hbm>> -> memref<1x1x10000x128xf32, #tpu.memory_space<hbm>>
      %dma_wait3A_1251 = tpu.memref_squeeze %dma_wait3A_1250 : memref<1x1x10000x128xf32, #tpu.memory_space<hbm>> -> memref<10000x128xf32, #tpu.memory_space<hbm>>
      %dma_wait3A_1252 = arith.constant 0 : i32
      %dma_wait3A_1253 = arith.constant 0 : i32
      %dma_wait3A_1254 = tpu.memref_slice %dma_wait3A_1251[%dma_wait3A_1252, %dma_wait3A_1253] : memref<10000x128xf32, #tpu.memory_space<hbm>> -> memref<10000x128xf32, #tpu.memory_space<hbm>>
      tpu.wait_indirect_dma semaphore(%arg12 : memref<!tpu.dma_semaphore, #tpu.memory_space<semaphore_mem>>) src(%dma_wait3A_1254 : memref<10000x128xf32, #tpu.memory_space<hbm>>) dst(%dma_wait3A_1244 : memref<40x128xf32, #tpu.memory_space<vmem>>)
      %dma_start3A_1255 = arith.constant 4 : i32
      %dma_start3A_1256 = arith.constant 0 : i32
      %dma_start3A_1257 = tpu.memref_slice %arg7[%dma_start3A_1255, %dma_start3A_1256] : memref<8x80xi32, #tpu.memory_space<vmem>> -> memref<1x80xi32, #tpu.memory_space<vmem>>
      %dma_start3A_1258 = tpu.memref_squeeze %dma_start3A_1257 : memref<1x80xi32, #tpu.memory_space<vmem>> -> memref<80xi32, #tpu.memory_space<vmem>>
      %dma_start3A_1259 = arith.constant 0 : i32
      %dma_start3A_1260 = arith.constant 0 : i32
      %dma_start3A_1261 = tpu.memref_slice %arg10[%dma_start3A_1259, %dma_start3A_1260] : memref<10000x128xf32, #tpu.memory_space<vmem_shared>> -> memref<10000x128xf32, #tpu.memory_space<vmem_shared>>
      tpu.enqueue_indirect_dma source(%arg8 : memref<80x128xf32, #tpu.memory_space<vmem>>) target(%dma_start3A_1261 : memref<10000x128xf32, #tpu.memory_space<vmem_shared>>) offsets(%dma_start3A_1258 : memref<80xi32, #tpu.memory_space<vmem>>) semaphore(%arg15 : memref<!tpu.dma_semaphore, #tpu.memory_space<semaphore_mem>>) {add = true}
      %dma_wait3A_1262 = arith.constant 4 : i32
      %dma_wait3A_1263 = arith.constant 0 : i32
      %dma_wait3A_1264 = tpu.memref_slice %arg7[%dma_wait3A_1262, %dma_wait3A_1263] : memref<8x80xi32, #tpu.memory_space<vmem>> -> memref<1x80xi32, #tpu.memory_space<vmem>>
      %dma_wait3A_1265 = tpu.memref_squeeze %dma_wait3A_1264 : memref<1x80xi32, #tpu.memory_space<vmem>> -> memref<80xi32, #tpu.memory_space<vmem>>
      %dma_wait3A_1266 = arith.constant 0 : i32
      %dma_wait3A_1267 = arith.constant 0 : i32
      %dma_wait3A_1268 = tpu.memref_slice %arg10[%dma_wait3A_1266, %dma_wait3A_1267] : memref<10000x128xf32, #tpu.memory_space<vmem_shared>> -> memref<10000x128xf32, #tpu.memory_space<vmem_shared>>
      tpu.wait_indirect_dma semaphore(%arg15 : memref<!tpu.dma_semaphore, #tpu.memory_space<semaphore_mem>>) src(%arg8 : memref<80x128xf32, #tpu.memory_space<vmem>>) dst(%dma_wait3A_1268 : memref<10000x128xf32, #tpu.memory_space<vmem_shared>>)
      %mul3A_1269 = arith.constant 8 : i32
      %mul3A_1270 = arith.muli %mul3A_1269, %scan3A_839 : i32
      %add3A_1271 = arith.constant 6 : i32
      %add3A_1272 = arith.addi %mul3A_1270, %add3A_1271 : i32
      %dma_start3A_1273 = arith.constant 0 : i32
      %dma_start3A_1274 = arith.constant 0 : i32
      %dma_start3A_1275 = arith.constant 0 : i32
      %dma_start3A_1276 = tpu.memref_slice %arg8[%dma_start3A_1274, %dma_start3A_1275] : memref<80x128xf32, #tpu.memory_space<vmem>> -> memref<40x128xf32, #tpu.memory_space<vmem>>
      %dma_start3A_1277 = arith.constant 0 : i32
      %dma_start3A_1278 = tpu.memref_slice %arg6[%add3A_1272, %dma_start3A_1277] : memref<128x80xi32, #tpu.memory_space<vmem>> -> memref<1x40xi32, #tpu.memory_space<vmem>>
      %dma_start3A_1279 = tpu.memref_squeeze %dma_start3A_1278 : memref<1x40xi32, #tpu.memory_space<vmem>> -> memref<40xi32, #tpu.memory_space<vmem>>
      %dma_start3A_1280 = arith.constant 0 : i32
      %dma_start3A_1281 = arith.constant 0 : i32
      %dma_start3A_1282 = tpu.memref_slice %arg2[%arg0, %dma_start3A_1273, %dma_start3A_1280, %dma_start3A_1281] : memref<2x2x10000x128xf32, #tpu.memory_space<hbm>> -> memref<1x1x10000x128xf32, #tpu.memory_space<hbm>>
      %dma_start3A_1283 = tpu.memref_squeeze %dma_start3A_1282 : memref<1x1x10000x128xf32, #tpu.memory_space<hbm>> -> memref<10000x128xf32, #tpu.memory_space<hbm>>
      %dma_start3A_1284 = arith.constant 0 : i32
      %dma_start3A_1285 = arith.constant 0 : i32
      %dma_start3A_1286 = tpu.memref_slice %dma_start3A_1283[%dma_start3A_1284, %dma_start3A_1285] : memref<10000x128xf32, #tpu.memory_space<hbm>> -> memref<10000x128xf32, #tpu.memory_space<hbm>>
      tpu.enqueue_indirect_dma source(%dma_start3A_1286 : memref<10000x128xf32, #tpu.memory_space<hbm>>) target(%dma_start3A_1276 : memref<40x128xf32, #tpu.memory_space<vmem>>) offsets(%dma_start3A_1279 : memref<40xi32, #tpu.memory_space<vmem>>) semaphore(%arg11 : memref<!tpu.dma_semaphore, #tpu.memory_space<semaphore_mem>>)
      %mul3A_1287 = arith.constant 8 : i32
      %mul3A_1288 = arith.muli %mul3A_1287, %scan3A_839 : i32
      %add3A_1289 = arith.constant 6 : i32
      %add3A_1290 = arith.addi %mul3A_1288, %add3A_1289 : i32
      %dma_start3A_1291 = arith.constant 0 : i32
      %dma_start3A_1292 = arith.constant 40 : i32
      %dma_start3A_1293 = arith.constant 0 : i32
      %dma_start3A_1294 = tpu.memref_slice %arg8[%dma_start3A_1292, %dma_start3A_1293] : memref<80x128xf32, #tpu.memory_space<vmem>> -> memref<40x128xf32, #tpu.memory_space<vmem>>
      %dma_start3A_1295 = arith.constant 40 : i32
      %dma_start3A_1296 = tpu.memref_slice %arg6[%add3A_1290, %dma_start3A_1295] : memref<128x80xi32, #tpu.memory_space<vmem>> -> memref<1x40xi32, #tpu.memory_space<vmem>>
      %dma_start3A_1297 = tpu.memref_squeeze %dma_start3A_1296 : memref<1x40xi32, #tpu.memory_space<vmem>> -> memref<40xi32, #tpu.memory_space<vmem>>
      %dma_start3A_1298 = arith.constant 0 : i32
      %dma_start3A_1299 = arith.constant 0 : i32
      %dma_start3A_1300 = tpu.memref_slice %arg2[%arg0, %dma_start3A_1291, %dma_start3A_1298, %dma_start3A_1299] : memref<2x2x10000x128xf32, #tpu.memory_space<hbm>> -> memref<1x1x10000x128xf32, #tpu.memory_space<hbm>>
      %dma_start3A_1301 = tpu.memref_squeeze %dma_start3A_1300 : memref<1x1x10000x128xf32, #tpu.memory_space<hbm>> -> memref<10000x128xf32, #tpu.memory_space<hbm>>
      %dma_start3A_1302 = arith.constant 0 : i32
      %dma_start3A_1303 = arith.constant 0 : i32
      %dma_start3A_1304 = tpu.memref_slice %dma_start3A_1301[%dma_start3A_1302, %dma_start3A_1303] : memref<10000x128xf32, #tpu.memory_space<hbm>> -> memref<10000x128xf32, #tpu.memory_space<hbm>>
      tpu.enqueue_indirect_dma source(%dma_start3A_1304 : memref<10000x128xf32, #tpu.memory_space<hbm>>) target(%dma_start3A_1294 : memref<40x128xf32, #tpu.memory_space<vmem>>) offsets(%dma_start3A_1297 : memref<40xi32, #tpu.memory_space<vmem>>) semaphore(%arg12 : memref<!tpu.dma_semaphore, #tpu.memory_space<semaphore_mem>>)
      %dma_wait3A_1305 = arith.constant 0 : i32
      %dma_wait3A_1306 = arith.constant 0 : i32
      %dma_wait3A_1307 = arith.constant 0 : i32
      %dma_wait3A_1308 = tpu.memref_slice %arg9[%dma_wait3A_1306, %dma_wait3A_1307] : memref<80x128xf32, #tpu.memory_space<vmem>> -> memref<40x128xf32, #tpu.memory_space<vmem>>
      %dma_wait3A_1309 = arith.constant 0 : i32
      %dma_wait3A_1310 = tpu.memref_slice %arg6[%add3A_1194, %dma_wait3A_1309] : memref<128x80xi32, #tpu.memory_space<vmem>> -> memref<1x40xi32, #tpu.memory_space<vmem>>
      %dma_wait3A_1311 = tpu.memref_squeeze %dma_wait3A_1310 : memref<1x40xi32, #tpu.memory_space<vmem>> -> memref<40xi32, #tpu.memory_space<vmem>>
      %dma_wait3A_1312 = arith.constant 0 : i32
      %dma_wait3A_1313 = arith.constant 0 : i32
      %dma_wait3A_1314 = tpu.memref_slice %arg2[%arg0, %dma_wait3A_1305, %dma_wait3A_1312, %dma_wait3A_1313] : memref<2x2x10000x128xf32, #tpu.memory_space<hbm>> -> memref<1x1x10000x128xf32, #tpu.memory_space<hbm>>
      %dma_wait3A_1315 = tpu.memref_squeeze %dma_wait3A_1314 : memref<1x1x10000x128xf32, #tpu.memory_space<hbm>> -> memref<10000x128xf32, #tpu.memory_space<hbm>>
      %dma_wait3A_1316 = arith.constant 0 : i32
      %dma_wait3A_1317 = arith.constant 0 : i32
      %dma_wait3A_1318 = tpu.memref_slice %dma_wait3A_1315[%dma_wait3A_1316, %dma_wait3A_1317] : memref<10000x128xf32, #tpu.memory_space<hbm>> -> memref<10000x128xf32, #tpu.memory_space<hbm>>
      tpu.wait_indirect_dma semaphore(%arg13 : memref<!tpu.dma_semaphore, #tpu.memory_space<semaphore_mem>>) src(%dma_wait3A_1318 : memref<10000x128xf32, #tpu.memory_space<hbm>>) dst(%dma_wait3A_1308 : memref<40x128xf32, #tpu.memory_space<vmem>>)
      %dma_wait3A_1319 = arith.constant 0 : i32
      %dma_wait3A_1320 = arith.constant 40 : i32
      %dma_wait3A_1321 = arith.constant 0 : i32
      %dma_wait3A_1322 = tpu.memref_slice %arg9[%dma_wait3A_1320, %dma_wait3A_1321] : memref<80x128xf32, #tpu.memory_space<vmem>> -> memref<40x128xf32, #tpu.memory_space<vmem>>
      %dma_wait3A_1323 = arith.constant 40 : i32
      %dma_wait3A_1324 = tpu.memref_slice %arg6[%add3A_1212, %dma_wait3A_1323] : memref<128x80xi32, #tpu.memory_space<vmem>> -> memref<1x40xi32, #tpu.memory_space<vmem>>
      %dma_wait3A_1325 = tpu.memref_squeeze %dma_wait3A_1324 : memref<1x40xi32, #tpu.memory_space<vmem>> -> memref<40xi32, #tpu.memory_space<vmem>>
      %dma_wait3A_1326 = arith.constant 0 : i32
      %dma_wait3A_1327 = arith.constant 0 : i32
      %dma_wait3A_1328 = tpu.memref_slice %arg2[%arg0, %dma_wait3A_1319, %dma_wait3A_1326, %dma_wait3A_1327] : memref<2x2x10000x128xf32, #tpu.memory_space<hbm>> -> memref<1x1x10000x128xf32, #tpu.memory_space<hbm>>
      %dma_wait3A_1329 = tpu.memref_squeeze %dma_wait3A_1328 : memref<1x1x10000x128xf32, #tpu.memory_space<hbm>> -> memref<10000x128xf32, #tpu.memory_space<hbm>>
      %dma_wait3A_1330 = arith.constant 0 : i32
      %dma_wait3A_1331 = arith.constant 0 : i32
      %dma_wait3A_1332 = tpu.memref_slice %dma_wait3A_1329[%dma_wait3A_1330, %dma_wait3A_1331] : memref<10000x128xf32, #tpu.memory_space<hbm>> -> memref<10000x128xf32, #tpu.memory_space<hbm>>
      tpu.wait_indirect_dma semaphore(%arg14 : memref<!tpu.dma_semaphore, #tpu.memory_space<semaphore_mem>>) src(%dma_wait3A_1332 : memref<10000x128xf32, #tpu.memory_space<hbm>>) dst(%dma_wait3A_1322 : memref<40x128xf32, #tpu.memory_space<vmem>>)
      %dma_start3A_1333 = arith.constant 5 : i32
      %dma_start3A_1334 = arith.constant 0 : i32
      %dma_start3A_1335 = tpu.memref_slice %arg7[%dma_start3A_1333, %dma_start3A_1334] : memref<8x80xi32, #tpu.memory_space<vmem>> -> memref<1x80xi32, #tpu.memory_space<vmem>>
      %dma_start3A_1336 = tpu.memref_squeeze %dma_start3A_1335 : memref<1x80xi32, #tpu.memory_space<vmem>> -> memref<80xi32, #tpu.memory_space<vmem>>
      %dma_start3A_1337 = arith.constant 0 : i32
      %dma_start3A_1338 = arith.constant 0 : i32
      %dma_start3A_1339 = tpu.memref_slice %arg10[%dma_start3A_1337, %dma_start3A_1338] : memref<10000x128xf32, #tpu.memory_space<vmem_shared>> -> memref<10000x128xf32, #tpu.memory_space<vmem_shared>>
      tpu.enqueue_indirect_dma source(%arg9 : memref<80x128xf32, #tpu.memory_space<vmem>>) target(%dma_start3A_1339 : memref<10000x128xf32, #tpu.memory_space<vmem_shared>>) offsets(%dma_start3A_1336 : memref<80xi32, #tpu.memory_space<vmem>>) semaphore(%arg16 : memref<!tpu.dma_semaphore, #tpu.memory_space<semaphore_mem>>) {add = true}
      %dma_wait3A_1340 = arith.constant 5 : i32
      %dma_wait3A_1341 = arith.constant 0 : i32
      %dma_wait3A_1342 = tpu.memref_slice %arg7[%dma_wait3A_1340, %dma_wait3A_1341] : memref<8x80xi32, #tpu.memory_space<vmem>> -> memref<1x80xi32, #tpu.memory_space<vmem>>
      %dma_wait3A_1343 = tpu.memref_squeeze %dma_wait3A_1342 : memref<1x80xi32, #tpu.memory_space<vmem>> -> memref<80xi32, #tpu.memory_space<vmem>>
      %dma_wait3A_1344 = arith.constant 0 : i32
      %dma_wait3A_1345 = arith.constant 0 : i32
      %dma_wait3A_1346 = tpu.memref_slice %arg10[%dma_wait3A_1344, %dma_wait3A_1345] : memref<10000x128xf32, #tpu.memory_space<vmem_shared>> -> memref<10000x128xf32, #tpu.memory_space<vmem_shared>>
      tpu.wait_indirect_dma semaphore(%arg16 : memref<!tpu.dma_semaphore, #tpu.memory_space<semaphore_mem>>) src(%arg9 : memref<80x128xf32, #tpu.memory_space<vmem>>) dst(%dma_wait3A_1346 : memref<10000x128xf32, #tpu.memory_space<vmem_shared>>)
      %mul3A_1347 = arith.constant 8 : i32
      %mul3A_1348 = arith.muli %mul3A_1347, %scan3A_839 : i32
      %add3A_1349 = arith.constant 7 : i32
      %add3A_1350 = arith.addi %mul3A_1348, %add3A_1349 : i32
      %dma_start3A_1351 = arith.constant 0 : i32
      %dma_start3A_1352 = arith.constant 0 : i32
      %dma_start3A_1353 = arith.constant 0 : i32
      %dma_start3A_1354 = tpu.memref_slice %arg9[%dma_start3A_1352, %dma_start3A_1353] : memref<80x128xf32, #tpu.memory_space<vmem>> -> memref<40x128xf32, #tpu.memory_space<vmem>>
      %dma_start3A_1355 = arith.constant 0 : i32
      %dma_start3A_1356 = tpu.memref_slice %arg6[%add3A_1350, %dma_start3A_1355] : memref<128x80xi32, #tpu.memory_space<vmem>> -> memref<1x40xi32, #tpu.memory_space<vmem>>
      %dma_start3A_1357 = tpu.memref_squeeze %dma_start3A_1356 : memref<1x40xi32, #tpu.memory_space<vmem>> -> memref<40xi32, #tpu.memory_space<vmem>>
      %dma_start3A_1358 = arith.constant 0 : i32
      %dma_start3A_1359 = arith.constant 0 : i32
      %dma_start3A_1360 = tpu.memref_slice %arg2[%arg0, %dma_start3A_1351, %dma_start3A_1358, %dma_start3A_1359] : memref<2x2x10000x128xf32, #tpu.memory_space<hbm>> -> memref<1x1x10000x128xf32, #tpu.memory_space<hbm>>
      %dma_start3A_1361 = tpu.memref_squeeze %dma_start3A_1360 : memref<1x1x10000x128xf32, #tpu.memory_space<hbm>> -> memref<10000x128xf32, #tpu.memory_space<hbm>>
      %dma_start3A_1362 = arith.constant 0 : i32
      %dma_start3A_1363 = arith.constant 0 : i32
      %dma_start3A_1364 = tpu.memref_slice %dma_start3A_1361[%dma_start3A_1362, %dma_start3A_1363] : memref<10000x128xf32, #tpu.memory_space<hbm>> -> memref<10000x128xf32, #tpu.memory_space<hbm>>
      tpu.enqueue_indirect_dma source(%dma_start3A_1364 : memref<10000x128xf32, #tpu.memory_space<hbm>>) target(%dma_start3A_1354 : memref<40x128xf32, #tpu.memory_space<vmem>>) offsets(%dma_start3A_1357 : memref<40xi32, #tpu.memory_space<vmem>>) semaphore(%arg13 : memref<!tpu.dma_semaphore, #tpu.memory_space<semaphore_mem>>)
      %mul3A_1365 = arith.constant 8 : i32
      %mul3A_1366 = arith.muli %mul3A_1365, %scan3A_839 : i32
      %add3A_1367 = arith.constant 7 : i32
      %add3A_1368 = arith.addi %mul3A_1366, %add3A_1367 : i32
      %dma_start3A_1369 = arith.constant 0 : i32
      %dma_start3A_1370 = arith.constant 40 : i32
      %dma_start3A_1371 = arith.constant 0 : i32
      %dma_start3A_1372 = tpu.memref_slice %arg9[%dma_start3A_1370, %dma_start3A_1371] : memref<80x128xf32, #tpu.memory_space<vmem>> -> memref<40x128xf32, #tpu.memory_space<vmem>>
      %dma_start3A_1373 = arith.constant 40 : i32
      %dma_start3A_1374 = tpu.memref_slice %arg6[%add3A_1368, %dma_start3A_1373] : memref<128x80xi32, #tpu.memory_space<vmem>> -> memref<1x40xi32, #tpu.memory_space<vmem>>
      %dma_start3A_1375 = tpu.memref_squeeze %dma_start3A_1374 : memref<1x40xi32, #tpu.memory_space<vmem>> -> memref<40xi32, #tpu.memory_space<vmem>>
      %dma_start3A_1376 = arith.constant 0 : i32
      %dma_start3A_1377 = arith.constant 0 : i32
      %dma_start3A_1378 = tpu.memref_slice %arg2[%arg0, %dma_start3A_1369, %dma_start3A_1376, %dma_start3A_1377] : memref<2x2x10000x128xf32, #tpu.memory_space<hbm>> -> memref<1x1x10000x128xf32, #tpu.memory_space<hbm>>
      %dma_start3A_1379 = tpu.memref_squeeze %dma_start3A_1378 : memref<1x1x10000x128xf32, #tpu.memory_space<hbm>> -> memref<10000x128xf32, #tpu.memory_space<hbm>>
      %dma_start3A_1380 = arith.constant 0 : i32
      %dma_start3A_1381 = arith.constant 0 : i32
      %dma_start3A_1382 = tpu.memref_slice %dma_start3A_1379[%dma_start3A_1380, %dma_start3A_1381] : memref<10000x128xf32, #tpu.memory_space<hbm>> -> memref<10000x128xf32, #tpu.memory_space<hbm>>
      tpu.enqueue_indirect_dma source(%dma_start3A_1382 : memref<10000x128xf32, #tpu.memory_space<hbm>>) target(%dma_start3A_1372 : memref<40x128xf32, #tpu.memory_space<vmem>>) offsets(%dma_start3A_1375 : memref<40xi32, #tpu.memory_space<vmem>>) semaphore(%arg14 : memref<!tpu.dma_semaphore, #tpu.memory_space<semaphore_mem>>)
      %dma_wait3A_1383 = arith.constant 0 : i32
      %dma_wait3A_1384 = arith.constant 0 : i32
      %dma_wait3A_1385 = arith.constant 0 : i32
      %dma_wait3A_1386 = tpu.memref_slice %arg8[%dma_wait3A_1384, %dma_wait3A_1385] : memref<80x128xf32, #tpu.memory_space<vmem>> -> memref<40x128xf32, #tpu.memory_space<vmem>>
      %dma_wait3A_1387 = arith.constant 0 : i32
      %dma_wait3A_1388 = tpu.memref_slice %arg6[%add3A_1272, %dma_wait3A_1387] : memref<128x80xi32, #tpu.memory_space<vmem>> -> memref<1x40xi32, #tpu.memory_space<vmem>>
      %dma_wait3A_1389 = tpu.memref_squeeze %dma_wait3A_1388 : memref<1x40xi32, #tpu.memory_space<vmem>> -> memref<40xi32, #tpu.memory_space<vmem>>
      %dma_wait3A_1390 = arith.constant 0 : i32
      %dma_wait3A_1391 = arith.constant 0 : i32
      %dma_wait3A_1392 = tpu.memref_slice %arg2[%arg0, %dma_wait3A_1383, %dma_wait3A_1390, %dma_wait3A_1391] : memref<2x2x10000x128xf32, #tpu.memory_space<hbm>> -> memref<1x1x10000x128xf32, #tpu.memory_space<hbm>>
      %dma_wait3A_1393 = tpu.memref_squeeze %dma_wait3A_1392 : memref<1x1x10000x128xf32, #tpu.memory_space<hbm>> -> memref<10000x128xf32, #tpu.memory_space<hbm>>
      %dma_wait3A_1394 = arith.constant 0 : i32
      %dma_wait3A_1395 = arith.constant 0 : i32
      %dma_wait3A_1396 = tpu.memref_slice %dma_wait3A_1393[%dma_wait3A_1394, %dma_wait3A_1395] : memref<10000x128xf32, #tpu.memory_space<hbm>> -> memref<10000x128xf32, #tpu.memory_space<hbm>>
      tpu.wait_indirect_dma semaphore(%arg11 : memref<!tpu.dma_semaphore, #tpu.memory_space<semaphore_mem>>) src(%dma_wait3A_1396 : memref<10000x128xf32, #tpu.memory_space<hbm>>) dst(%dma_wait3A_1386 : memref<40x128xf32, #tpu.memory_space<vmem>>)
      %dma_wait3A_1397 = arith.constant 0 : i32
      %dma_wait3A_1398 = arith.constant 40 : i32
      %dma_wait3A_1399 = arith.constant 0 : i32
      %dma_wait3A_1400 = tpu.memref_slice %arg8[%dma_wait3A_1398, %dma_wait3A_1399] : memref<80x128xf32, #tpu.memory_space<vmem>> -> memref<40x128xf32, #tpu.memory_space<vmem>>
      %dma_wait3A_1401 = arith.constant 40 : i32
      %dma_wait3A_1402 = tpu.memref_slice %arg6[%add3A_1290, %dma_wait3A_1401] : memref<128x80xi32, #tpu.memory_space<vmem>> -> memref<1x40xi32, #tpu.memory_space<vmem>>
      %dma_wait3A_1403 = tpu.memref_squeeze %dma_wait3A_1402 : memref<1x40xi32, #tpu.memory_space<vmem>> -> memref<40xi32, #tpu.memory_space<vmem>>
      %dma_wait3A_1404 = arith.constant 0 : i32
      %dma_wait3A_1405 = arith.constant 0 : i32
      %dma_wait3A_1406 = tpu.memref_slice %arg2[%arg0, %dma_wait3A_1397, %dma_wait3A_1404, %dma_wait3A_1405] : memref<2x2x10000x128xf32, #tpu.memory_space<hbm>> -> memref<1x1x10000x128xf32, #tpu.memory_space<hbm>>
      %dma_wait3A_1407 = tpu.memref_squeeze %dma_wait3A_1406 : memref<1x1x10000x128xf32, #tpu.memory_space<hbm>> -> memref<10000x128xf32, #tpu.memory_space<hbm>>
      %dma_wait3A_1408 = arith.constant 0 : i32
      %dma_wait3A_1409 = arith.constant 0 : i32
      %dma_wait3A_1410 = tpu.memref_slice %dma_wait3A_1407[%dma_wait3A_1408, %dma_wait3A_1409] : memref<10000x128xf32, #tpu.memory_space<hbm>> -> memref<10000x128xf32, #tpu.memory_space<hbm>>
      tpu.wait_indirect_dma semaphore(%arg12 : memref<!tpu.dma_semaphore, #tpu.memory_space<semaphore_mem>>) src(%dma_wait3A_1410 : memref<10000x128xf32, #tpu.memory_space<hbm>>) dst(%dma_wait3A_1400 : memref<40x128xf32, #tpu.memory_space<vmem>>)
      %dma_start3A_1411 = arith.constant 6 : i32
      %dma_start3A_1412 = arith.constant 0 : i32
      %dma_start3A_1413 = tpu.memref_slice %arg7[%dma_start3A_1411, %dma_start3A_1412] : memref<8x80xi32, #tpu.memory_space<vmem>> -> memref<1x80xi32, #tpu.memory_space<vmem>>
      %dma_start3A_1414 = tpu.memref_squeeze %dma_start3A_1413 : memref<1x80xi32, #tpu.memory_space<vmem>> -> memref<80xi32, #tpu.memory_space<vmem>>
      %dma_start3A_1415 = arith.constant 0 : i32
      %dma_start3A_1416 = arith.constant 0 : i32
      %dma_start3A_1417 = tpu.memref_slice %arg10[%dma_start3A_1415, %dma_start3A_1416] : memref<10000x128xf32, #tpu.memory_space<vmem_shared>> -> memref<10000x128xf32, #tpu.memory_space<vmem_shared>>
      tpu.enqueue_indirect_dma source(%arg8 : memref<80x128xf32, #tpu.memory_space<vmem>>) target(%dma_start3A_1417 : memref<10000x128xf32, #tpu.memory_space<vmem_shared>>) offsets(%dma_start3A_1414 : memref<80xi32, #tpu.memory_space<vmem>>) semaphore(%arg15 : memref<!tpu.dma_semaphore, #tpu.memory_space<semaphore_mem>>) {add = true}
      %dma_wait3A_1418 = arith.constant 6 : i32
      %dma_wait3A_1419 = arith.constant 0 : i32
      %dma_wait3A_1420 = tpu.memref_slice %arg7[%dma_wait3A_1418, %dma_wait3A_1419] : memref<8x80xi32, #tpu.memory_space<vmem>> -> memref<1x80xi32, #tpu.memory_space<vmem>>
      %dma_wait3A_1421 = tpu.memref_squeeze %dma_wait3A_1420 : memref<1x80xi32, #tpu.memory_space<vmem>> -> memref<80xi32, #tpu.memory_space<vmem>>
      %dma_wait3A_1422 = arith.constant 0 : i32
      %dma_wait3A_1423 = arith.constant 0 : i32
      %dma_wait3A_1424 = tpu.memref_slice %arg10[%dma_wait3A_1422, %dma_wait3A_1423] : memref<10000x128xf32, #tpu.memory_space<vmem_shared>> -> memref<10000x128xf32, #tpu.memory_space<vmem_shared>>
      tpu.wait_indirect_dma semaphore(%arg15 : memref<!tpu.dma_semaphore, #tpu.memory_space<semaphore_mem>>) src(%arg8 : memref<80x128xf32, #tpu.memory_space<vmem>>) dst(%dma_wait3A_1424 : memref<10000x128xf32, #tpu.memory_space<vmem_shared>>)
      %dma_wait3A_1425 = arith.constant 0 : i32
      %dma_wait3A_1426 = arith.constant 0 : i32
      %dma_wait3A_1427 = arith.constant 0 : i32
      %dma_wait3A_1428 = tpu.memref_slice %arg9[%dma_wait3A_1426, %dma_wait3A_1427] : memref<80x128xf32, #tpu.memory_space<vmem>> -> memref<40x128xf32, #tpu.memory_space<vmem>>
      %dma_wait3A_1429 = arith.constant 0 : i32
      %dma_wait3A_1430 = tpu.memref_slice %arg6[%add3A_1350, %dma_wait3A_1429] : memref<128x80xi32, #tpu.memory_space<vmem>> -> memref<1x40xi32, #tpu.memory_space<vmem>>
      %dma_wait3A_1431 = tpu.memref_squeeze %dma_wait3A_1430 : memref<1x40xi32, #tpu.memory_space<vmem>> -> memref<40xi32, #tpu.memory_space<vmem>>
      %dma_wait3A_1432 = arith.constant 0 : i32
      %dma_wait3A_1433 = arith.constant 0 : i32
      %dma_wait3A_1434 = tpu.memref_slice %arg2[%arg0, %dma_wait3A_1425, %dma_wait3A_1432, %dma_wait3A_1433] : memref<2x2x10000x128xf32, #tpu.memory_space<hbm>> -> memref<1x1x10000x128xf32, #tpu.memory_space<hbm>>
      %dma_wait3A_1435 = tpu.memref_squeeze %dma_wait3A_1434 : memref<1x1x10000x128xf32, #tpu.memory_space<hbm>> -> memref<10000x128xf32, #tpu.memory_space<hbm>>
      %dma_wait3A_1436 = arith.constant 0 : i32
      %dma_wait3A_1437 = arith.constant 0 : i32
      %dma_wait3A_1438 = tpu.memref_slice %dma_wait3A_1435[%dma_wait3A_1436, %dma_wait3A_1437] : memref<10000x128xf32, #tpu.memory_space<hbm>> -> memref<10000x128xf32, #tpu.memory_space<hbm>>
      tpu.wait_indirect_dma semaphore(%arg13 : memref<!tpu.dma_semaphore, #tpu.memory_space<semaphore_mem>>) src(%dma_wait3A_1438 : memref<10000x128xf32, #tpu.memory_space<hbm>>) dst(%dma_wait3A_1428 : memref<40x128xf32, #tpu.memory_space<vmem>>)
      %dma_wait3A_1439 = arith.constant 0 : i32
      %dma_wait3A_1440 = arith.constant 40 : i32
      %dma_wait3A_1441 = arith.constant 0 : i32
      %dma_wait3A_1442 = tpu.memref_slice %arg9[%dma_wait3A_1440, %dma_wait3A_1441] : memref<80x128xf32, #tpu.memory_space<vmem>> -> memref<40x128xf32, #tpu.memory_space<vmem>>
      %dma_wait3A_1443 = arith.constant 40 : i32
      %dma_wait3A_1444 = tpu.memref_slice %arg6[%add3A_1368, %dma_wait3A_1443] : memref<128x80xi32, #tpu.memory_space<vmem>> -> memref<1x40xi32, #tpu.memory_space<vmem>>
      %dma_wait3A_1445 = tpu.memref_squeeze %dma_wait3A_1444 : memref<1x40xi32, #tpu.memory_space<vmem>> -> memref<40xi32, #tpu.memory_space<vmem>>
      %dma_wait3A_1446 = arith.constant 0 : i32
      %dma_wait3A_1447 = arith.constant 0 : i32
      %dma_wait3A_1448 = tpu.memref_slice %arg2[%arg0, %dma_wait3A_1439, %dma_wait3A_1446, %dma_wait3A_1447] : memref<2x2x10000x128xf32, #tpu.memory_space<hbm>> -> memref<1x1x10000x128xf32, #tpu.memory_space<hbm>>
      %dma_wait3A_1449 = tpu.memref_squeeze %dma_wait3A_1448 : memref<1x1x10000x128xf32, #tpu.memory_space<hbm>> -> memref<10000x128xf32, #tpu.memory_space<hbm>>
      %dma_wait3A_1450 = arith.constant 0 : i32
      %dma_wait3A_1451 = arith.constant 0 : i32
      %dma_wait3A_1452 = tpu.memref_slice %dma_wait3A_1449[%dma_wait3A_1450, %dma_wait3A_1451] : memref<10000x128xf32, #tpu.memory_space<hbm>> -> memref<10000x128xf32, #tpu.memory_space<hbm>>
      tpu.wait_indirect_dma semaphore(%arg14 : memref<!tpu.dma_semaphore, #tpu.memory_space<semaphore_mem>>) src(%dma_wait3A_1452 : memref<10000x128xf32, #tpu.memory_space<hbm>>) dst(%dma_wait3A_1442 : memref<40x128xf32, #tpu.memory_space<vmem>>)
      %dma_start3A_1453 = arith.constant 7 : i32
      %dma_start3A_1454 = arith.constant 0 : i32
      %dma_start3A_1455 = tpu.memref_slice %arg7[%dma_start3A_1453, %dma_start3A_1454] : memref<8x80xi32, #tpu.memory_space<vmem>> -> memref<1x80xi32, #tpu.memory_space<vmem>>
      %dma_start3A_1456 = tpu.memref_squeeze %dma_start3A_1455 : memref<1x80xi32, #tpu.memory_space<vmem>> -> memref<80xi32, #tpu.memory_space<vmem>>
      %dma_start3A_1457 = arith.constant 0 : i32
      %dma_start3A_1458 = arith.constant 0 : i32
      %dma_start3A_1459 = tpu.memref_slice %arg10[%dma_start3A_1457, %dma_start3A_1458] : memref<10000x128xf32, #tpu.memory_space<vmem_shared>> -> memref<10000x128xf32, #tpu.memory_space<vmem_shared>>
      tpu.enqueue_indirect_dma source(%arg9 : memref<80x128xf32, #tpu.memory_space<vmem>>) target(%dma_start3A_1459 : memref<10000x128xf32, #tpu.memory_space<vmem_shared>>) offsets(%dma_start3A_1456 : memref<80xi32, #tpu.memory_space<vmem>>) semaphore(%arg16 : memref<!tpu.dma_semaphore, #tpu.memory_space<semaphore_mem>>) {add = true}
      %dma_wait3A_1460 = arith.constant 7 : i32
      %dma_wait3A_1461 = arith.constant 0 : i32
      %dma_wait3A_1462 = tpu.memref_slice %arg7[%dma_wait3A_1460, %dma_wait3A_1461] : memref<8x80xi32, #tpu.memory_space<vmem>> -> memref<1x80xi32, #tpu.memory_space<vmem>>
      %dma_wait3A_1463 = tpu.memref_squeeze %dma_wait3A_1462 : memref<1x80xi32, #tpu.memory_space<vmem>> -> memref<80xi32, #tpu.memory_space<vmem>>
      %dma_wait3A_1464 = arith.constant 0 : i32
      %dma_wait3A_1465 = arith.constant 0 : i32
      %dma_wait3A_1466 = tpu.memref_slice %arg10[%dma_wait3A_1464, %dma_wait3A_1465] : memref<10000x128xf32, #tpu.memory_space<vmem_shared>> -> memref<10000x128xf32, #tpu.memory_space<vmem_shared>>
      tpu.wait_indirect_dma semaphore(%arg16 : memref<!tpu.dma_semaphore, #tpu.memory_space<semaphore_mem>>) src(%arg9 : memref<80x128xf32, #tpu.memory_space<vmem>>) dst(%dma_wait3A_1466 : memref<10000x128xf32, #tpu.memory_space<vmem_shared>>)
    }
    %scan3A_26 = arith.constant 15 : i32
    %sub3A = arith.constant 1 : i32
    %sub3A_27 = arith.subi %sub3A, %arg0 : i32
    "tpu.region"() ({
      %run_scoped3A = tpu.sem_alloc : memref<!tpu.dma_semaphore, #tpu.memory_space<semaphore_mem>>
      %dma_start3A_839 = arith.constant 120 : i32
      %dma_start3A_840 = arith.constant 0 : i32
      %dma_start3A_841 = tpu.memref_slice %arg3[%sub3A_27, %arg1, %dma_start3A_839, %dma_start3A_840] : memref<2x16x128x80xi32, #tpu.memory_space<hbm>> -> memref<1x1x8x80xi32, #tpu.memory_space<hbm>>
      %dma_start3A_842 = tpu.memref_squeeze %dma_start3A_841 : memref<1x1x8x80xi32, #tpu.memory_space<hbm>> -> memref<8x80xi32, #tpu.memory_space<hbm>>
      %dma_start3A_843 = arith.constant 120 : i32
      %dma_start3A_844 = arith.constant 0 : i32
      %dma_start3A_845 = tpu.memref_slice %arg3[%sub3A_27, %arg1, %dma_start3A_843, %dma_start3A_844] : memref<2x16x128x80xi32, #tpu.memory_space<hbm>> -> memref<1x1x8x80xi32, #tpu.memory_space<hbm>>
      %dma_start3A_846 = tpu.memref_squeeze %dma_start3A_845 : memref<1x1x8x80xi32, #tpu.memory_space<hbm>> -> memref<8x80xi32, #tpu.memory_space<hbm>>
      tpu.enqueue_dma source(%dma_start3A_846 : memref<8x80xi32, #tpu.memory_space<hbm>>) target(%arg7 : memref<8x80xi32, #tpu.memory_space<vmem>>) target_semaphore(%run_scoped3A : memref<!tpu.dma_semaphore, #tpu.memory_space<semaphore_mem>>)
      %dma_wait3A_847 = arith.constant 120 : i32
      %dma_wait3A_848 = arith.constant 0 : i32
      %dma_wait3A_849 = tpu.memref_slice %arg3[%sub3A_27, %arg1, %dma_wait3A_847, %dma_wait3A_848] : memref<2x16x128x80xi32, #tpu.memory_space<hbm>> -> memref<1x1x8x80xi32, #tpu.memory_space<hbm>>
      %dma_wait3A_850 = tpu.memref_squeeze %dma_wait3A_849 : memref<1x1x8x80xi32, #tpu.memory_space<hbm>> -> memref<8x80xi32, #tpu.memory_space<hbm>>
      %dma_wait3A_851 = arith.constant 120 : i32
      %dma_wait3A_852 = arith.constant 0 : i32
      %dma_wait3A_853 = tpu.memref_slice %arg3[%sub3A_27, %arg1, %dma_wait3A_851, %dma_wait3A_852] : memref<2x16x128x80xi32, #tpu.memory_space<hbm>> -> memref<1x1x8x80xi32, #tpu.memory_space<hbm>>
      %dma_wait3A_854 = tpu.memref_squeeze %dma_wait3A_853 : memref<1x1x8x80xi32, #tpu.memory_space<hbm>> -> memref<8x80xi32, #tpu.memory_space<hbm>>
      tpu.wait_dma2 semaphore(%run_scoped3A : memref<!tpu.dma_semaphore, #tpu.memory_space<semaphore_mem>>) src(%dma_wait3A_854 : memref<8x80xi32, #tpu.memory_space<hbm>>) dst(%arg7 : memref<8x80xi32, #tpu.memory_space<vmem>>)
      tpu.yield
    }) : () -> ()
    %dma_start3A = arith.constant 0 : i32
    %dma_start3A_28 = arith.constant 120 : i32
    %dma_start3A_29 = arith.constant 0 : i32
    %dma_start3A_30 = arith.constant 0 : i32
    %dma_start3A_31 = tpu.memref_slice %arg8[%dma_start3A_29, %dma_start3A_30] : memref<80x128xf32, #tpu.memory_space<vmem>> -> memref<40x128xf32, #tpu.memory_space<vmem>>
    %dma_start3A_32 = arith.constant 0 : i32
    %dma_start3A_33 = tpu.memref_slice %arg6[%dma_start3A_28, %dma_start3A_32] : memref<128x80xi32, #tpu.memory_space<vmem>> -> memref<1x40xi32, #tpu.memory_space<vmem>>
    %dma_start3A_34 = tpu.memref_squeeze %dma_start3A_33 : memref<1x40xi32, #tpu.memory_space<vmem>> -> memref<40xi32, #tpu.memory_space<vmem>>
    %dma_start3A_35 = arith.constant 0 : i32
    %dma_start3A_36 = arith.constant 0 : i32
    %dma_start3A_37 = tpu.memref_slice %arg2[%arg0, %dma_start3A, %dma_start3A_35, %dma_start3A_36] : memref<2x2x10000x128xf32, #tpu.memory_space<hbm>> -> memref<1x1x10000x128xf32, #tpu.memory_space<hbm>>
    %dma_start3A_38 = tpu.memref_squeeze %dma_start3A_37 : memref<1x1x10000x128xf32, #tpu.memory_space<hbm>> -> memref<10000x128xf32, #tpu.memory_space<hbm>>
    %dma_start3A_39 = arith.constant 0 : i32
    %dma_start3A_40 = arith.constant 0 : i32
    %dma_start3A_41 = tpu.memref_slice %dma_start3A_38[%dma_start3A_39, %dma_start3A_40] : memref<10000x128xf32, #tpu.memory_space<hbm>> -> memref<10000x128xf32, #tpu.memory_space<hbm>>
    tpu.enqueue_indirect_dma source(%dma_start3A_41 : memref<10000x128xf32, #tpu.memory_space<hbm>>) target(%dma_start3A_31 : memref<40x128xf32, #tpu.memory_space<vmem>>) offsets(%dma_start3A_34 : memref<40xi32, #tpu.memory_space<vmem>>) semaphore(%arg11 : memref<!tpu.dma_semaphore, #tpu.memory_space<semaphore_mem>>)
    %dma_start3A_42 = arith.constant 0 : i32
    %dma_start3A_43 = arith.constant 120 : i32
    %dma_start3A_44 = arith.constant 40 : i32
    %dma_start3A_45 = arith.constant 0 : i32
    %dma_start3A_46 = tpu.memref_slice %arg8[%dma_start3A_44, %dma_start3A_45] : memref<80x128xf32, #tpu.memory_space<vmem>> -> memref<40x128xf32, #tpu.memory_space<vmem>>
    %dma_start3A_47 = arith.constant 40 : i32
    %dma_start3A_48 = tpu.memref_slice %arg6[%dma_start3A_43, %dma_start3A_47] : memref<128x80xi32, #tpu.memory_space<vmem>> -> memref<1x40xi32, #tpu.memory_space<vmem>>
    %dma_start3A_49 = tpu.memref_squeeze %dma_start3A_48 : memref<1x40xi32, #tpu.memory_space<vmem>> -> memref<40xi32, #tpu.memory_space<vmem>>
    %dma_start3A_50 = arith.constant 0 : i32
    %dma_start3A_51 = arith.constant 0 : i32
    %dma_start3A_52 = tpu.memref_slice %arg2[%arg0, %dma_start3A_42, %dma_start3A_50, %dma_start3A_51] : memref<2x2x10000x128xf32, #tpu.memory_space<hbm>> -> memref<1x1x10000x128xf32, #tpu.memory_space<hbm>>
    %dma_start3A_53 = tpu.memref_squeeze %dma_start3A_52 : memref<1x1x10000x128xf32, #tpu.memory_space<hbm>> -> memref<10000x128xf32, #tpu.memory_space<hbm>>
    %dma_start3A_54 = arith.constant 0 : i32
    %dma_start3A_55 = arith.constant 0 : i32
    %dma_start3A_56 = tpu.memref_slice %dma_start3A_53[%dma_start3A_54, %dma_start3A_55] : memref<10000x128xf32, #tpu.memory_space<hbm>> -> memref<10000x128xf32, #tpu.memory_space<hbm>>
    tpu.enqueue_indirect_dma source(%dma_start3A_56 : memref<10000x128xf32, #tpu.memory_space<hbm>>) target(%dma_start3A_46 : memref<40x128xf32, #tpu.memory_space<vmem>>) offsets(%dma_start3A_49 : memref<40xi32, #tpu.memory_space<vmem>>) semaphore(%arg12 : memref<!tpu.dma_semaphore, #tpu.memory_space<semaphore_mem>>)
    %dma_start3A_57 = arith.constant 0 : i32
    %dma_start3A_58 = arith.constant 121 : i32
    %dma_start3A_59 = arith.constant 0 : i32
    %dma_start3A_60 = arith.constant 0 : i32
    %dma_start3A_61 = tpu.memref_slice %arg9[%dma_start3A_59, %dma_start3A_60] : memref<80x128xf32, #tpu.memory_space<vmem>> -> memref<40x128xf32, #tpu.memory_space<vmem>>
    %dma_start3A_62 = arith.constant 0 : i32
    %dma_start3A_63 = tpu.memref_slice %arg6[%dma_start3A_58, %dma_start3A_62] : memref<128x80xi32, #tpu.memory_space<vmem>> -> memref<1x40xi32, #tpu.memory_space<vmem>>
    %dma_start3A_64 = tpu.memref_squeeze %dma_start3A_63 : memref<1x40xi32, #tpu.memory_space<vmem>> -> memref<40xi32, #tpu.memory_space<vmem>>
    %dma_start3A_65 = arith.constant 0 : i32
    %dma_start3A_66 = arith.constant 0 : i32
    %dma_start3A_67 = tpu.memref_slice %arg2[%arg0, %dma_start3A_57, %dma_start3A_65, %dma_start3A_66] : memref<2x2x10000x128xf32, #tpu.memory_space<hbm>> -> memref<1x1x10000x128xf32, #tpu.memory_space<hbm>>
    %dma_start3A_68 = tpu.memref_squeeze %dma_start3A_67 : memref<1x1x10000x128xf32, #tpu.memory_space<hbm>> -> memref<10000x128xf32, #tpu.memory_space<hbm>>
    %dma_start3A_69 = arith.constant 0 : i32
    %dma_start3A_70 = arith.constant 0 : i32
    %dma_start3A_71 = tpu.memref_slice %dma_start3A_68[%dma_start3A_69, %dma_start3A_70] : memref<10000x128xf32, #tpu.memory_space<hbm>> -> memref<10000x128xf32, #tpu.memory_space<hbm>>
    tpu.enqueue_indirect_dma source(%dma_start3A_71 : memref<10000x128xf32, #tpu.memory_space<hbm>>) target(%dma_start3A_61 : memref<40x128xf32, #tpu.memory_space<vmem>>) offsets(%dma_start3A_64 : memref<40xi32, #tpu.memory_space<vmem>>) semaphore(%arg13 : memref<!tpu.dma_semaphore, #tpu.memory_space<semaphore_mem>>)
    %dma_start3A_72 = arith.constant 0 : i32
    %dma_start3A_73 = arith.constant 121 : i32
    %dma_start3A_74 = arith.constant 40 : i32
    %dma_start3A_75 = arith.constant 0 : i32
    %dma_start3A_76 = tpu.memref_slice %arg9[%dma_start3A_74, %dma_start3A_75] : memref<80x128xf32, #tpu.memory_space<vmem>> -> memref<40x128xf32, #tpu.memory_space<vmem>>
    %dma_start3A_77 = arith.constant 40 : i32
    %dma_start3A_78 = tpu.memref_slice %arg6[%dma_start3A_73, %dma_start3A_77] : memref<128x80xi32, #tpu.memory_space<vmem>> -> memref<1x40xi32, #tpu.memory_space<vmem>>
    %dma_start3A_79 = tpu.memref_squeeze %dma_start3A_78 : memref<1x40xi32, #tpu.memory_space<vmem>> -> memref<40xi32, #tpu.memory_space<vmem>>
    %dma_start3A_80 = arith.constant 0 : i32
    %dma_start3A_81 = arith.constant 0 : i32
    %dma_start3A_82 = tpu.memref_slice %arg2[%arg0, %dma_start3A_72, %dma_start3A_80, %dma_start3A_81] : memref<2x2x10000x128xf32, #tpu.memory_space<hbm>> -> memref<1x1x10000x128xf32, #tpu.memory_space<hbm>>
    %dma_start3A_83 = tpu.memref_squeeze %dma_start3A_82 : memref<1x1x10000x128xf32, #tpu.memory_space<hbm>> -> memref<10000x128xf32, #tpu.memory_space<hbm>>
    %dma_start3A_84 = arith.constant 0 : i32
    %dma_start3A_85 = arith.constant 0 : i32
    %dma_start3A_86 = tpu.memref_slice %dma_start3A_83[%dma_start3A_84, %dma_start3A_85] : memref<10000x128xf32, #tpu.memory_space<hbm>> -> memref<10000x128xf32, #tpu.memory_space<hbm>>
    tpu.enqueue_indirect_dma source(%dma_start3A_86 : memref<10000x128xf32, #tpu.memory_space<hbm>>) target(%dma_start3A_76 : memref<40x128xf32, #tpu.memory_space<vmem>>) offsets(%dma_start3A_79 : memref<40xi32, #tpu.memory_space<vmem>>) semaphore(%arg14 : memref<!tpu.dma_semaphore, #tpu.memory_space<semaphore_mem>>)
    %dma_wait3A = arith.constant 0 : i32
    %dma_wait3A_87 = arith.constant 120 : i32
    %dma_wait3A_88 = arith.constant 0 : i32
    %dma_wait3A_89 = arith.constant 0 : i32
    %dma_wait3A_90 = tpu.memref_slice %arg8[%dma_wait3A_88, %dma_wait3A_89] : memref<80x128xf32, #tpu.memory_space<vmem>> -> memref<40x128xf32, #tpu.memory_space<vmem>>
    %dma_wait3A_91 = arith.constant 0 : i32
    %dma_wait3A_92 = tpu.memref_slice %arg6[%dma_wait3A_87, %dma_wait3A_91] : memref<128x80xi32, #tpu.memory_space<vmem>> -> memref<1x40xi32, #tpu.memory_space<vmem>>
    %dma_wait3A_93 = tpu.memref_squeeze %dma_wait3A_92 : memref<1x40xi32, #tpu.memory_space<vmem>> -> memref<40xi32, #tpu.memory_space<vmem>>
    %dma_wait3A_94 = arith.constant 0 : i32
    %dma_wait3A_95 = arith.constant 0 : i32
    %dma_wait3A_96 = tpu.memref_slice %arg2[%arg0, %dma_wait3A, %dma_wait3A_94, %dma_wait3A_95] : memref<2x2x10000x128xf32, #tpu.memory_space<hbm>> -> memref<1x1x10000x128xf32, #tpu.memory_space<hbm>>
    %dma_wait3A_97 = tpu.memref_squeeze %dma_wait3A_96 : memref<1x1x10000x128xf32, #tpu.memory_space<hbm>> -> memref<10000x128xf32, #tpu.memory_space<hbm>>
    %dma_wait3A_98 = arith.constant 0 : i32
    %dma_wait3A_99 = arith.constant 0 : i32
    %dma_wait3A_100 = tpu.memref_slice %dma_wait3A_97[%dma_wait3A_98, %dma_wait3A_99] : memref<10000x128xf32, #tpu.memory_space<hbm>> -> memref<10000x128xf32, #tpu.memory_space<hbm>>
    tpu.wait_indirect_dma semaphore(%arg11 : memref<!tpu.dma_semaphore, #tpu.memory_space<semaphore_mem>>) src(%dma_wait3A_100 : memref<10000x128xf32, #tpu.memory_space<hbm>>) dst(%dma_wait3A_90 : memref<40x128xf32, #tpu.memory_space<vmem>>)
    %dma_wait3A_101 = arith.constant 0 : i32
    %dma_wait3A_102 = arith.constant 120 : i32
    %dma_wait3A_103 = arith.constant 40 : i32
    %dma_wait3A_104 = arith.constant 0 : i32
    %dma_wait3A_105 = tpu.memref_slice %arg8[%dma_wait3A_103, %dma_wait3A_104] : memref<80x128xf32, #tpu.memory_space<vmem>> -> memref<40x128xf32, #tpu.memory_space<vmem>>
    %dma_wait3A_106 = arith.constant 40 : i32
    %dma_wait3A_107 = tpu.memref_slice %arg6[%dma_wait3A_102, %dma_wait3A_106] : memref<128x80xi32, #tpu.memory_space<vmem>> -> memref<1x40xi32, #tpu.memory_space<vmem>>
    %dma_wait3A_108 = tpu.memref_squeeze %dma_wait3A_107 : memref<1x40xi32, #tpu.memory_space<vmem>> -> memref<40xi32, #tpu.memory_space<vmem>>
    %dma_wait3A_109 = arith.constant 0 : i32
    %dma_wait3A_110 = arith.constant 0 : i32
    %dma_wait3A_111 = tpu.memref_slice %arg2[%arg0, %dma_wait3A_101, %dma_wait3A_109, %dma_wait3A_110] : memref<2x2x10000x128xf32, #tpu.memory_space<hbm>> -> memref<1x1x10000x128xf32, #tpu.memory_space<hbm>>
    %dma_wait3A_112 = tpu.memref_squeeze %dma_wait3A_111 : memref<1x1x10000x128xf32, #tpu.memory_space<hbm>> -> memref<10000x128xf32, #tpu.memory_space<hbm>>
    %dma_wait3A_113 = arith.constant 0 : i32
    %dma_wait3A_114 = arith.constant 0 : i32
    %dma_wait3A_115 = tpu.memref_slice %dma_wait3A_112[%dma_wait3A_113, %dma_wait3A_114] : memref<10000x128xf32, #tpu.memory_space<hbm>> -> memref<10000x128xf32, #tpu.memory_space<hbm>>
    tpu.wait_indirect_dma semaphore(%arg12 : memref<!tpu.dma_semaphore, #tpu.memory_space<semaphore_mem>>) src(%dma_wait3A_115 : memref<10000x128xf32, #tpu.memory_space<hbm>>) dst(%dma_wait3A_105 : memref<40x128xf32, #tpu.memory_space<vmem>>)
    %dma_start3A_116 = arith.constant 0 : i32
    %dma_start3A_117 = arith.constant 0 : i32
    %dma_start3A_118 = tpu.memref_slice %arg7[%dma_start3A_116, %dma_start3A_117] : memref<8x80xi32, #tpu.memory_space<vmem>> -> memref<1x80xi32, #tpu.memory_space<vmem>>
    %dma_start3A_119 = tpu.memref_squeeze %dma_start3A_118 : memref<1x80xi32, #tpu.memory_space<vmem>> -> memref<80xi32, #tpu.memory_space<vmem>>
    %dma_start3A_120 = arith.constant 0 : i32
    %dma_start3A_121 = arith.constant 0 : i32
    %dma_start3A_122 = tpu.memref_slice %arg10[%dma_start3A_120, %dma_start3A_121] : memref<10000x128xf32, #tpu.memory_space<vmem_shared>> -> memref<10000x128xf32, #tpu.memory_space<vmem_shared>>
    tpu.enqueue_indirect_dma source(%arg8 : memref<80x128xf32, #tpu.memory_space<vmem>>) target(%dma_start3A_122 : memref<10000x128xf32, #tpu.memory_space<vmem_shared>>) offsets(%dma_start3A_119 : memref<80xi32, #tpu.memory_space<vmem>>) semaphore(%arg15 : memref<!tpu.dma_semaphore, #tpu.memory_space<semaphore_mem>>) {add = true}
    %dma_wait3A_123 = arith.constant 0 : i32
    %dma_wait3A_124 = arith.constant 0 : i32
    %dma_wait3A_125 = tpu.memref_slice %arg7[%dma_wait3A_123, %dma_wait3A_124] : memref<8x80xi32, #tpu.memory_space<vmem>> -> memref<1x80xi32, #tpu.memory_space<vmem>>
    %dma_wait3A_126 = tpu.memref_squeeze %dma_wait3A_125 : memref<1x80xi32, #tpu.memory_space<vmem>> -> memref<80xi32, #tpu.memory_space<vmem>>
    %dma_wait3A_127 = arith.constant 0 : i32
    %dma_wait3A_128 = arith.constant 0 : i32
    %dma_wait3A_129 = tpu.memref_slice %arg10[%dma_wait3A_127, %dma_wait3A_128] : memref<10000x128xf32, #tpu.memory_space<vmem_shared>> -> memref<10000x128xf32, #tpu.memory_space<vmem_shared>>
    tpu.wait_indirect_dma semaphore(%arg15 : memref<!tpu.dma_semaphore, #tpu.memory_space<semaphore_mem>>) src(%arg8 : memref<80x128xf32, #tpu.memory_space<vmem>>) dst(%dma_wait3A_129 : memref<10000x128xf32, #tpu.memory_space<vmem_shared>>)
    %dma_start3A_130 = arith.constant 0 : i32
    %dma_start3A_131 = arith.constant 122 : i32
    %dma_start3A_132 = arith.constant 0 : i32
    %dma_start3A_133 = arith.constant 0 : i32
    %dma_start3A_134 = tpu.memref_slice %arg8[%dma_start3A_132, %dma_start3A_133] : memref<80x128xf32, #tpu.memory_space<vmem>> -> memref<40x128xf32, #tpu.memory_space<vmem>>
    %dma_start3A_135 = arith.constant 0 : i32
    %dma_start3A_136 = tpu.memref_slice %arg6[%dma_start3A_131, %dma_start3A_135] : memref<128x80xi32, #tpu.memory_space<vmem>> -> memref<1x40xi32, #tpu.memory_space<vmem>>
    %dma_start3A_137 = tpu.memref_squeeze %dma_start3A_136 : memref<1x40xi32, #tpu.memory_space<vmem>> -> memref<40xi32, #tpu.memory_space<vmem>>
    %dma_start3A_138 = arith.constant 0 : i32
    %dma_start3A_139 = arith.constant 0 : i32
    %dma_start3A_140 = tpu.memref_slice %arg2[%arg0, %dma_start3A_130, %dma_start3A_138, %dma_start3A_139] : memref<2x2x10000x128xf32, #tpu.memory_space<hbm>> -> memref<1x1x10000x128xf32, #tpu.memory_space<hbm>>
    %dma_start3A_141 = tpu.memref_squeeze %dma_start3A_140 : memref<1x1x10000x128xf32, #tpu.memory_space<hbm>> -> memref<10000x128xf32, #tpu.memory_space<hbm>>
    %dma_start3A_142 = arith.constant 0 : i32
    %dma_start3A_143 = arith.constant 0 : i32
    %dma_start3A_144 = tpu.memref_slice %dma_start3A_141[%dma_start3A_142, %dma_start3A_143] : memref<10000x128xf32, #tpu.memory_space<hbm>> -> memref<10000x128xf32, #tpu.memory_space<hbm>>
    tpu.enqueue_indirect_dma source(%dma_start3A_144 : memref<10000x128xf32, #tpu.memory_space<hbm>>) target(%dma_start3A_134 : memref<40x128xf32, #tpu.memory_space<vmem>>) offsets(%dma_start3A_137 : memref<40xi32, #tpu.memory_space<vmem>>) semaphore(%arg11 : memref<!tpu.dma_semaphore, #tpu.memory_space<semaphore_mem>>)
    %dma_start3A_145 = arith.constant 0 : i32
    %dma_start3A_146 = arith.constant 122 : i32
    %dma_start3A_147 = arith.constant 40 : i32
    %dma_start3A_148 = arith.constant 0 : i32
    %dma_start3A_149 = tpu.memref_slice %arg8[%dma_start3A_147, %dma_start3A_148] : memref<80x128xf32, #tpu.memory_space<vmem>> -> memref<40x128xf32, #tpu.memory_space<vmem>>
    %dma_start3A_150 = arith.constant 40 : i32
    %dma_start3A_151 = tpu.memref_slice %arg6[%dma_start3A_146, %dma_start3A_150] : memref<128x80xi32, #tpu.memory_space<vmem>> -> memref<1x40xi32, #tpu.memory_space<vmem>>
    %dma_start3A_152 = tpu.memref_squeeze %dma_start3A_151 : memref<1x40xi32, #tpu.memory_space<vmem>> -> memref<40xi32, #tpu.memory_space<vmem>>
    %dma_start3A_153 = arith.constant 0 : i32
    %dma_start3A_154 = arith.constant 0 : i32
    %dma_start3A_155 = tpu.memref_slice %arg2[%arg0, %dma_start3A_145, %dma_start3A_153, %dma_start3A_154] : memref<2x2x10000x128xf32, #tpu.memory_space<hbm>> -> memref<1x1x10000x128xf32, #tpu.memory_space<hbm>>
    %dma_start3A_156 = tpu.memref_squeeze %dma_start3A_155 : memref<1x1x10000x128xf32, #tpu.memory_space<hbm>> -> memref<10000x128xf32, #tpu.memory_space<hbm>>
    %dma_start3A_157 = arith.constant 0 : i32
    %dma_start3A_158 = arith.constant 0 : i32
    %dma_start3A_159 = tpu.memref_slice %dma_start3A_156[%dma_start3A_157, %dma_start3A_158] : memref<10000x128xf32, #tpu.memory_space<hbm>> -> memref<10000x128xf32, #tpu.memory_space<hbm>>
    tpu.enqueue_indirect_dma source(%dma_start3A_159 : memref<10000x128xf32, #tpu.memory_space<hbm>>) target(%dma_start3A_149 : memref<40x128xf32, #tpu.memory_space<vmem>>) offsets(%dma_start3A_152 : memref<40xi32, #tpu.memory_space<vmem>>) semaphore(%arg12 : memref<!tpu.dma_semaphore, #tpu.memory_space<semaphore_mem>>)
    %dma_wait3A_160 = arith.constant 0 : i32
    %dma_wait3A_161 = arith.constant 121 : i32
    %dma_wait3A_162 = arith.constant 0 : i32
    %dma_wait3A_163 = arith.constant 0 : i32
    %dma_wait3A_164 = tpu.memref_slice %arg9[%dma_wait3A_162, %dma_wait3A_163] : memref<80x128xf32, #tpu.memory_space<vmem>> -> memref<40x128xf32, #tpu.memory_space<vmem>>
    %dma_wait3A_165 = arith.constant 0 : i32
    %dma_wait3A_166 = tpu.memref_slice %arg6[%dma_wait3A_161, %dma_wait3A_165] : memref<128x80xi32, #tpu.memory_space<vmem>> -> memref<1x40xi32, #tpu.memory_space<vmem>>
    %dma_wait3A_167 = tpu.memref_squeeze %dma_wait3A_166 : memref<1x40xi32, #tpu.memory_space<vmem>> -> memref<40xi32, #tpu.memory_space<vmem>>
    %dma_wait3A_168 = arith.constant 0 : i32
    %dma_wait3A_169 = arith.constant 0 : i32
    %dma_wait3A_170 = tpu.memref_slice %arg2[%arg0, %dma_wait3A_160, %dma_wait3A_168, %dma_wait3A_169] : memref<2x2x10000x128xf32, #tpu.memory_space<hbm>> -> memref<1x1x10000x128xf32, #tpu.memory_space<hbm>>
    %dma_wait3A_171 = tpu.memref_squeeze %dma_wait3A_170 : memref<1x1x10000x128xf32, #tpu.memory_space<hbm>> -> memref<10000x128xf32, #tpu.memory_space<hbm>>
    %dma_wait3A_172 = arith.constant 0 : i32
    %dma_wait3A_173 = arith.constant 0 : i32
    %dma_wait3A_174 = tpu.memref_slice %dma_wait3A_171[%dma_wait3A_172, %dma_wait3A_173] : memref<10000x128xf32, #tpu.memory_space<hbm>> -> memref<10000x128xf32, #tpu.memory_space<hbm>>
    tpu.wait_indirect_dma semaphore(%arg13 : memref<!tpu.dma_semaphore, #tpu.memory_space<semaphore_mem>>) src(%dma_wait3A_174 : memref<10000x128xf32, #tpu.memory_space<hbm>>) dst(%dma_wait3A_164 : memref<40x128xf32, #tpu.memory_space<vmem>>)
    %dma_wait3A_175 = arith.constant 0 : i32
    %dma_wait3A_176 = arith.constant 121 : i32
    %dma_wait3A_177 = arith.constant 40 : i32
    %dma_wait3A_178 = arith.constant 0 : i32
    %dma_wait3A_179 = tpu.memref_slice %arg9[%dma_wait3A_177, %dma_wait3A_178] : memref<80x128xf32, #tpu.memory_space<vmem>> -> memref<40x128xf32, #tpu.memory_space<vmem>>
    %dma_wait3A_180 = arith.constant 40 : i32
    %dma_wait3A_181 = tpu.memref_slice %arg6[%dma_wait3A_176, %dma_wait3A_180] : memref<128x80xi32, #tpu.memory_space<vmem>> -> memref<1x40xi32, #tpu.memory_space<vmem>>
    %dma_wait3A_182 = tpu.memref_squeeze %dma_wait3A_181 : memref<1x40xi32, #tpu.memory_space<vmem>> -> memref<40xi32, #tpu.memory_space<vmem>>
    %dma_wait3A_183 = arith.constant 0 : i32
    %dma_wait3A_184 = arith.constant 0 : i32
    %dma_wait3A_185 = tpu.memref_slice %arg2[%arg0, %dma_wait3A_175, %dma_wait3A_183, %dma_wait3A_184] : memref<2x2x10000x128xf32, #tpu.memory_space<hbm>> -> memref<1x1x10000x128xf32, #tpu.memory_space<hbm>>
    %dma_wait3A_186 = tpu.memref_squeeze %dma_wait3A_185 : memref<1x1x10000x128xf32, #tpu.memory_space<hbm>> -> memref<10000x128xf32, #tpu.memory_space<hbm>>
    %dma_wait3A_187 = arith.constant 0 : i32
    %dma_wait3A_188 = arith.constant 0 : i32
    %dma_wait3A_189 = tpu.memref_slice %dma_wait3A_186[%dma_wait3A_187, %dma_wait3A_188] : memref<10000x128xf32, #tpu.memory_space<hbm>> -> memref<10000x128xf32, #tpu.memory_space<hbm>>
    tpu.wait_indirect_dma semaphore(%arg14 : memref<!tpu.dma_semaphore, #tpu.memory_space<semaphore_mem>>) src(%dma_wait3A_189 : memref<10000x128xf32, #tpu.memory_space<hbm>>) dst(%dma_wait3A_179 : memref<40x128xf32, #tpu.memory_space<vmem>>)
    %dma_start3A_190 = arith.constant 1 : i32
    %dma_start3A_191 = arith.constant 0 : i32
    %dma_start3A_192 = tpu.memref_slice %arg7[%dma_start3A_190, %dma_start3A_191] : memref<8x80xi32, #tpu.memory_space<vmem>> -> memref<1x80xi32, #tpu.memory_space<vmem>>
    %dma_start3A_193 = tpu.memref_squeeze %dma_start3A_192 : memref<1x80xi32, #tpu.memory_space<vmem>> -> memref<80xi32, #tpu.memory_space<vmem>>
    %dma_start3A_194 = arith.constant 0 : i32
    %dma_start3A_195 = arith.constant 0 : i32
    %dma_start3A_196 = tpu.memref_slice %arg10[%dma_start3A_194, %dma_start3A_195] : memref<10000x128xf32, #tpu.memory_space<vmem_shared>> -> memref<10000x128xf32, #tpu.memory_space<vmem_shared>>
    tpu.enqueue_indirect_dma source(%arg9 : memref<80x128xf32, #tpu.memory_space<vmem>>) target(%dma_start3A_196 : memref<10000x128xf32, #tpu.memory_space<vmem_shared>>) offsets(%dma_start3A_193 : memref<80xi32, #tpu.memory_space<vmem>>) semaphore(%arg16 : memref<!tpu.dma_semaphore, #tpu.memory_space<semaphore_mem>>) {add = true}
    %dma_wait3A_197 = arith.constant 1 : i32
    %dma_wait3A_198 = arith.constant 0 : i32
    %dma_wait3A_199 = tpu.memref_slice %arg7[%dma_wait3A_197, %dma_wait3A_198] : memref<8x80xi32, #tpu.memory_space<vmem>> -> memref<1x80xi32, #tpu.memory_space<vmem>>
    %dma_wait3A_200 = tpu.memref_squeeze %dma_wait3A_199 : memref<1x80xi32, #tpu.memory_space<vmem>> -> memref<80xi32, #tpu.memory_space<vmem>>
    %dma_wait3A_201 = arith.constant 0 : i32
    %dma_wait3A_202 = arith.constant 0 : i32
    %dma_wait3A_203 = tpu.memref_slice %arg10[%dma_wait3A_201, %dma_wait3A_202] : memref<10000x128xf32, #tpu.memory_space<vmem_shared>> -> memref<10000x128xf32, #tpu.memory_space<vmem_shared>>
    tpu.wait_indirect_dma semaphore(%arg16 : memref<!tpu.dma_semaphore, #tpu.memory_space<semaphore_mem>>) src(%arg9 : memref<80x128xf32, #tpu.memory_space<vmem>>) dst(%dma_wait3A_203 : memref<10000x128xf32, #tpu.memory_space<vmem_shared>>)
    %dma_start3A_204 = arith.constant 0 : i32
    %dma_start3A_205 = arith.constant 123 : i32
    %dma_start3A_206 = arith.constant 0 : i32
    %dma_start3A_207 = arith.constant 0 : i32
    %dma_start3A_208 = tpu.memref_slice %arg9[%dma_start3A_206, %dma_start3A_207] : memref<80x128xf32, #tpu.memory_space<vmem>> -> memref<40x128xf32, #tpu.memory_space<vmem>>
    %dma_start3A_209 = arith.constant 0 : i32
    %dma_start3A_210 = tpu.memref_slice %arg6[%dma_start3A_205, %dma_start3A_209] : memref<128x80xi32, #tpu.memory_space<vmem>> -> memref<1x40xi32, #tpu.memory_space<vmem>>
    %dma_start3A_211 = tpu.memref_squeeze %dma_start3A_210 : memref<1x40xi32, #tpu.memory_space<vmem>> -> memref<40xi32, #tpu.memory_space<vmem>>
    %dma_start3A_212 = arith.constant 0 : i32
    %dma_start3A_213 = arith.constant 0 : i32
    %dma_start3A_214 = tpu.memref_slice %arg2[%arg0, %dma_start3A_204, %dma_start3A_212, %dma_start3A_213] : memref<2x2x10000x128xf32, #tpu.memory_space<hbm>> -> memref<1x1x10000x128xf32, #tpu.memory_space<hbm>>
    %dma_start3A_215 = tpu.memref_squeeze %dma_start3A_214 : memref<1x1x10000x128xf32, #tpu.memory_space<hbm>> -> memref<10000x128xf32, #tpu.memory_space<hbm>>
    %dma_start3A_216 = arith.constant 0 : i32
    %dma_start3A_217 = arith.constant 0 : i32
    %dma_start3A_218 = tpu.memref_slice %dma_start3A_215[%dma_start3A_216, %dma_start3A_217] : memref<10000x128xf32, #tpu.memory_space<hbm>> -> memref<10000x128xf32, #tpu.memory_space<hbm>>
    tpu.enqueue_indirect_dma source(%dma_start3A_218 : memref<10000x128xf32, #tpu.memory_space<hbm>>) target(%dma_start3A_208 : memref<40x128xf32, #tpu.memory_space<vmem>>) offsets(%dma_start3A_211 : memref<40xi32, #tpu.memory_space<vmem>>) semaphore(%arg13 : memref<!tpu.dma_semaphore, #tpu.memory_space<semaphore_mem>>)
    %dma_start3A_219 = arith.constant 0 : i32
    %dma_start3A_220 = arith.constant 123 : i32
    %dma_start3A_221 = arith.constant 40 : i32
    %dma_start3A_222 = arith.constant 0 : i32
    %dma_start3A_223 = tpu.memref_slice %arg9[%dma_start3A_221, %dma_start3A_222] : memref<80x128xf32, #tpu.memory_space<vmem>> -> memref<40x128xf32, #tpu.memory_space<vmem>>
    %dma_start3A_224 = arith.constant 40 : i32
    %dma_start3A_225 = tpu.memref_slice %arg6[%dma_start3A_220, %dma_start3A_224] : memref<128x80xi32, #tpu.memory_space<vmem>> -> memref<1x40xi32, #tpu.memory_space<vmem>>
    %dma_start3A_226 = tpu.memref_squeeze %dma_start3A_225 : memref<1x40xi32, #tpu.memory_space<vmem>> -> memref<40xi32, #tpu.memory_space<vmem>>
    %dma_start3A_227 = arith.constant 0 : i32
    %dma_start3A_228 = arith.constant 0 : i32
    %dma_start3A_229 = tpu.memref_slice %arg2[%arg0, %dma_start3A_219, %dma_start3A_227, %dma_start3A_228] : memref<2x2x10000x128xf32, #tpu.memory_space<hbm>> -> memref<1x1x10000x128xf32, #tpu.memory_space<hbm>>
    %dma_start3A_230 = tpu.memref_squeeze %dma_start3A_229 : memref<1x1x10000x128xf32, #tpu.memory_space<hbm>> -> memref<10000x128xf32, #tpu.memory_space<hbm>>
    %dma_start3A_231 = arith.constant 0 : i32
    %dma_start3A_232 = arith.constant 0 : i32
    %dma_start3A_233 = tpu.memref_slice %dma_start3A_230[%dma_start3A_231, %dma_start3A_232] : memref<10000x128xf32, #tpu.memory_space<hbm>> -> memref<10000x128xf32, #tpu.memory_space<hbm>>
    tpu.enqueue_indirect_dma source(%dma_start3A_233 : memref<10000x128xf32, #tpu.memory_space<hbm>>) target(%dma_start3A_223 : memref<40x128xf32, #tpu.memory_space<vmem>>) offsets(%dma_start3A_226 : memref<40xi32, #tpu.memory_space<vmem>>) semaphore(%arg14 : memref<!tpu.dma_semaphore, #tpu.memory_space<semaphore_mem>>)
    %dma_wait3A_234 = arith.constant 0 : i32
    %dma_wait3A_235 = arith.constant 122 : i32
    %dma_wait3A_236 = arith.constant 0 : i32
    %dma_wait3A_237 = arith.constant 0 : i32
    %dma_wait3A_238 = tpu.memref_slice %arg8[%dma_wait3A_236, %dma_wait3A_237] : memref<80x128xf32, #tpu.memory_space<vmem>> -> memref<40x128xf32, #tpu.memory_space<vmem>>
    %dma_wait3A_239 = arith.constant 0 : i32
    %dma_wait3A_240 = tpu.memref_slice %arg6[%dma_wait3A_235, %dma_wait3A_239] : memref<128x80xi32, #tpu.memory_space<vmem>> -> memref<1x40xi32, #tpu.memory_space<vmem>>
    %dma_wait3A_241 = tpu.memref_squeeze %dma_wait3A_240 : memref<1x40xi32, #tpu.memory_space<vmem>> -> memref<40xi32, #tpu.memory_space<vmem>>
    %dma_wait3A_242 = arith.constant 0 : i32
    %dma_wait3A_243 = arith.constant 0 : i32
    %dma_wait3A_244 = tpu.memref_slice %arg2[%arg0, %dma_wait3A_234, %dma_wait3A_242, %dma_wait3A_243] : memref<2x2x10000x128xf32, #tpu.memory_space<hbm>> -> memref<1x1x10000x128xf32, #tpu.memory_space<hbm>>
    %dma_wait3A_245 = tpu.memref_squeeze %dma_wait3A_244 : memref<1x1x10000x128xf32, #tpu.memory_space<hbm>> -> memref<10000x128xf32, #tpu.memory_space<hbm>>
    %dma_wait3A_246 = arith.constant 0 : i32
    %dma_wait3A_247 = arith.constant 0 : i32
    %dma_wait3A_248 = tpu.memref_slice %dma_wait3A_245[%dma_wait3A_246, %dma_wait3A_247] : memref<10000x128xf32, #tpu.memory_space<hbm>> -> memref<10000x128xf32, #tpu.memory_space<hbm>>
    tpu.wait_indirect_dma semaphore(%arg11 : memref<!tpu.dma_semaphore, #tpu.memory_space<semaphore_mem>>) src(%dma_wait3A_248 : memref<10000x128xf32, #tpu.memory_space<hbm>>) dst(%dma_wait3A_238 : memref<40x128xf32, #tpu.memory_space<vmem>>)
    %dma_wait3A_249 = arith.constant 0 : i32
    %dma_wait3A_250 = arith.constant 122 : i32
    %dma_wait3A_251 = arith.constant 40 : i32
    %dma_wait3A_252 = arith.constant 0 : i32
    %dma_wait3A_253 = tpu.memref_slice %arg8[%dma_wait3A_251, %dma_wait3A_252] : memref<80x128xf32, #tpu.memory_space<vmem>> -> memref<40x128xf32, #tpu.memory_space<vmem>>
    %dma_wait3A_254 = arith.constant 40 : i32
    %dma_wait3A_255 = tpu.memref_slice %arg6[%dma_wait3A_250, %dma_wait3A_254] : memref<128x80xi32, #tpu.memory_space<vmem>> -> memref<1x40xi32, #tpu.memory_space<vmem>>
    %dma_wait3A_256 = tpu.memref_squeeze %dma_wait3A_255 : memref<1x40xi32, #tpu.memory_space<vmem>> -> memref<40xi32, #tpu.memory_space<vmem>>
    %dma_wait3A_257 = arith.constant 0 : i32
    %dma_wait3A_258 = arith.constant 0 : i32
    %dma_wait3A_259 = tpu.memref_slice %arg2[%arg0, %dma_wait3A_249, %dma_wait3A_257, %dma_wait3A_258] : memref<2x2x10000x128xf32, #tpu.memory_space<hbm>> -> memref<1x1x10000x128xf32, #tpu.memory_space<hbm>>
    %dma_wait3A_260 = tpu.memref_squeeze %dma_wait3A_259 : memref<1x1x10000x128xf32, #tpu.memory_space<hbm>> -> memref<10000x128xf32, #tpu.memory_space<hbm>>
    %dma_wait3A_261 = arith.constant 0 : i32
    %dma_wait3A_262 = arith.constant 0 : i32
    %dma_wait3A_263 = tpu.memref_slice %dma_wait3A_260[%dma_wait3A_261, %dma_wait3A_262] : memref<10000x128xf32, #tpu.memory_space<hbm>> -> memref<10000x128xf32, #tpu.memory_space<hbm>>
    tpu.wait_indirect_dma semaphore(%arg12 : memref<!tpu.dma_semaphore, #tpu.memory_space<semaphore_mem>>) src(%dma_wait3A_263 : memref<10000x128xf32, #tpu.memory_space<hbm>>) dst(%dma_wait3A_253 : memref<40x128xf32, #tpu.memory_space<vmem>>)
    %dma_start3A_264 = arith.constant 2 : i32
    %dma_start3A_265 = arith.constant 0 : i32
    %dma_start3A_266 = tpu.memref_slice %arg7[%dma_start3A_264, %dma_start3A_265] : memref<8x80xi32, #tpu.memory_space<vmem>> -> memref<1x80xi32, #tpu.memory_space<vmem>>
    %dma_start3A_267 = tpu.memref_squeeze %dma_start3A_266 : memref<1x80xi32, #tpu.memory_space<vmem>> -> memref<80xi32, #tpu.memory_space<vmem>>
    %dma_start3A_268 = arith.constant 0 : i32
    %dma_start3A_269 = arith.constant 0 : i32
    %dma_start3A_270 = tpu.memref_slice %arg10[%dma_start3A_268, %dma_start3A_269] : memref<10000x128xf32, #tpu.memory_space<vmem_shared>> -> memref<10000x128xf32, #tpu.memory_space<vmem_shared>>
    tpu.enqueue_indirect_dma source(%arg8 : memref<80x128xf32, #tpu.memory_space<vmem>>) target(%dma_start3A_270 : memref<10000x128xf32, #tpu.memory_space<vmem_shared>>) offsets(%dma_start3A_267 : memref<80xi32, #tpu.memory_space<vmem>>) semaphore(%arg15 : memref<!tpu.dma_semaphore, #tpu.memory_space<semaphore_mem>>) {add = true}
    %dma_wait3A_271 = arith.constant 2 : i32
    %dma_wait3A_272 = arith.constant 0 : i32
    %dma_wait3A_273 = tpu.memref_slice %arg7[%dma_wait3A_271, %dma_wait3A_272] : memref<8x80xi32, #tpu.memory_space<vmem>> -> memref<1x80xi32, #tpu.memory_space<vmem>>
    %dma_wait3A_274 = tpu.memref_squeeze %dma_wait3A_273 : memref<1x80xi32, #tpu.memory_space<vmem>> -> memref<80xi32, #tpu.memory_space<vmem>>
    %dma_wait3A_275 = arith.constant 0 : i32
    %dma_wait3A_276 = arith.constant 0 : i32
    %dma_wait3A_277 = tpu.memref_slice %arg10[%dma_wait3A_275, %dma_wait3A_276] : memref<10000x128xf32, #tpu.memory_space<vmem_shared>> -> memref<10000x128xf32, #tpu.memory_space<vmem_shared>>
    tpu.wait_indirect_dma semaphore(%arg15 : memref<!tpu.dma_semaphore, #tpu.memory_space<semaphore_mem>>) src(%arg8 : memref<80x128xf32, #tpu.memory_space<vmem>>) dst(%dma_wait3A_277 : memref<10000x128xf32, #tpu.memory_space<vmem_shared>>)
    %dma_start3A_278 = arith.constant 0 : i32
    %dma_start3A_279 = arith.constant 124 : i32
    %dma_start3A_280 = arith.constant 0 : i32
    %dma_start3A_281 = arith.constant 0 : i32
    %dma_start3A_282 = tpu.memref_slice %arg8[%dma_start3A_280, %dma_start3A_281] : memref<80x128xf32, #tpu.memory_space<vmem>> -> memref<40x128xf32, #tpu.memory_space<vmem>>
    %dma_start3A_283 = arith.constant 0 : i32
    %dma_start3A_284 = tpu.memref_slice %arg6[%dma_start3A_279, %dma_start3A_283] : memref<128x80xi32, #tpu.memory_space<vmem>> -> memref<1x40xi32, #tpu.memory_space<vmem>>
    %dma_start3A_285 = tpu.memref_squeeze %dma_start3A_284 : memref<1x40xi32, #tpu.memory_space<vmem>> -> memref<40xi32, #tpu.memory_space<vmem>>
    %dma_start3A_286 = arith.constant 0 : i32
    %dma_start3A_287 = arith.constant 0 : i32
    %dma_start3A_288 = tpu.memref_slice %arg2[%arg0, %dma_start3A_278, %dma_start3A_286, %dma_start3A_287] : memref<2x2x10000x128xf32, #tpu.memory_space<hbm>> -> memref<1x1x10000x128xf32, #tpu.memory_space<hbm>>
    %dma_start3A_289 = tpu.memref_squeeze %dma_start3A_288 : memref<1x1x10000x128xf32, #tpu.memory_space<hbm>> -> memref<10000x128xf32, #tpu.memory_space<hbm>>
    %dma_start3A_290 = arith.constant 0 : i32
    %dma_start3A_291 = arith.constant 0 : i32
    %dma_start3A_292 = tpu.memref_slice %dma_start3A_289[%dma_start3A_290, %dma_start3A_291] : memref<10000x128xf32, #tpu.memory_space<hbm>> -> memref<10000x128xf32, #tpu.memory_space<hbm>>
    tpu.enqueue_indirect_dma source(%dma_start3A_292 : memref<10000x128xf32, #tpu.memory_space<hbm>>) target(%dma_start3A_282 : memref<40x128xf32, #tpu.memory_space<vmem>>) offsets(%dma_start3A_285 : memref<40xi32, #tpu.memory_space<vmem>>) semaphore(%arg11 : memref<!tpu.dma_semaphore, #tpu.memory_space<semaphore_mem>>)
    %dma_start3A_293 = arith.constant 0 : i32
    %dma_start3A_294 = arith.constant 124 : i32
    %dma_start3A_295 = arith.constant 40 : i32
    %dma_start3A_296 = arith.constant 0 : i32
    %dma_start3A_297 = tpu.memref_slice %arg8[%dma_start3A_295, %dma_start3A_296] : memref<80x128xf32, #tpu.memory_space<vmem>> -> memref<40x128xf32, #tpu.memory_space<vmem>>
    %dma_start3A_298 = arith.constant 40 : i32
    %dma_start3A_299 = tpu.memref_slice %arg6[%dma_start3A_294, %dma_start3A_298] : memref<128x80xi32, #tpu.memory_space<vmem>> -> memref<1x40xi32, #tpu.memory_space<vmem>>
    %dma_start3A_300 = tpu.memref_squeeze %dma_start3A_299 : memref<1x40xi32, #tpu.memory_space<vmem>> -> memref<40xi32, #tpu.memory_space<vmem>>
    %dma_start3A_301 = arith.constant 0 : i32
    %dma_start3A_302 = arith.constant 0 : i32
    %dma_start3A_303 = tpu.memref_slice %arg2[%arg0, %dma_start3A_293, %dma_start3A_301, %dma_start3A_302] : memref<2x2x10000x128xf32, #tpu.memory_space<hbm>> -> memref<1x1x10000x128xf32, #tpu.memory_space<hbm>>
    %dma_start3A_304 = tpu.memref_squeeze %dma_start3A_303 : memref<1x1x10000x128xf32, #tpu.memory_space<hbm>> -> memref<10000x128xf32, #tpu.memory_space<hbm>>
    %dma_start3A_305 = arith.constant 0 : i32
    %dma_start3A_306 = arith.constant 0 : i32
    %dma_start3A_307 = tpu.memref_slice %dma_start3A_304[%dma_start3A_305, %dma_start3A_306] : memref<10000x128xf32, #tpu.memory_space<hbm>> -> memref<10000x128xf32, #tpu.memory_space<hbm>>
    tpu.enqueue_indirect_dma source(%dma_start3A_307 : memref<10000x128xf32, #tpu.memory_space<hbm>>) target(%dma_start3A_297 : memref<40x128xf32, #tpu.memory_space<vmem>>) offsets(%dma_start3A_300 : memref<40xi32, #tpu.memory_space<vmem>>) semaphore(%arg12 : memref<!tpu.dma_semaphore, #tpu.memory_space<semaphore_mem>>)
    %dma_wait3A_308 = arith.constant 0 : i32
    %dma_wait3A_309 = arith.constant 123 : i32
    %dma_wait3A_310 = arith.constant 0 : i32
    %dma_wait3A_311 = arith.constant 0 : i32
    %dma_wait3A_312 = tpu.memref_slice %arg9[%dma_wait3A_310, %dma_wait3A_311] : memref<80x128xf32, #tpu.memory_space<vmem>> -> memref<40x128xf32, #tpu.memory_space<vmem>>
    %dma_wait3A_313 = arith.constant 0 : i32
    %dma_wait3A_314 = tpu.memref_slice %arg6[%dma_wait3A_309, %dma_wait3A_313] : memref<128x80xi32, #tpu.memory_space<vmem>> -> memref<1x40xi32, #tpu.memory_space<vmem>>
    %dma_wait3A_315 = tpu.memref_squeeze %dma_wait3A_314 : memref<1x40xi32, #tpu.memory_space<vmem>> -> memref<40xi32, #tpu.memory_space<vmem>>
    %dma_wait3A_316 = arith.constant 0 : i32
    %dma_wait3A_317 = arith.constant 0 : i32
    %dma_wait3A_318 = tpu.memref_slice %arg2[%arg0, %dma_wait3A_308, %dma_wait3A_316, %dma_wait3A_317] : memref<2x2x10000x128xf32, #tpu.memory_space<hbm>> -> memref<1x1x10000x128xf32, #tpu.memory_space<hbm>>
    %dma_wait3A_319 = tpu.memref_squeeze %dma_wait3A_318 : memref<1x1x10000x128xf32, #tpu.memory_space<hbm>> -> memref<10000x128xf32, #tpu.memory_space<hbm>>
    %dma_wait3A_320 = arith.constant 0 : i32
    %dma_wait3A_321 = arith.constant 0 : i32
    %dma_wait3A_322 = tpu.memref_slice %dma_wait3A_319[%dma_wait3A_320, %dma_wait3A_321] : memref<10000x128xf32, #tpu.memory_space<hbm>> -> memref<10000x128xf32, #tpu.memory_space<hbm>>
    tpu.wait_indirect_dma semaphore(%arg13 : memref<!tpu.dma_semaphore, #tpu.memory_space<semaphore_mem>>) src(%dma_wait3A_322 : memref<10000x128xf32, #tpu.memory_space<hbm>>) dst(%dma_wait3A_312 : memref<40x128xf32, #tpu.memory_space<vmem>>)
    %dma_wait3A_323 = arith.constant 0 : i32
    %dma_wait3A_324 = arith.constant 123 : i32
    %dma_wait3A_325 = arith.constant 40 : i32
    %dma_wait3A_326 = arith.constant 0 : i32
    %dma_wait3A_327 = tpu.memref_slice %arg9[%dma_wait3A_325, %dma_wait3A_326] : memref<80x128xf32, #tpu.memory_space<vmem>> -> memref<40x128xf32, #tpu.memory_space<vmem>>
    %dma_wait3A_328 = arith.constant 40 : i32
    %dma_wait3A_329 = tpu.memref_slice %arg6[%dma_wait3A_324, %dma_wait3A_328] : memref<128x80xi32, #tpu.memory_space<vmem>> -> memref<1x40xi32, #tpu.memory_space<vmem>>
    %dma_wait3A_330 = tpu.memref_squeeze %dma_wait3A_329 : memref<1x40xi32, #tpu.memory_space<vmem>> -> memref<40xi32, #tpu.memory_space<vmem>>
    %dma_wait3A_331 = arith.constant 0 : i32
    %dma_wait3A_332 = arith.constant 0 : i32
    %dma_wait3A_333 = tpu.memref_slice %arg2[%arg0, %dma_wait3A_323, %dma_wait3A_331, %dma_wait3A_332] : memref<2x2x10000x128xf32, #tpu.memory_space<hbm>> -> memref<1x1x10000x128xf32, #tpu.memory_space<hbm>>
    %dma_wait3A_334 = tpu.memref_squeeze %dma_wait3A_333 : memref<1x1x10000x128xf32, #tpu.memory_space<hbm>> -> memref<10000x128xf32, #tpu.memory_space<hbm>>
    %dma_wait3A_335 = arith.constant 0 : i32
    %dma_wait3A_336 = arith.constant 0 : i32
    %dma_wait3A_337 = tpu.memref_slice %dma_wait3A_334[%dma_wait3A_335, %dma_wait3A_336] : memref<10000x128xf32, #tpu.memory_space<hbm>> -> memref<10000x128xf32, #tpu.memory_space<hbm>>
    tpu.wait_indirect_dma semaphore(%arg14 : memref<!tpu.dma_semaphore, #tpu.memory_space<semaphore_mem>>) src(%dma_wait3A_337 : memref<10000x128xf32, #tpu.memory_space<hbm>>) dst(%dma_wait3A_327 : memref<40x128xf32, #tpu.memory_space<vmem>>)
    %dma_start3A_338 = arith.constant 3 : i32
    %dma_start3A_339 = arith.constant 0 : i32
    %dma_start3A_340 = tpu.memref_slice %arg7[%dma_start3A_338, %dma_start3A_339] : memref<8x80xi32, #tpu.memory_space<vmem>> -> memref<1x80xi32, #tpu.memory_space<vmem>>
    %dma_start3A_341 = tpu.memref_squeeze %dma_start3A_340 : memref<1x80xi32, #tpu.memory_space<vmem>> -> memref<80xi32, #tpu.memory_space<vmem>>
    %dma_start3A_342 = arith.constant 0 : i32
    %dma_start3A_343 = arith.constant 0 : i32
    %dma_start3A_344 = tpu.memref_slice %arg10[%dma_start3A_342, %dma_start3A_343] : memref<10000x128xf32, #tpu.memory_space<vmem_shared>> -> memref<10000x128xf32, #tpu.memory_space<vmem_shared>>
    tpu.enqueue_indirect_dma source(%arg9 : memref<80x128xf32, #tpu.memory_space<vmem>>) target(%dma_start3A_344 : memref<10000x128xf32, #tpu.memory_space<vmem_shared>>) offsets(%dma_start3A_341 : memref<80xi32, #tpu.memory_space<vmem>>) semaphore(%arg16 : memref<!tpu.dma_semaphore, #tpu.memory_space<semaphore_mem>>) {add = true}
    %dma_wait3A_345 = arith.constant 3 : i32
    %dma_wait3A_346 = arith.constant 0 : i32
    %dma_wait3A_347 = tpu.memref_slice %arg7[%dma_wait3A_345, %dma_wait3A_346] : memref<8x80xi32, #tpu.memory_space<vmem>> -> memref<1x80xi32, #tpu.memory_space<vmem>>
    %dma_wait3A_348 = tpu.memref_squeeze %dma_wait3A_347 : memref<1x80xi32, #tpu.memory_space<vmem>> -> memref<80xi32, #tpu.memory_space<vmem>>
    %dma_wait3A_349 = arith.constant 0 : i32
    %dma_wait3A_350 = arith.constant 0 : i32
    %dma_wait3A_351 = tpu.memref_slice %arg10[%dma_wait3A_349, %dma_wait3A_350] : memref<10000x128xf32, #tpu.memory_space<vmem_shared>> -> memref<10000x128xf32, #tpu.memory_space<vmem_shared>>
    tpu.wait_indirect_dma semaphore(%arg16 : memref<!tpu.dma_semaphore, #tpu.memory_space<semaphore_mem>>) src(%arg9 : memref<80x128xf32, #tpu.memory_space<vmem>>) dst(%dma_wait3A_351 : memref<10000x128xf32, #tpu.memory_space<vmem_shared>>)
    %dma_wait3A_352 = arith.constant 0 : i32
    %dma_wait3A_353 = arith.constant 124 : i32
    %dma_wait3A_354 = arith.constant 0 : i32
    %dma_wait3A_355 = arith.constant 0 : i32
    %dma_wait3A_356 = tpu.memref_slice %arg8[%dma_wait3A_354, %dma_wait3A_355] : memref<80x128xf32, #tpu.memory_space<vmem>> -> memref<40x128xf32, #tpu.memory_space<vmem>>
    %dma_wait3A_357 = arith.constant 0 : i32
    %dma_wait3A_358 = tpu.memref_slice %arg6[%dma_wait3A_353, %dma_wait3A_357] : memref<128x80xi32, #tpu.memory_space<vmem>> -> memref<1x40xi32, #tpu.memory_space<vmem>>
    %dma_wait3A_359 = tpu.memref_squeeze %dma_wait3A_358 : memref<1x40xi32, #tpu.memory_space<vmem>> -> memref<40xi32, #tpu.memory_space<vmem>>
    %dma_wait3A_360 = arith.constant 0 : i32
    %dma_wait3A_361 = arith.constant 0 : i32
    %dma_wait3A_362 = tpu.memref_slice %arg2[%arg0, %dma_wait3A_352, %dma_wait3A_360, %dma_wait3A_361] : memref<2x2x10000x128xf32, #tpu.memory_space<hbm>> -> memref<1x1x10000x128xf32, #tpu.memory_space<hbm>>
    %dma_wait3A_363 = tpu.memref_squeeze %dma_wait3A_362 : memref<1x1x10000x128xf32, #tpu.memory_space<hbm>> -> memref<10000x128xf32, #tpu.memory_space<hbm>>
    %dma_wait3A_364 = arith.constant 0 : i32
    %dma_wait3A_365 = arith.constant 0 : i32
    %dma_wait3A_366 = tpu.memref_slice %dma_wait3A_363[%dma_wait3A_364, %dma_wait3A_365] : memref<10000x128xf32, #tpu.memory_space<hbm>> -> memref<10000x128xf32, #tpu.memory_space<hbm>>
    tpu.wait_indirect_dma semaphore(%arg11 : memref<!tpu.dma_semaphore, #tpu.memory_space<semaphore_mem>>) src(%dma_wait3A_366 : memref<10000x128xf32, #tpu.memory_space<hbm>>) dst(%dma_wait3A_356 : memref<40x128xf32, #tpu.memory_space<vmem>>)
    %dma_wait3A_367 = arith.constant 0 : i32
    %dma_wait3A_368 = arith.constant 124 : i32
    %dma_wait3A_369 = arith.constant 40 : i32
    %dma_wait3A_370 = arith.constant 0 : i32
    %dma_wait3A_371 = tpu.memref_slice %arg8[%dma_wait3A_369, %dma_wait3A_370] : memref<80x128xf32, #tpu.memory_space<vmem>> -> memref<40x128xf32, #tpu.memory_space<vmem>>
    %dma_wait3A_372 = arith.constant 40 : i32
    %dma_wait3A_373 = tpu.memref_slice %arg6[%dma_wait3A_368, %dma_wait3A_372] : memref<128x80xi32, #tpu.memory_space<vmem>> -> memref<1x40xi32, #tpu.memory_space<vmem>>
    %dma_wait3A_374 = tpu.memref_squeeze %dma_wait3A_373 : memref<1x40xi32, #tpu.memory_space<vmem>> -> memref<40xi32, #tpu.memory_space<vmem>>
    %dma_wait3A_375 = arith.constant 0 : i32
    %dma_wait3A_376 = arith.constant 0 : i32
    %dma_wait3A_377 = tpu.memref_slice %arg2[%arg0, %dma_wait3A_367, %dma_wait3A_375, %dma_wait3A_376] : memref<2x2x10000x128xf32, #tpu.memory_space<hbm>> -> memref<1x1x10000x128xf32, #tpu.memory_space<hbm>>
    %dma_wait3A_378 = tpu.memref_squeeze %dma_wait3A_377 : memref<1x1x10000x128xf32, #tpu.memory_space<hbm>> -> memref<10000x128xf32, #tpu.memory_space<hbm>>
    %dma_wait3A_379 = arith.constant 0 : i32
    %dma_wait3A_380 = arith.constant 0 : i32
    %dma_wait3A_381 = tpu.memref_slice %dma_wait3A_378[%dma_wait3A_379, %dma_wait3A_380] : memref<10000x128xf32, #tpu.memory_space<hbm>> -> memref<10000x128xf32, #tpu.memory_space<hbm>>
    tpu.wait_indirect_dma semaphore(%arg12 : memref<!tpu.dma_semaphore, #tpu.memory_space<semaphore_mem>>) src(%dma_wait3A_381 : memref<10000x128xf32, #tpu.memory_space<hbm>>) dst(%dma_wait3A_371 : memref<40x128xf32, #tpu.memory_space<vmem>>)
    %dma_start3A_382 = arith.constant 4 : i32
    %dma_start3A_383 = arith.constant 0 : i32
    %dma_start3A_384 = tpu.memref_slice %arg7[%dma_start3A_382, %dma_start3A_383] : memref<8x80xi32, #tpu.memory_space<vmem>> -> memref<1x80xi32, #tpu.memory_space<vmem>>
    %dma_start3A_385 = tpu.memref_squeeze %dma_start3A_384 : memref<1x80xi32, #tpu.memory_space<vmem>> -> memref<80xi32, #tpu.memory_space<vmem>>
    %dma_start3A_386 = arith.constant 0 : i32
    %dma_start3A_387 = arith.constant 0 : i32
    %dma_start3A_388 = tpu.memref_slice %arg10[%dma_start3A_386, %dma_start3A_387] : memref<10000x128xf32, #tpu.memory_space<vmem_shared>> -> memref<10000x128xf32, #tpu.memory_space<vmem_shared>>
    tpu.enqueue_indirect_dma source(%arg8 : memref<80x128xf32, #tpu.memory_space<vmem>>) target(%dma_start3A_388 : memref<10000x128xf32, #tpu.memory_space<vmem_shared>>) offsets(%dma_start3A_385 : memref<80xi32, #tpu.memory_space<vmem>>) semaphore(%arg15 : memref<!tpu.dma_semaphore, #tpu.memory_space<semaphore_mem>>) {add = true}
    %dma_wait3A_389 = arith.constant 4 : i32
    %dma_wait3A_390 = arith.constant 0 : i32
    %dma_wait3A_391 = tpu.memref_slice %arg7[%dma_wait3A_389, %dma_wait3A_390] : memref<8x80xi32, #tpu.memory_space<vmem>> -> memref<1x80xi32, #tpu.memory_space<vmem>>
    %dma_wait3A_392 = tpu.memref_squeeze %dma_wait3A_391 : memref<1x80xi32, #tpu.memory_space<vmem>> -> memref<80xi32, #tpu.memory_space<vmem>>
    %dma_wait3A_393 = arith.constant 0 : i32
    %dma_wait3A_394 = arith.constant 0 : i32
    %dma_wait3A_395 = tpu.memref_slice %arg10[%dma_wait3A_393, %dma_wait3A_394] : memref<10000x128xf32, #tpu.memory_space<vmem_shared>> -> memref<10000x128xf32, #tpu.memory_space<vmem_shared>>
    tpu.wait_indirect_dma semaphore(%arg15 : memref<!tpu.dma_semaphore, #tpu.memory_space<semaphore_mem>>) src(%arg8 : memref<80x128xf32, #tpu.memory_space<vmem>>) dst(%dma_wait3A_395 : memref<10000x128xf32, #tpu.memory_space<vmem_shared>>)
    %barrier3A_396 = arith.constant 0 : index
    tpu.barrier barrier_id(%barrier3A_396)
    %while3A_397 = arith.constant 0 : i32
    %while3A_398 = arith.constant 0 : i32
    %while3A_399 = arith.subi %select_n3A, %while3A_398 : i32
    %while3A_400 = arith.addi %while3A_398, %while3A_399 : i32
    %while3A_401 = arith.constant 1 : i32
    %while3A_402 = arith.divsi %while3A_399, %while3A_401 : i32
    %while3A_403 = arith.muli %while3A_402, %while3A_401 : i32
    %while3A_404 = arith.addi %while3A_398, %while3A_403 : i32
    %while3A_405 = arith.constant 1 : i32
    scf.for %while3A_839 = %while3A_398 to %while3A_404 step %while3A_405  : i32 {
      %mul3A_840 = arith.constant 80 : i32
      %mul3A_841 = arith.muli %mul3A_840, %while3A_839 : i32
      %add3A = arith.addi %mul3A_0, %mul3A_841 : i32
      %mul3A_842 = arith.constant 80 : i32
      %mul3A_843 = arith.muli %mul3A_842, %while3A_839 : i32
      %add3A_844 = arith.addi %mul3A_0, %mul3A_843 : i32
      %dma_start3A_845 = arith.constant 0 : i32
      %dma_start3A_846 = arith.constant 0 : i32
      %dma_start3A_847 = tpu.memref_slice %arg5[%arg0, %dma_start3A_845, %add3A_844, %dma_start3A_846] : memref<2x2x10000x128xf32, #tpu.memory_space<hbm>> -> memref<1x1x80x128xf32, #tpu.memory_space<hbm>>
      %dma_start3A_848 = tpu.memref_squeeze %dma_start3A_847 : memref<1x1x80x128xf32, #tpu.memory_space<hbm>> -> memref<80x128xf32, #tpu.memory_space<hbm>>
      %dma_start3A_849 = arith.constant 0 : i32
      %dma_start3A_850 = tpu.memref_slice %arg10[%add3A, %dma_start3A_849] : memref<10000x128xf32, #tpu.memory_space<vmem_shared>> -> memref<80x128xf32, #tpu.memory_space<vmem_shared>>
      tpu.enqueue_dma source(%dma_start3A_850 : memref<80x128xf32, #tpu.memory_space<vmem_shared>>) target(%dma_start3A_848 : memref<80x128xf32, #tpu.memory_space<hbm>>) target_semaphore(%arg17 : memref<!tpu.dma_semaphore, #tpu.memory_space<semaphore_mem>>)
    }
    %while3A_406 = arith.constant 1 : i32
    scf.for %while3A_839 = %while3A_404 to %while3A_400 step %while3A_406  : i32 {
      %mul3A_840 = arith.constant 80 : i32
      %mul3A_841 = arith.muli %mul3A_840, %while3A_839 : i32
      %add3A = arith.addi %mul3A_0, %mul3A_841 : i32
      %mul3A_842 = arith.constant 80 : i32
      %mul3A_843 = arith.muli %mul3A_842, %while3A_839 : i32
      %add3A_844 = arith.addi %mul3A_0, %mul3A_843 : i32
      %dma_start3A_845 = arith.constant 0 : i32
      %dma_start3A_846 = arith.constant 0 : i32
      %dma_start3A_847 = tpu.memref_slice %arg5[%arg0, %dma_start3A_845, %add3A_844, %dma_start3A_846] : memref<2x2x10000x128xf32, #tpu.memory_space<hbm>> -> memref<1x1x80x128xf32, #tpu.memory_space<hbm>>
      %dma_start3A_848 = tpu.memref_squeeze %dma_start3A_847 : memref<1x1x80x128xf32, #tpu.memory_space<hbm>> -> memref<80x128xf32, #tpu.memory_space<hbm>>
      %dma_start3A_849 = arith.constant 0 : i32
      %dma_start3A_850 = tpu.memref_slice %arg10[%add3A, %dma_start3A_849] : memref<10000x128xf32, #tpu.memory_space<vmem_shared>> -> memref<80x128xf32, #tpu.memory_space<vmem_shared>>
      tpu.enqueue_dma source(%dma_start3A_850 : memref<80x128xf32, #tpu.memory_space<vmem_shared>>) target(%dma_start3A_848 : memref<80x128xf32, #tpu.memory_space<hbm>>) target_semaphore(%arg17 : memref<!tpu.dma_semaphore, #tpu.memory_space<semaphore_mem>>)
    }
    %while3A_407 = arith.constant 0 : i32
    %while3A_408 = arith.constant 0 : i32
    %while3A_409 = arith.subi %select_n3A, %while3A_408 : i32
    %while3A_410 = arith.addi %while3A_408, %while3A_409 : i32
    %while3A_411 = arith.constant 1 : i32
    %while3A_412 = arith.divsi %while3A_409, %while3A_411 : i32
    %while3A_413 = arith.muli %while3A_412, %while3A_411 : i32
    %while3A_414 = arith.addi %while3A_408, %while3A_413 : i32
    %while3A_415 = arith.constant 1 : i32
    scf.for %while3A_839 = %while3A_408 to %while3A_414 step %while3A_415  : i32 {
      %dma_wait3A_840 = arith.constant 0 : i32
      %dma_wait3A_841 = tpu.memref_slice %arg10[%mul3A_0, %dma_wait3A_840] : memref<10000x128xf32, #tpu.memory_space<vmem_shared>> -> memref<80x128xf32, #tpu.memory_space<vmem_shared>>
      tpu.wait_dma2 semaphore(%arg17 : memref<!tpu.dma_semaphore, #tpu.memory_space<semaphore_mem>>) src(%arg4 : memref<80x128xf32, #tpu.memory_space<hbm>>) dst(%dma_wait3A_841 : memref<80x128xf32, #tpu.memory_space<vmem_shared>>)
    }
    %while3A_416 = arith.constant 1 : i32
    scf.for %while3A_839 = %while3A_414 to %while3A_410 step %while3A_416  : i32 {
      %dma_wait3A_840 = arith.constant 0 : i32
      %dma_wait3A_841 = tpu.memref_slice %arg10[%mul3A_0, %dma_wait3A_840] : memref<10000x128xf32, #tpu.memory_space<vmem_shared>> -> memref<80x128xf32, #tpu.memory_space<vmem_shared>>
      tpu.wait_dma2 semaphore(%arg17 : memref<!tpu.dma_semaphore, #tpu.memory_space<semaphore_mem>>) src(%arg4 : memref<80x128xf32, #tpu.memory_space<hbm>>) dst(%dma_wait3A_841 : memref<80x128xf32, #tpu.memory_space<vmem_shared>>)
    }
    %barrier3A_417 = arith.constant 0 : index
    tpu.barrier barrier_id(%barrier3A_417)
    %while3A_418 = arith.constant 0 : i32
    %while3A_419 = arith.constant 0 : i32
    %while3A_420 = arith.subi %select_n3A, %while3A_419 : i32
    %while3A_421 = arith.addi %while3A_419, %while3A_420 : i32
    %while3A_422 = arith.constant 1 : i32
    %while3A_423 = arith.divsi %while3A_420, %while3A_422 : i32
    %while3A_424 = arith.muli %while3A_423, %while3A_422 : i32
    %while3A_425 = arith.addi %while3A_419, %while3A_424 : i32
    %while3A_426 = arith.constant 1 : i32
    scf.for %while3A_839 = %while3A_419 to %while3A_425 step %while3A_426  : i32 {
      %mul3A_840 = arith.constant 80 : i32
      %mul3A_841 = arith.muli %mul3A_840, %while3A_839 : i32
      %add3A = arith.addi %mul3A_0, %mul3A_841 : i32
      %dma_start3A_842 = arith.constant 0 : i32
      %dma_start3A_843 = tpu.memref_slice %arg10[%add3A, %dma_start3A_842] : memref<10000x128xf32, #tpu.memory_space<vmem_shared>> -> memref<80x128xf32, #tpu.memory_space<vmem_shared>>
      tpu.enqueue_dma source(%arg4 : memref<80x128xf32, #tpu.memory_space<hbm>>) target(%dma_start3A_843 : memref<80x128xf32, #tpu.memory_space<vmem_shared>>) target_semaphore(%arg17 : memref<!tpu.dma_semaphore, #tpu.memory_space<semaphore_mem>>)
    }
    %while3A_427 = arith.constant 1 : i32
    scf.for %while3A_839 = %while3A_425 to %while3A_421 step %while3A_427  : i32 {
      %mul3A_840 = arith.constant 80 : i32
      %mul3A_841 = arith.muli %mul3A_840, %while3A_839 : i32
      %add3A = arith.addi %mul3A_0, %mul3A_841 : i32
      %dma_start3A_842 = arith.constant 0 : i32
      %dma_start3A_843 = tpu.memref_slice %arg10[%add3A, %dma_start3A_842] : memref<10000x128xf32, #tpu.memory_space<vmem_shared>> -> memref<80x128xf32, #tpu.memory_space<vmem_shared>>
      tpu.enqueue_dma source(%arg4 : memref<80x128xf32, #tpu.memory_space<hbm>>) target(%dma_start3A_843 : memref<80x128xf32, #tpu.memory_space<vmem_shared>>) target_semaphore(%arg17 : memref<!tpu.dma_semaphore, #tpu.memory_space<semaphore_mem>>)
    }
    %while3A_428 = arith.constant 0 : i32
    %while3A_429 = arith.constant 0 : i32
    %while3A_430 = arith.subi %select_n3A, %while3A_429 : i32
    %while3A_431 = arith.addi %while3A_429, %while3A_430 : i32
    %while3A_432 = arith.constant 1 : i32
    %while3A_433 = arith.divsi %while3A_430, %while3A_432 : i32
    %while3A_434 = arith.muli %while3A_433, %while3A_432 : i32
    %while3A_435 = arith.addi %while3A_429, %while3A_434 : i32
    %while3A_436 = arith.constant 1 : i32
    scf.for %while3A_839 = %while3A_429 to %while3A_435 step %while3A_436  : i32 {
      %dma_wait3A_840 = arith.constant 0 : i32
      %dma_wait3A_841 = tpu.memref_slice %arg10[%mul3A_0, %dma_wait3A_840] : memref<10000x128xf32, #tpu.memory_space<vmem_shared>> -> memref<80x128xf32, #tpu.memory_space<vmem_shared>>
      tpu.wait_dma2 semaphore(%arg17 : memref<!tpu.dma_semaphore, #tpu.memory_space<semaphore_mem>>) src(%arg4 : memref<80x128xf32, #tpu.memory_space<hbm>>) dst(%dma_wait3A_841 : memref<80x128xf32, #tpu.memory_space<vmem_shared>>)
    }
    %while3A_437 = arith.constant 1 : i32
    scf.for %while3A_839 = %while3A_435 to %while3A_431 step %while3A_437  : i32 {
      %dma_wait3A_840 = arith.constant 0 : i32
      %dma_wait3A_841 = tpu.memref_slice %arg10[%mul3A_0, %dma_wait3A_840] : memref<10000x128xf32, #tpu.memory_space<vmem_shared>> -> memref<80x128xf32, #tpu.memory_space<vmem_shared>>
      tpu.wait_dma2 semaphore(%arg17 : memref<!tpu.dma_semaphore, #tpu.memory_space<semaphore_mem>>) src(%arg4 : memref<80x128xf32, #tpu.memory_space<hbm>>) dst(%dma_wait3A_841 : memref<80x128xf32, #tpu.memory_space<vmem_shared>>)
    }
    %barrier3A_438 = arith.constant 0 : index
    tpu.barrier barrier_id(%barrier3A_438)
    %scan3A_439 = arith.constant 0 : i32
    %scan3A_440 = arith.constant 0 : i32
    %scan3A_441 = arith.constant 15 : i32
    %scan3A_442 = arith.addi %scan3A_440, %scan3A_441 : i32
    %scan3A_443 = arith.constant 1 : i32
    scf.for %scan3A_839 = %scan3A_440 to %scan3A_442 step %scan3A_443  : i32 {
      %sub3A_840 = arith.constant 1 : i32
      %sub3A_841 = arith.subi %sub3A_840, %arg0 : i32
      %mul3A_842 = arith.constant 8 : i32
      %mul3A_843 = arith.muli %mul3A_842, %scan3A_839 : i32
      "tpu.region"() ({
        %run_scoped3A = tpu.sem_alloc : memref<!tpu.dma_semaphore, #tpu.memory_space<semaphore_mem>>
        %dma_start3A_1467 = arith.constant 0 : i32
        %dma_start3A_1468 = tpu.memref_slice %arg3[%sub3A_841, %arg1, %mul3A_843, %dma_start3A_1467] : memref<2x16x128x80xi32, #tpu.memory_space<hbm>> -> memref<1x1x8x80xi32, #tpu.memory_space<hbm>>
        %dma_start3A_1469 = tpu.memref_squeeze %dma_start3A_1468 : memref<1x1x8x80xi32, #tpu.memory_space<hbm>> -> memref<8x80xi32, #tpu.memory_space<hbm>>
        %dma_start3A_1470 = arith.constant 0 : i32
        %dma_start3A_1471 = tpu.memref_slice %arg3[%sub3A_841, %arg1, %mul3A_843, %dma_start3A_1470] : memref<2x16x128x80xi32, #tpu.memory_space<hbm>> -> memref<1x1x8x80xi32, #tpu.memory_space<hbm>>
        %dma_start3A_1472 = tpu.memref_squeeze %dma_start3A_1471 : memref<1x1x8x80xi32, #tpu.memory_space<hbm>> -> memref<8x80xi32, #tpu.memory_space<hbm>>
        tpu.enqueue_dma source(%dma_start3A_1472 : memref<8x80xi32, #tpu.memory_space<hbm>>) target(%arg7 : memref<8x80xi32, #tpu.memory_space<vmem>>) target_semaphore(%run_scoped3A : memref<!tpu.dma_semaphore, #tpu.memory_space<semaphore_mem>>)
        %dma_wait3A_1473 = arith.constant 0 : i32
        %dma_wait3A_1474 = tpu.memref_slice %arg3[%sub3A_841, %arg1, %mul3A_843, %dma_wait3A_1473] : memref<2x16x128x80xi32, #tpu.memory_space<hbm>> -> memref<1x1x8x80xi32, #tpu.memory_space<hbm>>
        %dma_wait3A_1475 = tpu.memref_squeeze %dma_wait3A_1474 : memref<1x1x8x80xi32, #tpu.memory_space<hbm>> -> memref<8x80xi32, #tpu.memory_space<hbm>>
        %dma_wait3A_1476 = arith.constant 0 : i32
        %dma_wait3A_1477 = tpu.memref_slice %arg3[%sub3A_841, %arg1, %mul3A_843, %dma_wait3A_1476] : memref<2x16x128x80xi32, #tpu.memory_space<hbm>> -> memref<1x1x8x80xi32, #tpu.memory_space<hbm>>
        %dma_wait3A_1478 = tpu.memref_squeeze %dma_wait3A_1477 : memref<1x1x8x80xi32, #tpu.memory_space<hbm>> -> memref<8x80xi32, #tpu.memory_space<hbm>>
        tpu.wait_dma2 semaphore(%run_scoped3A : memref<!tpu.dma_semaphore, #tpu.memory_space<semaphore_mem>>) src(%dma_wait3A_1478 : memref<8x80xi32, #tpu.memory_space<hbm>>) dst(%arg7 : memref<8x80xi32, #tpu.memory_space<vmem>>)
        tpu.yield
      }) : () -> ()
      %mul3A_844 = arith.constant 8 : i32
      %mul3A_845 = arith.muli %mul3A_844, %scan3A_839 : i32
      %add3A = arith.constant 0 : i32
      %add3A_846 = arith.addi %mul3A_845, %add3A : i32
      %dma_start3A_847 = arith.constant 1 : i32
      %dma_start3A_848 = arith.constant 0 : i32
      %dma_start3A_849 = arith.constant 0 : i32
      %dma_start3A_850 = tpu.memref_slice %arg8[%dma_start3A_848, %dma_start3A_849] : memref<80x128xf32, #tpu.memory_space<vmem>> -> memref<40x128xf32, #tpu.memory_space<vmem>>
      %dma_start3A_851 = arith.constant 0 : i32
      %dma_start3A_852 = tpu.memref_slice %arg6[%add3A_846, %dma_start3A_851] : memref<128x80xi32, #tpu.memory_space<vmem>> -> memref<1x40xi32, #tpu.memory_space<vmem>>
      %dma_start3A_853 = tpu.memref_squeeze %dma_start3A_852 : memref<1x40xi32, #tpu.memory_space<vmem>> -> memref<40xi32, #tpu.memory_space<vmem>>
      %dma_start3A_854 = arith.constant 0 : i32
      %dma_start3A_855 = arith.constant 0 : i32
      %dma_start3A_856 = tpu.memref_slice %arg2[%arg0, %dma_start3A_847, %dma_start3A_854, %dma_start3A_855] : memref<2x2x10000x128xf32, #tpu.memory_space<hbm>> -> memref<1x1x10000x128xf32, #tpu.memory_space<hbm>>
      %dma_start3A_857 = tpu.memref_squeeze %dma_start3A_856 : memref<1x1x10000x128xf32, #tpu.memory_space<hbm>> -> memref<10000x128xf32, #tpu.memory_space<hbm>>
      %dma_start3A_858 = arith.constant 0 : i32
      %dma_start3A_859 = arith.constant 0 : i32
      %dma_start3A_860 = tpu.memref_slice %dma_start3A_857[%dma_start3A_858, %dma_start3A_859] : memref<10000x128xf32, #tpu.memory_space<hbm>> -> memref<10000x128xf32, #tpu.memory_space<hbm>>
      tpu.enqueue_indirect_dma source(%dma_start3A_860 : memref<10000x128xf32, #tpu.memory_space<hbm>>) target(%dma_start3A_850 : memref<40x128xf32, #tpu.memory_space<vmem>>) offsets(%dma_start3A_853 : memref<40xi32, #tpu.memory_space<vmem>>) semaphore(%arg11 : memref<!tpu.dma_semaphore, #tpu.memory_space<semaphore_mem>>)
      %mul3A_861 = arith.constant 8 : i32
      %mul3A_862 = arith.muli %mul3A_861, %scan3A_839 : i32
      %add3A_863 = arith.constant 0 : i32
      %add3A_864 = arith.addi %mul3A_862, %add3A_863 : i32
      %dma_start3A_865 = arith.constant 1 : i32
      %dma_start3A_866 = arith.constant 40 : i32
      %dma_start3A_867 = arith.constant 0 : i32
      %dma_start3A_868 = tpu.memref_slice %arg8[%dma_start3A_866, %dma_start3A_867] : memref<80x128xf32, #tpu.memory_space<vmem>> -> memref<40x128xf32, #tpu.memory_space<vmem>>
      %dma_start3A_869 = arith.constant 40 : i32
      %dma_start3A_870 = tpu.memref_slice %arg6[%add3A_864, %dma_start3A_869] : memref<128x80xi32, #tpu.memory_space<vmem>> -> memref<1x40xi32, #tpu.memory_space<vmem>>
      %dma_start3A_871 = tpu.memref_squeeze %dma_start3A_870 : memref<1x40xi32, #tpu.memory_space<vmem>> -> memref<40xi32, #tpu.memory_space<vmem>>
      %dma_start3A_872 = arith.constant 0 : i32
      %dma_start3A_873 = arith.constant 0 : i32
      %dma_start3A_874 = tpu.memref_slice %arg2[%arg0, %dma_start3A_865, %dma_start3A_872, %dma_start3A_873] : memref<2x2x10000x128xf32, #tpu.memory_space<hbm>> -> memref<1x1x10000x128xf32, #tpu.memory_space<hbm>>
      %dma_start3A_875 = tpu.memref_squeeze %dma_start3A_874 : memref<1x1x10000x128xf32, #tpu.memory_space<hbm>> -> memref<10000x128xf32, #tpu.memory_space<hbm>>
      %dma_start3A_876 = arith.constant 0 : i32
      %dma_start3A_877 = arith.constant 0 : i32
      %dma_start3A_878 = tpu.memref_slice %dma_start3A_875[%dma_start3A_876, %dma_start3A_877] : memref<10000x128xf32, #tpu.memory_space<hbm>> -> memref<10000x128xf32, #tpu.memory_space<hbm>>
      tpu.enqueue_indirect_dma source(%dma_start3A_878 : memref<10000x128xf32, #tpu.memory_space<hbm>>) target(%dma_start3A_868 : memref<40x128xf32, #tpu.memory_space<vmem>>) offsets(%dma_start3A_871 : memref<40xi32, #tpu.memory_space<vmem>>) semaphore(%arg12 : memref<!tpu.dma_semaphore, #tpu.memory_space<semaphore_mem>>)
      %mul3A_879 = arith.constant 8 : i32
      %mul3A_880 = arith.muli %mul3A_879, %scan3A_839 : i32
      %add3A_881 = arith.constant 1 : i32
      %add3A_882 = arith.addi %mul3A_880, %add3A_881 : i32
      %dma_start3A_883 = arith.constant 1 : i32
      %dma_start3A_884 = arith.constant 0 : i32
      %dma_start3A_885 = arith.constant 0 : i32
      %dma_start3A_886 = tpu.memref_slice %arg9[%dma_start3A_884, %dma_start3A_885] : memref<80x128xf32, #tpu.memory_space<vmem>> -> memref<40x128xf32, #tpu.memory_space<vmem>>
      %dma_start3A_887 = arith.constant 0 : i32
      %dma_start3A_888 = tpu.memref_slice %arg6[%add3A_882, %dma_start3A_887] : memref<128x80xi32, #tpu.memory_space<vmem>> -> memref<1x40xi32, #tpu.memory_space<vmem>>
      %dma_start3A_889 = tpu.memref_squeeze %dma_start3A_888 : memref<1x40xi32, #tpu.memory_space<vmem>> -> memref<40xi32, #tpu.memory_space<vmem>>
      %dma_start3A_890 = arith.constant 0 : i32
      %dma_start3A_891 = arith.constant 0 : i32
      %dma_start3A_892 = tpu.memref_slice %arg2[%arg0, %dma_start3A_883, %dma_start3A_890, %dma_start3A_891] : memref<2x2x10000x128xf32, #tpu.memory_space<hbm>> -> memref<1x1x10000x128xf32, #tpu.memory_space<hbm>>
      %dma_start3A_893 = tpu.memref_squeeze %dma_start3A_892 : memref<1x1x10000x128xf32, #tpu.memory_space<hbm>> -> memref<10000x128xf32, #tpu.memory_space<hbm>>
      %dma_start3A_894 = arith.constant 0 : i32
      %dma_start3A_895 = arith.constant 0 : i32
      %dma_start3A_896 = tpu.memref_slice %dma_start3A_893[%dma_start3A_894, %dma_start3A_895] : memref<10000x128xf32, #tpu.memory_space<hbm>> -> memref<10000x128xf32, #tpu.memory_space<hbm>>
      tpu.enqueue_indirect_dma source(%dma_start3A_896 : memref<10000x128xf32, #tpu.memory_space<hbm>>) target(%dma_start3A_886 : memref<40x128xf32, #tpu.memory_space<vmem>>) offsets(%dma_start3A_889 : memref<40xi32, #tpu.memory_space<vmem>>) semaphore(%arg13 : memref<!tpu.dma_semaphore, #tpu.memory_space<semaphore_mem>>)
      %mul3A_897 = arith.constant 8 : i32
      %mul3A_898 = arith.muli %mul3A_897, %scan3A_839 : i32
      %add3A_899 = arith.constant 1 : i32
      %add3A_900 = arith.addi %mul3A_898, %add3A_899 : i32
      %dma_start3A_901 = arith.constant 1 : i32
      %dma_start3A_902 = arith.constant 40 : i32
      %dma_start3A_903 = arith.constant 0 : i32
      %dma_start3A_904 = tpu.memref_slice %arg9[%dma_start3A_902, %dma_start3A_903] : memref<80x128xf32, #tpu.memory_space<vmem>> -> memref<40x128xf32, #tpu.memory_space<vmem>>
      %dma_start3A_905 = arith.constant 40 : i32
      %dma_start3A_906 = tpu.memref_slice %arg6[%add3A_900, %dma_start3A_905] : memref<128x80xi32, #tpu.memory_space<vmem>> -> memref<1x40xi32, #tpu.memory_space<vmem>>
      %dma_start3A_907 = tpu.memref_squeeze %dma_start3A_906 : memref<1x40xi32, #tpu.memory_space<vmem>> -> memref<40xi32, #tpu.memory_space<vmem>>
      %dma_start3A_908 = arith.constant 0 : i32
      %dma_start3A_909 = arith.constant 0 : i32
      %dma_start3A_910 = tpu.memref_slice %arg2[%arg0, %dma_start3A_901, %dma_start3A_908, %dma_start3A_909] : memref<2x2x10000x128xf32, #tpu.memory_space<hbm>> -> memref<1x1x10000x128xf32, #tpu.memory_space<hbm>>
      %dma_start3A_911 = tpu.memref_squeeze %dma_start3A_910 : memref<1x1x10000x128xf32, #tpu.memory_space<hbm>> -> memref<10000x128xf32, #tpu.memory_space<hbm>>
      %dma_start3A_912 = arith.constant 0 : i32
      %dma_start3A_913 = arith.constant 0 : i32
      %dma_start3A_914 = tpu.memref_slice %dma_start3A_911[%dma_start3A_912, %dma_start3A_913] : memref<10000x128xf32, #tpu.memory_space<hbm>> -> memref<10000x128xf32, #tpu.memory_space<hbm>>
      tpu.enqueue_indirect_dma source(%dma_start3A_914 : memref<10000x128xf32, #tpu.memory_space<hbm>>) target(%dma_start3A_904 : memref<40x128xf32, #tpu.memory_space<vmem>>) offsets(%dma_start3A_907 : memref<40xi32, #tpu.memory_space<vmem>>) semaphore(%arg14 : memref<!tpu.dma_semaphore, #tpu.memory_space<semaphore_mem>>)
      %dma_wait3A_915 = arith.constant 1 : i32
      %dma_wait3A_916 = arith.constant 0 : i32
      %dma_wait3A_917 = arith.constant 0 : i32
      %dma_wait3A_918 = tpu.memref_slice %arg8[%dma_wait3A_916, %dma_wait3A_917] : memref<80x128xf32, #tpu.memory_space<vmem>> -> memref<40x128xf32, #tpu.memory_space<vmem>>
      %dma_wait3A_919 = arith.constant 0 : i32
      %dma_wait3A_920 = tpu.memref_slice %arg6[%add3A_846, %dma_wait3A_919] : memref<128x80xi32, #tpu.memory_space<vmem>> -> memref<1x40xi32, #tpu.memory_space<vmem>>
      %dma_wait3A_921 = tpu.memref_squeeze %dma_wait3A_920 : memref<1x40xi32, #tpu.memory_space<vmem>> -> memref<40xi32, #tpu.memory_space<vmem>>
      %dma_wait3A_922 = arith.constant 0 : i32
      %dma_wait3A_923 = arith.constant 0 : i32
      %dma_wait3A_924 = tpu.memref_slice %arg2[%arg0, %dma_wait3A_915, %dma_wait3A_922, %dma_wait3A_923] : memref<2x2x10000x128xf32, #tpu.memory_space<hbm>> -> memref<1x1x10000x128xf32, #tpu.memory_space<hbm>>
      %dma_wait3A_925 = tpu.memref_squeeze %dma_wait3A_924 : memref<1x1x10000x128xf32, #tpu.memory_space<hbm>> -> memref<10000x128xf32, #tpu.memory_space<hbm>>
      %dma_wait3A_926 = arith.constant 0 : i32
      %dma_wait3A_927 = arith.constant 0 : i32
      %dma_wait3A_928 = tpu.memref_slice %dma_wait3A_925[%dma_wait3A_926, %dma_wait3A_927] : memref<10000x128xf32, #tpu.memory_space<hbm>> -> memref<10000x128xf32, #tpu.memory_space<hbm>>
      tpu.wait_indirect_dma semaphore(%arg11 : memref<!tpu.dma_semaphore, #tpu.memory_space<semaphore_mem>>) src(%dma_wait3A_928 : memref<10000x128xf32, #tpu.memory_space<hbm>>) dst(%dma_wait3A_918 : memref<40x128xf32, #tpu.memory_space<vmem>>)
      %dma_wait3A_929 = arith.constant 1 : i32
      %dma_wait3A_930 = arith.constant 40 : i32
      %dma_wait3A_931 = arith.constant 0 : i32
      %dma_wait3A_932 = tpu.memref_slice %arg8[%dma_wait3A_930, %dma_wait3A_931] : memref<80x128xf32, #tpu.memory_space<vmem>> -> memref<40x128xf32, #tpu.memory_space<vmem>>
      %dma_wait3A_933 = arith.constant 40 : i32
      %dma_wait3A_934 = tpu.memref_slice %arg6[%add3A_864, %dma_wait3A_933] : memref<128x80xi32, #tpu.memory_space<vmem>> -> memref<1x40xi32, #tpu.memory_space<vmem>>
      %dma_wait3A_935 = tpu.memref_squeeze %dma_wait3A_934 : memref<1x40xi32, #tpu.memory_space<vmem>> -> memref<40xi32, #tpu.memory_space<vmem>>
      %dma_wait3A_936 = arith.constant 0 : i32
      %dma_wait3A_937 = arith.constant 0 : i32
      %dma_wait3A_938 = tpu.memref_slice %arg2[%arg0, %dma_wait3A_929, %dma_wait3A_936, %dma_wait3A_937] : memref<2x2x10000x128xf32, #tpu.memory_space<hbm>> -> memref<1x1x10000x128xf32, #tpu.memory_space<hbm>>
      %dma_wait3A_939 = tpu.memref_squeeze %dma_wait3A_938 : memref<1x1x10000x128xf32, #tpu.memory_space<hbm>> -> memref<10000x128xf32, #tpu.memory_space<hbm>>
      %dma_wait3A_940 = arith.constant 0 : i32
      %dma_wait3A_941 = arith.constant 0 : i32
      %dma_wait3A_942 = tpu.memref_slice %dma_wait3A_939[%dma_wait3A_940, %dma_wait3A_941] : memref<10000x128xf32, #tpu.memory_space<hbm>> -> memref<10000x128xf32, #tpu.memory_space<hbm>>
      tpu.wait_indirect_dma semaphore(%arg12 : memref<!tpu.dma_semaphore, #tpu.memory_space<semaphore_mem>>) src(%dma_wait3A_942 : memref<10000x128xf32, #tpu.memory_space<hbm>>) dst(%dma_wait3A_932 : memref<40x128xf32, #tpu.memory_space<vmem>>)
      %dma_start3A_943 = arith.constant 0 : i32
      %dma_start3A_944 = arith.constant 0 : i32
      %dma_start3A_945 = tpu.memref_slice %arg7[%dma_start3A_943, %dma_start3A_944] : memref<8x80xi32, #tpu.memory_space<vmem>> -> memref<1x80xi32, #tpu.memory_space<vmem>>
      %dma_start3A_946 = tpu.memref_squeeze %dma_start3A_945 : memref<1x80xi32, #tpu.memory_space<vmem>> -> memref<80xi32, #tpu.memory_space<vmem>>
      %dma_start3A_947 = arith.constant 0 : i32
      %dma_start3A_948 = arith.constant 0 : i32
      %dma_start3A_949 = tpu.memref_slice %arg10[%dma_start3A_947, %dma_start3A_948] : memref<10000x128xf32, #tpu.memory_space<vmem_shared>> -> memref<10000x128xf32, #tpu.memory_space<vmem_shared>>
      tpu.enqueue_indirect_dma source(%arg8 : memref<80x128xf32, #tpu.memory_space<vmem>>) target(%dma_start3A_949 : memref<10000x128xf32, #tpu.memory_space<vmem_shared>>) offsets(%dma_start3A_946 : memref<80xi32, #tpu.memory_space<vmem>>) semaphore(%arg15 : memref<!tpu.dma_semaphore, #tpu.memory_space<semaphore_mem>>) {add = true}
      %dma_wait3A_950 = arith.constant 0 : i32
      %dma_wait3A_951 = arith.constant 0 : i32
      %dma_wait3A_952 = tpu.memref_slice %arg7[%dma_wait3A_950, %dma_wait3A_951] : memref<8x80xi32, #tpu.memory_space<vmem>> -> memref<1x80xi32, #tpu.memory_space<vmem>>
      %dma_wait3A_953 = tpu.memref_squeeze %dma_wait3A_952 : memref<1x80xi32, #tpu.memory_space<vmem>> -> memref<80xi32, #tpu.memory_space<vmem>>
      %dma_wait3A_954 = arith.constant 0 : i32
      %dma_wait3A_955 = arith.constant 0 : i32
      %dma_wait3A_956 = tpu.memref_slice %arg10[%dma_wait3A_954, %dma_wait3A_955] : memref<10000x128xf32, #tpu.memory_space<vmem_shared>> -> memref<10000x128xf32, #tpu.memory_space<vmem_shared>>
      tpu.wait_indirect_dma semaphore(%arg15 : memref<!tpu.dma_semaphore, #tpu.memory_space<semaphore_mem>>) src(%arg8 : memref<80x128xf32, #tpu.memory_space<vmem>>) dst(%dma_wait3A_956 : memref<10000x128xf32, #tpu.memory_space<vmem_shared>>)
      %mul3A_957 = arith.constant 8 : i32
      %mul3A_958 = arith.muli %mul3A_957, %scan3A_839 : i32
      %add3A_959 = arith.constant 2 : i32
      %add3A_960 = arith.addi %mul3A_958, %add3A_959 : i32
      %dma_start3A_961 = arith.constant 1 : i32
      %dma_start3A_962 = arith.constant 0 : i32
      %dma_start3A_963 = arith.constant 0 : i32
      %dma_start3A_964 = tpu.memref_slice %arg8[%dma_start3A_962, %dma_start3A_963] : memref<80x128xf32, #tpu.memory_space<vmem>> -> memref<40x128xf32, #tpu.memory_space<vmem>>
      %dma_start3A_965 = arith.constant 0 : i32
      %dma_start3A_966 = tpu.memref_slice %arg6[%add3A_960, %dma_start3A_965] : memref<128x80xi32, #tpu.memory_space<vmem>> -> memref<1x40xi32, #tpu.memory_space<vmem>>
      %dma_start3A_967 = tpu.memref_squeeze %dma_start3A_966 : memref<1x40xi32, #tpu.memory_space<vmem>> -> memref<40xi32, #tpu.memory_space<vmem>>
      %dma_start3A_968 = arith.constant 0 : i32
      %dma_start3A_969 = arith.constant 0 : i32
      %dma_start3A_970 = tpu.memref_slice %arg2[%arg0, %dma_start3A_961, %dma_start3A_968, %dma_start3A_969] : memref<2x2x10000x128xf32, #tpu.memory_space<hbm>> -> memref<1x1x10000x128xf32, #tpu.memory_space<hbm>>
      %dma_start3A_971 = tpu.memref_squeeze %dma_start3A_970 : memref<1x1x10000x128xf32, #tpu.memory_space<hbm>> -> memref<10000x128xf32, #tpu.memory_space<hbm>>
      %dma_start3A_972 = arith.constant 0 : i32
      %dma_start3A_973 = arith.constant 0 : i32
      %dma_start3A_974 = tpu.memref_slice %dma_start3A_971[%dma_start3A_972, %dma_start3A_973] : memref<10000x128xf32, #tpu.memory_space<hbm>> -> memref<10000x128xf32, #tpu.memory_space<hbm>>
      tpu.enqueue_indirect_dma source(%dma_start3A_974 : memref<10000x128xf32, #tpu.memory_space<hbm>>) target(%dma_start3A_964 : memref<40x128xf32, #tpu.memory_space<vmem>>) offsets(%dma_start3A_967 : memref<40xi32, #tpu.memory_space<vmem>>) semaphore(%arg11 : memref<!tpu.dma_semaphore, #tpu.memory_space<semaphore_mem>>)
      %mul3A_975 = arith.constant 8 : i32
      %mul3A_976 = arith.muli %mul3A_975, %scan3A_839 : i32
      %add3A_977 = arith.constant 2 : i32
      %add3A_978 = arith.addi %mul3A_976, %add3A_977 : i32
      %dma_start3A_979 = arith.constant 1 : i32
      %dma_start3A_980 = arith.constant 40 : i32
      %dma_start3A_981 = arith.constant 0 : i32
      %dma_start3A_982 = tpu.memref_slice %arg8[%dma_start3A_980, %dma_start3A_981] : memref<80x128xf32, #tpu.memory_space<vmem>> -> memref<40x128xf32, #tpu.memory_space<vmem>>
      %dma_start3A_983 = arith.constant 40 : i32
      %dma_start3A_984 = tpu.memref_slice %arg6[%add3A_978, %dma_start3A_983] : memref<128x80xi32, #tpu.memory_space<vmem>> -> memref<1x40xi32, #tpu.memory_space<vmem>>
      %dma_start3A_985 = tpu.memref_squeeze %dma_start3A_984 : memref<1x40xi32, #tpu.memory_space<vmem>> -> memref<40xi32, #tpu.memory_space<vmem>>
      %dma_start3A_986 = arith.constant 0 : i32
      %dma_start3A_987 = arith.constant 0 : i32
      %dma_start3A_988 = tpu.memref_slice %arg2[%arg0, %dma_start3A_979, %dma_start3A_986, %dma_start3A_987] : memref<2x2x10000x128xf32, #tpu.memory_space<hbm>> -> memref<1x1x10000x128xf32, #tpu.memory_space<hbm>>
      %dma_start3A_989 = tpu.memref_squeeze %dma_start3A_988 : memref<1x1x10000x128xf32, #tpu.memory_space<hbm>> -> memref<10000x128xf32, #tpu.memory_space<hbm>>
      %dma_start3A_990 = arith.constant 0 : i32
      %dma_start3A_991 = arith.constant 0 : i32
      %dma_start3A_992 = tpu.memref_slice %dma_start3A_989[%dma_start3A_990, %dma_start3A_991] : memref<10000x128xf32, #tpu.memory_space<hbm>> -> memref<10000x128xf32, #tpu.memory_space<hbm>>
      tpu.enqueue_indirect_dma source(%dma_start3A_992 : memref<10000x128xf32, #tpu.memory_space<hbm>>) target(%dma_start3A_982 : memref<40x128xf32, #tpu.memory_space<vmem>>) offsets(%dma_start3A_985 : memref<40xi32, #tpu.memory_space<vmem>>) semaphore(%arg12 : memref<!tpu.dma_semaphore, #tpu.memory_space<semaphore_mem>>)
      %dma_wait3A_993 = arith.constant 1 : i32
      %dma_wait3A_994 = arith.constant 0 : i32
      %dma_wait3A_995 = arith.constant 0 : i32
      %dma_wait3A_996 = tpu.memref_slice %arg9[%dma_wait3A_994, %dma_wait3A_995] : memref<80x128xf32, #tpu.memory_space<vmem>> -> memref<40x128xf32, #tpu.memory_space<vmem>>
      %dma_wait3A_997 = arith.constant 0 : i32
      %dma_wait3A_998 = tpu.memref_slice %arg6[%add3A_882, %dma_wait3A_997] : memref<128x80xi32, #tpu.memory_space<vmem>> -> memref<1x40xi32, #tpu.memory_space<vmem>>
      %dma_wait3A_999 = tpu.memref_squeeze %dma_wait3A_998 : memref<1x40xi32, #tpu.memory_space<vmem>> -> memref<40xi32, #tpu.memory_space<vmem>>
      %dma_wait3A_1000 = arith.constant 0 : i32
      %dma_wait3A_1001 = arith.constant 0 : i32
      %dma_wait3A_1002 = tpu.memref_slice %arg2[%arg0, %dma_wait3A_993, %dma_wait3A_1000, %dma_wait3A_1001] : memref<2x2x10000x128xf32, #tpu.memory_space<hbm>> -> memref<1x1x10000x128xf32, #tpu.memory_space<hbm>>
      %dma_wait3A_1003 = tpu.memref_squeeze %dma_wait3A_1002 : memref<1x1x10000x128xf32, #tpu.memory_space<hbm>> -> memref<10000x128xf32, #tpu.memory_space<hbm>>
      %dma_wait3A_1004 = arith.constant 0 : i32
      %dma_wait3A_1005 = arith.constant 0 : i32
      %dma_wait3A_1006 = tpu.memref_slice %dma_wait3A_1003[%dma_wait3A_1004, %dma_wait3A_1005] : memref<10000x128xf32, #tpu.memory_space<hbm>> -> memref<10000x128xf32, #tpu.memory_space<hbm>>
      tpu.wait_indirect_dma semaphore(%arg13 : memref<!tpu.dma_semaphore, #tpu.memory_space<semaphore_mem>>) src(%dma_wait3A_1006 : memref<10000x128xf32, #tpu.memory_space<hbm>>) dst(%dma_wait3A_996 : memref<40x128xf32, #tpu.memory_space<vmem>>)
      %dma_wait3A_1007 = arith.constant 1 : i32
      %dma_wait3A_1008 = arith.constant 40 : i32
      %dma_wait3A_1009 = arith.constant 0 : i32
      %dma_wait3A_1010 = tpu.memref_slice %arg9[%dma_wait3A_1008, %dma_wait3A_1009] : memref<80x128xf32, #tpu.memory_space<vmem>> -> memref<40x128xf32, #tpu.memory_space<vmem>>
      %dma_wait3A_1011 = arith.constant 40 : i32
      %dma_wait3A_1012 = tpu.memref_slice %arg6[%add3A_900, %dma_wait3A_1011] : memref<128x80xi32, #tpu.memory_space<vmem>> -> memref<1x40xi32, #tpu.memory_space<vmem>>
      %dma_wait3A_1013 = tpu.memref_squeeze %dma_wait3A_1012 : memref<1x40xi32, #tpu.memory_space<vmem>> -> memref<40xi32, #tpu.memory_space<vmem>>
      %dma_wait3A_1014 = arith.constant 0 : i32
      %dma_wait3A_1015 = arith.constant 0 : i32
      %dma_wait3A_1016 = tpu.memref_slice %arg2[%arg0, %dma_wait3A_1007, %dma_wait3A_1014, %dma_wait3A_1015] : memref<2x2x10000x128xf32, #tpu.memory_space<hbm>> -> memref<1x1x10000x128xf32, #tpu.memory_space<hbm>>
      %dma_wait3A_1017 = tpu.memref_squeeze %dma_wait3A_1016 : memref<1x1x10000x128xf32, #tpu.memory_space<hbm>> -> memref<10000x128xf32, #tpu.memory_space<hbm>>
      %dma_wait3A_1018 = arith.constant 0 : i32
      %dma_wait3A_1019 = arith.constant 0 : i32
      %dma_wait3A_1020 = tpu.memref_slice %dma_wait3A_1017[%dma_wait3A_1018, %dma_wait3A_1019] : memref<10000x128xf32, #tpu.memory_space<hbm>> -> memref<10000x128xf32, #tpu.memory_space<hbm>>
      tpu.wait_indirect_dma semaphore(%arg14 : memref<!tpu.dma_semaphore, #tpu.memory_space<semaphore_mem>>) src(%dma_wait3A_1020 : memref<10000x128xf32, #tpu.memory_space<hbm>>) dst(%dma_wait3A_1010 : memref<40x128xf32, #tpu.memory_space<vmem>>)
      %dma_start3A_1021 = arith.constant 1 : i32
      %dma_start3A_1022 = arith.constant 0 : i32
      %dma_start3A_1023 = tpu.memref_slice %arg7[%dma_start3A_1021, %dma_start3A_1022] : memref<8x80xi32, #tpu.memory_space<vmem>> -> memref<1x80xi32, #tpu.memory_space<vmem>>
      %dma_start3A_1024 = tpu.memref_squeeze %dma_start3A_1023 : memref<1x80xi32, #tpu.memory_space<vmem>> -> memref<80xi32, #tpu.memory_space<vmem>>
      %dma_start3A_1025 = arith.constant 0 : i32
      %dma_start3A_1026 = arith.constant 0 : i32
      %dma_start3A_1027 = tpu.memref_slice %arg10[%dma_start3A_1025, %dma_start3A_1026] : memref<10000x128xf32, #tpu.memory_space<vmem_shared>> -> memref<10000x128xf32, #tpu.memory_space<vmem_shared>>
      tpu.enqueue_indirect_dma source(%arg9 : memref<80x128xf32, #tpu.memory_space<vmem>>) target(%dma_start3A_1027 : memref<10000x128xf32, #tpu.memory_space<vmem_shared>>) offsets(%dma_start3A_1024 : memref<80xi32, #tpu.memory_space<vmem>>) semaphore(%arg16 : memref<!tpu.dma_semaphore, #tpu.memory_space<semaphore_mem>>) {add = true}
      %dma_wait3A_1028 = arith.constant 1 : i32
      %dma_wait3A_1029 = arith.constant 0 : i32
      %dma_wait3A_1030 = tpu.memref_slice %arg7[%dma_wait3A_1028, %dma_wait3A_1029] : memref<8x80xi32, #tpu.memory_space<vmem>> -> memref<1x80xi32, #tpu.memory_space<vmem>>
      %dma_wait3A_1031 = tpu.memref_squeeze %dma_wait3A_1030 : memref<1x80xi32, #tpu.memory_space<vmem>> -> memref<80xi32, #tpu.memory_space<vmem>>
      %dma_wait3A_1032 = arith.constant 0 : i32
      %dma_wait3A_1033 = arith.constant 0 : i32
      %dma_wait3A_1034 = tpu.memref_slice %arg10[%dma_wait3A_1032, %dma_wait3A_1033] : memref<10000x128xf32, #tpu.memory_space<vmem_shared>> -> memref<10000x128xf32, #tpu.memory_space<vmem_shared>>
      tpu.wait_indirect_dma semaphore(%arg16 : memref<!tpu.dma_semaphore, #tpu.memory_space<semaphore_mem>>) src(%arg9 : memref<80x128xf32, #tpu.memory_space<vmem>>) dst(%dma_wait3A_1034 : memref<10000x128xf32, #tpu.memory_space<vmem_shared>>)
      %mul3A_1035 = arith.constant 8 : i32
      %mul3A_1036 = arith.muli %mul3A_1035, %scan3A_839 : i32
      %add3A_1037 = arith.constant 3 : i32
      %add3A_1038 = arith.addi %mul3A_1036, %add3A_1037 : i32
      %dma_start3A_1039 = arith.constant 1 : i32
      %dma_start3A_1040 = arith.constant 0 : i32
      %dma_start3A_1041 = arith.constant 0 : i32
      %dma_start3A_1042 = tpu.memref_slice %arg9[%dma_start3A_1040, %dma_start3A_1041] : memref<80x128xf32, #tpu.memory_space<vmem>> -> memref<40x128xf32, #tpu.memory_space<vmem>>
      %dma_start3A_1043 = arith.constant 0 : i32
      %dma_start3A_1044 = tpu.memref_slice %arg6[%add3A_1038, %dma_start3A_1043] : memref<128x80xi32, #tpu.memory_space<vmem>> -> memref<1x40xi32, #tpu.memory_space<vmem>>
      %dma_start3A_1045 = tpu.memref_squeeze %dma_start3A_1044 : memref<1x40xi32, #tpu.memory_space<vmem>> -> memref<40xi32, #tpu.memory_space<vmem>>
      %dma_start3A_1046 = arith.constant 0 : i32
      %dma_start3A_1047 = arith.constant 0 : i32
      %dma_start3A_1048 = tpu.memref_slice %arg2[%arg0, %dma_start3A_1039, %dma_start3A_1046, %dma_start3A_1047] : memref<2x2x10000x128xf32, #tpu.memory_space<hbm>> -> memref<1x1x10000x128xf32, #tpu.memory_space<hbm>>
      %dma_start3A_1049 = tpu.memref_squeeze %dma_start3A_1048 : memref<1x1x10000x128xf32, #tpu.memory_space<hbm>> -> memref<10000x128xf32, #tpu.memory_space<hbm>>
      %dma_start3A_1050 = arith.constant 0 : i32
      %dma_start3A_1051 = arith.constant 0 : i32
      %dma_start3A_1052 = tpu.memref_slice %dma_start3A_1049[%dma_start3A_1050, %dma_start3A_1051] : memref<10000x128xf32, #tpu.memory_space<hbm>> -> memref<10000x128xf32, #tpu.memory_space<hbm>>
      tpu.enqueue_indirect_dma source(%dma_start3A_1052 : memref<10000x128xf32, #tpu.memory_space<hbm>>) target(%dma_start3A_1042 : memref<40x128xf32, #tpu.memory_space<vmem>>) offsets(%dma_start3A_1045 : memref<40xi32, #tpu.memory_space<vmem>>) semaphore(%arg13 : memref<!tpu.dma_semaphore, #tpu.memory_space<semaphore_mem>>)
      %mul3A_1053 = arith.constant 8 : i32
      %mul3A_1054 = arith.muli %mul3A_1053, %scan3A_839 : i32
      %add3A_1055 = arith.constant 3 : i32
      %add3A_1056 = arith.addi %mul3A_1054, %add3A_1055 : i32
      %dma_start3A_1057 = arith.constant 1 : i32
      %dma_start3A_1058 = arith.constant 40 : i32
      %dma_start3A_1059 = arith.constant 0 : i32
      %dma_start3A_1060 = tpu.memref_slice %arg9[%dma_start3A_1058, %dma_start3A_1059] : memref<80x128xf32, #tpu.memory_space<vmem>> -> memref<40x128xf32, #tpu.memory_space<vmem>>
      %dma_start3A_1061 = arith.constant 40 : i32
      %dma_start3A_1062 = tpu.memref_slice %arg6[%add3A_1056, %dma_start3A_1061] : memref<128x80xi32, #tpu.memory_space<vmem>> -> memref<1x40xi32, #tpu.memory_space<vmem>>
      %dma_start3A_1063 = tpu.memref_squeeze %dma_start3A_1062 : memref<1x40xi32, #tpu.memory_space<vmem>> -> memref<40xi32, #tpu.memory_space<vmem>>
      %dma_start3A_1064 = arith.constant 0 : i32
      %dma_start3A_1065 = arith.constant 0 : i32
      %dma_start3A_1066 = tpu.memref_slice %arg2[%arg0, %dma_start3A_1057, %dma_start3A_1064, %dma_start3A_1065] : memref<2x2x10000x128xf32, #tpu.memory_space<hbm>> -> memref<1x1x10000x128xf32, #tpu.memory_space<hbm>>
      %dma_start3A_1067 = tpu.memref_squeeze %dma_start3A_1066 : memref<1x1x10000x128xf32, #tpu.memory_space<hbm>> -> memref<10000x128xf32, #tpu.memory_space<hbm>>
      %dma_start3A_1068 = arith.constant 0 : i32
      %dma_start3A_1069 = arith.constant 0 : i32
      %dma_start3A_1070 = tpu.memref_slice %dma_start3A_1067[%dma_start3A_1068, %dma_start3A_1069] : memref<10000x128xf32, #tpu.memory_space<hbm>> -> memref<10000x128xf32, #tpu.memory_space<hbm>>
      tpu.enqueue_indirect_dma source(%dma_start3A_1070 : memref<10000x128xf32, #tpu.memory_space<hbm>>) target(%dma_start3A_1060 : memref<40x128xf32, #tpu.memory_space<vmem>>) offsets(%dma_start3A_1063 : memref<40xi32, #tpu.memory_space<vmem>>) semaphore(%arg14 : memref<!tpu.dma_semaphore, #tpu.memory_space<semaphore_mem>>)
      %dma_wait3A_1071 = arith.constant 1 : i32
      %dma_wait3A_1072 = arith.constant 0 : i32
      %dma_wait3A_1073 = arith.constant 0 : i32
      %dma_wait3A_1074 = tpu.memref_slice %arg8[%dma_wait3A_1072, %dma_wait3A_1073] : memref<80x128xf32, #tpu.memory_space<vmem>> -> memref<40x128xf32, #tpu.memory_space<vmem>>
      %dma_wait3A_1075 = arith.constant 0 : i32
      %dma_wait3A_1076 = tpu.memref_slice %arg6[%add3A_960, %dma_wait3A_1075] : memref<128x80xi32, #tpu.memory_space<vmem>> -> memref<1x40xi32, #tpu.memory_space<vmem>>
      %dma_wait3A_1077 = tpu.memref_squeeze %dma_wait3A_1076 : memref<1x40xi32, #tpu.memory_space<vmem>> -> memref<40xi32, #tpu.memory_space<vmem>>
      %dma_wait3A_1078 = arith.constant 0 : i32
      %dma_wait3A_1079 = arith.constant 0 : i32
      %dma_wait3A_1080 = tpu.memref_slice %arg2[%arg0, %dma_wait3A_1071, %dma_wait3A_1078, %dma_wait3A_1079] : memref<2x2x10000x128xf32, #tpu.memory_space<hbm>> -> memref<1x1x10000x128xf32, #tpu.memory_space<hbm>>
      %dma_wait3A_1081 = tpu.memref_squeeze %dma_wait3A_1080 : memref<1x1x10000x128xf32, #tpu.memory_space<hbm>> -> memref<10000x128xf32, #tpu.memory_space<hbm>>
      %dma_wait3A_1082 = arith.constant 0 : i32
      %dma_wait3A_1083 = arith.constant 0 : i32
      %dma_wait3A_1084 = tpu.memref_slice %dma_wait3A_1081[%dma_wait3A_1082, %dma_wait3A_1083] : memref<10000x128xf32, #tpu.memory_space<hbm>> -> memref<10000x128xf32, #tpu.memory_space<hbm>>
      tpu.wait_indirect_dma semaphore(%arg11 : memref<!tpu.dma_semaphore, #tpu.memory_space<semaphore_mem>>) src(%dma_wait3A_1084 : memref<10000x128xf32, #tpu.memory_space<hbm>>) dst(%dma_wait3A_1074 : memref<40x128xf32, #tpu.memory_space<vmem>>)
      %dma_wait3A_1085 = arith.constant 1 : i32
      %dma_wait3A_1086 = arith.constant 40 : i32
      %dma_wait3A_1087 = arith.constant 0 : i32
      %dma_wait3A_1088 = tpu.memref_slice %arg8[%dma_wait3A_1086, %dma_wait3A_1087] : memref<80x128xf32, #tpu.memory_space<vmem>> -> memref<40x128xf32, #tpu.memory_space<vmem>>
      %dma_wait3A_1089 = arith.constant 40 : i32
      %dma_wait3A_1090 = tpu.memref_slice %arg6[%add3A_978, %dma_wait3A_1089] : memref<128x80xi32, #tpu.memory_space<vmem>> -> memref<1x40xi32, #tpu.memory_space<vmem>>
      %dma_wait3A_1091 = tpu.memref_squeeze %dma_wait3A_1090 : memref<1x40xi32, #tpu.memory_space<vmem>> -> memref<40xi32, #tpu.memory_space<vmem>>
      %dma_wait3A_1092 = arith.constant 0 : i32
      %dma_wait3A_1093 = arith.constant 0 : i32
      %dma_wait3A_1094 = tpu.memref_slice %arg2[%arg0, %dma_wait3A_1085, %dma_wait3A_1092, %dma_wait3A_1093] : memref<2x2x10000x128xf32, #tpu.memory_space<hbm>> -> memref<1x1x10000x128xf32, #tpu.memory_space<hbm>>
      %dma_wait3A_1095 = tpu.memref_squeeze %dma_wait3A_1094 : memref<1x1x10000x128xf32, #tpu.memory_space<hbm>> -> memref<10000x128xf32, #tpu.memory_space<hbm>>
      %dma_wait3A_1096 = arith.constant 0 : i32
      %dma_wait3A_1097 = arith.constant 0 : i32
      %dma_wait3A_1098 = tpu.memref_slice %dma_wait3A_1095[%dma_wait3A_1096, %dma_wait3A_1097] : memref<10000x128xf32, #tpu.memory_space<hbm>> -> memref<10000x128xf32, #tpu.memory_space<hbm>>
      tpu.wait_indirect_dma semaphore(%arg12 : memref<!tpu.dma_semaphore, #tpu.memory_space<semaphore_mem>>) src(%dma_wait3A_1098 : memref<10000x128xf32, #tpu.memory_space<hbm>>) dst(%dma_wait3A_1088 : memref<40x128xf32, #tpu.memory_space<vmem>>)
      %dma_start3A_1099 = arith.constant 2 : i32
      %dma_start3A_1100 = arith.constant 0 : i32
      %dma_start3A_1101 = tpu.memref_slice %arg7[%dma_start3A_1099, %dma_start3A_1100] : memref<8x80xi32, #tpu.memory_space<vmem>> -> memref<1x80xi32, #tpu.memory_space<vmem>>
      %dma_start3A_1102 = tpu.memref_squeeze %dma_start3A_1101 : memref<1x80xi32, #tpu.memory_space<vmem>> -> memref<80xi32, #tpu.memory_space<vmem>>
      %dma_start3A_1103 = arith.constant 0 : i32
      %dma_start3A_1104 = arith.constant 0 : i32
      %dma_start3A_1105 = tpu.memref_slice %arg10[%dma_start3A_1103, %dma_start3A_1104] : memref<10000x128xf32, #tpu.memory_space<vmem_shared>> -> memref<10000x128xf32, #tpu.memory_space<vmem_shared>>
      tpu.enqueue_indirect_dma source(%arg8 : memref<80x128xf32, #tpu.memory_space<vmem>>) target(%dma_start3A_1105 : memref<10000x128xf32, #tpu.memory_space<vmem_shared>>) offsets(%dma_start3A_1102 : memref<80xi32, #tpu.memory_space<vmem>>) semaphore(%arg15 : memref<!tpu.dma_semaphore, #tpu.memory_space<semaphore_mem>>) {add = true}
      %dma_wait3A_1106 = arith.constant 2 : i32
      %dma_wait3A_1107 = arith.constant 0 : i32
      %dma_wait3A_1108 = tpu.memref_slice %arg7[%dma_wait3A_1106, %dma_wait3A_1107] : memref<8x80xi32, #tpu.memory_space<vmem>> -> memref<1x80xi32, #tpu.memory_space<vmem>>
      %dma_wait3A_1109 = tpu.memref_squeeze %dma_wait3A_1108 : memref<1x80xi32, #tpu.memory_space<vmem>> -> memref<80xi32, #tpu.memory_space<vmem>>
      %dma_wait3A_1110 = arith.constant 0 : i32
      %dma_wait3A_1111 = arith.constant 0 : i32
      %dma_wait3A_1112 = tpu.memref_slice %arg10[%dma_wait3A_1110, %dma_wait3A_1111] : memref<10000x128xf32, #tpu.memory_space<vmem_shared>> -> memref<10000x128xf32, #tpu.memory_space<vmem_shared>>
      tpu.wait_indirect_dma semaphore(%arg15 : memref<!tpu.dma_semaphore, #tpu.memory_space<semaphore_mem>>) src(%arg8 : memref<80x128xf32, #tpu.memory_space<vmem>>) dst(%dma_wait3A_1112 : memref<10000x128xf32, #tpu.memory_space<vmem_shared>>)
      %mul3A_1113 = arith.constant 8 : i32
      %mul3A_1114 = arith.muli %mul3A_1113, %scan3A_839 : i32
      %add3A_1115 = arith.constant 4 : i32
      %add3A_1116 = arith.addi %mul3A_1114, %add3A_1115 : i32
      %dma_start3A_1117 = arith.constant 1 : i32
      %dma_start3A_1118 = arith.constant 0 : i32
      %dma_start3A_1119 = arith.constant 0 : i32
      %dma_start3A_1120 = tpu.memref_slice %arg8[%dma_start3A_1118, %dma_start3A_1119] : memref<80x128xf32, #tpu.memory_space<vmem>> -> memref<40x128xf32, #tpu.memory_space<vmem>>
      %dma_start3A_1121 = arith.constant 0 : i32
      %dma_start3A_1122 = tpu.memref_slice %arg6[%add3A_1116, %dma_start3A_1121] : memref<128x80xi32, #tpu.memory_space<vmem>> -> memref<1x40xi32, #tpu.memory_space<vmem>>
      %dma_start3A_1123 = tpu.memref_squeeze %dma_start3A_1122 : memref<1x40xi32, #tpu.memory_space<vmem>> -> memref<40xi32, #tpu.memory_space<vmem>>
      %dma_start3A_1124 = arith.constant 0 : i32
      %dma_start3A_1125 = arith.constant 0 : i32
      %dma_start3A_1126 = tpu.memref_slice %arg2[%arg0, %dma_start3A_1117, %dma_start3A_1124, %dma_start3A_1125] : memref<2x2x10000x128xf32, #tpu.memory_space<hbm>> -> memref<1x1x10000x128xf32, #tpu.memory_space<hbm>>
      %dma_start3A_1127 = tpu.memref_squeeze %dma_start3A_1126 : memref<1x1x10000x128xf32, #tpu.memory_space<hbm>> -> memref<10000x128xf32, #tpu.memory_space<hbm>>
      %dma_start3A_1128 = arith.constant 0 : i32
      %dma_start3A_1129 = arith.constant 0 : i32
      %dma_start3A_1130 = tpu.memref_slice %dma_start3A_1127[%dma_start3A_1128, %dma_start3A_1129] : memref<10000x128xf32, #tpu.memory_space<hbm>> -> memref<10000x128xf32, #tpu.memory_space<hbm>>
      tpu.enqueue_indirect_dma source(%dma_start3A_1130 : memref<10000x128xf32, #tpu.memory_space<hbm>>) target(%dma_start3A_1120 : memref<40x128xf32, #tpu.memory_space<vmem>>) offsets(%dma_start3A_1123 : memref<40xi32, #tpu.memory_space<vmem>>) semaphore(%arg11 : memref<!tpu.dma_semaphore, #tpu.memory_space<semaphore_mem>>)
      %mul3A_1131 = arith.constant 8 : i32
      %mul3A_1132 = arith.muli %mul3A_1131, %scan3A_839 : i32
      %add3A_1133 = arith.constant 4 : i32
      %add3A_1134 = arith.addi %mul3A_1132, %add3A_1133 : i32
      %dma_start3A_1135 = arith.constant 1 : i32
      %dma_start3A_1136 = arith.constant 40 : i32
      %dma_start3A_1137 = arith.constant 0 : i32
      %dma_start3A_1138 = tpu.memref_slice %arg8[%dma_start3A_1136, %dma_start3A_1137] : memref<80x128xf32, #tpu.memory_space<vmem>> -> memref<40x128xf32, #tpu.memory_space<vmem>>
      %dma_start3A_1139 = arith.constant 40 : i32
      %dma_start3A_1140 = tpu.memref_slice %arg6[%add3A_1134, %dma_start3A_1139] : memref<128x80xi32, #tpu.memory_space<vmem>> -> memref<1x40xi32, #tpu.memory_space<vmem>>
      %dma_start3A_1141 = tpu.memref_squeeze %dma_start3A_1140 : memref<1x40xi32, #tpu.memory_space<vmem>> -> memref<40xi32, #tpu.memory_space<vmem>>
      %dma_start3A_1142 = arith.constant 0 : i32
      %dma_start3A_1143 = arith.constant 0 : i32
      %dma_start3A_1144 = tpu.memref_slice %arg2[%arg0, %dma_start3A_1135, %dma_start3A_1142, %dma_start3A_1143] : memref<2x2x10000x128xf32, #tpu.memory_space<hbm>> -> memref<1x1x10000x128xf32, #tpu.memory_space<hbm>>
      %dma_start3A_1145 = tpu.memref_squeeze %dma_start3A_1144 : memref<1x1x10000x128xf32, #tpu.memory_space<hbm>> -> memref<10000x128xf32, #tpu.memory_space<hbm>>
      %dma_start3A_1146 = arith.constant 0 : i32
      %dma_start3A_1147 = arith.constant 0 : i32
      %dma_start3A_1148 = tpu.memref_slice %dma_start3A_1145[%dma_start3A_1146, %dma_start3A_1147] : memref<10000x128xf32, #tpu.memory_space<hbm>> -> memref<10000x128xf32, #tpu.memory_space<hbm>>
      tpu.enqueue_indirect_dma source(%dma_start3A_1148 : memref<10000x128xf32, #tpu.memory_space<hbm>>) target(%dma_start3A_1138 : memref<40x128xf32, #tpu.memory_space<vmem>>) offsets(%dma_start3A_1141 : memref<40xi32, #tpu.memory_space<vmem>>) semaphore(%arg12 : memref<!tpu.dma_semaphore, #tpu.memory_space<semaphore_mem>>)
      %dma_wait3A_1149 = arith.constant 1 : i32
      %dma_wait3A_1150 = arith.constant 0 : i32
      %dma_wait3A_1151 = arith.constant 0 : i32
      %dma_wait3A_1152 = tpu.memref_slice %arg9[%dma_wait3A_1150, %dma_wait3A_1151] : memref<80x128xf32, #tpu.memory_space<vmem>> -> memref<40x128xf32, #tpu.memory_space<vmem>>
      %dma_wait3A_1153 = arith.constant 0 : i32
      %dma_wait3A_1154 = tpu.memref_slice %arg6[%add3A_1038, %dma_wait3A_1153] : memref<128x80xi32, #tpu.memory_space<vmem>> -> memref<1x40xi32, #tpu.memory_space<vmem>>
      %dma_wait3A_1155 = tpu.memref_squeeze %dma_wait3A_1154 : memref<1x40xi32, #tpu.memory_space<vmem>> -> memref<40xi32, #tpu.memory_space<vmem>>
      %dma_wait3A_1156 = arith.constant 0 : i32
      %dma_wait3A_1157 = arith.constant 0 : i32
      %dma_wait3A_1158 = tpu.memref_slice %arg2[%arg0, %dma_wait3A_1149, %dma_wait3A_1156, %dma_wait3A_1157] : memref<2x2x10000x128xf32, #tpu.memory_space<hbm>> -> memref<1x1x10000x128xf32, #tpu.memory_space<hbm>>
      %dma_wait3A_1159 = tpu.memref_squeeze %dma_wait3A_1158 : memref<1x1x10000x128xf32, #tpu.memory_space<hbm>> -> memref<10000x128xf32, #tpu.memory_space<hbm>>
      %dma_wait3A_1160 = arith.constant 0 : i32
      %dma_wait3A_1161 = arith.constant 0 : i32
      %dma_wait3A_1162 = tpu.memref_slice %dma_wait3A_1159[%dma_wait3A_1160, %dma_wait3A_1161] : memref<10000x128xf32, #tpu.memory_space<hbm>> -> memref<10000x128xf32, #tpu.memory_space<hbm>>
      tpu.wait_indirect_dma semaphore(%arg13 : memref<!tpu.dma_semaphore, #tpu.memory_space<semaphore_mem>>) src(%dma_wait3A_1162 : memref<10000x128xf32, #tpu.memory_space<hbm>>) dst(%dma_wait3A_1152 : memref<40x128xf32, #tpu.memory_space<vmem>>)
      %dma_wait3A_1163 = arith.constant 1 : i32
      %dma_wait3A_1164 = arith.constant 40 : i32
      %dma_wait3A_1165 = arith.constant 0 : i32
      %dma_wait3A_1166 = tpu.memref_slice %arg9[%dma_wait3A_1164, %dma_wait3A_1165] : memref<80x128xf32, #tpu.memory_space<vmem>> -> memref<40x128xf32, #tpu.memory_space<vmem>>
      %dma_wait3A_1167 = arith.constant 40 : i32
      %dma_wait3A_1168 = tpu.memref_slice %arg6[%add3A_1056, %dma_wait3A_1167] : memref<128x80xi32, #tpu.memory_space<vmem>> -> memref<1x40xi32, #tpu.memory_space<vmem>>
      %dma_wait3A_1169 = tpu.memref_squeeze %dma_wait3A_1168 : memref<1x40xi32, #tpu.memory_space<vmem>> -> memref<40xi32, #tpu.memory_space<vmem>>
      %dma_wait3A_1170 = arith.constant 0 : i32
      %dma_wait3A_1171 = arith.constant 0 : i32
      %dma_wait3A_1172 = tpu.memref_slice %arg2[%arg0, %dma_wait3A_1163, %dma_wait3A_1170, %dma_wait3A_1171] : memref<2x2x10000x128xf32, #tpu.memory_space<hbm>> -> memref<1x1x10000x128xf32, #tpu.memory_space<hbm>>
      %dma_wait3A_1173 = tpu.memref_squeeze %dma_wait3A_1172 : memref<1x1x10000x128xf32, #tpu.memory_space<hbm>> -> memref<10000x128xf32, #tpu.memory_space<hbm>>
      %dma_wait3A_1174 = arith.constant 0 : i32
      %dma_wait3A_1175 = arith.constant 0 : i32
      %dma_wait3A_1176 = tpu.memref_slice %dma_wait3A_1173[%dma_wait3A_1174, %dma_wait3A_1175] : memref<10000x128xf32, #tpu.memory_space<hbm>> -> memref<10000x128xf32, #tpu.memory_space<hbm>>
      tpu.wait_indirect_dma semaphore(%arg14 : memref<!tpu.dma_semaphore, #tpu.memory_space<semaphore_mem>>) src(%dma_wait3A_1176 : memref<10000x128xf32, #tpu.memory_space<hbm>>) dst(%dma_wait3A_1166 : memref<40x128xf32, #tpu.memory_space<vmem>>)
      %dma_start3A_1177 = arith.constant 3 : i32
      %dma_start3A_1178 = arith.constant 0 : i32
      %dma_start3A_1179 = tpu.memref_slice %arg7[%dma_start3A_1177, %dma_start3A_1178] : memref<8x80xi32, #tpu.memory_space<vmem>> -> memref<1x80xi32, #tpu.memory_space<vmem>>
      %dma_start3A_1180 = tpu.memref_squeeze %dma_start3A_1179 : memref<1x80xi32, #tpu.memory_space<vmem>> -> memref<80xi32, #tpu.memory_space<vmem>>
      %dma_start3A_1181 = arith.constant 0 : i32
      %dma_start3A_1182 = arith.constant 0 : i32
      %dma_start3A_1183 = tpu.memref_slice %arg10[%dma_start3A_1181, %dma_start3A_1182] : memref<10000x128xf32, #tpu.memory_space<vmem_shared>> -> memref<10000x128xf32, #tpu.memory_space<vmem_shared>>
      tpu.enqueue_indirect_dma source(%arg9 : memref<80x128xf32, #tpu.memory_space<vmem>>) target(%dma_start3A_1183 : memref<10000x128xf32, #tpu.memory_space<vmem_shared>>) offsets(%dma_start3A_1180 : memref<80xi32, #tpu.memory_space<vmem>>) semaphore(%arg16 : memref<!tpu.dma_semaphore, #tpu.memory_space<semaphore_mem>>) {add = true}
      %dma_wait3A_1184 = arith.constant 3 : i32
      %dma_wait3A_1185 = arith.constant 0 : i32
      %dma_wait3A_1186 = tpu.memref_slice %arg7[%dma_wait3A_1184, %dma_wait3A_1185] : memref<8x80xi32, #tpu.memory_space<vmem>> -> memref<1x80xi32, #tpu.memory_space<vmem>>
      %dma_wait3A_1187 = tpu.memref_squeeze %dma_wait3A_1186 : memref<1x80xi32, #tpu.memory_space<vmem>> -> memref<80xi32, #tpu.memory_space<vmem>>
      %dma_wait3A_1188 = arith.constant 0 : i32
      %dma_wait3A_1189 = arith.constant 0 : i32
      %dma_wait3A_1190 = tpu.memref_slice %arg10[%dma_wait3A_1188, %dma_wait3A_1189] : memref<10000x128xf32, #tpu.memory_space<vmem_shared>> -> memref<10000x128xf32, #tpu.memory_space<vmem_shared>>
      tpu.wait_indirect_dma semaphore(%arg16 : memref<!tpu.dma_semaphore, #tpu.memory_space<semaphore_mem>>) src(%arg9 : memref<80x128xf32, #tpu.memory_space<vmem>>) dst(%dma_wait3A_1190 : memref<10000x128xf32, #tpu.memory_space<vmem_shared>>)
      %mul3A_1191 = arith.constant 8 : i32
      %mul3A_1192 = arith.muli %mul3A_1191, %scan3A_839 : i32
      %add3A_1193 = arith.constant 5 : i32
      %add3A_1194 = arith.addi %mul3A_1192, %add3A_1193 : i32
      %dma_start3A_1195 = arith.constant 1 : i32
      %dma_start3A_1196 = arith.constant 0 : i32
      %dma_start3A_1197 = arith.constant 0 : i32
      %dma_start3A_1198 = tpu.memref_slice %arg9[%dma_start3A_1196, %dma_start3A_1197] : memref<80x128xf32, #tpu.memory_space<vmem>> -> memref<40x128xf32, #tpu.memory_space<vmem>>
      %dma_start3A_1199 = arith.constant 0 : i32
      %dma_start3A_1200 = tpu.memref_slice %arg6[%add3A_1194, %dma_start3A_1199] : memref<128x80xi32, #tpu.memory_space<vmem>> -> memref<1x40xi32, #tpu.memory_space<vmem>>
      %dma_start3A_1201 = tpu.memref_squeeze %dma_start3A_1200 : memref<1x40xi32, #tpu.memory_space<vmem>> -> memref<40xi32, #tpu.memory_space<vmem>>
      %dma_start3A_1202 = arith.constant 0 : i32
      %dma_start3A_1203 = arith.constant 0 : i32
      %dma_start3A_1204 = tpu.memref_slice %arg2[%arg0, %dma_start3A_1195, %dma_start3A_1202, %dma_start3A_1203] : memref<2x2x10000x128xf32, #tpu.memory_space<hbm>> -> memref<1x1x10000x128xf32, #tpu.memory_space<hbm>>
      %dma_start3A_1205 = tpu.memref_squeeze %dma_start3A_1204 : memref<1x1x10000x128xf32, #tpu.memory_space<hbm>> -> memref<10000x128xf32, #tpu.memory_space<hbm>>
      %dma_start3A_1206 = arith.constant 0 : i32
      %dma_start3A_1207 = arith.constant 0 : i32
      %dma_start3A_1208 = tpu.memref_slice %dma_start3A_1205[%dma_start3A_1206, %dma_start3A_1207] : memref<10000x128xf32, #tpu.memory_space<hbm>> -> memref<10000x128xf32, #tpu.memory_space<hbm>>
      tpu.enqueue_indirect_dma source(%dma_start3A_1208 : memref<10000x128xf32, #tpu.memory_space<hbm>>) target(%dma_start3A_1198 : memref<40x128xf32, #tpu.memory_space<vmem>>) offsets(%dma_start3A_1201 : memref<40xi32, #tpu.memory_space<vmem>>) semaphore(%arg13 : memref<!tpu.dma_semaphore, #tpu.memory_space<semaphore_mem>>)
      %mul3A_1209 = arith.constant 8 : i32
      %mul3A_1210 = arith.muli %mul3A_1209, %scan3A_839 : i32
      %add3A_1211 = arith.constant 5 : i32
      %add3A_1212 = arith.addi %mul3A_1210, %add3A_1211 : i32
      %dma_start3A_1213 = arith.constant 1 : i32
      %dma_start3A_1214 = arith.constant 40 : i32
      %dma_start3A_1215 = arith.constant 0 : i32
      %dma_start3A_1216 = tpu.memref_slice %arg9[%dma_start3A_1214, %dma_start3A_1215] : memref<80x128xf32, #tpu.memory_space<vmem>> -> memref<40x128xf32, #tpu.memory_space<vmem>>
      %dma_start3A_1217 = arith.constant 40 : i32
      %dma_start3A_1218 = tpu.memref_slice %arg6[%add3A_1212, %dma_start3A_1217] : memref<128x80xi32, #tpu.memory_space<vmem>> -> memref<1x40xi32, #tpu.memory_space<vmem>>
      %dma_start3A_1219 = tpu.memref_squeeze %dma_start3A_1218 : memref<1x40xi32, #tpu.memory_space<vmem>> -> memref<40xi32, #tpu.memory_space<vmem>>
      %dma_start3A_1220 = arith.constant 0 : i32
      %dma_start3A_1221 = arith.constant 0 : i32
      %dma_start3A_1222 = tpu.memref_slice %arg2[%arg0, %dma_start3A_1213, %dma_start3A_1220, %dma_start3A_1221] : memref<2x2x10000x128xf32, #tpu.memory_space<hbm>> -> memref<1x1x10000x128xf32, #tpu.memory_space<hbm>>
      %dma_start3A_1223 = tpu.memref_squeeze %dma_start3A_1222 : memref<1x1x10000x128xf32, #tpu.memory_space<hbm>> -> memref<10000x128xf32, #tpu.memory_space<hbm>>
      %dma_start3A_1224 = arith.constant 0 : i32
      %dma_start3A_1225 = arith.constant 0 : i32
      %dma_start3A_1226 = tpu.memref_slice %dma_start3A_1223[%dma_start3A_1224, %dma_start3A_1225] : memref<10000x128xf32, #tpu.memory_space<hbm>> -> memref<10000x128xf32, #tpu.memory_space<hbm>>
      tpu.enqueue_indirect_dma source(%dma_start3A_1226 : memref<10000x128xf32, #tpu.memory_space<hbm>>) target(%dma_start3A_1216 : memref<40x128xf32, #tpu.memory_space<vmem>>) offsets(%dma_start3A_1219 : memref<40xi32, #tpu.memory_space<vmem>>) semaphore(%arg14 : memref<!tpu.dma_semaphore, #tpu.memory_space<semaphore_mem>>)
      %dma_wait3A_1227 = arith.constant 1 : i32
      %dma_wait3A_1228 = arith.constant 0 : i32
      %dma_wait3A_1229 = arith.constant 0 : i32
      %dma_wait3A_1230 = tpu.memref_slice %arg8[%dma_wait3A_1228, %dma_wait3A_1229] : memref<80x128xf32, #tpu.memory_space<vmem>> -> memref<40x128xf32, #tpu.memory_space<vmem>>
      %dma_wait3A_1231 = arith.constant 0 : i32
      %dma_wait3A_1232 = tpu.memref_slice %arg6[%add3A_1116, %dma_wait3A_1231] : memref<128x80xi32, #tpu.memory_space<vmem>> -> memref<1x40xi32, #tpu.memory_space<vmem>>
      %dma_wait3A_1233 = tpu.memref_squeeze %dma_wait3A_1232 : memref<1x40xi32, #tpu.memory_space<vmem>> -> memref<40xi32, #tpu.memory_space<vmem>>
      %dma_wait3A_1234 = arith.constant 0 : i32
      %dma_wait3A_1235 = arith.constant 0 : i32
      %dma_wait3A_1236 = tpu.memref_slice %arg2[%arg0, %dma_wait3A_1227, %dma_wait3A_1234, %dma_wait3A_1235] : memref<2x2x10000x128xf32, #tpu.memory_space<hbm>> -> memref<1x1x10000x128xf32, #tpu.memory_space<hbm>>
      %dma_wait3A_1237 = tpu.memref_squeeze %dma_wait3A_1236 : memref<1x1x10000x128xf32, #tpu.memory_space<hbm>> -> memref<10000x128xf32, #tpu.memory_space<hbm>>
      %dma_wait3A_1238 = arith.constant 0 : i32
      %dma_wait3A_1239 = arith.constant 0 : i32
      %dma_wait3A_1240 = tpu.memref_slice %dma_wait3A_1237[%dma_wait3A_1238, %dma_wait3A_1239] : memref<10000x128xf32, #tpu.memory_space<hbm>> -> memref<10000x128xf32, #tpu.memory_space<hbm>>
      tpu.wait_indirect_dma semaphore(%arg11 : memref<!tpu.dma_semaphore, #tpu.memory_space<semaphore_mem>>) src(%dma_wait3A_1240 : memref<10000x128xf32, #tpu.memory_space<hbm>>) dst(%dma_wait3A_1230 : memref<40x128xf32, #tpu.memory_space<vmem>>)
      %dma_wait3A_1241 = arith.constant 1 : i32
      %dma_wait3A_1242 = arith.constant 40 : i32
      %dma_wait3A_1243 = arith.constant 0 : i32
      %dma_wait3A_1244 = tpu.memref_slice %arg8[%dma_wait3A_1242, %dma_wait3A_1243] : memref<80x128xf32, #tpu.memory_space<vmem>> -> memref<40x128xf32, #tpu.memory_space<vmem>>
      %dma_wait3A_1245 = arith.constant 40 : i32
      %dma_wait3A_1246 = tpu.memref_slice %arg6[%add3A_1134, %dma_wait3A_1245] : memref<128x80xi32, #tpu.memory_space<vmem>> -> memref<1x40xi32, #tpu.memory_space<vmem>>
      %dma_wait3A_1247 = tpu.memref_squeeze %dma_wait3A_1246 : memref<1x40xi32, #tpu.memory_space<vmem>> -> memref<40xi32, #tpu.memory_space<vmem>>
      %dma_wait3A_1248 = arith.constant 0 : i32
      %dma_wait3A_1249 = arith.constant 0 : i32
      %dma_wait3A_1250 = tpu.memref_slice %arg2[%arg0, %dma_wait3A_1241, %dma_wait3A_1248, %dma_wait3A_1249] : memref<2x2x10000x128xf32, #tpu.memory_space<hbm>> -> memref<1x1x10000x128xf32, #tpu.memory_space<hbm>>
      %dma_wait3A_1251 = tpu.memref_squeeze %dma_wait3A_1250 : memref<1x1x10000x128xf32, #tpu.memory_space<hbm>> -> memref<10000x128xf32, #tpu.memory_space<hbm>>
      %dma_wait3A_1252 = arith.constant 0 : i32
      %dma_wait3A_1253 = arith.constant 0 : i32
      %dma_wait3A_1254 = tpu.memref_slice %dma_wait3A_1251[%dma_wait3A_1252, %dma_wait3A_1253] : memref<10000x128xf32, #tpu.memory_space<hbm>> -> memref<10000x128xf32, #tpu.memory_space<hbm>>
      tpu.wait_indirect_dma semaphore(%arg12 : memref<!tpu.dma_semaphore, #tpu.memory_space<semaphore_mem>>) src(%dma_wait3A_1254 : memref<10000x128xf32, #tpu.memory_space<hbm>>) dst(%dma_wait3A_1244 : memref<40x128xf32, #tpu.memory_space<vmem>>)
      %dma_start3A_1255 = arith.constant 4 : i32
      %dma_start3A_1256 = arith.constant 0 : i32
      %dma_start3A_1257 = tpu.memref_slice %arg7[%dma_start3A_1255, %dma_start3A_1256] : memref<8x80xi32, #tpu.memory_space<vmem>> -> memref<1x80xi32, #tpu.memory_space<vmem>>
      %dma_start3A_1258 = tpu.memref_squeeze %dma_start3A_1257 : memref<1x80xi32, #tpu.memory_space<vmem>> -> memref<80xi32, #tpu.memory_space<vmem>>
      %dma_start3A_1259 = arith.constant 0 : i32
      %dma_start3A_1260 = arith.constant 0 : i32
      %dma_start3A_1261 = tpu.memref_slice %arg10[%dma_start3A_1259, %dma_start3A_1260] : memref<10000x128xf32, #tpu.memory_space<vmem_shared>> -> memref<10000x128xf32, #tpu.memory_space<vmem_shared>>
      tpu.enqueue_indirect_dma source(%arg8 : memref<80x128xf32, #tpu.memory_space<vmem>>) target(%dma_start3A_1261 : memref<10000x128xf32, #tpu.memory_space<vmem_shared>>) offsets(%dma_start3A_1258 : memref<80xi32, #tpu.memory_space<vmem>>) semaphore(%arg15 : memref<!tpu.dma_semaphore, #tpu.memory_space<semaphore_mem>>) {add = true}
      %dma_wait3A_1262 = arith.constant 4 : i32
      %dma_wait3A_1263 = arith.constant 0 : i32
      %dma_wait3A_1264 = tpu.memref_slice %arg7[%dma_wait3A_1262, %dma_wait3A_1263] : memref<8x80xi32, #tpu.memory_space<vmem>> -> memref<1x80xi32, #tpu.memory_space<vmem>>
      %dma_wait3A_1265 = tpu.memref_squeeze %dma_wait3A_1264 : memref<1x80xi32, #tpu.memory_space<vmem>> -> memref<80xi32, #tpu.memory_space<vmem>>
      %dma_wait3A_1266 = arith.constant 0 : i32
      %dma_wait3A_1267 = arith.constant 0 : i32
      %dma_wait3A_1268 = tpu.memref_slice %arg10[%dma_wait3A_1266, %dma_wait3A_1267] : memref<10000x128xf32, #tpu.memory_space<vmem_shared>> -> memref<10000x128xf32, #tpu.memory_space<vmem_shared>>
      tpu.wait_indirect_dma semaphore(%arg15 : memref<!tpu.dma_semaphore, #tpu.memory_space<semaphore_mem>>) src(%arg8 : memref<80x128xf32, #tpu.memory_space<vmem>>) dst(%dma_wait3A_1268 : memref<10000x128xf32, #tpu.memory_space<vmem_shared>>)
      %mul3A_1269 = arith.constant 8 : i32
      %mul3A_1270 = arith.muli %mul3A_1269, %scan3A_839 : i32
      %add3A_1271 = arith.constant 6 : i32
      %add3A_1272 = arith.addi %mul3A_1270, %add3A_1271 : i32
      %dma_start3A_1273 = arith.constant 1 : i32
      %dma_start3A_1274 = arith.constant 0 : i32
      %dma_start3A_1275 = arith.constant 0 : i32
      %dma_start3A_1276 = tpu.memref_slice %arg8[%dma_start3A_1274, %dma_start3A_1275] : memref<80x128xf32, #tpu.memory_space<vmem>> -> memref<40x128xf32, #tpu.memory_space<vmem>>
      %dma_start3A_1277 = arith.constant 0 : i32
      %dma_start3A_1278 = tpu.memref_slice %arg6[%add3A_1272, %dma_start3A_1277] : memref<128x80xi32, #tpu.memory_space<vmem>> -> memref<1x40xi32, #tpu.memory_space<vmem>>
      %dma_start3A_1279 = tpu.memref_squeeze %dma_start3A_1278 : memref<1x40xi32, #tpu.memory_space<vmem>> -> memref<40xi32, #tpu.memory_space<vmem>>
      %dma_start3A_1280 = arith.constant 0 : i32
      %dma_start3A_1281 = arith.constant 0 : i32
      %dma_start3A_1282 = tpu.memref_slice %arg2[%arg0, %dma_start3A_1273, %dma_start3A_1280, %dma_start3A_1281] : memref<2x2x10000x128xf32, #tpu.memory_space<hbm>> -> memref<1x1x10000x128xf32, #tpu.memory_space<hbm>>
      %dma_start3A_1283 = tpu.memref_squeeze %dma_start3A_1282 : memref<1x1x10000x128xf32, #tpu.memory_space<hbm>> -> memref<10000x128xf32, #tpu.memory_space<hbm>>
      %dma_start3A_1284 = arith.constant 0 : i32
      %dma_start3A_1285 = arith.constant 0 : i32
      %dma_start3A_1286 = tpu.memref_slice %dma_start3A_1283[%dma_start3A_1284, %dma_start3A_1285] : memref<10000x128xf32, #tpu.memory_space<hbm>> -> memref<10000x128xf32, #tpu.memory_space<hbm>>
      tpu.enqueue_indirect_dma source(%dma_start3A_1286 : memref<10000x128xf32, #tpu.memory_space<hbm>>) target(%dma_start3A_1276 : memref<40x128xf32, #tpu.memory_space<vmem>>) offsets(%dma_start3A_1279 : memref<40xi32, #tpu.memory_space<vmem>>) semaphore(%arg11 : memref<!tpu.dma_semaphore, #tpu.memory_space<semaphore_mem>>)
      %mul3A_1287 = arith.constant 8 : i32
      %mul3A_1288 = arith.muli %mul3A_1287, %scan3A_839 : i32
      %add3A_1289 = arith.constant 6 : i32
      %add3A_1290 = arith.addi %mul3A_1288, %add3A_1289 : i32
      %dma_start3A_1291 = arith.constant 1 : i32
      %dma_start3A_1292 = arith.constant 40 : i32
      %dma_start3A_1293 = arith.constant 0 : i32
      %dma_start3A_1294 = tpu.memref_slice %arg8[%dma_start3A_1292, %dma_start3A_1293] : memref<80x128xf32, #tpu.memory_space<vmem>> -> memref<40x128xf32, #tpu.memory_space<vmem>>
      %dma_start3A_1295 = arith.constant 40 : i32
      %dma_start3A_1296 = tpu.memref_slice %arg6[%add3A_1290, %dma_start3A_1295] : memref<128x80xi32, #tpu.memory_space<vmem>> -> memref<1x40xi32, #tpu.memory_space<vmem>>
      %dma_start3A_1297 = tpu.memref_squeeze %dma_start3A_1296 : memref<1x40xi32, #tpu.memory_space<vmem>> -> memref<40xi32, #tpu.memory_space<vmem>>
      %dma_start3A_1298 = arith.constant 0 : i32
      %dma_start3A_1299 = arith.constant 0 : i32
      %dma_start3A_1300 = tpu.memref_slice %arg2[%arg0, %dma_start3A_1291, %dma_start3A_1298, %dma_start3A_1299] : memref<2x2x10000x128xf32, #tpu.memory_space<hbm>> -> memref<1x1x10000x128xf32, #tpu.memory_space<hbm>>
      %dma_start3A_1301 = tpu.memref_squeeze %dma_start3A_1300 : memref<1x1x10000x128xf32, #tpu.memory_space<hbm>> -> memref<10000x128xf32, #tpu.memory_space<hbm>>
      %dma_start3A_1302 = arith.constant 0 : i32
      %dma_start3A_1303 = arith.constant 0 : i32
      %dma_start3A_1304 = tpu.memref_slice %dma_start3A_1301[%dma_start3A_1302, %dma_start3A_1303] : memref<10000x128xf32, #tpu.memory_space<hbm>> -> memref<10000x128xf32, #tpu.memory_space<hbm>>
      tpu.enqueue_indirect_dma source(%dma_start3A_1304 : memref<10000x128xf32, #tpu.memory_space<hbm>>) target(%dma_start3A_1294 : memref<40x128xf32, #tpu.memory_space<vmem>>) offsets(%dma_start3A_1297 : memref<40xi32, #tpu.memory_space<vmem>>) semaphore(%arg12 : memref<!tpu.dma_semaphore, #tpu.memory_space<semaphore_mem>>)
      %dma_wait3A_1305 = arith.constant 1 : i32
      %dma_wait3A_1306 = arith.constant 0 : i32
      %dma_wait3A_1307 = arith.constant 0 : i32
      %dma_wait3A_1308 = tpu.memref_slice %arg9[%dma_wait3A_1306, %dma_wait3A_1307] : memref<80x128xf32, #tpu.memory_space<vmem>> -> memref<40x128xf32, #tpu.memory_space<vmem>>
      %dma_wait3A_1309 = arith.constant 0 : i32
      %dma_wait3A_1310 = tpu.memref_slice %arg6[%add3A_1194, %dma_wait3A_1309] : memref<128x80xi32, #tpu.memory_space<vmem>> -> memref<1x40xi32, #tpu.memory_space<vmem>>
      %dma_wait3A_1311 = tpu.memref_squeeze %dma_wait3A_1310 : memref<1x40xi32, #tpu.memory_space<vmem>> -> memref<40xi32, #tpu.memory_space<vmem>>
      %dma_wait3A_1312 = arith.constant 0 : i32
      %dma_wait3A_1313 = arith.constant 0 : i32
      %dma_wait3A_1314 = tpu.memref_slice %arg2[%arg0, %dma_wait3A_1305, %dma_wait3A_1312, %dma_wait3A_1313] : memref<2x2x10000x128xf32, #tpu.memory_space<hbm>> -> memref<1x1x10000x128xf32, #tpu.memory_space<hbm>>
      %dma_wait3A_1315 = tpu.memref_squeeze %dma_wait3A_1314 : memref<1x1x10000x128xf32, #tpu.memory_space<hbm>> -> memref<10000x128xf32, #tpu.memory_space<hbm>>
      %dma_wait3A_1316 = arith.constant 0 : i32
      %dma_wait3A_1317 = arith.constant 0 : i32
      %dma_wait3A_1318 = tpu.memref_slice %dma_wait3A_1315[%dma_wait3A_1316, %dma_wait3A_1317] : memref<10000x128xf32, #tpu.memory_space<hbm>> -> memref<10000x128xf32, #tpu.memory_space<hbm>>
      tpu.wait_indirect_dma semaphore(%arg13 : memref<!tpu.dma_semaphore, #tpu.memory_space<semaphore_mem>>) src(%dma_wait3A_1318 : memref<10000x128xf32, #tpu.memory_space<hbm>>) dst(%dma_wait3A_1308 : memref<40x128xf32, #tpu.memory_space<vmem>>)
      %dma_wait3A_1319 = arith.constant 1 : i32
      %dma_wait3A_1320 = arith.constant 40 : i32
      %dma_wait3A_1321 = arith.constant 0 : i32
      %dma_wait3A_1322 = tpu.memref_slice %arg9[%dma_wait3A_1320, %dma_wait3A_1321] : memref<80x128xf32, #tpu.memory_space<vmem>> -> memref<40x128xf32, #tpu.memory_space<vmem>>
      %dma_wait3A_1323 = arith.constant 40 : i32
      %dma_wait3A_1324 = tpu.memref_slice %arg6[%add3A_1212, %dma_wait3A_1323] : memref<128x80xi32, #tpu.memory_space<vmem>> -> memref<1x40xi32, #tpu.memory_space<vmem>>
      %dma_wait3A_1325 = tpu.memref_squeeze %dma_wait3A_1324 : memref<1x40xi32, #tpu.memory_space<vmem>> -> memref<40xi32, #tpu.memory_space<vmem>>
      %dma_wait3A_1326 = arith.constant 0 : i32
      %dma_wait3A_1327 = arith.constant 0 : i32
      %dma_wait3A_1328 = tpu.memref_slice %arg2[%arg0, %dma_wait3A_1319, %dma_wait3A_1326, %dma_wait3A_1327] : memref<2x2x10000x128xf32, #tpu.memory_space<hbm>> -> memref<1x1x10000x128xf32, #tpu.memory_space<hbm>>
      %dma_wait3A_1329 = tpu.memref_squeeze %dma_wait3A_1328 : memref<1x1x10000x128xf32, #tpu.memory_space<hbm>> -> memref<10000x128xf32, #tpu.memory_space<hbm>>
      %dma_wait3A_1330 = arith.constant 0 : i32
      %dma_wait3A_1331 = arith.constant 0 : i32
      %dma_wait3A_1332 = tpu.memref_slice %dma_wait3A_1329[%dma_wait3A_1330, %dma_wait3A_1331] : memref<10000x128xf32, #tpu.memory_space<hbm>> -> memref<10000x128xf32, #tpu.memory_space<hbm>>
      tpu.wait_indirect_dma semaphore(%arg14 : memref<!tpu.dma_semaphore, #tpu.memory_space<semaphore_mem>>) src(%dma_wait3A_1332 : memref<10000x128xf32, #tpu.memory_space<hbm>>) dst(%dma_wait3A_1322 : memref<40x128xf32, #tpu.memory_space<vmem>>)
      %dma_start3A_1333 = arith.constant 5 : i32
      %dma_start3A_1334 = arith.constant 0 : i32
      %dma_start3A_1335 = tpu.memref_slice %arg7[%dma_start3A_1333, %dma_start3A_1334] : memref<8x80xi32, #tpu.memory_space<vmem>> -> memref<1x80xi32, #tpu.memory_space<vmem>>
      %dma_start3A_1336 = tpu.memref_squeeze %dma_start3A_1335 : memref<1x80xi32, #tpu.memory_space<vmem>> -> memref<80xi32, #tpu.memory_space<vmem>>
      %dma_start3A_1337 = arith.constant 0 : i32
      %dma_start3A_1338 = arith.constant 0 : i32
      %dma_start3A_1339 = tpu.memref_slice %arg10[%dma_start3A_1337, %dma_start3A_1338] : memref<10000x128xf32, #tpu.memory_space<vmem_shared>> -> memref<10000x128xf32, #tpu.memory_space<vmem_shared>>
      tpu.enqueue_indirect_dma source(%arg9 : memref<80x128xf32, #tpu.memory_space<vmem>>) target(%dma_start3A_1339 : memref<10000x128xf32, #tpu.memory_space<vmem_shared>>) offsets(%dma_start3A_1336 : memref<80xi32, #tpu.memory_space<vmem>>) semaphore(%arg16 : memref<!tpu.dma_semaphore, #tpu.memory_space<semaphore_mem>>) {add = true}
      %dma_wait3A_1340 = arith.constant 5 : i32
      %dma_wait3A_1341 = arith.constant 0 : i32
      %dma_wait3A_1342 = tpu.memref_slice %arg7[%dma_wait3A_1340, %dma_wait3A_1341] : memref<8x80xi32, #tpu.memory_space<vmem>> -> memref<1x80xi32, #tpu.memory_space<vmem>>
      %dma_wait3A_1343 = tpu.memref_squeeze %dma_wait3A_1342 : memref<1x80xi32, #tpu.memory_space<vmem>> -> memref<80xi32, #tpu.memory_space<vmem>>
      %dma_wait3A_1344 = arith.constant 0 : i32
      %dma_wait3A_1345 = arith.constant 0 : i32
      %dma_wait3A_1346 = tpu.memref_slice %arg10[%dma_wait3A_1344, %dma_wait3A_1345] : memref<10000x128xf32, #tpu.memory_space<vmem_shared>> -> memref<10000x128xf32, #tpu.memory_space<vmem_shared>>
      tpu.wait_indirect_dma semaphore(%arg16 : memref<!tpu.dma_semaphore, #tpu.memory_space<semaphore_mem>>) src(%arg9 : memref<80x128xf32, #tpu.memory_space<vmem>>) dst(%dma_wait3A_1346 : memref<10000x128xf32, #tpu.memory_space<vmem_shared>>)
      %mul3A_1347 = arith.constant 8 : i32
      %mul3A_1348 = arith.muli %mul3A_1347, %scan3A_839 : i32
      %add3A_1349 = arith.constant 7 : i32
      %add3A_1350 = arith.addi %mul3A_1348, %add3A_1349 : i32
      %dma_start3A_1351 = arith.constant 1 : i32
      %dma_start3A_1352 = arith.constant 0 : i32
      %dma_start3A_1353 = arith.constant 0 : i32
      %dma_start3A_1354 = tpu.memref_slice %arg9[%dma_start3A_1352, %dma_start3A_1353] : memref<80x128xf32, #tpu.memory_space<vmem>> -> memref<40x128xf32, #tpu.memory_space<vmem>>
      %dma_start3A_1355 = arith.constant 0 : i32
      %dma_start3A_1356 = tpu.memref_slice %arg6[%add3A_1350, %dma_start3A_1355] : memref<128x80xi32, #tpu.memory_space<vmem>> -> memref<1x40xi32, #tpu.memory_space<vmem>>
      %dma_start3A_1357 = tpu.memref_squeeze %dma_start3A_1356 : memref<1x40xi32, #tpu.memory_space<vmem>> -> memref<40xi32, #tpu.memory_space<vmem>>
      %dma_start3A_1358 = arith.constant 0 : i32
      %dma_start3A_1359 = arith.constant 0 : i32
      %dma_start3A_1360 = tpu.memref_slice %arg2[%arg0, %dma_start3A_1351, %dma_start3A_1358, %dma_start3A_1359] : memref<2x2x10000x128xf32, #tpu.memory_space<hbm>> -> memref<1x1x10000x128xf32, #tpu.memory_space<hbm>>
      %dma_start3A_1361 = tpu.memref_squeeze %dma_start3A_1360 : memref<1x1x10000x128xf32, #tpu.memory_space<hbm>> -> memref<10000x128xf32, #tpu.memory_space<hbm>>
      %dma_start3A_1362 = arith.constant 0 : i32
      %dma_start3A_1363 = arith.constant 0 : i32
      %dma_start3A_1364 = tpu.memref_slice %dma_start3A_1361[%dma_start3A_1362, %dma_start3A_1363] : memref<10000x128xf32, #tpu.memory_space<hbm>> -> memref<10000x128xf32, #tpu.memory_space<hbm>>
      tpu.enqueue_indirect_dma source(%dma_start3A_1364 : memref<10000x128xf32, #tpu.memory_space<hbm>>) target(%dma_start3A_1354 : memref<40x128xf32, #tpu.memory_space<vmem>>) offsets(%dma_start3A_1357 : memref<40xi32, #tpu.memory_space<vmem>>) semaphore(%arg13 : memref<!tpu.dma_semaphore, #tpu.memory_space<semaphore_mem>>)
      %mul3A_1365 = arith.constant 8 : i32
      %mul3A_1366 = arith.muli %mul3A_1365, %scan3A_839 : i32
      %add3A_1367 = arith.constant 7 : i32
      %add3A_1368 = arith.addi %mul3A_1366, %add3A_1367 : i32
      %dma_start3A_1369 = arith.constant 1 : i32
      %dma_start3A_1370 = arith.constant 40 : i32
      %dma_start3A_1371 = arith.constant 0 : i32
      %dma_start3A_1372 = tpu.memref_slice %arg9[%dma_start3A_1370, %dma_start3A_1371] : memref<80x128xf32, #tpu.memory_space<vmem>> -> memref<40x128xf32, #tpu.memory_space<vmem>>
      %dma_start3A_1373 = arith.constant 40 : i32
      %dma_start3A_1374 = tpu.memref_slice %arg6[%add3A_1368, %dma_start3A_1373] : memref<128x80xi32, #tpu.memory_space<vmem>> -> memref<1x40xi32, #tpu.memory_space<vmem>>
      %dma_start3A_1375 = tpu.memref_squeeze %dma_start3A_1374 : memref<1x40xi32, #tpu.memory_space<vmem>> -> memref<40xi32, #tpu.memory_space<vmem>>
      %dma_start3A_1376 = arith.constant 0 : i32
      %dma_start3A_1377 = arith.constant 0 : i32
      %dma_start3A_1378 = tpu.memref_slice %arg2[%arg0, %dma_start3A_1369, %dma_start3A_1376, %dma_start3A_1377] : memref<2x2x10000x128xf32, #tpu.memory_space<hbm>> -> memref<1x1x10000x128xf32, #tpu.memory_space<hbm>>
      %dma_start3A_1379 = tpu.memref_squeeze %dma_start3A_1378 : memref<1x1x10000x128xf32, #tpu.memory_space<hbm>> -> memref<10000x128xf32, #tpu.memory_space<hbm>>
      %dma_start3A_1380 = arith.constant 0 : i32
      %dma_start3A_1381 = arith.constant 0 : i32
      %dma_start3A_1382 = tpu.memref_slice %dma_start3A_1379[%dma_start3A_1380, %dma_start3A_1381] : memref<10000x128xf32, #tpu.memory_space<hbm>> -> memref<10000x128xf32, #tpu.memory_space<hbm>>
      tpu.enqueue_indirect_dma source(%dma_start3A_1382 : memref<10000x128xf32, #tpu.memory_space<hbm>>) target(%dma_start3A_1372 : memref<40x128xf32, #tpu.memory_space<vmem>>) offsets(%dma_start3A_1375 : memref<40xi32, #tpu.memory_space<vmem>>) semaphore(%arg14 : memref<!tpu.dma_semaphore, #tpu.memory_space<semaphore_mem>>)
      %dma_wait3A_1383 = arith.constant 1 : i32
      %dma_wait3A_1384 = arith.constant 0 : i32
      %dma_wait3A_1385 = arith.constant 0 : i32
      %dma_wait3A_1386 = tpu.memref_slice %arg8[%dma_wait3A_1384, %dma_wait3A_1385] : memref<80x128xf32, #tpu.memory_space<vmem>> -> memref<40x128xf32, #tpu.memory_space<vmem>>
      %dma_wait3A_1387 = arith.constant 0 : i32
      %dma_wait3A_1388 = tpu.memref_slice %arg6[%add3A_1272, %dma_wait3A_1387] : memref<128x80xi32, #tpu.memory_space<vmem>> -> memref<1x40xi32, #tpu.memory_space<vmem>>
      %dma_wait3A_1389 = tpu.memref_squeeze %dma_wait3A_1388 : memref<1x40xi32, #tpu.memory_space<vmem>> -> memref<40xi32, #tpu.memory_space<vmem>>
      %dma_wait3A_1390 = arith.constant 0 : i32
      %dma_wait3A_1391 = arith.constant 0 : i32
      %dma_wait3A_1392 = tpu.memref_slice %arg2[%arg0, %dma_wait3A_1383, %dma_wait3A_1390, %dma_wait3A_1391] : memref<2x2x10000x128xf32, #tpu.memory_space<hbm>> -> memref<1x1x10000x128xf32, #tpu.memory_space<hbm>>
      %dma_wait3A_1393 = tpu.memref_squeeze %dma_wait3A_1392 : memref<1x1x10000x128xf32, #tpu.memory_space<hbm>> -> memref<10000x128xf32, #tpu.memory_space<hbm>>
      %dma_wait3A_1394 = arith.constant 0 : i32
      %dma_wait3A_1395 = arith.constant 0 : i32
      %dma_wait3A_1396 = tpu.memref_slice %dma_wait3A_1393[%dma_wait3A_1394, %dma_wait3A_1395] : memref<10000x128xf32, #tpu.memory_space<hbm>> -> memref<10000x128xf32, #tpu.memory_space<hbm>>
      tpu.wait_indirect_dma semaphore(%arg11 : memref<!tpu.dma_semaphore, #tpu.memory_space<semaphore_mem>>) src(%dma_wait3A_1396 : memref<10000x128xf32, #tpu.memory_space<hbm>>) dst(%dma_wait3A_1386 : memref<40x128xf32, #tpu.memory_space<vmem>>)
      %dma_wait3A_1397 = arith.constant 1 : i32
      %dma_wait3A_1398 = arith.constant 40 : i32
      %dma_wait3A_1399 = arith.constant 0 : i32
      %dma_wait3A_1400 = tpu.memref_slice %arg8[%dma_wait3A_1398, %dma_wait3A_1399] : memref<80x128xf32, #tpu.memory_space<vmem>> -> memref<40x128xf32, #tpu.memory_space<vmem>>
      %dma_wait3A_1401 = arith.constant 40 : i32
      %dma_wait3A_1402 = tpu.memref_slice %arg6[%add3A_1290, %dma_wait3A_1401] : memref<128x80xi32, #tpu.memory_space<vmem>> -> memref<1x40xi32, #tpu.memory_space<vmem>>
      %dma_wait3A_1403 = tpu.memref_squeeze %dma_wait3A_1402 : memref<1x40xi32, #tpu.memory_space<vmem>> -> memref<40xi32, #tpu.memory_space<vmem>>
      %dma_wait3A_1404 = arith.constant 0 : i32
      %dma_wait3A_1405 = arith.constant 0 : i32
      %dma_wait3A_1406 = tpu.memref_slice %arg2[%arg0, %dma_wait3A_1397, %dma_wait3A_1404, %dma_wait3A_1405] : memref<2x2x10000x128xf32, #tpu.memory_space<hbm>> -> memref<1x1x10000x128xf32, #tpu.memory_space<hbm>>
      %dma_wait3A_1407 = tpu.memref_squeeze %dma_wait3A_1406 : memref<1x1x10000x128xf32, #tpu.memory_space<hbm>> -> memref<10000x128xf32, #tpu.memory_space<hbm>>
      %dma_wait3A_1408 = arith.constant 0 : i32
      %dma_wait3A_1409 = arith.constant 0 : i32
      %dma_wait3A_1410 = tpu.memref_slice %dma_wait3A_1407[%dma_wait3A_1408, %dma_wait3A_1409] : memref<10000x128xf32, #tpu.memory_space<hbm>> -> memref<10000x128xf32, #tpu.memory_space<hbm>>
      tpu.wait_indirect_dma semaphore(%arg12 : memref<!tpu.dma_semaphore, #tpu.memory_space<semaphore_mem>>) src(%dma_wait3A_1410 : memref<10000x128xf32, #tpu.memory_space<hbm>>) dst(%dma_wait3A_1400 : memref<40x128xf32, #tpu.memory_space<vmem>>)
      %dma_start3A_1411 = arith.constant 6 : i32
      %dma_start3A_1412 = arith.constant 0 : i32
      %dma_start3A_1413 = tpu.memref_slice %arg7[%dma_start3A_1411, %dma_start3A_1412] : memref<8x80xi32, #tpu.memory_space<vmem>> -> memref<1x80xi32, #tpu.memory_space<vmem>>
      %dma_start3A_1414 = tpu.memref_squeeze %dma_start3A_1413 : memref<1x80xi32, #tpu.memory_space<vmem>> -> memref<80xi32, #tpu.memory_space<vmem>>
      %dma_start3A_1415 = arith.constant 0 : i32
      %dma_start3A_1416 = arith.constant 0 : i32
      %dma_start3A_1417 = tpu.memref_slice %arg10[%dma_start3A_1415, %dma_start3A_1416] : memref<10000x128xf32, #tpu.memory_space<vmem_shared>> -> memref<10000x128xf32, #tpu.memory_space<vmem_shared>>
      tpu.enqueue_indirect_dma source(%arg8 : memref<80x128xf32, #tpu.memory_space<vmem>>) target(%dma_start3A_1417 : memref<10000x128xf32, #tpu.memory_space<vmem_shared>>) offsets(%dma_start3A_1414 : memref<80xi32, #tpu.memory_space<vmem>>) semaphore(%arg15 : memref<!tpu.dma_semaphore, #tpu.memory_space<semaphore_mem>>) {add = true}
      %dma_wait3A_1418 = arith.constant 6 : i32
      %dma_wait3A_1419 = arith.constant 0 : i32
      %dma_wait3A_1420 = tpu.memref_slice %arg7[%dma_wait3A_1418, %dma_wait3A_1419] : memref<8x80xi32, #tpu.memory_space<vmem>> -> memref<1x80xi32, #tpu.memory_space<vmem>>
      %dma_wait3A_1421 = tpu.memref_squeeze %dma_wait3A_1420 : memref<1x80xi32, #tpu.memory_space<vmem>> -> memref<80xi32, #tpu.memory_space<vmem>>
      %dma_wait3A_1422 = arith.constant 0 : i32
      %dma_wait3A_1423 = arith.constant 0 : i32
      %dma_wait3A_1424 = tpu.memref_slice %arg10[%dma_wait3A_1422, %dma_wait3A_1423] : memref<10000x128xf32, #tpu.memory_space<vmem_shared>> -> memref<10000x128xf32, #tpu.memory_space<vmem_shared>>
      tpu.wait_indirect_dma semaphore(%arg15 : memref<!tpu.dma_semaphore, #tpu.memory_space<semaphore_mem>>) src(%arg8 : memref<80x128xf32, #tpu.memory_space<vmem>>) dst(%dma_wait3A_1424 : memref<10000x128xf32, #tpu.memory_space<vmem_shared>>)
      %dma_wait3A_1425 = arith.constant 1 : i32
      %dma_wait3A_1426 = arith.constant 0 : i32
      %dma_wait3A_1427 = arith.constant 0 : i32
      %dma_wait3A_1428 = tpu.memref_slice %arg9[%dma_wait3A_1426, %dma_wait3A_1427] : memref<80x128xf32, #tpu.memory_space<vmem>> -> memref<40x128xf32, #tpu.memory_space<vmem>>
      %dma_wait3A_1429 = arith.constant 0 : i32
      %dma_wait3A_1430 = tpu.memref_slice %arg6[%add3A_1350, %dma_wait3A_1429] : memref<128x80xi32, #tpu.memory_space<vmem>> -> memref<1x40xi32, #tpu.memory_space<vmem>>
      %dma_wait3A_1431 = tpu.memref_squeeze %dma_wait3A_1430 : memref<1x40xi32, #tpu.memory_space<vmem>> -> memref<40xi32, #tpu.memory_space<vmem>>
      %dma_wait3A_1432 = arith.constant 0 : i32
      %dma_wait3A_1433 = arith.constant 0 : i32
      %dma_wait3A_1434 = tpu.memref_slice %arg2[%arg0, %dma_wait3A_1425, %dma_wait3A_1432, %dma_wait3A_1433] : memref<2x2x10000x128xf32, #tpu.memory_space<hbm>> -> memref<1x1x10000x128xf32, #tpu.memory_space<hbm>>
      %dma_wait3A_1435 = tpu.memref_squeeze %dma_wait3A_1434 : memref<1x1x10000x128xf32, #tpu.memory_space<hbm>> -> memref<10000x128xf32, #tpu.memory_space<hbm>>
      %dma_wait3A_1436 = arith.constant 0 : i32
      %dma_wait3A_1437 = arith.constant 0 : i32
      %dma_wait3A_1438 = tpu.memref_slice %dma_wait3A_1435[%dma_wait3A_1436, %dma_wait3A_1437] : memref<10000x128xf32, #tpu.memory_space<hbm>> -> memref<10000x128xf32, #tpu.memory_space<hbm>>
      tpu.wait_indirect_dma semaphore(%arg13 : memref<!tpu.dma_semaphore, #tpu.memory_space<semaphore_mem>>) src(%dma_wait3A_1438 : memref<10000x128xf32, #tpu.memory_space<hbm>>) dst(%dma_wait3A_1428 : memref<40x128xf32, #tpu.memory_space<vmem>>)
      %dma_wait3A_1439 = arith.constant 1 : i32
      %dma_wait3A_1440 = arith.constant 40 : i32
      %dma_wait3A_1441 = arith.constant 0 : i32
      %dma_wait3A_1442 = tpu.memref_slice %arg9[%dma_wait3A_1440, %dma_wait3A_1441] : memref<80x128xf32, #tpu.memory_space<vmem>> -> memref<40x128xf32, #tpu.memory_space<vmem>>
      %dma_wait3A_1443 = arith.constant 40 : i32
      %dma_wait3A_1444 = tpu.memref_slice %arg6[%add3A_1368, %dma_wait3A_1443] : memref<128x80xi32, #tpu.memory_space<vmem>> -> memref<1x40xi32, #tpu.memory_space<vmem>>
      %dma_wait3A_1445 = tpu.memref_squeeze %dma_wait3A_1444 : memref<1x40xi32, #tpu.memory_space<vmem>> -> memref<40xi32, #tpu.memory_space<vmem>>
      %dma_wait3A_1446 = arith.constant 0 : i32
      %dma_wait3A_1447 = arith.constant 0 : i32
      %dma_wait3A_1448 = tpu.memref_slice %arg2[%arg0, %dma_wait3A_1439, %dma_wait3A_1446, %dma_wait3A_1447] : memref<2x2x10000x128xf32, #tpu.memory_space<hbm>> -> memref<1x1x10000x128xf32, #tpu.memory_space<hbm>>
      %dma_wait3A_1449 = tpu.memref_squeeze %dma_wait3A_1448 : memref<1x1x10000x128xf32, #tpu.memory_space<hbm>> -> memref<10000x128xf32, #tpu.memory_space<hbm>>
      %dma_wait3A_1450 = arith.constant 0 : i32
      %dma_wait3A_1451 = arith.constant 0 : i32
      %dma_wait3A_1452 = tpu.memref_slice %dma_wait3A_1449[%dma_wait3A_1450, %dma_wait3A_1451] : memref<10000x128xf32, #tpu.memory_space<hbm>> -> memref<10000x128xf32, #tpu.memory_space<hbm>>
      tpu.wait_indirect_dma semaphore(%arg14 : memref<!tpu.dma_semaphore, #tpu.memory_space<semaphore_mem>>) src(%dma_wait3A_1452 : memref<10000x128xf32, #tpu.memory_space<hbm>>) dst(%dma_wait3A_1442 : memref<40x128xf32, #tpu.memory_space<vmem>>)
      %dma_start3A_1453 = arith.constant 7 : i32
      %dma_start3A_1454 = arith.constant 0 : i32
      %dma_start3A_1455 = tpu.memref_slice %arg7[%dma_start3A_1453, %dma_start3A_1454] : memref<8x80xi32, #tpu.memory_space<vmem>> -> memref<1x80xi32, #tpu.memory_space<vmem>>
      %dma_start3A_1456 = tpu.memref_squeeze %dma_start3A_1455 : memref<1x80xi32, #tpu.memory_space<vmem>> -> memref<80xi32, #tpu.memory_space<vmem>>
      %dma_start3A_1457 = arith.constant 0 : i32
      %dma_start3A_1458 = arith.constant 0 : i32
      %dma_start3A_1459 = tpu.memref_slice %arg10[%dma_start3A_1457, %dma_start3A_1458] : memref<10000x128xf32, #tpu.memory_space<vmem_shared>> -> memref<10000x128xf32, #tpu.memory_space<vmem_shared>>
      tpu.enqueue_indirect_dma source(%arg9 : memref<80x128xf32, #tpu.memory_space<vmem>>) target(%dma_start3A_1459 : memref<10000x128xf32, #tpu.memory_space<vmem_shared>>) offsets(%dma_start3A_1456 : memref<80xi32, #tpu.memory_space<vmem>>) semaphore(%arg16 : memref<!tpu.dma_semaphore, #tpu.memory_space<semaphore_mem>>) {add = true}
      %dma_wait3A_1460 = arith.constant 7 : i32
      %dma_wait3A_1461 = arith.constant 0 : i32
      %dma_wait3A_1462 = tpu.memref_slice %arg7[%dma_wait3A_1460, %dma_wait3A_1461] : memref<8x80xi32, #tpu.memory_space<vmem>> -> memref<1x80xi32, #tpu.memory_space<vmem>>
      %dma_wait3A_1463 = tpu.memref_squeeze %dma_wait3A_1462 : memref<1x80xi32, #tpu.memory_space<vmem>> -> memref<80xi32, #tpu.memory_space<vmem>>
      %dma_wait3A_1464 = arith.constant 0 : i32
      %dma_wait3A_1465 = arith.constant 0 : i32
      %dma_wait3A_1466 = tpu.memref_slice %arg10[%dma_wait3A_1464, %dma_wait3A_1465] : memref<10000x128xf32, #tpu.memory_space<vmem_shared>> -> memref<10000x128xf32, #tpu.memory_space<vmem_shared>>
      tpu.wait_indirect_dma semaphore(%arg16 : memref<!tpu.dma_semaphore, #tpu.memory_space<semaphore_mem>>) src(%arg9 : memref<80x128xf32, #tpu.memory_space<vmem>>) dst(%dma_wait3A_1466 : memref<10000x128xf32, #tpu.memory_space<vmem_shared>>)
    }
    %scan3A_444 = arith.constant 15 : i32
    %sub3A_445 = arith.constant 1 : i32
    %sub3A_446 = arith.subi %sub3A_445, %arg0 : i32
    "tpu.region"() ({
      %run_scoped3A = tpu.sem_alloc : memref<!tpu.dma_semaphore, #tpu.memory_space<semaphore_mem>>
      %dma_start3A_839 = arith.constant 120 : i32
      %dma_start3A_840 = arith.constant 0 : i32
      %dma_start3A_841 = tpu.memref_slice %arg3[%sub3A_446, %arg1, %dma_start3A_839, %dma_start3A_840] : memref<2x16x128x80xi32, #tpu.memory_space<hbm>> -> memref<1x1x8x80xi32, #tpu.memory_space<hbm>>
      %dma_start3A_842 = tpu.memref_squeeze %dma_start3A_841 : memref<1x1x8x80xi32, #tpu.memory_space<hbm>> -> memref<8x80xi32, #tpu.memory_space<hbm>>
      %dma_start3A_843 = arith.constant 120 : i32
      %dma_start3A_844 = arith.constant 0 : i32
      %dma_start3A_845 = tpu.memref_slice %arg3[%sub3A_446, %arg1, %dma_start3A_843, %dma_start3A_844] : memref<2x16x128x80xi32, #tpu.memory_space<hbm>> -> memref<1x1x8x80xi32, #tpu.memory_space<hbm>>
      %dma_start3A_846 = tpu.memref_squeeze %dma_start3A_845 : memref<1x1x8x80xi32, #tpu.memory_space<hbm>> -> memref<8x80xi32, #tpu.memory_space<hbm>>
      tpu.enqueue_dma source(%dma_start3A_846 : memref<8x80xi32, #tpu.memory_space<hbm>>) target(%arg7 : memref<8x80xi32, #tpu.memory_space<vmem>>) target_semaphore(%run_scoped3A : memref<!tpu.dma_semaphore, #tpu.memory_space<semaphore_mem>>)
      %dma_wait3A_847 = arith.constant 120 : i32
      %dma_wait3A_848 = arith.constant 0 : i32
      %dma_wait3A_849 = tpu.memref_slice %arg3[%sub3A_446, %arg1, %dma_wait3A_847, %dma_wait3A_848] : memref<2x16x128x80xi32, #tpu.memory_space<hbm>> -> memref<1x1x8x80xi32, #tpu.memory_space<hbm>>
      %dma_wait3A_850 = tpu.memref_squeeze %dma_wait3A_849 : memref<1x1x8x80xi32, #tpu.memory_space<hbm>> -> memref<8x80xi32, #tpu.memory_space<hbm>>
      %dma_wait3A_851 = arith.constant 120 : i32
      %dma_wait3A_852 = arith.constant 0 : i32
      %dma_wait3A_853 = tpu.memref_slice %arg3[%sub3A_446, %arg1, %dma_wait3A_851, %dma_wait3A_852] : memref<2x16x128x80xi32, #tpu.memory_space<hbm>> -> memref<1x1x8x80xi32, #tpu.memory_space<hbm>>
      %dma_wait3A_854 = tpu.memref_squeeze %dma_wait3A_853 : memref<1x1x8x80xi32, #tpu.memory_space<hbm>> -> memref<8x80xi32, #tpu.memory_space<hbm>>
      tpu.wait_dma2 semaphore(%run_scoped3A : memref<!tpu.dma_semaphore, #tpu.memory_space<semaphore_mem>>) src(%dma_wait3A_854 : memref<8x80xi32, #tpu.memory_space<hbm>>) dst(%arg7 : memref<8x80xi32, #tpu.memory_space<vmem>>)
      tpu.yield
    }) : () -> ()
    %dma_start3A_447 = arith.constant 1 : i32
    %dma_start3A_448 = arith.constant 120 : i32
    %dma_start3A_449 = arith.constant 0 : i32
    %dma_start3A_450 = arith.constant 0 : i32
    %dma_start3A_451 = tpu.memref_slice %arg8[%dma_start3A_449, %dma_start3A_450] : memref<80x128xf32, #tpu.memory_space<vmem>> -> memref<40x128xf32, #tpu.memory_space<vmem>>
    %dma_start3A_452 = arith.constant 0 : i32
    %dma_start3A_453 = tpu.memref_slice %arg6[%dma_start3A_448, %dma_start3A_452] : memref<128x80xi32, #tpu.memory_space<vmem>> -> memref<1x40xi32, #tpu.memory_space<vmem>>
    %dma_start3A_454 = tpu.memref_squeeze %dma_start3A_453 : memref<1x40xi32, #tpu.memory_space<vmem>> -> memref<40xi32, #tpu.memory_space<vmem>>
    %dma_start3A_455 = arith.constant 0 : i32
    %dma_start3A_456 = arith.constant 0 : i32
    %dma_start3A_457 = tpu.memref_slice %arg2[%arg0, %dma_start3A_447, %dma_start3A_455, %dma_start3A_456] : memref<2x2x10000x128xf32, #tpu.memory_space<hbm>> -> memref<1x1x10000x128xf32, #tpu.memory_space<hbm>>
    %dma_start3A_458 = tpu.memref_squeeze %dma_start3A_457 : memref<1x1x10000x128xf32, #tpu.memory_space<hbm>> -> memref<10000x128xf32, #tpu.memory_space<hbm>>
    %dma_start3A_459 = arith.constant 0 : i32
    %dma_start3A_460 = arith.constant 0 : i32
    %dma_start3A_461 = tpu.memref_slice %dma_start3A_458[%dma_start3A_459, %dma_start3A_460] : memref<10000x128xf32, #tpu.memory_space<hbm>> -> memref<10000x128xf32, #tpu.memory_space<hbm>>
    tpu.enqueue_indirect_dma source(%dma_start3A_461 : memref<10000x128xf32, #tpu.memory_space<hbm>>) target(%dma_start3A_451 : memref<40x128xf32, #tpu.memory_space<vmem>>) offsets(%dma_start3A_454 : memref<40xi32, #tpu.memory_space<vmem>>) semaphore(%arg11 : memref<!tpu.dma_semaphore, #tpu.memory_space<semaphore_mem>>)
    %dma_start3A_462 = arith.constant 1 : i32
    %dma_start3A_463 = arith.constant 120 : i32
    %dma_start3A_464 = arith.constant 40 : i32
    %dma_start3A_465 = arith.constant 0 : i32
    %dma_start3A_466 = tpu.memref_slice %arg8[%dma_start3A_464, %dma_start3A_465] : memref<80x128xf32, #tpu.memory_space<vmem>> -> memref<40x128xf32, #tpu.memory_space<vmem>>
    %dma_start3A_467 = arith.constant 40 : i32
    %dma_start3A_468 = tpu.memref_slice %arg6[%dma_start3A_463, %dma_start3A_467] : memref<128x80xi32, #tpu.memory_space<vmem>> -> memref<1x40xi32, #tpu.memory_space<vmem>>
    %dma_start3A_469 = tpu.memref_squeeze %dma_start3A_468 : memref<1x40xi32, #tpu.memory_space<vmem>> -> memref<40xi32, #tpu.memory_space<vmem>>
    %dma_start3A_470 = arith.constant 0 : i32
    %dma_start3A_471 = arith.constant 0 : i32
    %dma_start3A_472 = tpu.memref_slice %arg2[%arg0, %dma_start3A_462, %dma_start3A_470, %dma_start3A_471] : memref<2x2x10000x128xf32, #tpu.memory_space<hbm>> -> memref<1x1x10000x128xf32, #tpu.memory_space<hbm>>
    %dma_start3A_473 = tpu.memref_squeeze %dma_start3A_472 : memref<1x1x10000x128xf32, #tpu.memory_space<hbm>> -> memref<10000x128xf32, #tpu.memory_space<hbm>>
    %dma_start3A_474 = arith.constant 0 : i32
    %dma_start3A_475 = arith.constant 0 : i32
    %dma_start3A_476 = tpu.memref_slice %dma_start3A_473[%dma_start3A_474, %dma_start3A_475] : memref<10000x128xf32, #tpu.memory_space<hbm>> -> memref<10000x128xf32, #tpu.memory_space<hbm>>
    tpu.enqueue_indirect_dma source(%dma_start3A_476 : memref<10000x128xf32, #tpu.memory_space<hbm>>) target(%dma_start3A_466 : memref<40x128xf32, #tpu.memory_space<vmem>>) offsets(%dma_start3A_469 : memref<40xi32, #tpu.memory_space<vmem>>) semaphore(%arg12 : memref<!tpu.dma_semaphore, #tpu.memory_space<semaphore_mem>>)
    %dma_start3A_477 = arith.constant 1 : i32
    %dma_start3A_478 = arith.constant 121 : i32
    %dma_start3A_479 = arith.constant 0 : i32
    %dma_start3A_480 = arith.constant 0 : i32
    %dma_start3A_481 = tpu.memref_slice %arg9[%dma_start3A_479, %dma_start3A_480] : memref<80x128xf32, #tpu.memory_space<vmem>> -> memref<40x128xf32, #tpu.memory_space<vmem>>
    %dma_start3A_482 = arith.constant 0 : i32
    %dma_start3A_483 = tpu.memref_slice %arg6[%dma_start3A_478, %dma_start3A_482] : memref<128x80xi32, #tpu.memory_space<vmem>> -> memref<1x40xi32, #tpu.memory_space<vmem>>
    %dma_start3A_484 = tpu.memref_squeeze %dma_start3A_483 : memref<1x40xi32, #tpu.memory_space<vmem>> -> memref<40xi32, #tpu.memory_space<vmem>>
    %dma_start3A_485 = arith.constant 0 : i32
    %dma_start3A_486 = arith.constant 0 : i32
    %dma_start3A_487 = tpu.memref_slice %arg2[%arg0, %dma_start3A_477, %dma_start3A_485, %dma_start3A_486] : memref<2x2x10000x128xf32, #tpu.memory_space<hbm>> -> memref<1x1x10000x128xf32, #tpu.memory_space<hbm>>
    %dma_start3A_488 = tpu.memref_squeeze %dma_start3A_487 : memref<1x1x10000x128xf32, #tpu.memory_space<hbm>> -> memref<10000x128xf32, #tpu.memory_space<hbm>>
    %dma_start3A_489 = arith.constant 0 : i32
    %dma_start3A_490 = arith.constant 0 : i32
    %dma_start3A_491 = tpu.memref_slice %dma_start3A_488[%dma_start3A_489, %dma_start3A_490] : memref<10000x128xf32, #tpu.memory_space<hbm>> -> memref<10000x128xf32, #tpu.memory_space<hbm>>
    tpu.enqueue_indirect_dma source(%dma_start3A_491 : memref<10000x128xf32, #tpu.memory_space<hbm>>) target(%dma_start3A_481 : memref<40x128xf32, #tpu.memory_space<vmem>>) offsets(%dma_start3A_484 : memref<40xi32, #tpu.memory_space<vmem>>) semaphore(%arg13 : memref<!tpu.dma_semaphore, #tpu.memory_space<semaphore_mem>>)
    %dma_start3A_492 = arith.constant 1 : i32
    %dma_start3A_493 = arith.constant 121 : i32
    %dma_start3A_494 = arith.constant 40 : i32
    %dma_start3A_495 = arith.constant 0 : i32
    %dma_start3A_496 = tpu.memref_slice %arg9[%dma_start3A_494, %dma_start3A_495] : memref<80x128xf32, #tpu.memory_space<vmem>> -> memref<40x128xf32, #tpu.memory_space<vmem>>
    %dma_start3A_497 = arith.constant 40 : i32
    %dma_start3A_498 = tpu.memref_slice %arg6[%dma_start3A_493, %dma_start3A_497] : memref<128x80xi32, #tpu.memory_space<vmem>> -> memref<1x40xi32, #tpu.memory_space<vmem>>
    %dma_start3A_499 = tpu.memref_squeeze %dma_start3A_498 : memref<1x40xi32, #tpu.memory_space<vmem>> -> memref<40xi32, #tpu.memory_space<vmem>>
    %dma_start3A_500 = arith.constant 0 : i32
    %dma_start3A_501 = arith.constant 0 : i32
    %dma_start3A_502 = tpu.memref_slice %arg2[%arg0, %dma_start3A_492, %dma_start3A_500, %dma_start3A_501] : memref<2x2x10000x128xf32, #tpu.memory_space<hbm>> -> memref<1x1x10000x128xf32, #tpu.memory_space<hbm>>
    %dma_start3A_503 = tpu.memref_squeeze %dma_start3A_502 : memref<1x1x10000x128xf32, #tpu.memory_space<hbm>> -> memref<10000x128xf32, #tpu.memory_space<hbm>>
    %dma_start3A_504 = arith.constant 0 : i32
    %dma_start3A_505 = arith.constant 0 : i32
    %dma_start3A_506 = tpu.memref_slice %dma_start3A_503[%dma_start3A_504, %dma_start3A_505] : memref<10000x128xf32, #tpu.memory_space<hbm>> -> memref<10000x128xf32, #tpu.memory_space<hbm>>
    tpu.enqueue_indirect_dma source(%dma_start3A_506 : memref<10000x128xf32, #tpu.memory_space<hbm>>) target(%dma_start3A_496 : memref<40x128xf32, #tpu.memory_space<vmem>>) offsets(%dma_start3A_499 : memref<40xi32, #tpu.memory_space<vmem>>) semaphore(%arg14 : memref<!tpu.dma_semaphore, #tpu.memory_space<semaphore_mem>>)
    %dma_wait3A_507 = arith.constant 1 : i32
    %dma_wait3A_508 = arith.constant 120 : i32
    %dma_wait3A_509 = arith.constant 0 : i32
    %dma_wait3A_510 = arith.constant 0 : i32
    %dma_wait3A_511 = tpu.memref_slice %arg8[%dma_wait3A_509, %dma_wait3A_510] : memref<80x128xf32, #tpu.memory_space<vmem>> -> memref<40x128xf32, #tpu.memory_space<vmem>>
    %dma_wait3A_512 = arith.constant 0 : i32
    %dma_wait3A_513 = tpu.memref_slice %arg6[%dma_wait3A_508, %dma_wait3A_512] : memref<128x80xi32, #tpu.memory_space<vmem>> -> memref<1x40xi32, #tpu.memory_space<vmem>>
    %dma_wait3A_514 = tpu.memref_squeeze %dma_wait3A_513 : memref<1x40xi32, #tpu.memory_space<vmem>> -> memref<40xi32, #tpu.memory_space<vmem>>
    %dma_wait3A_515 = arith.constant 0 : i32
    %dma_wait3A_516 = arith.constant 0 : i32
    %dma_wait3A_517 = tpu.memref_slice %arg2[%arg0, %dma_wait3A_507, %dma_wait3A_515, %dma_wait3A_516] : memref<2x2x10000x128xf32, #tpu.memory_space<hbm>> -> memref<1x1x10000x128xf32, #tpu.memory_space<hbm>>
    %dma_wait3A_518 = tpu.memref_squeeze %dma_wait3A_517 : memref<1x1x10000x128xf32, #tpu.memory_space<hbm>> -> memref<10000x128xf32, #tpu.memory_space<hbm>>
    %dma_wait3A_519 = arith.constant 0 : i32
    %dma_wait3A_520 = arith.constant 0 : i32
    %dma_wait3A_521 = tpu.memref_slice %dma_wait3A_518[%dma_wait3A_519, %dma_wait3A_520] : memref<10000x128xf32, #tpu.memory_space<hbm>> -> memref<10000x128xf32, #tpu.memory_space<hbm>>
    tpu.wait_indirect_dma semaphore(%arg11 : memref<!tpu.dma_semaphore, #tpu.memory_space<semaphore_mem>>) src(%dma_wait3A_521 : memref<10000x128xf32, #tpu.memory_space<hbm>>) dst(%dma_wait3A_511 : memref<40x128xf32, #tpu.memory_space<vmem>>)
    %dma_wait3A_522 = arith.constant 1 : i32
    %dma_wait3A_523 = arith.constant 120 : i32
    %dma_wait3A_524 = arith.constant 40 : i32
    %dma_wait3A_525 = arith.constant 0 : i32
    %dma_wait3A_526 = tpu.memref_slice %arg8[%dma_wait3A_524, %dma_wait3A_525] : memref<80x128xf32, #tpu.memory_space<vmem>> -> memref<40x128xf32, #tpu.memory_space<vmem>>
    %dma_wait3A_527 = arith.constant 40 : i32
    %dma_wait3A_528 = tpu.memref_slice %arg6[%dma_wait3A_523, %dma_wait3A_527] : memref<128x80xi32, #tpu.memory_space<vmem>> -> memref<1x40xi32, #tpu.memory_space<vmem>>
    %dma_wait3A_529 = tpu.memref_squeeze %dma_wait3A_528 : memref<1x40xi32, #tpu.memory_space<vmem>> -> memref<40xi32, #tpu.memory_space<vmem>>
    %dma_wait3A_530 = arith.constant 0 : i32
    %dma_wait3A_531 = arith.constant 0 : i32
    %dma_wait3A_532 = tpu.memref_slice %arg2[%arg0, %dma_wait3A_522, %dma_wait3A_530, %dma_wait3A_531] : memref<2x2x10000x128xf32, #tpu.memory_space<hbm>> -> memref<1x1x10000x128xf32, #tpu.memory_space<hbm>>
    %dma_wait3A_533 = tpu.memref_squeeze %dma_wait3A_532 : memref<1x1x10000x128xf32, #tpu.memory_space<hbm>> -> memref<10000x128xf32, #tpu.memory_space<hbm>>
    %dma_wait3A_534 = arith.constant 0 : i32
    %dma_wait3A_535 = arith.constant 0 : i32
    %dma_wait3A_536 = tpu.memref_slice %dma_wait3A_533[%dma_wait3A_534, %dma_wait3A_535] : memref<10000x128xf32, #tpu.memory_space<hbm>> -> memref<10000x128xf32, #tpu.memory_space<hbm>>
    tpu.wait_indirect_dma semaphore(%arg12 : memref<!tpu.dma_semaphore, #tpu.memory_space<semaphore_mem>>) src(%dma_wait3A_536 : memref<10000x128xf32, #tpu.memory_space<hbm>>) dst(%dma_wait3A_526 : memref<40x128xf32, #tpu.memory_space<vmem>>)
    %dma_start3A_537 = arith.constant 0 : i32
    %dma_start3A_538 = arith.constant 0 : i32
    %dma_start3A_539 = tpu.memref_slice %arg7[%dma_start3A_537, %dma_start3A_538] : memref<8x80xi32, #tpu.memory_space<vmem>> -> memref<1x80xi32, #tpu.memory_space<vmem>>
    %dma_start3A_540 = tpu.memref_squeeze %dma_start3A_539 : memref<1x80xi32, #tpu.memory_space<vmem>> -> memref<80xi32, #tpu.memory_space<vmem>>
    %dma_start3A_541 = arith.constant 0 : i32
    %dma_start3A_542 = arith.constant 0 : i32
    %dma_start3A_543 = tpu.memref_slice %arg10[%dma_start3A_541, %dma_start3A_542] : memref<10000x128xf32, #tpu.memory_space<vmem_shared>> -> memref<10000x128xf32, #tpu.memory_space<vmem_shared>>
    tpu.enqueue_indirect_dma source(%arg8 : memref<80x128xf32, #tpu.memory_space<vmem>>) target(%dma_start3A_543 : memref<10000x128xf32, #tpu.memory_space<vmem_shared>>) offsets(%dma_start3A_540 : memref<80xi32, #tpu.memory_space<vmem>>) semaphore(%arg15 : memref<!tpu.dma_semaphore, #tpu.memory_space<semaphore_mem>>) {add = true}
    %dma_wait3A_544 = arith.constant 0 : i32
    %dma_wait3A_545 = arith.constant 0 : i32
    %dma_wait3A_546 = tpu.memref_slice %arg7[%dma_wait3A_544, %dma_wait3A_545] : memref<8x80xi32, #tpu.memory_space<vmem>> -> memref<1x80xi32, #tpu.memory_space<vmem>>
    %dma_wait3A_547 = tpu.memref_squeeze %dma_wait3A_546 : memref<1x80xi32, #tpu.memory_space<vmem>> -> memref<80xi32, #tpu.memory_space<vmem>>
    %dma_wait3A_548 = arith.constant 0 : i32
    %dma_wait3A_549 = arith.constant 0 : i32
    %dma_wait3A_550 = tpu.memref_slice %arg10[%dma_wait3A_548, %dma_wait3A_549] : memref<10000x128xf32, #tpu.memory_space<vmem_shared>> -> memref<10000x128xf32, #tpu.memory_space<vmem_shared>>
    tpu.wait_indirect_dma semaphore(%arg15 : memref<!tpu.dma_semaphore, #tpu.memory_space<semaphore_mem>>) src(%arg8 : memref<80x128xf32, #tpu.memory_space<vmem>>) dst(%dma_wait3A_550 : memref<10000x128xf32, #tpu.memory_space<vmem_shared>>)
    %dma_start3A_551 = arith.constant 1 : i32
    %dma_start3A_552 = arith.constant 122 : i32
    %dma_start3A_553 = arith.constant 0 : i32
    %dma_start3A_554 = arith.constant 0 : i32
    %dma_start3A_555 = tpu.memref_slice %arg8[%dma_start3A_553, %dma_start3A_554] : memref<80x128xf32, #tpu.memory_space<vmem>> -> memref<40x128xf32, #tpu.memory_space<vmem>>
    %dma_start3A_556 = arith.constant 0 : i32
    %dma_start3A_557 = tpu.memref_slice %arg6[%dma_start3A_552, %dma_start3A_556] : memref<128x80xi32, #tpu.memory_space<vmem>> -> memref<1x40xi32, #tpu.memory_space<vmem>>
    %dma_start3A_558 = tpu.memref_squeeze %dma_start3A_557 : memref<1x40xi32, #tpu.memory_space<vmem>> -> memref<40xi32, #tpu.memory_space<vmem>>
    %dma_start3A_559 = arith.constant 0 : i32
    %dma_start3A_560 = arith.constant 0 : i32
    %dma_start3A_561 = tpu.memref_slice %arg2[%arg0, %dma_start3A_551, %dma_start3A_559, %dma_start3A_560] : memref<2x2x10000x128xf32, #tpu.memory_space<hbm>> -> memref<1x1x10000x128xf32, #tpu.memory_space<hbm>>
    %dma_start3A_562 = tpu.memref_squeeze %dma_start3A_561 : memref<1x1x10000x128xf32, #tpu.memory_space<hbm>> -> memref<10000x128xf32, #tpu.memory_space<hbm>>
    %dma_start3A_563 = arith.constant 0 : i32
    %dma_start3A_564 = arith.constant 0 : i32
    %dma_start3A_565 = tpu.memref_slice %dma_start3A_562[%dma_start3A_563, %dma_start3A_564] : memref<10000x128xf32, #tpu.memory_space<hbm>> -> memref<10000x128xf32, #tpu.memory_space<hbm>>
    tpu.enqueue_indirect_dma source(%dma_start3A_565 : memref<10000x128xf32, #tpu.memory_space<hbm>>) target(%dma_start3A_555 : memref<40x128xf32, #tpu.memory_space<vmem>>) offsets(%dma_start3A_558 : memref<40xi32, #tpu.memory_space<vmem>>) semaphore(%arg11 : memref<!tpu.dma_semaphore, #tpu.memory_space<semaphore_mem>>)
    %dma_start3A_566 = arith.constant 1 : i32
    %dma_start3A_567 = arith.constant 122 : i32
    %dma_start3A_568 = arith.constant 40 : i32
    %dma_start3A_569 = arith.constant 0 : i32
    %dma_start3A_570 = tpu.memref_slice %arg8[%dma_start3A_568, %dma_start3A_569] : memref<80x128xf32, #tpu.memory_space<vmem>> -> memref<40x128xf32, #tpu.memory_space<vmem>>
    %dma_start3A_571 = arith.constant 40 : i32
    %dma_start3A_572 = tpu.memref_slice %arg6[%dma_start3A_567, %dma_start3A_571] : memref<128x80xi32, #tpu.memory_space<vmem>> -> memref<1x40xi32, #tpu.memory_space<vmem>>
    %dma_start3A_573 = tpu.memref_squeeze %dma_start3A_572 : memref<1x40xi32, #tpu.memory_space<vmem>> -> memref<40xi32, #tpu.memory_space<vmem>>
    %dma_start3A_574 = arith.constant 0 : i32
    %dma_start3A_575 = arith.constant 0 : i32
    %dma_start3A_576 = tpu.memref_slice %arg2[%arg0, %dma_start3A_566, %dma_start3A_574, %dma_start3A_575] : memref<2x2x10000x128xf32, #tpu.memory_space<hbm>> -> memref<1x1x10000x128xf32, #tpu.memory_space<hbm>>
    %dma_start3A_577 = tpu.memref_squeeze %dma_start3A_576 : memref<1x1x10000x128xf32, #tpu.memory_space<hbm>> -> memref<10000x128xf32, #tpu.memory_space<hbm>>
    %dma_start3A_578 = arith.constant 0 : i32
    %dma_start3A_579 = arith.constant 0 : i32
    %dma_start3A_580 = tpu.memref_slice %dma_start3A_577[%dma_start3A_578, %dma_start3A_579] : memref<10000x128xf32, #tpu.memory_space<hbm>> -> memref<10000x128xf32, #tpu.memory_space<hbm>>
    tpu.enqueue_indirect_dma source(%dma_start3A_580 : memref<10000x128xf32, #tpu.memory_space<hbm>>) target(%dma_start3A_570 : memref<40x128xf32, #tpu.memory_space<vmem>>) offsets(%dma_start3A_573 : memref<40xi32, #tpu.memory_space<vmem>>) semaphore(%arg12 : memref<!tpu.dma_semaphore, #tpu.memory_space<semaphore_mem>>)
    %dma_wait3A_581 = arith.constant 1 : i32
    %dma_wait3A_582 = arith.constant 121 : i32
    %dma_wait3A_583 = arith.constant 0 : i32
    %dma_wait3A_584 = arith.constant 0 : i32
    %dma_wait3A_585 = tpu.memref_slice %arg9[%dma_wait3A_583, %dma_wait3A_584] : memref<80x128xf32, #tpu.memory_space<vmem>> -> memref<40x128xf32, #tpu.memory_space<vmem>>
    %dma_wait3A_586 = arith.constant 0 : i32
    %dma_wait3A_587 = tpu.memref_slice %arg6[%dma_wait3A_582, %dma_wait3A_586] : memref<128x80xi32, #tpu.memory_space<vmem>> -> memref<1x40xi32, #tpu.memory_space<vmem>>
    %dma_wait3A_588 = tpu.memref_squeeze %dma_wait3A_587 : memref<1x40xi32, #tpu.memory_space<vmem>> -> memref<40xi32, #tpu.memory_space<vmem>>
    %dma_wait3A_589 = arith.constant 0 : i32
    %dma_wait3A_590 = arith.constant 0 : i32
    %dma_wait3A_591 = tpu.memref_slice %arg2[%arg0, %dma_wait3A_581, %dma_wait3A_589, %dma_wait3A_590] : memref<2x2x10000x128xf32, #tpu.memory_space<hbm>> -> memref<1x1x10000x128xf32, #tpu.memory_space<hbm>>
    %dma_wait3A_592 = tpu.memref_squeeze %dma_wait3A_591 : memref<1x1x10000x128xf32, #tpu.memory_space<hbm>> -> memref<10000x128xf32, #tpu.memory_space<hbm>>
    %dma_wait3A_593 = arith.constant 0 : i32
    %dma_wait3A_594 = arith.constant 0 : i32
    %dma_wait3A_595 = tpu.memref_slice %dma_wait3A_592[%dma_wait3A_593, %dma_wait3A_594] : memref<10000x128xf32, #tpu.memory_space<hbm>> -> memref<10000x128xf32, #tpu.memory_space<hbm>>
    tpu.wait_indirect_dma semaphore(%arg13 : memref<!tpu.dma_semaphore, #tpu.memory_space<semaphore_mem>>) src(%dma_wait3A_595 : memref<10000x128xf32, #tpu.memory_space<hbm>>) dst(%dma_wait3A_585 : memref<40x128xf32, #tpu.memory_space<vmem>>)
    %dma_wait3A_596 = arith.constant 1 : i32
    %dma_wait3A_597 = arith.constant 121 : i32
    %dma_wait3A_598 = arith.constant 40 : i32
    %dma_wait3A_599 = arith.constant 0 : i32
    %dma_wait3A_600 = tpu.memref_slice %arg9[%dma_wait3A_598, %dma_wait3A_599] : memref<80x128xf32, #tpu.memory_space<vmem>> -> memref<40x128xf32, #tpu.memory_space<vmem>>
    %dma_wait3A_601 = arith.constant 40 : i32
    %dma_wait3A_602 = tpu.memref_slice %arg6[%dma_wait3A_597, %dma_wait3A_601] : memref<128x80xi32, #tpu.memory_space<vmem>> -> memref<1x40xi32, #tpu.memory_space<vmem>>
    %dma_wait3A_603 = tpu.memref_squeeze %dma_wait3A_602 : memref<1x40xi32, #tpu.memory_space<vmem>> -> memref<40xi32, #tpu.memory_space<vmem>>
    %dma_wait3A_604 = arith.constant 0 : i32
    %dma_wait3A_605 = arith.constant 0 : i32
    %dma_wait3A_606 = tpu.memref_slice %arg2[%arg0, %dma_wait3A_596, %dma_wait3A_604, %dma_wait3A_605] : memref<2x2x10000x128xf32, #tpu.memory_space<hbm>> -> memref<1x1x10000x128xf32, #tpu.memory_space<hbm>>
    %dma_wait3A_607 = tpu.memref_squeeze %dma_wait3A_606 : memref<1x1x10000x128xf32, #tpu.memory_space<hbm>> -> memref<10000x128xf32, #tpu.memory_space<hbm>>
    %dma_wait3A_608 = arith.constant 0 : i32
    %dma_wait3A_609 = arith.constant 0 : i32
    %dma_wait3A_610 = tpu.memref_slice %dma_wait3A_607[%dma_wait3A_608, %dma_wait3A_609] : memref<10000x128xf32, #tpu.memory_space<hbm>> -> memref<10000x128xf32, #tpu.memory_space<hbm>>
    tpu.wait_indirect_dma semaphore(%arg14 : memref<!tpu.dma_semaphore, #tpu.memory_space<semaphore_mem>>) src(%dma_wait3A_610 : memref<10000x128xf32, #tpu.memory_space<hbm>>) dst(%dma_wait3A_600 : memref<40x128xf32, #tpu.memory_space<vmem>>)
    %dma_start3A_611 = arith.constant 1 : i32
    %dma_start3A_612 = arith.constant 0 : i32
    %dma_start3A_613 = tpu.memref_slice %arg7[%dma_start3A_611, %dma_start3A_612] : memref<8x80xi32, #tpu.memory_space<vmem>> -> memref<1x80xi32, #tpu.memory_space<vmem>>
    %dma_start3A_614 = tpu.memref_squeeze %dma_start3A_613 : memref<1x80xi32, #tpu.memory_space<vmem>> -> memref<80xi32, #tpu.memory_space<vmem>>
    %dma_start3A_615 = arith.constant 0 : i32
    %dma_start3A_616 = arith.constant 0 : i32
    %dma_start3A_617 = tpu.memref_slice %arg10[%dma_start3A_615, %dma_start3A_616] : memref<10000x128xf32, #tpu.memory_space<vmem_shared>> -> memref<10000x128xf32, #tpu.memory_space<vmem_shared>>
    tpu.enqueue_indirect_dma source(%arg9 : memref<80x128xf32, #tpu.memory_space<vmem>>) target(%dma_start3A_617 : memref<10000x128xf32, #tpu.memory_space<vmem_shared>>) offsets(%dma_start3A_614 : memref<80xi32, #tpu.memory_space<vmem>>) semaphore(%arg16 : memref<!tpu.dma_semaphore, #tpu.memory_space<semaphore_mem>>) {add = true}
    %dma_wait3A_618 = arith.constant 1 : i32
    %dma_wait3A_619 = arith.constant 0 : i32
    %dma_wait3A_620 = tpu.memref_slice %arg7[%dma_wait3A_618, %dma_wait3A_619] : memref<8x80xi32, #tpu.memory_space<vmem>> -> memref<1x80xi32, #tpu.memory_space<vmem>>
    %dma_wait3A_621 = tpu.memref_squeeze %dma_wait3A_620 : memref<1x80xi32, #tpu.memory_space<vmem>> -> memref<80xi32, #tpu.memory_space<vmem>>
    %dma_wait3A_622 = arith.constant 0 : i32
    %dma_wait3A_623 = arith.constant 0 : i32
    %dma_wait3A_624 = tpu.memref_slice %arg10[%dma_wait3A_622, %dma_wait3A_623] : memref<10000x128xf32, #tpu.memory_space<vmem_shared>> -> memref<10000x128xf32, #tpu.memory_space<vmem_shared>>
    tpu.wait_indirect_dma semaphore(%arg16 : memref<!tpu.dma_semaphore, #tpu.memory_space<semaphore_mem>>) src(%arg9 : memref<80x128xf32, #tpu.memory_space<vmem>>) dst(%dma_wait3A_624 : memref<10000x128xf32, #tpu.memory_space<vmem_shared>>)
    %dma_start3A_625 = arith.constant 1 : i32
    %dma_start3A_626 = arith.constant 123 : i32
    %dma_start3A_627 = arith.constant 0 : i32
    %dma_start3A_628 = arith.constant 0 : i32
    %dma_start3A_629 = tpu.memref_slice %arg9[%dma_start3A_627, %dma_start3A_628] : memref<80x128xf32, #tpu.memory_space<vmem>> -> memref<40x128xf32, #tpu.memory_space<vmem>>
    %dma_start3A_630 = arith.constant 0 : i32
    %dma_start3A_631 = tpu.memref_slice %arg6[%dma_start3A_626, %dma_start3A_630] : memref<128x80xi32, #tpu.memory_space<vmem>> -> memref<1x40xi32, #tpu.memory_space<vmem>>
    %dma_start3A_632 = tpu.memref_squeeze %dma_start3A_631 : memref<1x40xi32, #tpu.memory_space<vmem>> -> memref<40xi32, #tpu.memory_space<vmem>>
    %dma_start3A_633 = arith.constant 0 : i32
    %dma_start3A_634 = arith.constant 0 : i32
    %dma_start3A_635 = tpu.memref_slice %arg2[%arg0, %dma_start3A_625, %dma_start3A_633, %dma_start3A_634] : memref<2x2x10000x128xf32, #tpu.memory_space<hbm>> -> memref<1x1x10000x128xf32, #tpu.memory_space<hbm>>
    %dma_start3A_636 = tpu.memref_squeeze %dma_start3A_635 : memref<1x1x10000x128xf32, #tpu.memory_space<hbm>> -> memref<10000x128xf32, #tpu.memory_space<hbm>>
    %dma_start3A_637 = arith.constant 0 : i32
    %dma_start3A_638 = arith.constant 0 : i32
    %dma_start3A_639 = tpu.memref_slice %dma_start3A_636[%dma_start3A_637, %dma_start3A_638] : memref<10000x128xf32, #tpu.memory_space<hbm>> -> memref<10000x128xf32, #tpu.memory_space<hbm>>
    tpu.enqueue_indirect_dma source(%dma_start3A_639 : memref<10000x128xf32, #tpu.memory_space<hbm>>) target(%dma_start3A_629 : memref<40x128xf32, #tpu.memory_space<vmem>>) offsets(%dma_start3A_632 : memref<40xi32, #tpu.memory_space<vmem>>) semaphore(%arg13 : memref<!tpu.dma_semaphore, #tpu.memory_space<semaphore_mem>>)
    %dma_start3A_640 = arith.constant 1 : i32
    %dma_start3A_641 = arith.constant 123 : i32
    %dma_start3A_642 = arith.constant 40 : i32
    %dma_start3A_643 = arith.constant 0 : i32
    %dma_start3A_644 = tpu.memref_slice %arg9[%dma_start3A_642, %dma_start3A_643] : memref<80x128xf32, #tpu.memory_space<vmem>> -> memref<40x128xf32, #tpu.memory_space<vmem>>
    %dma_start3A_645 = arith.constant 40 : i32
    %dma_start3A_646 = tpu.memref_slice %arg6[%dma_start3A_641, %dma_start3A_645] : memref<128x80xi32, #tpu.memory_space<vmem>> -> memref<1x40xi32, #tpu.memory_space<vmem>>
    %dma_start3A_647 = tpu.memref_squeeze %dma_start3A_646 : memref<1x40xi32, #tpu.memory_space<vmem>> -> memref<40xi32, #tpu.memory_space<vmem>>
    %dma_start3A_648 = arith.constant 0 : i32
    %dma_start3A_649 = arith.constant 0 : i32
    %dma_start3A_650 = tpu.memref_slice %arg2[%arg0, %dma_start3A_640, %dma_start3A_648, %dma_start3A_649] : memref<2x2x10000x128xf32, #tpu.memory_space<hbm>> -> memref<1x1x10000x128xf32, #tpu.memory_space<hbm>>
    %dma_start3A_651 = tpu.memref_squeeze %dma_start3A_650 : memref<1x1x10000x128xf32, #tpu.memory_space<hbm>> -> memref<10000x128xf32, #tpu.memory_space<hbm>>
    %dma_start3A_652 = arith.constant 0 : i32
    %dma_start3A_653 = arith.constant 0 : i32
    %dma_start3A_654 = tpu.memref_slice %dma_start3A_651[%dma_start3A_652, %dma_start3A_653] : memref<10000x128xf32, #tpu.memory_space<hbm>> -> memref<10000x128xf32, #tpu.memory_space<hbm>>
    tpu.enqueue_indirect_dma source(%dma_start3A_654 : memref<10000x128xf32, #tpu.memory_space<hbm>>) target(%dma_start3A_644 : memref<40x128xf32, #tpu.memory_space<vmem>>) offsets(%dma_start3A_647 : memref<40xi32, #tpu.memory_space<vmem>>) semaphore(%arg14 : memref<!tpu.dma_semaphore, #tpu.memory_space<semaphore_mem>>)
    %dma_wait3A_655 = arith.constant 1 : i32
    %dma_wait3A_656 = arith.constant 122 : i32
    %dma_wait3A_657 = arith.constant 0 : i32
    %dma_wait3A_658 = arith.constant 0 : i32
    %dma_wait3A_659 = tpu.memref_slice %arg8[%dma_wait3A_657, %dma_wait3A_658] : memref<80x128xf32, #tpu.memory_space<vmem>> -> memref<40x128xf32, #tpu.memory_space<vmem>>
    %dma_wait3A_660 = arith.constant 0 : i32
    %dma_wait3A_661 = tpu.memref_slice %arg6[%dma_wait3A_656, %dma_wait3A_660] : memref<128x80xi32, #tpu.memory_space<vmem>> -> memref<1x40xi32, #tpu.memory_space<vmem>>
    %dma_wait3A_662 = tpu.memref_squeeze %dma_wait3A_661 : memref<1x40xi32, #tpu.memory_space<vmem>> -> memref<40xi32, #tpu.memory_space<vmem>>
    %dma_wait3A_663 = arith.constant 0 : i32
    %dma_wait3A_664 = arith.constant 0 : i32
    %dma_wait3A_665 = tpu.memref_slice %arg2[%arg0, %dma_wait3A_655, %dma_wait3A_663, %dma_wait3A_664] : memref<2x2x10000x128xf32, #tpu.memory_space<hbm>> -> memref<1x1x10000x128xf32, #tpu.memory_space<hbm>>
    %dma_wait3A_666 = tpu.memref_squeeze %dma_wait3A_665 : memref<1x1x10000x128xf32, #tpu.memory_space<hbm>> -> memref<10000x128xf32, #tpu.memory_space<hbm>>
    %dma_wait3A_667 = arith.constant 0 : i32
    %dma_wait3A_668 = arith.constant 0 : i32
    %dma_wait3A_669 = tpu.memref_slice %dma_wait3A_666[%dma_wait3A_667, %dma_wait3A_668] : memref<10000x128xf32, #tpu.memory_space<hbm>> -> memref<10000x128xf32, #tpu.memory_space<hbm>>
    tpu.wait_indirect_dma semaphore(%arg11 : memref<!tpu.dma_semaphore, #tpu.memory_space<semaphore_mem>>) src(%dma_wait3A_669 : memref<10000x128xf32, #tpu.memory_space<hbm>>) dst(%dma_wait3A_659 : memref<40x128xf32, #tpu.memory_space<vmem>>)
    %dma_wait3A_670 = arith.constant 1 : i32
    %dma_wait3A_671 = arith.constant 122 : i32
    %dma_wait3A_672 = arith.constant 40 : i32
    %dma_wait3A_673 = arith.constant 0 : i32
    %dma_wait3A_674 = tpu.memref_slice %arg8[%dma_wait3A_672, %dma_wait3A_673] : memref<80x128xf32, #tpu.memory_space<vmem>> -> memref<40x128xf32, #tpu.memory_space<vmem>>
    %dma_wait3A_675 = arith.constant 40 : i32
    %dma_wait3A_676 = tpu.memref_slice %arg6[%dma_wait3A_671, %dma_wait3A_675] : memref<128x80xi32, #tpu.memory_space<vmem>> -> memref<1x40xi32, #tpu.memory_space<vmem>>
    %dma_wait3A_677 = tpu.memref_squeeze %dma_wait3A_676 : memref<1x40xi32, #tpu.memory_space<vmem>> -> memref<40xi32, #tpu.memory_space<vmem>>
    %dma_wait3A_678 = arith.constant 0 : i32
    %dma_wait3A_679 = arith.constant 0 : i32
    %dma_wait3A_680 = tpu.memref_slice %arg2[%arg0, %dma_wait3A_670, %dma_wait3A_678, %dma_wait3A_679] : memref<2x2x10000x128xf32, #tpu.memory_space<hbm>> -> memref<1x1x10000x128xf32, #tpu.memory_space<hbm>>
    %dma_wait3A_681 = tpu.memref_squeeze %dma_wait3A_680 : memref<1x1x10000x128xf32, #tpu.memory_space<hbm>> -> memref<10000x128xf32, #tpu.memory_space<hbm>>
    %dma_wait3A_682 = arith.constant 0 : i32
    %dma_wait3A_683 = arith.constant 0 : i32
    %dma_wait3A_684 = tpu.memref_slice %dma_wait3A_681[%dma_wait3A_682, %dma_wait3A_683] : memref<10000x128xf32, #tpu.memory_space<hbm>> -> memref<10000x128xf32, #tpu.memory_space<hbm>>
    tpu.wait_indirect_dma semaphore(%arg12 : memref<!tpu.dma_semaphore, #tpu.memory_space<semaphore_mem>>) src(%dma_wait3A_684 : memref<10000x128xf32, #tpu.memory_space<hbm>>) dst(%dma_wait3A_674 : memref<40x128xf32, #tpu.memory_space<vmem>>)
    %dma_start3A_685 = arith.constant 2 : i32
    %dma_start3A_686 = arith.constant 0 : i32
    %dma_start3A_687 = tpu.memref_slice %arg7[%dma_start3A_685, %dma_start3A_686] : memref<8x80xi32, #tpu.memory_space<vmem>> -> memref<1x80xi32, #tpu.memory_space<vmem>>
    %dma_start3A_688 = tpu.memref_squeeze %dma_start3A_687 : memref<1x80xi32, #tpu.memory_space<vmem>> -> memref<80xi32, #tpu.memory_space<vmem>>
    %dma_start3A_689 = arith.constant 0 : i32
    %dma_start3A_690 = arith.constant 0 : i32
    %dma_start3A_691 = tpu.memref_slice %arg10[%dma_start3A_689, %dma_start3A_690] : memref<10000x128xf32, #tpu.memory_space<vmem_shared>> -> memref<10000x128xf32, #tpu.memory_space<vmem_shared>>
    tpu.enqueue_indirect_dma source(%arg8 : memref<80x128xf32, #tpu.memory_space<vmem>>) target(%dma_start3A_691 : memref<10000x128xf32, #tpu.memory_space<vmem_shared>>) offsets(%dma_start3A_688 : memref<80xi32, #tpu.memory_space<vmem>>) semaphore(%arg15 : memref<!tpu.dma_semaphore, #tpu.memory_space<semaphore_mem>>) {add = true}
    %dma_wait3A_692 = arith.constant 2 : i32
    %dma_wait3A_693 = arith.constant 0 : i32
    %dma_wait3A_694 = tpu.memref_slice %arg7[%dma_wait3A_692, %dma_wait3A_693] : memref<8x80xi32, #tpu.memory_space<vmem>> -> memref<1x80xi32, #tpu.memory_space<vmem>>
    %dma_wait3A_695 = tpu.memref_squeeze %dma_wait3A_694 : memref<1x80xi32, #tpu.memory_space<vmem>> -> memref<80xi32, #tpu.memory_space<vmem>>
    %dma_wait3A_696 = arith.constant 0 : i32
    %dma_wait3A_697 = arith.constant 0 : i32
    %dma_wait3A_698 = tpu.memref_slice %arg10[%dma_wait3A_696, %dma_wait3A_697] : memref<10000x128xf32, #tpu.memory_space<vmem_shared>> -> memref<10000x128xf32, #tpu.memory_space<vmem_shared>>
    tpu.wait_indirect_dma semaphore(%arg15 : memref<!tpu.dma_semaphore, #tpu.memory_space<semaphore_mem>>) src(%arg8 : memref<80x128xf32, #tpu.memory_space<vmem>>) dst(%dma_wait3A_698 : memref<10000x128xf32, #tpu.memory_space<vmem_shared>>)
    %dma_start3A_699 = arith.constant 1 : i32
    %dma_start3A_700 = arith.constant 124 : i32
    %dma_start3A_701 = arith.constant 0 : i32
    %dma_start3A_702 = arith.constant 0 : i32
    %dma_start3A_703 = tpu.memref_slice %arg8[%dma_start3A_701, %dma_start3A_702] : memref<80x128xf32, #tpu.memory_space<vmem>> -> memref<40x128xf32, #tpu.memory_space<vmem>>
    %dma_start3A_704 = arith.constant 0 : i32
    %dma_start3A_705 = tpu.memref_slice %arg6[%dma_start3A_700, %dma_start3A_704] : memref<128x80xi32, #tpu.memory_space<vmem>> -> memref<1x40xi32, #tpu.memory_space<vmem>>
    %dma_start3A_706 = tpu.memref_squeeze %dma_start3A_705 : memref<1x40xi32, #tpu.memory_space<vmem>> -> memref<40xi32, #tpu.memory_space<vmem>>
    %dma_start3A_707 = arith.constant 0 : i32
    %dma_start3A_708 = arith.constant 0 : i32
    %dma_start3A_709 = tpu.memref_slice %arg2[%arg0, %dma_start3A_699, %dma_start3A_707, %dma_start3A_708] : memref<2x2x10000x128xf32, #tpu.memory_space<hbm>> -> memref<1x1x10000x128xf32, #tpu.memory_space<hbm>>
    %dma_start3A_710 = tpu.memref_squeeze %dma_start3A_709 : memref<1x1x10000x128xf32, #tpu.memory_space<hbm>> -> memref<10000x128xf32, #tpu.memory_space<hbm>>
    %dma_start3A_711 = arith.constant 0 : i32
    %dma_start3A_712 = arith.constant 0 : i32
    %dma_start3A_713 = tpu.memref_slice %dma_start3A_710[%dma_start3A_711, %dma_start3A_712] : memref<10000x128xf32, #tpu.memory_space<hbm>> -> memref<10000x128xf32, #tpu.memory_space<hbm>>
    tpu.enqueue_indirect_dma source(%dma_start3A_713 : memref<10000x128xf32, #tpu.memory_space<hbm>>) target(%dma_start3A_703 : memref<40x128xf32, #tpu.memory_space<vmem>>) offsets(%dma_start3A_706 : memref<40xi32, #tpu.memory_space<vmem>>) semaphore(%arg11 : memref<!tpu.dma_semaphore, #tpu.memory_space<semaphore_mem>>)
    %dma_start3A_714 = arith.constant 1 : i32
    %dma_start3A_715 = arith.constant 124 : i32
    %dma_start3A_716 = arith.constant 40 : i32
    %dma_start3A_717 = arith.constant 0 : i32
    %dma_start3A_718 = tpu.memref_slice %arg8[%dma_start3A_716, %dma_start3A_717] : memref<80x128xf32, #tpu.memory_space<vmem>> -> memref<40x128xf32, #tpu.memory_space<vmem>>
    %dma_start3A_719 = arith.constant 40 : i32
    %dma_start3A_720 = tpu.memref_slice %arg6[%dma_start3A_715, %dma_start3A_719] : memref<128x80xi32, #tpu.memory_space<vmem>> -> memref<1x40xi32, #tpu.memory_space<vmem>>
    %dma_start3A_721 = tpu.memref_squeeze %dma_start3A_720 : memref<1x40xi32, #tpu.memory_space<vmem>> -> memref<40xi32, #tpu.memory_space<vmem>>
    %dma_start3A_722 = arith.constant 0 : i32
    %dma_start3A_723 = arith.constant 0 : i32
    %dma_start3A_724 = tpu.memref_slice %arg2[%arg0, %dma_start3A_714, %dma_start3A_722, %dma_start3A_723] : memref<2x2x10000x128xf32, #tpu.memory_space<hbm>> -> memref<1x1x10000x128xf32, #tpu.memory_space<hbm>>
    %dma_start3A_725 = tpu.memref_squeeze %dma_start3A_724 : memref<1x1x10000x128xf32, #tpu.memory_space<hbm>> -> memref<10000x128xf32, #tpu.memory_space<hbm>>
    %dma_start3A_726 = arith.constant 0 : i32
    %dma_start3A_727 = arith.constant 0 : i32
    %dma_start3A_728 = tpu.memref_slice %dma_start3A_725[%dma_start3A_726, %dma_start3A_727] : memref<10000x128xf32, #tpu.memory_space<hbm>> -> memref<10000x128xf32, #tpu.memory_space<hbm>>
    tpu.enqueue_indirect_dma source(%dma_start3A_728 : memref<10000x128xf32, #tpu.memory_space<hbm>>) target(%dma_start3A_718 : memref<40x128xf32, #tpu.memory_space<vmem>>) offsets(%dma_start3A_721 : memref<40xi32, #tpu.memory_space<vmem>>) semaphore(%arg12 : memref<!tpu.dma_semaphore, #tpu.memory_space<semaphore_mem>>)
    %dma_wait3A_729 = arith.constant 1 : i32
    %dma_wait3A_730 = arith.constant 123 : i32
    %dma_wait3A_731 = arith.constant 0 : i32
    %dma_wait3A_732 = arith.constant 0 : i32
    %dma_wait3A_733 = tpu.memref_slice %arg9[%dma_wait3A_731, %dma_wait3A_732] : memref<80x128xf32, #tpu.memory_space<vmem>> -> memref<40x128xf32, #tpu.memory_space<vmem>>
    %dma_wait3A_734 = arith.constant 0 : i32
    %dma_wait3A_735 = tpu.memref_slice %arg6[%dma_wait3A_730, %dma_wait3A_734] : memref<128x80xi32, #tpu.memory_space<vmem>> -> memref<1x40xi32, #tpu.memory_space<vmem>>
    %dma_wait3A_736 = tpu.memref_squeeze %dma_wait3A_735 : memref<1x40xi32, #tpu.memory_space<vmem>> -> memref<40xi32, #tpu.memory_space<vmem>>
    %dma_wait3A_737 = arith.constant 0 : i32
    %dma_wait3A_738 = arith.constant 0 : i32
    %dma_wait3A_739 = tpu.memref_slice %arg2[%arg0, %dma_wait3A_729, %dma_wait3A_737, %dma_wait3A_738] : memref<2x2x10000x128xf32, #tpu.memory_space<hbm>> -> memref<1x1x10000x128xf32, #tpu.memory_space<hbm>>
    %dma_wait3A_740 = tpu.memref_squeeze %dma_wait3A_739 : memref<1x1x10000x128xf32, #tpu.memory_space<hbm>> -> memref<10000x128xf32, #tpu.memory_space<hbm>>
    %dma_wait3A_741 = arith.constant 0 : i32
    %dma_wait3A_742 = arith.constant 0 : i32
    %dma_wait3A_743 = tpu.memref_slice %dma_wait3A_740[%dma_wait3A_741, %dma_wait3A_742] : memref<10000x128xf32, #tpu.memory_space<hbm>> -> memref<10000x128xf32, #tpu.memory_space<hbm>>
    tpu.wait_indirect_dma semaphore(%arg13 : memref<!tpu.dma_semaphore, #tpu.memory_space<semaphore_mem>>) src(%dma_wait3A_743 : memref<10000x128xf32, #tpu.memory_space<hbm>>) dst(%dma_wait3A_733 : memref<40x128xf32, #tpu.memory_space<vmem>>)
    %dma_wait3A_744 = arith.constant 1 : i32
    %dma_wait3A_745 = arith.constant 123 : i32
    %dma_wait3A_746 = arith.constant 40 : i32
    %dma_wait3A_747 = arith.constant 0 : i32
    %dma_wait3A_748 = tpu.memref_slice %arg9[%dma_wait3A_746, %dma_wait3A_747] : memref<80x128xf32, #tpu.memory_space<vmem>> -> memref<40x128xf32, #tpu.memory_space<vmem>>
    %dma_wait3A_749 = arith.constant 40 : i32
    %dma_wait3A_750 = tpu.memref_slice %arg6[%dma_wait3A_745, %dma_wait3A_749] : memref<128x80xi32, #tpu.memory_space<vmem>> -> memref<1x40xi32, #tpu.memory_space<vmem>>
    %dma_wait3A_751 = tpu.memref_squeeze %dma_wait3A_750 : memref<1x40xi32, #tpu.memory_space<vmem>> -> memref<40xi32, #tpu.memory_space<vmem>>
    %dma_wait3A_752 = arith.constant 0 : i32
    %dma_wait3A_753 = arith.constant 0 : i32
    %dma_wait3A_754 = tpu.memref_slice %arg2[%arg0, %dma_wait3A_744, %dma_wait3A_752, %dma_wait3A_753] : memref<2x2x10000x128xf32, #tpu.memory_space<hbm>> -> memref<1x1x10000x128xf32, #tpu.memory_space<hbm>>
    %dma_wait3A_755 = tpu.memref_squeeze %dma_wait3A_754 : memref<1x1x10000x128xf32, #tpu.memory_space<hbm>> -> memref<10000x128xf32, #tpu.memory_space<hbm>>
    %dma_wait3A_756 = arith.constant 0 : i32
    %dma_wait3A_757 = arith.constant 0 : i32
    %dma_wait3A_758 = tpu.memref_slice %dma_wait3A_755[%dma_wait3A_756, %dma_wait3A_757] : memref<10000x128xf32, #tpu.memory_space<hbm>> -> memref<10000x128xf32, #tpu.memory_space<hbm>>
    tpu.wait_indirect_dma semaphore(%arg14 : memref<!tpu.dma_semaphore, #tpu.memory_space<semaphore_mem>>) src(%dma_wait3A_758 : memref<10000x128xf32, #tpu.memory_space<hbm>>) dst(%dma_wait3A_748 : memref<40x128xf32, #tpu.memory_space<vmem>>)
    %dma_start3A_759 = arith.constant 3 : i32
    %dma_start3A_760 = arith.constant 0 : i32
    %dma_start3A_761 = tpu.memref_slice %arg7[%dma_start3A_759, %dma_start3A_760] : memref<8x80xi32, #tpu.memory_space<vmem>> -> memref<1x80xi32, #tpu.memory_space<vmem>>
    %dma_start3A_762 = tpu.memref_squeeze %dma_start3A_761 : memref<1x80xi32, #tpu.memory_space<vmem>> -> memref<80xi32, #tpu.memory_space<vmem>>
    %dma_start3A_763 = arith.constant 0 : i32
    %dma_start3A_764 = arith.constant 0 : i32
    %dma_start3A_765 = tpu.memref_slice %arg10[%dma_start3A_763, %dma_start3A_764] : memref<10000x128xf32, #tpu.memory_space<vmem_shared>> -> memref<10000x128xf32, #tpu.memory_space<vmem_shared>>
    tpu.enqueue_indirect_dma source(%arg9 : memref<80x128xf32, #tpu.memory_space<vmem>>) target(%dma_start3A_765 : memref<10000x128xf32, #tpu.memory_space<vmem_shared>>) offsets(%dma_start3A_762 : memref<80xi32, #tpu.memory_space<vmem>>) semaphore(%arg16 : memref<!tpu.dma_semaphore, #tpu.memory_space<semaphore_mem>>) {add = true}
    %dma_wait3A_766 = arith.constant 3 : i32
    %dma_wait3A_767 = arith.constant 0 : i32
    %dma_wait3A_768 = tpu.memref_slice %arg7[%dma_wait3A_766, %dma_wait3A_767] : memref<8x80xi32, #tpu.memory_space<vmem>> -> memref<1x80xi32, #tpu.memory_space<vmem>>
    %dma_wait3A_769 = tpu.memref_squeeze %dma_wait3A_768 : memref<1x80xi32, #tpu.memory_space<vmem>> -> memref<80xi32, #tpu.memory_space<vmem>>
    %dma_wait3A_770 = arith.constant 0 : i32
    %dma_wait3A_771 = arith.constant 0 : i32
    %dma_wait3A_772 = tpu.memref_slice %arg10[%dma_wait3A_770, %dma_wait3A_771] : memref<10000x128xf32, #tpu.memory_space<vmem_shared>> -> memref<10000x128xf32, #tpu.memory_space<vmem_shared>>
    tpu.wait_indirect_dma semaphore(%arg16 : memref<!tpu.dma_semaphore, #tpu.memory_space<semaphore_mem>>) src(%arg9 : memref<80x128xf32, #tpu.memory_space<vmem>>) dst(%dma_wait3A_772 : memref<10000x128xf32, #tpu.memory_space<vmem_shared>>)
    %dma_wait3A_773 = arith.constant 1 : i32
    %dma_wait3A_774 = arith.constant 124 : i32
    %dma_wait3A_775 = arith.constant 0 : i32
    %dma_wait3A_776 = arith.constant 0 : i32
    %dma_wait3A_777 = tpu.memref_slice %arg8[%dma_wait3A_775, %dma_wait3A_776] : memref<80x128xf32, #tpu.memory_space<vmem>> -> memref<40x128xf32, #tpu.memory_space<vmem>>
    %dma_wait3A_778 = arith.constant 0 : i32
    %dma_wait3A_779 = tpu.memref_slice %arg6[%dma_wait3A_774, %dma_wait3A_778] : memref<128x80xi32, #tpu.memory_space<vmem>> -> memref<1x40xi32, #tpu.memory_space<vmem>>
    %dma_wait3A_780 = tpu.memref_squeeze %dma_wait3A_779 : memref<1x40xi32, #tpu.memory_space<vmem>> -> memref<40xi32, #tpu.memory_space<vmem>>
    %dma_wait3A_781 = arith.constant 0 : i32
    %dma_wait3A_782 = arith.constant 0 : i32
    %dma_wait3A_783 = tpu.memref_slice %arg2[%arg0, %dma_wait3A_773, %dma_wait3A_781, %dma_wait3A_782] : memref<2x2x10000x128xf32, #tpu.memory_space<hbm>> -> memref<1x1x10000x128xf32, #tpu.memory_space<hbm>>
    %dma_wait3A_784 = tpu.memref_squeeze %dma_wait3A_783 : memref<1x1x10000x128xf32, #tpu.memory_space<hbm>> -> memref<10000x128xf32, #tpu.memory_space<hbm>>
    %dma_wait3A_785 = arith.constant 0 : i32
    %dma_wait3A_786 = arith.constant 0 : i32
    %dma_wait3A_787 = tpu.memref_slice %dma_wait3A_784[%dma_wait3A_785, %dma_wait3A_786] : memref<10000x128xf32, #tpu.memory_space<hbm>> -> memref<10000x128xf32, #tpu.memory_space<hbm>>
    tpu.wait_indirect_dma semaphore(%arg11 : memref<!tpu.dma_semaphore, #tpu.memory_space<semaphore_mem>>) src(%dma_wait3A_787 : memref<10000x128xf32, #tpu.memory_space<hbm>>) dst(%dma_wait3A_777 : memref<40x128xf32, #tpu.memory_space<vmem>>)
    %dma_wait3A_788 = arith.constant 1 : i32
    %dma_wait3A_789 = arith.constant 124 : i32
    %dma_wait3A_790 = arith.constant 40 : i32
    %dma_wait3A_791 = arith.constant 0 : i32
    %dma_wait3A_792 = tpu.memref_slice %arg8[%dma_wait3A_790, %dma_wait3A_791] : memref<80x128xf32, #tpu.memory_space<vmem>> -> memref<40x128xf32, #tpu.memory_space<vmem>>
    %dma_wait3A_793 = arith.constant 40 : i32
    %dma_wait3A_794 = tpu.memref_slice %arg6[%dma_wait3A_789, %dma_wait3A_793] : memref<128x80xi32, #tpu.memory_space<vmem>> -> memref<1x40xi32, #tpu.memory_space<vmem>>
    %dma_wait3A_795 = tpu.memref_squeeze %dma_wait3A_794 : memref<1x40xi32, #tpu.memory_space<vmem>> -> memref<40xi32, #tpu.memory_space<vmem>>
    %dma_wait3A_796 = arith.constant 0 : i32
    %dma_wait3A_797 = arith.constant 0 : i32
    %dma_wait3A_798 = tpu.memref_slice %arg2[%arg0, %dma_wait3A_788, %dma_wait3A_796, %dma_wait3A_797] : memref<2x2x10000x128xf32, #tpu.memory_space<hbm>> -> memref<1x1x10000x128xf32, #tpu.memory_space<hbm>>
    %dma_wait3A_799 = tpu.memref_squeeze %dma_wait3A_798 : memref<1x1x10000x128xf32, #tpu.memory_space<hbm>> -> memref<10000x128xf32, #tpu.memory_space<hbm>>
    %dma_wait3A_800 = arith.constant 0 : i32
    %dma_wait3A_801 = arith.constant 0 : i32
    %dma_wait3A_802 = tpu.memref_slice %dma_wait3A_799[%dma_wait3A_800, %dma_wait3A_801] : memref<10000x128xf32, #tpu.memory_space<hbm>> -> memref<10000x128xf32, #tpu.memory_space<hbm>>
    tpu.wait_indirect_dma semaphore(%arg12 : memref<!tpu.dma_semaphore, #tpu.memory_space<semaphore_mem>>) src(%dma_wait3A_802 : memref<10000x128xf32, #tpu.memory_space<hbm>>) dst(%dma_wait3A_792 : memref<40x128xf32, #tpu.memory_space<vmem>>)
    %dma_start3A_803 = arith.constant 4 : i32
    %dma_start3A_804 = arith.constant 0 : i32
    %dma_start3A_805 = tpu.memref_slice %arg7[%dma_start3A_803, %dma_start3A_804] : memref<8x80xi32, #tpu.memory_space<vmem>> -> memref<1x80xi32, #tpu.memory_space<vmem>>
    %dma_start3A_806 = tpu.memref_squeeze %dma_start3A_805 : memref<1x80xi32, #tpu.memory_space<vmem>> -> memref<80xi32, #tpu.memory_space<vmem>>
    %dma_start3A_807 = arith.constant 0 : i32
    %dma_start3A_808 = arith.constant 0 : i32
    %dma_start3A_809 = tpu.memref_slice %arg10[%dma_start3A_807, %dma_start3A_808] : memref<10000x128xf32, #tpu.memory_space<vmem_shared>> -> memref<10000x128xf32, #tpu.memory_space<vmem_shared>>
    tpu.enqueue_indirect_dma source(%arg8 : memref<80x128xf32, #tpu.memory_space<vmem>>) target(%dma_start3A_809 : memref<10000x128xf32, #tpu.memory_space<vmem_shared>>) offsets(%dma_start3A_806 : memref<80xi32, #tpu.memory_space<vmem>>) semaphore(%arg15 : memref<!tpu.dma_semaphore, #tpu.memory_space<semaphore_mem>>) {add = true}
    %dma_wait3A_810 = arith.constant 4 : i32
    %dma_wait3A_811 = arith.constant 0 : i32
    %dma_wait3A_812 = tpu.memref_slice %arg7[%dma_wait3A_810, %dma_wait3A_811] : memref<8x80xi32, #tpu.memory_space<vmem>> -> memref<1x80xi32, #tpu.memory_space<vmem>>
    %dma_wait3A_813 = tpu.memref_squeeze %dma_wait3A_812 : memref<1x80xi32, #tpu.memory_space<vmem>> -> memref<80xi32, #tpu.memory_space<vmem>>
    %dma_wait3A_814 = arith.constant 0 : i32
    %dma_wait3A_815 = arith.constant 0 : i32
    %dma_wait3A_816 = tpu.memref_slice %arg10[%dma_wait3A_814, %dma_wait3A_815] : memref<10000x128xf32, #tpu.memory_space<vmem_shared>> -> memref<10000x128xf32, #tpu.memory_space<vmem_shared>>
    tpu.wait_indirect_dma semaphore(%arg15 : memref<!tpu.dma_semaphore, #tpu.memory_space<semaphore_mem>>) src(%arg8 : memref<80x128xf32, #tpu.memory_space<vmem>>) dst(%dma_wait3A_816 : memref<10000x128xf32, #tpu.memory_space<vmem_shared>>)
    %barrier3A_817 = arith.constant 0 : index
    tpu.barrier barrier_id(%barrier3A_817)
    %while3A_818 = arith.constant 0 : i32
    %while3A_819 = arith.constant 0 : i32
    %while3A_820 = arith.subi %select_n3A, %while3A_819 : i32
    %while3A_821 = arith.addi %while3A_819, %while3A_820 : i32
    %while3A_822 = arith.constant 1 : i32
    %while3A_823 = arith.divsi %while3A_820, %while3A_822 : i32
    %while3A_824 = arith.muli %while3A_823, %while3A_822 : i32
    %while3A_825 = arith.addi %while3A_819, %while3A_824 : i32
    %while3A_826 = arith.constant 1 : i32
    scf.for %while3A_839 = %while3A_819 to %while3A_825 step %while3A_826  : i32 {
      %mul3A_840 = arith.constant 80 : i32
      %mul3A_841 = arith.muli %mul3A_840, %while3A_839 : i32
      %add3A = arith.addi %mul3A_0, %mul3A_841 : i32
      %mul3A_842 = arith.constant 80 : i32
      %mul3A_843 = arith.muli %mul3A_842, %while3A_839 : i32
      %add3A_844 = arith.addi %mul3A_0, %mul3A_843 : i32
      %dma_start3A_845 = arith.constant 1 : i32
      %dma_start3A_846 = arith.constant 0 : i32
      %dma_start3A_847 = tpu.memref_slice %arg5[%arg0, %dma_start3A_845, %add3A_844, %dma_start3A_846] : memref<2x2x10000x128xf32, #tpu.memory_space<hbm>> -> memref<1x1x80x128xf32, #tpu.memory_space<hbm>>
      %dma_start3A_848 = tpu.memref_squeeze %dma_start3A_847 : memref<1x1x80x128xf32, #tpu.memory_space<hbm>> -> memref<80x128xf32, #tpu.memory_space<hbm>>
      %dma_start3A_849 = arith.constant 0 : i32
      %dma_start3A_850 = tpu.memref_slice %arg10[%add3A, %dma_start3A_849] : memref<10000x128xf32, #tpu.memory_space<vmem_shared>> -> memref<80x128xf32, #tpu.memory_space<vmem_shared>>
      tpu.enqueue_dma source(%dma_start3A_850 : memref<80x128xf32, #tpu.memory_space<vmem_shared>>) target(%dma_start3A_848 : memref<80x128xf32, #tpu.memory_space<hbm>>) target_semaphore(%arg17 : memref<!tpu.dma_semaphore, #tpu.memory_space<semaphore_mem>>)
    }
    %while3A_827 = arith.constant 1 : i32
    scf.for %while3A_839 = %while3A_825 to %while3A_821 step %while3A_827  : i32 {
      %mul3A_840 = arith.constant 80 : i32
      %mul3A_841 = arith.muli %mul3A_840, %while3A_839 : i32
      %add3A = arith.addi %mul3A_0, %mul3A_841 : i32
      %mul3A_842 = arith.constant 80 : i32
      %mul3A_843 = arith.muli %mul3A_842, %while3A_839 : i32
      %add3A_844 = arith.addi %mul3A_0, %mul3A_843 : i32
      %dma_start3A_845 = arith.constant 1 : i32
      %dma_start3A_846 = arith.constant 0 : i32
      %dma_start3A_847 = tpu.memref_slice %arg5[%arg0, %dma_start3A_845, %add3A_844, %dma_start3A_846] : memref<2x2x10000x128xf32, #tpu.memory_space<hbm>> -> memref<1x1x80x128xf32, #tpu.memory_space<hbm>>
      %dma_start3A_848 = tpu.memref_squeeze %dma_start3A_847 : memref<1x1x80x128xf32, #tpu.memory_space<hbm>> -> memref<80x128xf32, #tpu.memory_space<hbm>>
      %dma_start3A_849 = arith.constant 0 : i32
      %dma_start3A_850 = tpu.memref_slice %arg10[%add3A, %dma_start3A_849] : memref<10000x128xf32, #tpu.memory_space<vmem_shared>> -> memref<80x128xf32, #tpu.memory_space<vmem_shared>>
      tpu.enqueue_dma source(%dma_start3A_850 : memref<80x128xf32, #tpu.memory_space<vmem_shared>>) target(%dma_start3A_848 : memref<80x128xf32, #tpu.memory_space<hbm>>) target_semaphore(%arg17 : memref<!tpu.dma_semaphore, #tpu.memory_space<semaphore_mem>>)
    }
    %while3A_828 = arith.constant 0 : i32
    %while3A_829 = arith.constant 0 : i32
    %while3A_830 = arith.subi %select_n3A, %while3A_829 : i32
    %while3A_831 = arith.addi %while3A_829, %while3A_830 : i32
    %while3A_832 = arith.constant 1 : i32
    %while3A_833 = arith.divsi %while3A_830, %while3A_832 : i32
    %while3A_834 = arith.muli %while3A_833, %while3A_832 : i32
    %while3A_835 = arith.addi %while3A_829, %while3A_834 : i32
    %while3A_836 = arith.constant 1 : i32
    scf.for %while3A_839 = %while3A_829 to %while3A_835 step %while3A_836  : i32 {
      %dma_wait3A_840 = arith.constant 0 : i32
      %dma_wait3A_841 = tpu.memref_slice %arg10[%mul3A_0, %dma_wait3A_840] : memref<10000x128xf32, #tpu.memory_space<vmem_shared>> -> memref<80x128xf32, #tpu.memory_space<vmem_shared>>
      tpu.wait_dma2 semaphore(%arg17 : memref<!tpu.dma_semaphore, #tpu.memory_space<semaphore_mem>>) src(%arg4 : memref<80x128xf32, #tpu.memory_space<hbm>>) dst(%dma_wait3A_841 : memref<80x128xf32, #tpu.memory_space<vmem_shared>>)
    }
    %while3A_837 = arith.constant 1 : i32
    scf.for %while3A_839 = %while3A_835 to %while3A_831 step %while3A_837  : i32 {
      %dma_wait3A_840 = arith.constant 0 : i32
      %dma_wait3A_841 = tpu.memref_slice %arg10[%mul3A_0, %dma_wait3A_840] : memref<10000x128xf32, #tpu.memory_space<vmem_shared>> -> memref<80x128xf32, #tpu.memory_space<vmem_shared>>
      tpu.wait_dma2 semaphore(%arg17 : memref<!tpu.dma_semaphore, #tpu.memory_space<semaphore_mem>>) src(%arg4 : memref<80x128xf32, #tpu.memory_space<hbm>>) dst(%dma_wait3A_841 : memref<80x128xf32, #tpu.memory_space<vmem_shared>>)
    }
    %barrier3A_838 = arith.constant 0 : index
    tpu.barrier barrier_id(%barrier3A_838)
    return
  }
}

module attributes {stable_mosaic.version = 14 : i64} {
  func.func @_tc_dense_body(%arg0: i32, %arg1: memref<1000x256xf32, #tpu.memory_space<vmem>>, %arg2: memref<256x256xf32, #tpu.memory_space<vmem>>, %arg3: memref<1000x1xi32, #tpu.memory_space<vmem>>, %arg4: memref<1000x32xf32, #tpu.memory_space<vmem>>, %arg5: memref<2x2x1000x128xf32, #tpu.memory_space<vmem>>, %arg6: memref<1000x1xf32, #tpu.memory_space<vmem>>, %arg7: memref<1x1xf32, #tpu.memory_space<vmem>>) attributes {dimension_semantics = [#tpu.dimension_semantics<arbitrary>], iteration_bounds = array<i64: 10>, scalar_prefetch = 0 : i64, scratch_operands = 0 : i64, tpu.core_type = #tpu.core_type<tc>, window_params = [{transform_indices = @transform_0, window_bounds = array<i64: 1000, 256>}, {pipeline_mode = #tpu.pipeline_mode<synchronous>, transform_indices = @transform_1, window_bounds = array<i64: 256, 256>}, {transform_indices = @transform_2, window_bounds = array<i64: 1000, 1>}, {transform_indices = @transform_3, window_bounds = array<i64: 1000, 32>}, {transform_indices = @transform_4, window_bounds = array<i64: 2, 2, 1000, 128>}, {transform_indices = @transform_5, window_bounds = array<i64: 1000, 1>}, {pipeline_mode = #tpu.pipeline_mode<synchronous>, transform_indices = @transform_6, window_bounds = array<i64: 1, 1>}]} {
    %get3A = arith.constant 0 : index
    %get3A_0 = arith.constant 0 : index
    %get3A_1 = vector.load %arg1[%get3A, %get3A_0] : memref<1000x256xf32, #tpu.memory_space<vmem>>, vector<1000x256xf32>
    %get3A_2 = arith.constant 0 : index
    %get3A_3 = arith.constant 0 : index
    %get3A_4 = vector.load %arg2[%get3A_2, %get3A_3] : memref<256x256xf32, #tpu.memory_space<vmem>>, vector<256x256xf32>
    %dot_general3A = arith.constant dense<0.000000e+00> : vector<1000x256xf32>
    %dot_general3A_5 = tpu.matmul %get3A_1, %get3A_4, %dot_general3A {dimension_numbers = #tpu.dot_dimension_numbers<[1], [0], [0], [1], [0, 0, 1, 1], [], []>, transpose_lhs_hint = false} : vector<1000x256xf32>, vector<256x256xf32>, vector<1000x256xf32> -> vector<1000x256xf32>
    %get3A_6 = arith.constant 0 : index
    %get3A_7 = arith.constant 0 : index
    %get3A_8 = vector.load %arg4[%get3A_6, %get3A_7] : memref<1000x32xf32, #tpu.memory_space<vmem>>, vector<1000x32xf32>
    %reduce_sum3A = arith.constant dense<0.000000e+00> : vector<1000xf32>
    %reduce_sum3A_9 = vector.multi_reduction <add>, %get3A_8, %reduce_sum3A [1] : vector<1000x32xf32> to vector<1000xf32>
    %add3A = arith.constant 1.000000e+00 : f32
    %add3A_10 = vector.broadcast %add3A : f32 to vector<1000xf32>
    %add3A_11 = arith.addf %reduce_sum3A_9, %add3A_10 : vector<1000xf32>
    %rsqrt3A = math.rsqrt %add3A_11 : vector<1000xf32>
    %broadcast_in_dim3A = vector.shape_cast %rsqrt3A : vector<1000xf32> to vector<1000x1xf32>
    %mul3A = vector.broadcast %broadcast_in_dim3A : vector<1000x1xf32> to vector<1000x256xf32>
    %mul3A_12 = arith.mulf %dot_general3A_5, %mul3A : vector<1000x256xf32>
    %slice3A = vector.extract_strided_slice %mul3A_12 {offsets = [0, 0], sizes = [1000, 128], strides = [1, 1]} : vector<1000x256xf32> to vector<1000x128xf32>
    %swap3A = arith.constant 0 : index
    %swap3A_13 = arith.constant 0 : index
    %swap3A_14 = arith.constant 0 : index
    %swap3A_15 = arith.constant 0 : index
    %swap3A_16 = vector.load %arg5[%swap3A, %swap3A_13, %swap3A_14, %swap3A_15] : memref<2x2x1000x128xf32, #tpu.memory_space<vmem>>, vector<1x1x1000x128xf32>
    %swap3A_17 = vector.shape_cast %swap3A_16 : vector<1x1x1000x128xf32> to vector<1000x128xf32>
    %swap3A_18 = vector.shape_cast %slice3A : vector<1000x128xf32> to vector<1x1x1000x128xf32>
    tpu.vector_store %arg5[%swap3A, %swap3A_13, %swap3A_14, %swap3A_15], %swap3A_18 {strides = array<i32>} : memref<2x2x1000x128xf32, #tpu.memory_space<vmem>>, vector<1x1x1000x128xf32>,
    %slice3A_19 = vector.extract_strided_slice %dot_general3A_5 {offsets = [0, 0], sizes = [1000, 128], strides = [1, 1]} : vector<1000x256xf32> to vector<1000x128xf32>
    %swap3A_20 = arith.constant 1 : index
    %swap3A_21 = arith.constant 0 : index
    %swap3A_22 = arith.constant 0 : index
    %swap3A_23 = arith.constant 0 : index
    %swap3A_24 = vector.load %arg5[%swap3A_20, %swap3A_21, %swap3A_22, %swap3A_23] : memref<2x2x1000x128xf32, #tpu.memory_space<vmem>>, vector<1x1x1000x128xf32>
    %swap3A_25 = vector.shape_cast %swap3A_24 : vector<1x1x1000x128xf32> to vector<1000x128xf32>
    %swap3A_26 = vector.shape_cast %slice3A_19 : vector<1000x128xf32> to vector<1x1x1000x128xf32>
    tpu.vector_store %arg5[%swap3A_20, %swap3A_21, %swap3A_22, %swap3A_23], %swap3A_26 {strides = array<i32>} : memref<2x2x1000x128xf32, #tpu.memory_space<vmem>>, vector<1x1x1000x128xf32>,
    %slice3A_27 = vector.extract_strided_slice %mul3A_12 {offsets = [0, 128], sizes = [1000, 128], strides = [1, 1]} : vector<1000x256xf32> to vector<1000x128xf32>
    %swap3A_28 = arith.constant 0 : index
    %swap3A_29 = arith.constant 1 : index
    %swap3A_30 = arith.constant 0 : index
    %swap3A_31 = arith.constant 0 : index
    %swap3A_32 = vector.load %arg5[%swap3A_28, %swap3A_29, %swap3A_30, %swap3A_31] : memref<2x2x1000x128xf32, #tpu.memory_space<vmem>>, vector<1x1x1000x128xf32>
    %swap3A_33 = vector.shape_cast %swap3A_32 : vector<1x1x1000x128xf32> to vector<1000x128xf32>
    %swap3A_34 = vector.shape_cast %slice3A_27 : vector<1000x128xf32> to vector<1x1x1000x128xf32>
    tpu.vector_store %arg5[%swap3A_28, %swap3A_29, %swap3A_30, %swap3A_31], %swap3A_34 {strides = array<i32>} : memref<2x2x1000x128xf32, #tpu.memory_space<vmem>>, vector<1x1x1000x128xf32>,
    %slice3A_35 = vector.extract_strided_slice %dot_general3A_5 {offsets = [0, 128], sizes = [1000, 128], strides = [1, 1]} : vector<1000x256xf32> to vector<1000x128xf32>
    %swap3A_36 = arith.constant 1 : index
    %swap3A_37 = arith.constant 1 : index
    %swap3A_38 = arith.constant 0 : index
    %swap3A_39 = arith.constant 0 : index
    %swap3A_40 = vector.load %arg5[%swap3A_36, %swap3A_37, %swap3A_38, %swap3A_39] : memref<2x2x1000x128xf32, #tpu.memory_space<vmem>>, vector<1x1x1000x128xf32>
    %swap3A_41 = vector.shape_cast %swap3A_40 : vector<1x1x1000x128xf32> to vector<1000x128xf32>
    %swap3A_42 = vector.shape_cast %slice3A_35 : vector<1000x128xf32> to vector<1x1x1000x128xf32>
    tpu.vector_store %arg5[%swap3A_36, %swap3A_37, %swap3A_38, %swap3A_39], %swap3A_42 {strides = array<i32>} : memref<2x2x1000x128xf32, #tpu.memory_space<vmem>>, vector<1x1x1000x128xf32>,
    %broadcast_in_dim3A_43 = vector.shape_cast %rsqrt3A : vector<1000xf32> to vector<1000x1xf32>
    %swap3A_44 = arith.constant 0 : index
    %swap3A_45 = arith.constant 0 : index
    %swap3A_46 = vector.load %arg6[%swap3A_44, %swap3A_45] : memref<1000x1xf32, #tpu.memory_space<vmem>>, vector<1000x1xf32>
    tpu.vector_store %arg6[%swap3A_44, %swap3A_45], %broadcast_in_dim3A_43 {strides = array<i32>} : memref<1000x1xf32, #tpu.memory_space<vmem>>, vector<1000x1xf32>,
    %get3A_47 = arith.constant 0 : index
    %get3A_48 = arith.constant 0 : index
    %get3A_49 = vector.load %arg3[%get3A_47, %get3A_48] : memref<1000x1xi32, #tpu.memory_space<vmem>>, vector<1000x1xi32>
    %eq3A = arith.constant 0 : i32
    %eq3A_50 = arith.cmpi eq, %arg0, %eq3A : i32
    %convert_element_type3A = arith.extui %eq3A_50 : i1 to i32
    %cond3A = arith.constant 0 : i32
    %cond3A_51 = arith.cmpi ne, %convert_element_type3A, %cond3A : i32
    scf.if %cond3A_51 {
      %broadcast_in_dim3A_66 = arith.constant 0.000000e+00 : f32
      %broadcast_in_dim3A_67 = vector.broadcast %broadcast_in_dim3A_66 : f32 to vector<1x1xf32>
      %swap3A_68 = arith.constant 0 : index
      %swap3A_69 = arith.constant 0 : index
      %swap3A_70 = vector.load %arg7[%swap3A_68, %swap3A_69] : memref<1x1xf32, #tpu.memory_space<vmem>>, vector<1x1xf32>
      tpu.vector_store %arg7[%swap3A_68, %swap3A_69], %broadcast_in_dim3A_67 {strides = array<i32>} : memref<1x1xf32, #tpu.memory_space<vmem>>, vector<1x1xf32>,
    } else {
    }
    %get3A_52 = arith.constant 0 : index
    %get3A_53 = arith.constant 0 : index
    %get3A_54 = vector.load %arg7[%get3A_52, %get3A_53] : memref<1x1xf32, #tpu.memory_space<vmem>>, vector<1x1xf32>
    %convert_element_type3A_55 = arith.sitofp %get3A_49 : vector<1000x1xi32> to vector<1000x1xf32>
    %reduce_sum3A_56 = vector.shape_cast %convert_element_type3A_55 : vector<1000x1xf32> to vector<1x1000x1xf32>
    %reduce_sum3A_57 = arith.constant dense<0.000000e+00> : vector<1xf32>
    %reduce_sum3A_58 = vector.multi_reduction <add>, %reduce_sum3A_56, %reduce_sum3A_57 [1, 2] : vector<1x1000x1xf32> to vector<1xf32>
    %reduce_sum3A_59 = vector.shape_cast %reduce_sum3A_58 : vector<1xf32> to vector<1x1x1xf32>
    %reduce_sum3A_60 = vector.extract %reduce_sum3A_59[0, 0, 0] : f32 from vector<1x1x1xf32>
    %add3A_61 = vector.broadcast %reduce_sum3A_60 : f32 to vector<1x1xf32>
    %add3A_62 = arith.addf %get3A_54, %add3A_61 : vector<1x1xf32>
    %swap3A_63 = arith.constant 0 : index
    %swap3A_64 = arith.constant 0 : index
    %swap3A_65 = vector.load %arg7[%swap3A_63, %swap3A_64] : memref<1x1xf32, #tpu.memory_space<vmem>>, vector<1x1xf32>
    tpu.vector_store %arg7[%swap3A_63, %swap3A_64], %add3A_62 {strides = array<i32>} : memref<1x1xf32, #tpu.memory_space<vmem>>, vector<1x1xf32>,
    return
  }
  func.func @transform_0(%arg0: i32) -> (i32, i32) {
    %c0_i32 = arith.constant 0 : i32
    %c0_i32_0 = arith.constant 0 : i32
    return %arg0, %c0_i32 : i32, i32
  }
  func.func @transform_1(%arg0: i32) -> (i32, i32) {
    %c0_i32 = arith.constant 0 : i32
    %c0_i32_0 = arith.constant 0 : i32
    %c0_i32_1 = arith.constant 0 : i32
    return %c0_i32, %c0_i32_0 : i32, i32
  }
  func.func @transform_2(%arg0: i32) -> (i32, i32) {
    %c0_i32 = arith.constant 0 : i32
    %c0_i32_0 = arith.constant 0 : i32
    return %arg0, %c0_i32 : i32, i32
  }
  func.func @transform_3(%arg0: i32) -> (i32, i32) {
    %c0_i32 = arith.constant 0 : i32
    %c0_i32_0 = arith.constant 0 : i32
    return %arg0, %c0_i32 : i32, i32
  }
  func.func @transform_4(%arg0: i32) -> (i32, i32, i32, i32) {
    %c0_i32 = arith.constant 0 : i32
    %c0_i32_0 = arith.constant 0 : i32
    %c0_i32_1 = arith.constant 0 : i32
    %c0_i32_2 = arith.constant 0 : i32
    return %c0_i32, %c0_i32_0, %arg0, %c0_i32_1 : i32, i32, i32, i32
  }
  func.func @transform_5(%arg0: i32) -> (i32, i32) {
    %c0_i32 = arith.constant 0 : i32
    %c0_i32_0 = arith.constant 0 : i32
    return %arg0, %c0_i32 : i32, i32
  }
  func.func @transform_6(%arg0: i32) -> (i32, i32) {
    %c0_i32 = arith.constant 0 : i32
    %c0_i32_0 = arith.constant 0 : i32
    %c0_i32_1 = arith.constant 0 : i32
    return %c0_i32, %c0_i32_0 : i32, i32
  }
}

module attributes {stable_mosaic.version = 14 : i64} {
  func.func @_tc_final_body(%arg0: i32, %arg1: memref<2x2x1000x128xf32, #tpu.memory_space<vmem>>, %arg2: memref<1x2x1000x128xf32, #tpu.memory_space<vmem>>, %arg3: memref<1000x1xf32, #tpu.memory_space<vmem>>, %arg4: memref<1000x1xi32, #tpu.memory_space<vmem>>, %arg5: memref<128x64xf32, #tpu.memory_space<vmem>>, %arg6: memref<64x256xf32, #tpu.memory_space<vmem>>, %arg7: memref<64x256xf32, #tpu.memory_space<vmem>>, %arg8: memref<1x256xf32, #tpu.memory_space<vmem>>, %arg9: memref<1x256xf32, #tpu.memory_space<vmem>>, %arg10: memref<256x256xf32, #tpu.memory_space<vmem>>, %arg11: memref<256x256xf32, #tpu.memory_space<vmem>>, %arg12: memref<1000x32xf32, #tpu.memory_space<vmem>>, %arg13: memref<1x1xf32, #tpu.memory_space<vmem>>, %arg14: memref<1000x256xf32, #tpu.memory_space<vmem>>, %arg15: memref<1x1xf32, #tpu.memory_space<vmem>>, %arg16: memref<1x1xf32, #tpu.memory_space<vmem>>) attributes {dimension_semantics = [#tpu.dimension_semantics<arbitrary>], iteration_bounds = array<i64: 10>, scalar_prefetch = 0 : i64, scratch_operands = 0 : i64, tpu.core_type = #tpu.core_type<tc>, window_params = [{transform_indices = @transform_0, window_bounds = array<i64: 2, 2, 1000, 128>}, {transform_indices = @transform_1, window_bounds = array<i64: 1, 2, 1000, 128>}, {transform_indices = @transform_2, window_bounds = array<i64: 1000, 1>}, {transform_indices = @transform_3, window_bounds = array<i64: 1000, 1>}, {pipeline_mode = #tpu.pipeline_mode<synchronous>, transform_indices = @transform_4, window_bounds = array<i64: 128, 64>}, {pipeline_mode = #tpu.pipeline_mode<synchronous>, transform_indices = @transform_5, window_bounds = array<i64: 64, 256>}, {pipeline_mode = #tpu.pipeline_mode<synchronous>, transform_indices = @transform_6, window_bounds = array<i64: 64, 256>}, {pipeline_mode = #tpu.pipeline_mode<synchronous>, transform_indices = @transform_7, window_bounds = array<i64: 1, 256>}, {pipeline_mode = #tpu.pipeline_mode<synchronous>, transform_indices = @transform_8, window_bounds = array<i64: 1, 256>}, {pipeline_mode = #tpu.pipeline_mode<synchronous>, transform_indices = @transform_9, window_bounds = array<i64: 256, 256>}, {pipeline_mode = #tpu.pipeline_mode<synchronous>, transform_indices = @transform_10, window_bounds = array<i64: 256, 256>}, {transform_indices = @transform_11, window_bounds = array<i64: 1000, 32>}, {pipeline_mode = #tpu.pipeline_mode<synchronous>, transform_indices = @transform_12, window_bounds = array<i64: 1, 1>}, {transform_indices = @transform_13, window_bounds = array<i64: 1000, 256>}, {pipeline_mode = #tpu.pipeline_mode<synchronous>, transform_indices = @transform_14, window_bounds = array<i64: 1, 1>}, {pipeline_mode = #tpu.pipeline_mode<synchronous>, transform_indices = @transform_15, window_bounds = array<i64: 1, 1>}]} {
    %get3A = arith.constant 1 : index
    %get3A_0 = arith.constant 0 : index
    %get3A_1 = arith.constant 0 : index
    %get3A_2 = arith.constant 0 : index
    %get3A_3 = vector.load %arg1[%get3A, %get3A_0, %get3A_1, %get3A_2] : memref<2x2x1000x128xf32, #tpu.memory_space<vmem>>, vector<1x1x1000x128xf32>
    %get3A_4 = vector.shape_cast %get3A_3 : vector<1x1x1000x128xf32> to vector<1000x128xf32>
    %get3A_5 = arith.constant 1 : index
    %get3A_6 = arith.constant 1 : index
    %get3A_7 = arith.constant 0 : index
    %get3A_8 = arith.constant 0 : index
    %get3A_9 = vector.load %arg1[%get3A_5, %get3A_6, %get3A_7, %get3A_8] : memref<2x2x1000x128xf32, #tpu.memory_space<vmem>>, vector<1x1x1000x128xf32>
    %get3A_10 = vector.shape_cast %get3A_9 : vector<1x1x1000x128xf32> to vector<1000x128xf32>
    %concatenate3A = tpu.concatenate %get3A_4, %get3A_10 in 1 : vector<1000x128xf32>, vector<1000x128xf32> -> vector<1000x256xf32>
    %mul3A = arith.constant 8.000000e+00 : f32
    %mul3A_11 = vector.broadcast %mul3A : f32 to vector<1000x256xf32>
    %mul3A_12 = arith.mulf %concatenate3A, %mul3A_11 : vector<1000x256xf32>
    %get3A_13 = arith.constant 0 : index
    %get3A_14 = arith.constant 0 : index
    %get3A_15 = vector.load %arg4[%get3A_13, %get3A_14] : memref<1000x1xi32, #tpu.memory_space<vmem>>, vector<1000x1xi32>
    %convert_element_type3A = arith.sitofp %get3A_15 : vector<1000x1xi32> to vector<1000x1xf32>
    %eq3A = arith.constant 0.000000e+00 : f32
    %eq3A_16 = vector.broadcast %eq3A : f32 to vector<1000x1xf32>
    %eq3A_17 = arith.cmpf oeq, %convert_element_type3A, %eq3A_16 : vector<1000x1xf32>
    %jit3A = arith.constant 1.000000e+00 : f32
    %broadcast_in_dim3A = vector.broadcast %jit3A : f32 to vector<1000x1xf32>
    %select_n3A = arith.select %eq3A_17, %broadcast_in_dim3A, %convert_element_type3A : vector<1000x1xi1>, vector<1000x1xf32>
    %eq3A_18 = arith.constant 0.000000e+00 : f32
    %eq3A_19 = vector.broadcast %eq3A_18 : f32 to vector<1000x1xf32>
    %eq3A_20 = arith.cmpf oeq, %convert_element_type3A, %eq3A_19 : vector<1000x1xf32>
    %div3A = vector.broadcast %select_n3A : vector<1000x1xf32> to vector<1000x256xf32>
    %div3A_21 = arith.divf %mul3A_12, %div3A : vector<1000x256xf32>
    %jit3A_22 = arith.constant 0.000000e+00 : f32
    %broadcast_in_dim3A_23 = vector.shape_cast %eq3A_20 : vector<1000x1xi1> to vector<1000x1xi1>
    %broadcast_in_dim3A_24 = vector.broadcast %broadcast_in_dim3A_23 : vector<1000x1xi1> to vector<1000x256xi1>
    %broadcast_in_dim3A_25 = vector.broadcast %jit3A_22 : f32 to vector<1000x256xf32>
    %select_n3A_26 = arith.select %broadcast_in_dim3A_24, %broadcast_in_dim3A_25, %div3A_21 : vector<1000x256xi1>, vector<1000x256xf32>
    %get3A_27 = arith.constant 0 : index
    %get3A_28 = arith.constant 0 : index
    %get3A_29 = vector.load %arg10[%get3A_27, %get3A_28] : memref<256x256xf32, #tpu.memory_space<vmem>>, vector<256x256xf32>
    %dot_general3A = arith.constant dense<0.000000e+00> : vector<1000x256xf32>
    %dot_general3A_30 = tpu.matmul %select_n3A_26, %get3A_29, %dot_general3A {dimension_numbers = #tpu.dot_dimension_numbers<[1], [0], [0], [1], [0, 0, 1, 1], [], []>, transpose_lhs_hint = false} : vector<1000x256xf32>, vector<256x256xf32>, vector<1000x256xf32> -> vector<1000x256xf32>
    %get3A_31 = arith.constant 0 : index
    %get3A_32 = arith.constant 0 : index
    %get3A_33 = vector.load %arg11[%get3A_31, %get3A_32] : memref<256x256xf32, #tpu.memory_space<vmem>>, vector<256x256xf32>
    %dot_general3A_34 = arith.constant dense<0.000000e+00> : vector<1000x256xf32>
    %dot_general3A_35 = tpu.matmul %select_n3A_26, %get3A_33, %dot_general3A_34 {dimension_numbers = #tpu.dot_dimension_numbers<[1], [0], [0], [1], [0, 0, 1, 1], [], []>, transpose_lhs_hint = false} : vector<1000x256xf32>, vector<256x256xf32>, vector<1000x256xf32> -> vector<1000x256xf32>
    %iota3A = tpu.iota {dimensions = array<i32: 1>} : vector<1000x128xi32>
    %get3A_36 = arith.constant 0 : index
    %get3A_37 = arith.constant 0 : index
    %get3A_38 = vector.load %arg4[%get3A_36, %get3A_37] : memref<1000x1xi32, #tpu.memory_space<vmem>>, vector<1000x1xi32>
    %eq3A_39 = vector.broadcast %get3A_38 : vector<1000x1xi32> to vector<1000x128xi32>
    %eq3A_40 = arith.cmpi eq, %eq3A_39, %iota3A : vector<1000x128xi32>
    %convert_element_type3A_41 = arith.extui %eq3A_40 : vector<1000x128xi1> to vector<1000x128xi32>
    %convert_element_type3A_42 = arith.sitofp %convert_element_type3A_41 : vector<1000x128xi32> to vector<1000x128xf32>
    %get3A_43 = arith.constant 0 : index
    %get3A_44 = arith.constant 0 : index
    %get3A_45 = vector.load %arg5[%get3A_43, %get3A_44] : memref<128x64xf32, #tpu.memory_space<vmem>>, vector<128x64xf32>
    %dot_general3A_46 = arith.constant dense<0.000000e+00> : vector<1000x64xf32>
    %dot_general3A_47 = tpu.matmul %convert_element_type3A_42, %get3A_45, %dot_general3A_46 {dimension_numbers = #tpu.dot_dimension_numbers<[1], [0], [0], [1], [0, 0, 1, 1], [], []>, transpose_lhs_hint = false} : vector<1000x128xf32>, vector<128x64xf32>, vector<1000x64xf32> -> vector<1000x64xf32>
    %get3A_48 = arith.constant 0 : index
    %get3A_49 = arith.constant 0 : index
    %get3A_50 = vector.load %arg6[%get3A_48, %get3A_49] : memref<64x256xf32, #tpu.memory_space<vmem>>, vector<64x256xf32>
    %dot_general3A_51 = arith.constant dense<0.000000e+00> : vector<1000x256xf32>
    %dot_general3A_52 = tpu.matmul %dot_general3A_47, %get3A_50, %dot_general3A_51 {dimension_numbers = #tpu.dot_dimension_numbers<[1], [0], [0], [1], [0, 0, 1, 1], [], []>, transpose_lhs_hint = false} : vector<1000x64xf32>, vector<64x256xf32>, vector<1000x256xf32> -> vector<1000x256xf32>
    %get3A_53 = arith.constant 0 : index
    %get3A_54 = arith.constant 0 : index
    %get3A_55 = vector.load %arg8[%get3A_53, %get3A_54] : memref<1x256xf32, #tpu.memory_space<vmem>>, vector<1x256xf32>
    %add3A = vector.broadcast %get3A_55 : vector<1x256xf32> to vector<1000x256xf32>
    %add3A_56 = arith.addf %dot_general3A_52, %add3A : vector<1000x256xf32>
    %ge3A = arith.constant 0.000000e+00 : f32
    %ge3A_57 = vector.broadcast %ge3A : f32 to vector<1000x256xf32>
    %ge3A_58 = arith.cmpf oge, %add3A_56, %ge3A_57 : vector<1000x256xf32>
    %mul3A_59 = arith.constant 0.00999999977 : f32
    %mul3A_60 = vector.broadcast %mul3A_59 : f32 to vector<1000x256xf32>
    %mul3A_61 = arith.mulf %mul3A_60, %add3A_56 : vector<1000x256xf32>
    %select_n3A_62 = arith.select %ge3A_58, %add3A_56, %mul3A_61 : vector<1000x256xi1>, vector<1000x256xf32>
    %get3A_63 = arith.constant 0 : index
    %get3A_64 = arith.constant 0 : index
    %get3A_65 = vector.load %arg7[%get3A_63, %get3A_64] : memref<64x256xf32, #tpu.memory_space<vmem>>, vector<64x256xf32>
    %dot_general3A_66 = arith.constant dense<0.000000e+00> : vector<1000x256xf32>
    %dot_general3A_67 = tpu.matmul %dot_general3A_47, %get3A_65, %dot_general3A_66 {dimension_numbers = #tpu.dot_dimension_numbers<[1], [0], [0], [1], [0, 0, 1, 1], [], []>, transpose_lhs_hint = false} : vector<1000x64xf32>, vector<64x256xf32>, vector<1000x256xf32> -> vector<1000x256xf32>
    %get3A_68 = arith.constant 0 : index
    %get3A_69 = arith.constant 0 : index
    %get3A_70 = vector.load %arg9[%get3A_68, %get3A_69] : memref<1x256xf32, #tpu.memory_space<vmem>>, vector<1x256xf32>
    %add3A_71 = vector.broadcast %get3A_70 : vector<1x256xf32> to vector<1000x256xf32>
    %add3A_72 = arith.addf %dot_general3A_67, %add3A_71 : vector<1000x256xf32>
    %ge3A_73 = arith.constant 0.000000e+00 : f32
    %ge3A_74 = vector.broadcast %ge3A_73 : f32 to vector<1000x256xf32>
    %ge3A_75 = arith.cmpf oge, %add3A_72, %ge3A_74 : vector<1000x256xf32>
    %mul3A_76 = arith.constant 0.00999999977 : f32
    %mul3A_77 = vector.broadcast %mul3A_76 : f32 to vector<1000x256xf32>
    %mul3A_78 = arith.mulf %mul3A_77, %add3A_72 : vector<1000x256xf32>
    %select_n3A_79 = arith.select %ge3A_75, %add3A_72, %mul3A_78 : vector<1000x256xi1>, vector<1000x256xf32>
    %add3A_80 = arith.constant 1.000000e+00 : f32
    %add3A_81 = vector.broadcast %add3A_80 : f32 to vector<1000x256xf32>
    %add3A_82 = arith.addf %select_n3A_62, %add3A_81 : vector<1000x256xf32>
    %mul3A_83 = arith.mulf %add3A_82, %dot_general3A_30 : vector<1000x256xf32>
    %add3A_84 = arith.addf %mul3A_83, %select_n3A_79 : vector<1000x256xf32>
    %mul3A_85 = arith.mulf %add3A_82, %dot_general3A_35 : vector<1000x256xf32>
    %add3A_86 = arith.addf %mul3A_85, %select_n3A_79 : vector<1000x256xf32>
    %get3A_87 = arith.constant 0 : index
    %get3A_88 = arith.constant 0 : index
    %get3A_89 = vector.load %arg13[%get3A_87, %get3A_88] : memref<1x1xf32, #tpu.memory_space<vmem>>, vector<1x1xf32>
    %get3A_90 = vector.extract %get3A_89[0, 0] : f32 from vector<1x1xf32>
    %mul3A_91 = arith.constant 9.99999974E-5 : f32
    %mul3A_92 = arith.mulf %get3A_90, %mul3A_91 : f32
    %lt3A = vector.broadcast %mul3A_92 : f32 to vector<1000x1xf32>
    %lt3A_93 = arith.cmpf olt, %convert_element_type3A, %lt3A : vector<1000x1xf32>
    %convert_element_type3A_94 = arith.extui %lt3A_93 : vector<1000x1xi1> to vector<1000x1xi32>
    %convert_element_type3A_95 = arith.sitofp %convert_element_type3A_94 : vector<1000x1xi32> to vector<1000x1xf32>
    %mul3A_96 = vector.broadcast %convert_element_type3A_95 : vector<1000x1xf32> to vector<1000x256xf32>
    %mul3A_97 = arith.mulf %mul3A_96, %add3A_84 : vector<1000x256xf32>
    %sub3A = arith.constant 1.000000e+00 : f32
    %sub3A_98 = vector.broadcast %sub3A : f32 to vector<1000x1xf32>
    %sub3A_99 = arith.subf %sub3A_98, %convert_element_type3A_95 : vector<1000x1xf32>
    %mul3A_100 = vector.broadcast %sub3A_99 : vector<1000x1xf32> to vector<1000x256xf32>
    %mul3A_101 = arith.mulf %mul3A_100, %add3A_86 : vector<1000x256xf32>
    %sub3A_102 = arith.subf %mul3A_97, %mul3A_101 : vector<1000x256xf32>
    %mul3A_103 = arith.constant 1.000000e-01 : f32
    %mul3A_104 = vector.broadcast %mul3A_103 : f32 to vector<1000x256xf32>
    %mul3A_105 = arith.mulf %mul3A_104, %sub3A_102 : vector<1000x256xf32>
    %get3A_106 = arith.constant 0 : index
    %get3A_107 = arith.constant 0 : index
    %get3A_108 = arith.constant 0 : index
    %get3A_109 = arith.constant 0 : index
    %get3A_110 = vector.load %arg2[%get3A_106, %get3A_107, %get3A_108, %get3A_109] : memref<1x2x1000x128xf32, #tpu.memory_space<vmem>>, vector<1x1x1000x128xf32>
    %get3A_111 = vector.shape_cast %get3A_110 : vector<1x1x1000x128xf32> to vector<1000x128xf32>
    %get3A_112 = arith.constant 0 : index
    %get3A_113 = arith.constant 1 : index
    %get3A_114 = arith.constant 0 : index
    %get3A_115 = arith.constant 0 : index
    %get3A_116 = vector.load %arg2[%get3A_112, %get3A_113, %get3A_114, %get3A_115] : memref<1x2x1000x128xf32, #tpu.memory_space<vmem>>, vector<1x1x1000x128xf32>
    %get3A_117 = vector.shape_cast %get3A_116 : vector<1x1x1000x128xf32> to vector<1000x128xf32>
    %concatenate3A_118 = tpu.concatenate %get3A_111, %get3A_117 in 1 : vector<1000x128xf32>, vector<1000x128xf32> -> vector<1000x256xf32>
    %get3A_119 = arith.constant 0 : index
    %get3A_120 = arith.constant 0 : index
    %get3A_121 = arith.constant 0 : index
    %get3A_122 = arith.constant 0 : index
    %get3A_123 = vector.load %arg1[%get3A_119, %get3A_120, %get3A_121, %get3A_122] : memref<2x2x1000x128xf32, #tpu.memory_space<vmem>>, vector<1x1x1000x128xf32>
    %get3A_124 = vector.shape_cast %get3A_123 : vector<1x1x1000x128xf32> to vector<1000x128xf32>
    %get3A_125 = arith.constant 0 : index
    %get3A_126 = arith.constant 1 : index
    %get3A_127 = arith.constant 0 : index
    %get3A_128 = arith.constant 0 : index
    %get3A_129 = vector.load %arg1[%get3A_125, %get3A_126, %get3A_127, %get3A_128] : memref<2x2x1000x128xf32, #tpu.memory_space<vmem>>, vector<1x1x1000x128xf32>
    %get3A_130 = vector.shape_cast %get3A_129 : vector<1x1x1000x128xf32> to vector<1000x128xf32>
    %concatenate3A_131 = tpu.concatenate %get3A_124, %get3A_130 in 1 : vector<1000x128xf32>, vector<1000x128xf32> -> vector<1000x256xf32>
    %get3A_132 = arith.constant 0 : index
    %get3A_133 = arith.constant 0 : index
    %get3A_134 = vector.load %arg3[%get3A_132, %get3A_133] : memref<1000x1xf32, #tpu.memory_space<vmem>>, vector<1000x1xf32>
    %mul3A_135 = vector.broadcast %get3A_134 : vector<1000x1xf32> to vector<1000x256xf32>
    %mul3A_136 = arith.mulf %concatenate3A_131, %mul3A_135 : vector<1000x256xf32>
    %mul3A_137 = arith.mulf %get3A_134, %get3A_134 : vector<1000x1xf32>
    %mul3A_138 = vector.broadcast %mul3A_137 : vector<1000x1xf32> to vector<1000x256xf32>
    %mul3A_139 = arith.mulf %concatenate3A_118, %mul3A_138 : vector<1000x256xf32>
    %add3A_140 = arith.addf %mul3A_136, %mul3A_139 : vector<1000x256xf32>
    %add3A_141 = arith.addf %add3A_140, %mul3A_105 : vector<1000x256xf32>
    %swap3A = arith.constant 0 : index
    %swap3A_142 = arith.constant 0 : index
    %swap3A_143 = vector.load %arg14[%swap3A, %swap3A_142] : memref<1000x256xf32, #tpu.memory_space<vmem>>, vector<1000x256xf32>
    tpu.vector_store %arg14[%swap3A, %swap3A_142], %add3A_141 {strides = array<i32>} : memref<1000x256xf32, #tpu.memory_space<vmem>>, vector<1000x256xf32>,
    %mul3A_144 = arith.mulf %add3A_84, %add3A_84 : vector<1000x256xf32>
    %reduce_sum3A = arith.constant dense<0.000000e+00> : vector<1000xf32>
    %reduce_sum3A_145 = vector.multi_reduction <add>, %mul3A_144, %reduce_sum3A [1] : vector<1000x256xf32> to vector<1000xf32>
    %broadcast_in_dim3A_146 = vector.shape_cast %reduce_sum3A_145 : vector<1000xf32> to vector<1000x1xf32>
    %sqrt3A = math.sqrt %broadcast_in_dim3A_146 : vector<1000x1xf32>
    %mul3A_147 = arith.mulf %sqrt3A, %convert_element_type3A_95 : vector<1000x1xf32>
    %mul3A_148 = arith.mulf %add3A_86, %add3A_86 : vector<1000x256xf32>
    %reduce_sum3A_149 = arith.constant dense<0.000000e+00> : vector<1000xf32>
    %reduce_sum3A_150 = vector.multi_reduction <add>, %mul3A_148, %reduce_sum3A_149 [1] : vector<1000x256xf32> to vector<1000xf32>
    %broadcast_in_dim3A_151 = vector.shape_cast %reduce_sum3A_150 : vector<1000xf32> to vector<1000x1xf32>
    %sqrt3A_152 = math.sqrt %broadcast_in_dim3A_151 : vector<1000x1xf32>
    %sub3A_153 = arith.constant 1.000000e+00 : f32
    %sub3A_154 = vector.broadcast %sub3A_153 : f32 to vector<1000x1xf32>
    %sub3A_155 = arith.subf %sub3A_154, %convert_element_type3A_95 : vector<1000x1xf32>
    %mul3A_156 = arith.mulf %sqrt3A_152, %sub3A_155 : vector<1000x1xf32>
    %mul3A_157 = arith.mulf %select_n3A_62, %select_n3A_62 : vector<1000x256xf32>
    %reduce_sum3A_158 = arith.constant dense<0.000000e+00> : vector<1000xf32>
    %reduce_sum3A_159 = vector.multi_reduction <add>, %mul3A_157, %reduce_sum3A_158 [1] : vector<1000x256xf32> to vector<1000xf32>
    %sqrt3A_160 = math.sqrt %reduce_sum3A_159 : vector<1000xf32>
    %mul3A_161 = arith.mulf %select_n3A_79, %select_n3A_79 : vector<1000x256xf32>
    %reduce_sum3A_162 = arith.constant dense<0.000000e+00> : vector<1000xf32>
    %reduce_sum3A_163 = vector.multi_reduction <add>, %mul3A_161, %reduce_sum3A_162 [1] : vector<1000x256xf32> to vector<1000xf32>
    %sqrt3A_164 = math.sqrt %reduce_sum3A_163 : vector<1000xf32>
    %get3A_165 = arith.constant 0 : index
    %get3A_166 = arith.constant 0 : index
    %get3A_167 = vector.load %arg12[%get3A_165, %get3A_166] : memref<1000x32xf32, #tpu.memory_space<vmem>>, vector<1000x32xf32>
    %reduce_sum3A_168 = arith.constant dense<0.000000e+00> : vector<1000xf32>
    %reduce_sum3A_169 = vector.multi_reduction <add>, %get3A_167, %reduce_sum3A_168 [1] : vector<1000x32xf32> to vector<1000xf32>
    %eq3A_170 = arith.constant 0 : i32
    %eq3A_171 = arith.cmpi eq, %arg0, %eq3A_170 : i32
    %convert_element_type3A_172 = arith.extui %eq3A_171 : i1 to i32
    %cond3A = arith.constant 0 : i32
    %cond3A_173 = arith.cmpi ne, %convert_element_type3A_172, %cond3A : i32
    scf.if %cond3A_173 {
      %broadcast_in_dim3A_204 = arith.constant 0.000000e+00 : f32
      %broadcast_in_dim3A_205 = vector.broadcast %broadcast_in_dim3A_204 : f32 to vector<1x1xf32>
      %swap3A_206 = arith.constant 0 : index
      %swap3A_207 = arith.constant 0 : index
      %swap3A_208 = vector.load %arg15[%swap3A_206, %swap3A_207] : memref<1x1xf32, #tpu.memory_space<vmem>>, vector<1x1xf32>
      tpu.vector_store %arg15[%swap3A_206, %swap3A_207], %broadcast_in_dim3A_205 {strides = array<i32>} : memref<1x1xf32, #tpu.memory_space<vmem>>, vector<1x1xf32>,
      %broadcast_in_dim3A_209 = arith.constant 0.000000e+00 : f32
      %broadcast_in_dim3A_210 = vector.broadcast %broadcast_in_dim3A_209 : f32 to vector<1x1xf32>
      %swap3A_211 = arith.constant 0 : index
      %swap3A_212 = arith.constant 0 : index
      %swap3A_213 = vector.load %arg16[%swap3A_211, %swap3A_212] : memref<1x1xf32, #tpu.memory_space<vmem>>, vector<1x1xf32>
      tpu.vector_store %arg16[%swap3A_211, %swap3A_212], %broadcast_in_dim3A_210 {strides = array<i32>} : memref<1x1xf32, #tpu.memory_space<vmem>>, vector<1x1xf32>,
    } else {
    }
    %get3A_174 = arith.constant 0 : index
    %get3A_175 = arith.constant 0 : index
    %get3A_176 = vector.load %arg15[%get3A_174, %get3A_175] : memref<1x1xf32, #tpu.memory_space<vmem>>, vector<1x1xf32>
    %add3A_177 = arith.addf %mul3A_147, %mul3A_156 : vector<1000x1xf32>
    %squeeze3A = vector.shape_cast %add3A_177 : vector<1000x1xf32> to vector<1000xf32>
    %mul3A_178 = arith.mulf %reduce_sum3A_169, %squeeze3A : vector<1000xf32>
    %reduce_sum3A_179 = vector.shape_cast %mul3A_178 : vector<1000xf32> to vector<1x1000xf32>
    %reduce_sum3A_180 = arith.constant dense<0.000000e+00> : vector<1xf32>
    %reduce_sum3A_181 = vector.multi_reduction <add>, %reduce_sum3A_179, %reduce_sum3A_180 [1] : vector<1x1000xf32> to vector<1xf32>
    %reduce_sum3A_182 = vector.shape_cast %reduce_sum3A_181 : vector<1xf32> to vector<1x1xf32>
    %reduce_sum3A_183 = vector.extract %reduce_sum3A_182[0, 0] : f32 from vector<1x1xf32>
    %add3A_184 = vector.broadcast %reduce_sum3A_183 : f32 to vector<1x1xf32>
    %add3A_185 = arith.addf %get3A_176, %add3A_184 : vector<1x1xf32>
    %swap3A_186 = arith.constant 0 : index
    %swap3A_187 = arith.constant 0 : index
    %swap3A_188 = vector.load %arg15[%swap3A_186, %swap3A_187] : memref<1x1xf32, #tpu.memory_space<vmem>>, vector<1x1xf32>
    tpu.vector_store %arg15[%swap3A_186, %swap3A_187], %add3A_185 {strides = array<i32>} : memref<1x1xf32, #tpu.memory_space<vmem>>, vector<1x1xf32>,
    %get3A_189 = arith.constant 0 : index
    %get3A_190 = arith.constant 0 : index
    %get3A_191 = vector.load %arg16[%get3A_189, %get3A_190] : memref<1x1xf32, #tpu.memory_space<vmem>>, vector<1x1xf32>
    %add3A_192 = arith.addf %sqrt3A_160, %sqrt3A_164 : vector<1000xf32>
    %mul3A_193 = arith.mulf %reduce_sum3A_169, %add3A_192 : vector<1000xf32>
    %reduce_sum3A_194 = vector.shape_cast %mul3A_193 : vector<1000xf32> to vector<1x1000xf32>
    %reduce_sum3A_195 = arith.constant dense<0.000000e+00> : vector<1xf32>
    %reduce_sum3A_196 = vector.multi_reduction <add>, %reduce_sum3A_194, %reduce_sum3A_195 [1] : vector<1x1000xf32> to vector<1xf32>
    %reduce_sum3A_197 = vector.shape_cast %reduce_sum3A_196 : vector<1xf32> to vector<1x1xf32>
    %reduce_sum3A_198 = vector.extract %reduce_sum3A_197[0, 0] : f32 from vector<1x1xf32>
    %add3A_199 = vector.broadcast %reduce_sum3A_198 : f32 to vector<1x1xf32>
    %add3A_200 = arith.addf %get3A_191, %add3A_199 : vector<1x1xf32>
    %swap3A_201 = arith.constant 0 : index
    %swap3A_202 = arith.constant 0 : index
    %swap3A_203 = vector.load %arg16[%swap3A_201, %swap3A_202] : memref<1x1xf32, #tpu.memory_space<vmem>>, vector<1x1xf32>
    tpu.vector_store %arg16[%swap3A_201, %swap3A_202], %add3A_200 {strides = array<i32>} : memref<1x1xf32, #tpu.memory_space<vmem>>, vector<1x1xf32>,
    return
  }
  func.func @transform_0(%arg0: i32) -> (i32, i32, i32, i32) {
    %c0_i32 = arith.constant 0 : i32
    %c0_i32_0 = arith.constant 0 : i32
    %c0_i32_1 = arith.constant 0 : i32
    %c0_i32_2 = arith.constant 0 : i32
    return %c0_i32, %c0_i32_0, %arg0, %c0_i32_1 : i32, i32, i32, i32
  }
  func.func @transform_1(%arg0: i32) -> (i32, i32, i32, i32) {
    %c1_i32 = arith.constant 1 : i32
    %c0_i32 = arith.constant 0 : i32
    %c0_i32_0 = arith.constant 0 : i32
    %c0_i32_1 = arith.constant 0 : i32
    return %c1_i32, %c0_i32, %arg0, %c0_i32_0 : i32, i32, i32, i32
  }
  func.func @transform_2(%arg0: i32) -> (i32, i32) {
    %c0_i32 = arith.constant 0 : i32
    %c0_i32_0 = arith.constant 0 : i32
    return %arg0, %c0_i32 : i32, i32
  }
  func.func @transform_3(%arg0: i32) -> (i32, i32) {
    %c0_i32 = arith.constant 0 : i32
    %c0_i32_0 = arith.constant 0 : i32
    return %arg0, %c0_i32 : i32, i32
  }
  func.func @transform_4(%arg0: i32) -> (i32, i32) {
    %c0_i32 = arith.constant 0 : i32
    %c0_i32_0 = arith.constant 0 : i32
    %c0_i32_1 = arith.constant 0 : i32
    return %c0_i32, %c0_i32_0 : i32, i32
  }
  func.func @transform_5(%arg0: i32) -> (i32, i32) {
    %c0_i32 = arith.constant 0 : i32
    %c0_i32_0 = arith.constant 0 : i32
    %c0_i32_1 = arith.constant 0 : i32
    return %c0_i32, %c0_i32_0 : i32, i32
  }
  func.func @transform_6(%arg0: i32) -> (i32, i32) {
    %c0_i32 = arith.constant 0 : i32
    %c0_i32_0 = arith.constant 0 : i32
    %c0_i32_1 = arith.constant 0 : i32
    return %c0_i32, %c0_i32_0 : i32, i32
  }
  func.func @transform_7(%arg0: i32) -> (i32, i32) {
    %c0_i32 = arith.constant 0 : i32
    %c0_i32_0 = arith.constant 0 : i32
    %c0_i32_1 = arith.constant 0 : i32
    return %c0_i32, %c0_i32_0 : i32, i32
  }
  func.func @transform_8(%arg0: i32) -> (i32, i32) {
    %c0_i32 = arith.constant 0 : i32
    %c0_i32_0 = arith.constant 0 : i32
    %c0_i32_1 = arith.constant 0 : i32
    return %c0_i32, %c0_i32_0 : i32, i32
  }
  func.func @transform_9(%arg0: i32) -> (i32, i32) {
    %c0_i32 = arith.constant 0 : i32
    %c0_i32_0 = arith.constant 0 : i32
    %c0_i32_1 = arith.constant 0 : i32
    return %c0_i32, %c0_i32_0 : i32, i32
  }
  func.func @transform_10(%arg0: i32) -> (i32, i32) {
    %c0_i32 = arith.constant 0 : i32
    %c0_i32_0 = arith.constant 0 : i32
    %c0_i32_1 = arith.constant 0 : i32
    return %c0_i32, %c0_i32_0 : i32, i32
  }
  func.func @transform_11(%arg0: i32) -> (i32, i32) {
    %c0_i32 = arith.constant 0 : i32
    %c0_i32_0 = arith.constant 0 : i32
    return %arg0, %c0_i32 : i32, i32
  }
  func.func @transform_12(%arg0: i32) -> (i32, i32) {
    %c0_i32 = arith.constant 0 : i32
    %c0_i32_0 = arith.constant 0 : i32
    %c0_i32_1 = arith.constant 0 : i32
    return %c0_i32, %c0_i32_0 : i32, i32
  }
  func.func @transform_13(%arg0: i32) -> (i32, i32) {
    %c0_i32 = arith.constant 0 : i32
    %c0_i32_0 = arith.constant 0 : i32
    return %arg0, %c0_i32 : i32, i32
  }
  func.func @transform_14(%arg0: i32) -> (i32, i32) {
    %c0_i32 = arith.constant 0 : i32
    %c0_i32_0 = arith.constant 0 : i32
    %c0_i32_1 = arith.constant 0 : i32
    return %c0_i32, %c0_i32_0 : i32, i32
  }
  func.func @transform_15(%arg0: i32) -> (i32, i32) {
    %c0_i32 = arith.constant 0 : i32
    %c0_i32_0 = arith.constant 0 : i32
    %c0_i32_1 = arith.constant 0 : i32
    return %c0_i32, %c0_i32_0 : i32, i32
  }
}

</mosaic_0001>

<sc_bundles>
// kernel: kernel.6.cloned.1.call-start
scs
__scs_entry_jumppad:
0x0: {  	(pc) =	sbr.rel $0x88, $3  }
0x1: {  	(tag) =	ssettag $0x0;
	lr =	simm.s32 $0x1  }
0x2: {  	[smem:$0x3F95] =	sst lr;
	_ =	strace $0xD0000000  }
0x3: {  	_ = 	snop  }
0x4: {  	_ = 	snop  }
0x5: {  	_ = 	snop  }
0x6: {  	_ = 	snop  }
0x7: {  	_ = 	snop  }
__scs_overlays_trampoline_lowered:
0x8: {  	[smem:$0x3FA4] =	sst s0  }
0x9: {  	[smem:$0x3FA5] =	sst s1  }
0xa: {  	[smem:$0x3FA6] =	sst s2  }
0xb: {  	[smem:$0x3FA7] =	sst s3  }
0xc: {  	[smem:$0x3FA8] =	sst s4  }
0xd: {  	[smem:$0x3FA9] =	sst s5  }
0xe: {  	[smem:$0x3FAA] =	sst s6  }
0xf: {  	[smem:$0x3FAB] =	sst s7  }
0x10: {  	[smem:$0x3FAC] =	sst s8  }
0x11: {  	[smem:$0x3FAD] =	sst s9;
	s0 =	simm.s32 @!p0 $0x0  }
0x12: {  	s1 =	sld [smem:$0x3F93];
	s0 =	simm.s32 @p0 $0x1  }
0x13: {  	[smem:$0x3FAE] =	sst s0;
	s0 =	simm.s32 @!p1 $0x0  }
0x14: {  	s2 =	sld [smem:$0x3F92];
	s0 =	simm.s32 @p1 $0x1  }
0x15: {  	[smem:$0x3FAF] =	sst s0;
	s0 =	simm.s32 @!p2 $0x0  }
0x16: {  	s3 =	sld [smem:$0x3FDB];
	s0 =	simm.s32 @p2 $0x1  }
0x17: {  	s4 =	simm.s32 $0x1BF5;
	[smem:$0x3FB1] =	sst s0  }
0x18: {  	s0 =	sld [smem:$0x3F94];
	_ =	swait.ge [sflag:s4], $0x0  }
0x19: {  	s7 =	sld [smem:$0x3F95]  }
0x1a: {  	s8 =	sadd.s32 $0xFFFFE003, lr  }
0x1b: {  	s9 =	sadd.s32 $0xFFFFFEF7, lr;
	s5 =	simm.s32 $0xFFFFFFFF;
	p2 =	slt.u32 s8, $0xFFFFF086  }
0x1c: {  	p1 =	slt.u32 s9, $0xF7A;
	s5 =	simm.s32 @!p2 $0x0  }
0x1d: {  	s5 =	simm.s32 @p1 $0x1;
	p0 =	seq.s32 s7, s2  }
0x1e: {  	s7 =	smul.u32 @!p0 $0xF7A, s2;
	p2 =	seq.s32 @!p0 s5, $0x0  }
0x1f: {  	s9 =	smul.u32 $0xF7A, s1;
	s8 =	simm.s32 @!p0 $0x1BF5;
	p2 =	por !p2, p0  }
0x20: {  	[sflag:s8] =	ssyncset.s32 @!p0 $0xFFFFF086;
	s6 =	sadd.s32 @!p0 s3, s7;
	s7 =	simm.s32 @!p0 $0x108  }
0x21: {  	s3 =	sadd.s32 s3, s9;
	s6 =	sadd.s32 @!p0 $0x88, s6;
	s7 =	simm.s32 @p2 $0x1082  }
0x22: {  	[simem:s7], [sflag:s8] =	dma.local @!p0 [hbm:s6], $0xF7A  }
0x23: {  	s9 =	sor.u32 $0xD0000000, s2;
	s6 =	simm.s32 $0x108;
	_ =	swait.ge @!p0 [sflag:s8], $0x0  }
0x24: {  	s3 =	sadd.s32 $0x88, s3;
	s6 =	simm.s32 @!p1 $0x1082;
	[sflag:s4] =	ssyncset.s32 $0xFFFFF086  }
0x25: {  	[simem:s6], [sflag:s4] =	dma.local [hbm:s3], $0xF7A  }
0x26: {  	[smem:$0x3F95] =	sst s1;
	(tag) =	ssettag s2;
	_ =	strace s9  }
0x27: {  	s1 =	sld [smem:$0x3FA5]  }
0x28: {  	s2 =	sld [smem:$0x3FA6]  }
0x29: {  	s4 =	sld [smem:$0x3FA8]  }
0x2a: {  	p0 =	seq.s32 s5, $0x0;
	s5 =	sld [smem:$0x3FA9]  }
0x2b: {  	s6 =	sld [smem:$0x3FAA]  }
0x2c: {  	s7 =	sld [smem:$0x3FAB]  }
0x2d: {  	s3 =	simm.s32 $0x108;
	s8 =	sld [smem:$0x3FAC]  }
0x2e: {  	s3 =	simm.s32 @!p0 $0x1082;
	s9 =	sld [smem:$0x3FAD]  }
0x2f: {  	lr =	sadd.s32 s0, s3;
	s0 =	sld [smem:$0x3FA4]  }
0x30: {  	s3 =	sld [smem:$0x3FA7]  }
0x31: {  	[smem:$0x3FB0] =	sst s10  }
0x32: {  	s10 =	sld [smem:$0x3FAE];
	_ =	sdelay $0x3  }
0x33: {  	p0 =	seq.s32 s10, $0x1;
	s10 =	sld [smem:$0x3FB0];
	_ =	sdelay $0x3  }
0x34: {  	[smem:$0x3FB0] =	sst s10  }
0x35: {  	s10 =	sld [smem:$0x3FAF];
	_ =	sdelay $0x3  }
0x36: {  	p1 =	seq.s32 s10, $0x1;
	s10 =	sld [smem:$0x3FB0];
	_ =	sdelay $0x3  }
0x37: {  	[smem:$0x3FB0] =	sst s10  }
0x38: {  	s10 =	sld [smem:$0x3FB1]  }
0x39: {  	_ = 	snop;
	(pc) =	sbr.ind lr, $3  }
0x3a: {  	_ = 	snop  }
0x3b: {  	_ = 	snop  }
0x3c: {  	p2 =	seq.s32 s10, $0x1;
	s10 =	sld [smem:$0x3FB0]  }
0x3d: {  	_ =	shalt  }
0x3e: {  	_ =	shalt  }
0x3f: {  	_ =	shalt  }
0x40: {  	_ =	shalt  }
0x41: {  	_ =	shalt  }
0x42: {  	_ =	shalt  }
0x43: {  	_ =	shalt  }
0x44: {  	_ =	shalt  }
0x45: {  	_ =	shalt  }
0x46: {  	_ =	shalt  }
0x47: {  	_ =	shalt  }
0x48: {  	_ =	shalt  }
0x49: {  	_ =	shalt  }
0x4a: {  	_ =	shalt  }
0x4b: {  	_ =	shalt  }
0x4c: {  	_ =	shalt  }
0x4d: {  	_ =	shalt  }
0x4e: {  	_ =	shalt  }
0x4f: {  	_ =	shalt  }
0x50: {  	_ =	shalt  }
0x51: {  	_ =	shalt  }
0x52: {  	_ =	shalt  }
0x53: {  	_ =	shalt  }
0x54: {  	_ =	shalt  }
0x55: {  	_ =	shalt  }
0x56: {  	_ =	shalt  }
0x57: {  	_ =	shalt  }
0x58: {  	_ =	shalt  }
0x59: {  	_ =	shalt  }
0x5a: {  	_ =	shalt  }
0x5b: {  	_ =	shalt  }
0x5c: {  	_ =	shalt  }
0x5d: {  	_ =	shalt  }
0x5e: {  	_ =	shalt  }
0x5f: {  	_ =	shalt  }
0x60: {  	_ =	shalt  }
0x61: {  	_ =	shalt  }
0x62: {  	_ =	shalt  }
0x63: {  	_ =	shalt  }
0x64: {  	_ =	shalt  }
0x65: {  	_ =	shalt  }
0x66: {  	_ =	shalt  }
0x67: {  	_ =	shalt  }
0x68: {  	_ =	shalt  }
0x69: {  	_ =	shalt  }
0x6a: {  	_ =	shalt  }
0x6b: {  	_ =	shalt  }
0x6c: {  	_ =	shalt  }
0x6d: {  	_ =	shalt  }
0x6e: {  	_ =	shalt  }
0x6f: {  	_ =	shalt  }
0x70: {  	_ =	shalt  }
0x71: {  	_ =	shalt  }
0x72: {  	_ =	shalt  }
0x73: {  	_ =	shalt  }
0x74: {  	_ =	shalt  }
0x75: {  	_ =	shalt  }
0x76: {  	_ =	shalt  }
0x77: {  	_ =	shalt  }
0x78: {  	_ =	shalt  }
0x79: {  	_ =	shalt  }
0x7a: {  	_ =	shalt  }
0x7b: {  	_ =	shalt  }
0x7c: {  	_ =	shalt  }
0x7d: {  	_ =	shalt  }
0x7e: {  	_ =	shalt  }
0x7f: {  	_ =	shalt  }
0x80: {  	_ =	shalt  }
0x81: {  	_ =	shalt  }
0x82: {  	_ =	shalt  }
0x83: {  	_ =	shalt  }
0x84: {  	_ =	shalt  }
0x85: {  	_ =	shalt  }
0x86: {  	_ =	shalt  }
0x87: {  	_ =	shalt  }
.Lfunc_end0:
.L_simem_size_0:
called_computation_lowered:
.L_overlay_start_0:
0x88: {  	s2 =	sld [smem:$0x3FD9]  }
0x89: {  	s3 =	sld [smem:$0x3FFE];
	_ =	sdelay $0x1  }
0x8a: {  	s1 =	srdreg.scid  }
0x8b: {  	s0 =	sand.u32 $0x1, s1  }
0x8c: {  	s16 =	sshll.u32 s0, $0xA;
	s2 =	sadd.s32 s3, s2  }
0x8d: {  	s2 =	sadd.s32 s2, s16  }
0x8e: {  	[smem:$0x3FBC] =	sst s2  }
0x8f: {  	_ = 	snop  }
0x90: {  	(tm) =	ssettm $0x1  }
0x91: {  	s17 =	sld [smem:$0x3FFB];
	_ =	sdelay $0x3  }
0x92: {  	_ =	strace s17  }
0x93: {  	s2 =	sld [smem:$0x3FFC];
	_ =	sdelay $0x3  }
0x94: {  	_ =	strace s2  }
0x95: {  	s2 =	sld [smem:$0x3FFD];
	_ =	sdelay $0x3  }
0x96: {  	_ =	strace s2  }
0x97: {  	_ =	strace $0x8FFFFFFF  }
0x98: {  	s18 =	sld [smem:$0x3FDB];
	_ =	sdelay $0x1  }
0x99: {  	s19 =	simm.s32 $_scs_section_size  }
0x9a: {  	s4 =	simm.s32 $_size__tile_overlayer_lowered;
	s5 =	simm.s32 $_tile_overlayer_lowered  }
0x9b: {  	s22 =	simm.s32 $0x1BFF;
	s21 =	sshll.u32 s5, $0x1;
	s2 =	sadd.s32 s19, s18  }
0x9c: {  	s6 =	simm.s32 $0x0;
	s20 =	sshll.u32 s4, $0x1;
	s4 =	sadd.s32 s21, s2  }
0x9d: {  	[timem:s6], [sflag:s22] =	dma.local [hbm:s4], s20  }
0x9e: {  	_ =	swait.ge [sflag:s22], s20  }
0x9f: {  	s3 =	ssub.s32 $0x0, s20;
	[sflag:s22] =	ssyncset.done $0x0  }
0xa0: {  	[sflag:s22] =	ssyncadd.s32 s3;
	_ =	sdelay $0x1  }
0xa1: {  	s23 =	simm.s32 $0x1B8B  }
0xa2: {  	_ =	swait.ge [sflag:s23], $0x1  }
0xa3: {  	[sflag:s23] =	ssyncset.done $0x0  }
0xa4: {  	s25 =	simm.s32 $0x1B8E;
	s24 =	sld [smem:$0x3FFE];
	[sflag:s23] =	ssyncadd.s32 $0xFFFFFFFF  }
0xa5: {  	s26 =	simm.s32 $execute0_lowered;
	[smem:$0x3FD2] =	sst s25  }
0xa6: {  	s4 =	sshll.u32 s26, $0x1;
	_ =	strace $0x80000046;
	[dreg:$0x1] =	wrdreg $0xFFFFFFFF  }
0xa7: {  	s28 =	simm.s32 $_size_execute0_lowered;
	s2 =	sadd.s32 s2, s4;
	[dreg:$0x0] =	wrdreg $0x0  }
0xa8: {  	s4 =	sshll.u32 s28, $0x1;
	[dreg:$0x2] =	wrdreg s2  }
0xa9: {  	[dreg:$0x3] =	wrdreg s4  }
0xaa: {  	[dreg:$0x4] =	wrdreg $0xC0  }
0xab: {  	_ =	task [dreg:s6], $0x5FFFF  }
0xac: {  	[dreg:$0x1] =	wrdreg $0xFFFFFFFF  }
0xad: {  	[dreg:$0x0] =	wrdreg $0x60  }
0xae: {  	[dreg:$0x2] =	wrdreg s24  }
0xaf: {  	[dreg:$0x3] =	wrdreg $0x9  }
0xb0: {  	_ =	task.clear_ibuf [dreg:s6], $0x4FFFF;
	_ =	strace $0x90000046  }
0xb1: {  	s29 =	simm.s32 $0x9;
	_ =	strace $0x80000048  }
0xb2: {  	_ =	swait.ge [sflag:s29], $0x1  }
0xb3: {  	[sflag:s29] =	ssyncadd.s32 $0xFFFFFFFF  }
0xb4: {  	_ =	strace $0x90000048  }
0xb5: {  	_ =	sfence  }
0xb6: {  	s30 =	sld [smem:$0x0];
	_ =	sdelay $0x2  }
0xb7: {  	s31 =	sshll.u32 s1, $0xD;
	s1 =	sshrl.u32 s1, $0x2  }
0xb8: {  	s3 =	sand.u32 $0x4000, s31;
	s1 =	sadd.s32 s1, s30  }
0xb9: {  	s0 =	sor.u32 s3, s0;
	s1 =	sshll.u32 s1, $0x11  }
0xba: {  	s0 =	sor.u32 s1, s0  }
0xbb: {  	s0 =	sadd.s32 $0x8F2B, s0  }
0xbc: {  	[sflag:s0] =	ssyncadd.remote.s32 $0x1  }
0xbd: {  	_ =	sfence.sel $0xFFFF  }
0xbe: {  	[dreg:$0x0] =	wrdreg $0xFFFFFFFF;
	(pc) =	sbr.abs _section_cstart, $3  }
0xbf: {  	[dreg:$0x1] =	wrdreg $0xFFFFFFFF  }
0xc0: {  	_ =	task.clear_ibuf [dreg:s6], $0x2FFFF;
	_ =	strace $0x9FFFFFFF  }
0xc1: {  	(tm) =	ssettm $0x7FFFFFFF  }
tec
execute0_lowered:
.L_overlay_start_1:
0x0: {  	(tag) =	ssettag $0x1  }
0x1: {  	s0 =	srdreg.scid  }
0x2: {  	s5 =	rddreg [dreg:$0x0];
	s3 =	sand.u32 $0x1, s0  }
0x3: {  	s0 =	stileid.u32;
	s4 =	smul.u32 $0x14000, s3  }
0x4: {  	s1 =	rddreg [dreg:$0x1];
	s2 =	simm.s32 $0x0;
	s6 =	smul.u32 $0x1400, s0  }
0x5: {  	s10 =	simm.s32 $0x1480;
	s11 =	simm.s32 $0x3C80;
	s7 =	smul.u32 $0x28000, s3  }
0x6: {  	s12 =	simm.s32 $0x0;
	[smem:$0x7FF] =	sst s2;
	s26 =	smul.u32 $0x2800, s0  }
0x7: {  	_ =	strace $0x80000047;
	s8 =	sshll.u32 s0, $0x4;
	s29 =	ssub.s32 $0x2, s3  }
0x8: {  	s9 =	sshll.u32 s3, $0x8;
	s28 =	sadd.s32 s8, s5;
	s30 =	sshrl.u32 s29, $0x1  }
0x9: {  	s4 =	sadd.s32 s6, s4;
	s6 =	sadd.s32 s26, s7;
	s8 =	ssub.s32 s29, s30  }
0xa: {  	s31 =	sadd.s32 s9, s28;
	s9 =	simm.s32 $0x1400;
	s4 =	sshrl.u32 s4, $0x3  }
0xb: {  	s6 =	sshrl.u32 s6, $0x3;
	s7 =	smax.u32 s8, $0x1;
	s4 =	sadd.s32 s4, s5  }
0xc: {  	s8 =	simm.s32 $0x1;
	s6 =	sadd.s32 s6, s5;
	s3 =	sadd.s32 $0x2600, s4  }
0xd: {  	v0 =	vimm.f32 $0.0e+00;
	v1 =	vimm.f32 $1.000000000e+00;
	s4 =	sadd.s32 $0x2400, s31;
	s5 =	sadd.s32 $0x7600, s6;
	s6 =	sadd.s32 $0x11600, s6  }
.LBB2_1:
0xe: {  	s13 =	simm.s32 $0x40;
	s14 =	simm.s32 $0x0  }
.LBB2_2:
0xf: {  	p0 =	sne.s32 s13, $0x9FC0;
	[tilespmem:s14+$0x1480] =	vst v0;
	s15 =	smov.u32 s13;
	s13 =	sadd.s32 $0x40, s13  }
.Ltmp0:
0x10: {  	[tilespmem:s14+$0x3C80] =	vst v0;
	(pc) =	sbr.rel @p0 .LBB2_2-.Ltmp0, $2  }
0x11: {  	_ =	sdelay $0x2  }
0x12: {  	s14 =	sshra.s32 s15, $0x2  }
0x13: {  	[tilespmem:s14+$0x1480] =	vst v0  }
0x14: {  	[tilespmem:s14+$0x3C80] =	vst v0;
	s13 =	simm.s32 $0x0  }
0x15: {  	[tilespmem:s13], [sflag:$0x1] =	stream.linear.gather [hbm4b:s3+s13], $0x1400, $0x38;
	[tilespmem:$0x6480] =	vst v63  }
0x16: {  	_ =	swait.ge [sflag:s8], $0x1400  }
0x17: {  	[sflag:s8] =	ssyncset.done $0x0  }
0x18: {  	[sflag:s8] =	ssyncadd.s32 $0xFFFFEC00  }
0x19: {  	[tilespmem:s9], [sflag:$0x1] =	stream.linear.gather [hbm4b:s4+s13], $0x80, $0x38;
	[tilespmem:$0x6480] =	vst v63  }
0x1a: {  	_ =	swait.ge [sflag:s8], $0x80  }
0x1b: {  	[sflag:s8] =	ssyncset.done $0x0  }
0x1c: {  	s14 =	simm.s32 $0x0;
	s13 =	simm.s32 $0x40;
	[sflag:s8] =	ssyncadd.s32 $0xFFFFFF80  }
.LBB2_4:
0x1d: {  	p0 =	sne.s32 s13, $0x4FC0;
	v2 =	vld [tilespmem:s14+$0x0];
	_ =	sdelay $0x3  }
.Ltmp1:
0x1e: {  	(pc) =	sbr.rel @p0 .LBB2_4-.Ltmp1, $2  }
0x1f: {  	_ =	sdelay $0x2  }
0x20: {  	s14 =	sshra.s32 s13, $0x2;
	s13 =	sadd.s32 $0x40, s13;
	[tilespmem:v2+s10+$0x0] =	vst.idx.add.f32.msk $0xffff, v1  }
0x21: {  	v2 =	vld [tilespmem:s14+$0x0];
	_ =	sdelay $0x7  }
0x22: {  	[tilespmem:v2+s10+$0x0] =	vst.idx.add.f32.msk $0xffff, v1  }
0x23: {  	v2 =	vld [tilespmem:$0x1400];
	_ =	sdelay $0x7  }
0x24: {  	[tilespmem:v2+s11+$0x0] =	vst.idx.add.f32.msk $0xffff, v1  }
0x25: {  	v2 =	vld [tilespmem:$0x1410];
	_ =	sdelay $0x7  }
0x26: {  	[tilespmem:v2+s11+$0x0] =	vst.idx.add.f32.msk $0xffff, v1  }
0x27: {  	v2 =	vld [tilespmem:$0x1420];
	_ =	sdelay $0x7  }
0x28: {  	[tilespmem:v2+s11+$0x0] =	vst.idx.add.f32.msk $0xffff, v1  }
0x29: {  	v2 =	vld [tilespmem:$0x1430];
	_ =	sdelay $0x7  }
0x2a: {  	[tilespmem:v2+s11+$0x0] =	vst.idx.add.f32.msk $0xffff, v1  }
0x2b: {  	[hbm4b:s5+s2] =	stream.linear.scatter [tilespmem:s10], [sflag:$0x1], $0x2800, $0x38;
	[tilespmem:$0x6480] =	vst v63  }
0x2c: {  	s12 =	sadd.s32 $0x1, s12;
	_ =	swait.ge [sflag:s8], $0x2800  }
0x2d: {  	p0 =	sne.s32 s12, s7;
	[sflag:s8] =	ssyncset.done $0x0  }
.Ltmp2:
0x2e: {  	[sflag:s8] =	ssyncadd.s32 $0xFFFFD800;
	(pc) =	sbr.rel @p0 .LBB2_1-.Ltmp2, $4  }
0x2f: {  	[hbm4b:s6+s2] =	stream.linear.scatter [tilespmem:s11], [sflag:$0x1], $0x2800, $0x38;
	[tilespmem:$0x6480] =	vst v63  }
0x30: {  	_ =	swait.ge [sflag:s8], $0x2800  }
0x31: {  	[sflag:s8] =	ssyncset.done $0x0  }
0x32: {  	[sflag:s8] =	ssyncadd.s32 $0xFFFFD800  }
0x33: {  	_ =	sfence.sel $0x180000  }
0x34: {  	[bflag:$0x0] =	sbarrier.arrive $0xFFFF  }
0x35: {  	p0 =	sne.s32 s0, $0x0;
	_ =	strace $0x90000047  }
0x36: {  	s0 =	sadd.s32 @!p0 $0x100000, s1;
	[bflag:$0x2] =	sbarrier.arrive $0xFFFF  }
0x37: {  	[sflag:s0] =	ssyncadd.tile.s32 @!p0 $0x1;
	_ =	shalt  }
.Lfunc_end2:
_tile_overlayer_lowered:
.L_overlay_start_2:
0x38: {  	(tag) =	ssettag $0x2  }
0x39: {  	s0 =	rddreg [dreg:$0x0];
	s2 =	stileid.u32  }
0x3a: {  	s1 =	rddreg [dreg:$0x1];
	p0 =	sne.s32 s2, $0x0  }
0x3b: {  	s3 =	rddreg [dreg:$0x2];
	[bflag:$0x3] =	sbarrier.arrive $0xFFFF;
	s2 =	simm.s32 @!p0 $0x1C01  }
0x3c: {  	[timem:s3], [sflag:s2] =	dma.local @!p0 [hbm:s0], s1  }
0x3d: {  	s0 =	simm.s32 @!p0 $0x1  }
0x3e: {  	_ =	swait.ge @!p0 [sflag:s0], s1  }
0x3f: {  	s1 =	ssub.s32 @!p0 $0x0, s1;
	[sflag:s0] =	ssyncset.done @!p0 $0x0  }
0x40: {  	[sflag:s0] =	ssyncadd.s32 @!p0 s1  }
0x41: {  	[bflag:$0x3] =	sbarrier.arrive $0xFFFF  }
0x42: {  	_ =	shalt  }

// kernel: kernel.9.cloned.1.call-start
scs
__scs_entry_jumppad:
0x0: {  	(pc) =	sbr.rel $0x88, $3  }
0x1: {  	(tag) =	ssettag $0x0;
	lr =	simm.s32 $0x1  }
0x2: {  	[smem:$0x3F95] =	sst lr;
	_ =	strace $0xD0000000  }
0x3: {  	_ = 	snop  }
0x4: {  	_ = 	snop  }
0x5: {  	_ = 	snop  }
0x6: {  	_ = 	snop  }
0x7: {  	_ = 	snop  }
__scs_overlays_trampoline_lowered:
0x8: {  	[smem:$0x3FA4] =	sst s0  }
0x9: {  	[smem:$0x3FA5] =	sst s1  }
0xa: {  	[smem:$0x3FA6] =	sst s2  }
0xb: {  	[smem:$0x3FA7] =	sst s3  }
0xc: {  	[smem:$0x3FA8] =	sst s4  }
0xd: {  	[smem:$0x3FA9] =	sst s5  }
0xe: {  	[smem:$0x3FAA] =	sst s6  }
0xf: {  	[smem:$0x3FAB] =	sst s7  }
0x10: {  	[smem:$0x3FAC] =	sst s8  }
0x11: {  	[smem:$0x3FAD] =	sst s9;
	s0 =	simm.s32 @!p0 $0x0  }
0x12: {  	s1 =	sld [smem:$0x3F93];
	s0 =	simm.s32 @p0 $0x1  }
0x13: {  	[smem:$0x3FAE] =	sst s0;
	s0 =	simm.s32 @!p1 $0x0  }
0x14: {  	s2 =	sld [smem:$0x3F92];
	s0 =	simm.s32 @p1 $0x1  }
0x15: {  	[smem:$0x3FAF] =	sst s0;
	s0 =	simm.s32 @!p2 $0x0  }
0x16: {  	s3 =	sld [smem:$0x3FDB];
	s0 =	simm.s32 @p2 $0x1  }
0x17: {  	s4 =	simm.s32 $0x1BF5;
	[smem:$0x3FB1] =	sst s0  }
0x18: {  	s0 =	sld [smem:$0x3F94];
	_ =	swait.ge [sflag:s4], $0x0  }
0x19: {  	s7 =	sld [smem:$0x3F95]  }
0x1a: {  	s8 =	sadd.s32 $0xFFFFE003, lr  }
0x1b: {  	s9 =	sadd.s32 $0xFFFFFEF7, lr;
	s5 =	simm.s32 $0xFFFFFFFF;
	p2 =	slt.u32 s8, $0xFFFFF086  }
0x1c: {  	p1 =	slt.u32 s9, $0xF7A;
	s5 =	simm.s32 @!p2 $0x0  }
0x1d: {  	s5 =	simm.s32 @p1 $0x1;
	p0 =	seq.s32 s7, s2  }
0x1e: {  	s7 =	smul.u32 @!p0 $0xF7A, s2;
	p2 =	seq.s32 @!p0 s5, $0x0  }
0x1f: {  	s9 =	smul.u32 $0xF7A, s1;
	s8 =	simm.s32 @!p0 $0x1BF5;
	p2 =	por !p2, p0  }
0x20: {  	[sflag:s8] =	ssyncset.s32 @!p0 $0xFFFFF086;
	s6 =	sadd.s32 @!p0 s3, s7;
	s7 =	simm.s32 @!p0 $0x108  }
0x21: {  	s3 =	sadd.s32 s3, s9;
	s6 =	sadd.s32 @!p0 $0x88, s6;
	s7 =	simm.s32 @p2 $0x1082  }
0x22: {  	[simem:s7], [sflag:s8] =	dma.local @!p0 [hbm:s6], $0xF7A  }
0x23: {  	s9 =	sor.u32 $0xD0000000, s2;
	s6 =	simm.s32 $0x108;
	_ =	swait.ge @!p0 [sflag:s8], $0x0  }
0x24: {  	s3 =	sadd.s32 $0x88, s3;
	s6 =	simm.s32 @!p1 $0x1082;
	[sflag:s4] =	ssyncset.s32 $0xFFFFF086  }
0x25: {  	[simem:s6], [sflag:s4] =	dma.local [hbm:s3], $0xF7A  }
0x26: {  	[smem:$0x3F95] =	sst s1;
	(tag) =	ssettag s2;
	_ =	strace s9  }
0x27: {  	s1 =	sld [smem:$0x3FA5]  }
0x28: {  	s2 =	sld [smem:$0x3FA6]  }
0x29: {  	s4 =	sld [smem:$0x3FA8]  }
0x2a: {  	p0 =	seq.s32 s5, $0x0;
	s5 =	sld [smem:$0x3FA9]  }
0x2b: {  	s6 =	sld [smem:$0x3FAA]  }
0x2c: {  	s7 =	sld [smem:$0x3FAB]  }
0x2d: {  	s3 =	simm.s32 $0x108;
	s8 =	sld [smem:$0x3FAC]  }
0x2e: {  	s3 =	simm.s32 @!p0 $0x1082;
	s9 =	sld [smem:$0x3FAD]  }
0x2f: {  	lr =	sadd.s32 s0, s3;
	s0 =	sld [smem:$0x3FA4]  }
0x30: {  	s3 =	sld [smem:$0x3FA7]  }
0x31: {  	[smem:$0x3FB0] =	sst s10  }
0x32: {  	s10 =	sld [smem:$0x3FAE];
	_ =	sdelay $0x3  }
0x33: {  	p0 =	seq.s32 s10, $0x1;
	s10 =	sld [smem:$0x3FB0];
	_ =	sdelay $0x3  }
0x34: {  	[smem:$0x3FB0] =	sst s10  }
0x35: {  	s10 =	sld [smem:$0x3FAF];
	_ =	sdelay $0x3  }
0x36: {  	p1 =	seq.s32 s10, $0x1;
	s10 =	sld [smem:$0x3FB0];
	_ =	sdelay $0x3  }
0x37: {  	[smem:$0x3FB0] =	sst s10  }
0x38: {  	s10 =	sld [smem:$0x3FB1]  }
0x39: {  	_ = 	snop;
	(pc) =	sbr.ind lr, $3  }
0x3a: {  	_ = 	snop  }
0x3b: {  	_ = 	snop  }
0x3c: {  	p2 =	seq.s32 s10, $0x1;
	s10 =	sld [smem:$0x3FB0]  }
0x3d: {  	_ =	shalt  }
0x3e: {  	_ =	shalt  }
0x3f: {  	_ =	shalt  }
0x40: {  	_ =	shalt  }
0x41: {  	_ =	shalt  }
0x42: {  	_ =	shalt  }
0x43: {  	_ =	shalt  }
0x44: {  	_ =	shalt  }
0x45: {  	_ =	shalt  }
0x46: {  	_ =	shalt  }
0x47: {  	_ =	shalt  }
0x48: {  	_ =	shalt  }
0x49: {  	_ =	shalt  }
0x4a: {  	_ =	shalt  }
0x4b: {  	_ =	shalt  }
0x4c: {  	_ =	shalt  }
0x4d: {  	_ =	shalt  }
0x4e: {  	_ =	shalt  }
0x4f: {  	_ =	shalt  }
0x50: {  	_ =	shalt  }
0x51: {  	_ =	shalt  }
0x52: {  	_ =	shalt  }
0x53: {  	_ =	shalt  }
0x54: {  	_ =	shalt  }
0x55: {  	_ =	shalt  }
0x56: {  	_ =	shalt  }
0x57: {  	_ =	shalt  }
0x58: {  	_ =	shalt  }
0x59: {  	_ =	shalt  }
0x5a: {  	_ =	shalt  }
0x5b: {  	_ =	shalt  }
0x5c: {  	_ =	shalt  }
0x5d: {  	_ =	shalt  }
0x5e: {  	_ =	shalt  }
0x5f: {  	_ =	shalt  }
0x60: {  	_ =	shalt  }
0x61: {  	_ =	shalt  }
0x62: {  	_ =	shalt  }
0x63: {  	_ =	shalt  }
0x64: {  	_ =	shalt  }
0x65: {  	_ =	shalt  }
0x66: {  	_ =	shalt  }
0x67: {  	_ =	shalt  }
0x68: {  	_ =	shalt  }
0x69: {  	_ =	shalt  }
0x6a: {  	_ =	shalt  }
0x6b: {  	_ =	shalt  }
0x6c: {  	_ =	shalt  }
0x6d: {  	_ =	shalt  }
0x6e: {  	_ =	shalt  }
0x6f: {  	_ =	shalt  }
0x70: {  	_ =	shalt  }
0x71: {  	_ =	shalt  }
0x72: {  	_ =	shalt  }
0x73: {  	_ =	shalt  }
0x74: {  	_ =	shalt  }
0x75: {  	_ =	shalt  }
0x76: {  	_ =	shalt  }
0x77: {  	_ =	shalt  }
0x78: {  	_ =	shalt  }
0x79: {  	_ =	shalt  }
0x7a: {  	_ =	shalt  }
0x7b: {  	_ =	shalt  }
0x7c: {  	_ =	shalt  }
0x7d: {  	_ =	shalt  }
0x7e: {  	_ =	shalt  }
0x7f: {  	_ =	shalt  }
0x80: {  	_ =	shalt  }
0x81: {  	_ =	shalt  }
0x82: {  	_ =	shalt  }
0x83: {  	_ =	shalt  }
0x84: {  	_ =	shalt  }
0x85: {  	_ =	shalt  }
0x86: {  	_ =	shalt  }
0x87: {  	_ =	shalt  }
.Lfunc_end0:
.L_simem_size_0:
called_computation.1_lowered:
.L_overlay_start_0:
0x88: {  	s2 =	sld [smem:$0x3FD9]  }
0x89: {  	s3 =	sld [smem:$0x3FFE];
	_ =	sdelay $0x1  }
0x8a: {  	s1 =	srdreg.scid  }
0x8b: {  	s0 =	sand.u32 $0x1, s1  }
0x8c: {  	s14 =	sshll.u32 s0, $0xA;
	s2 =	sadd.s32 s3, s2  }
0x8d: {  	s2 =	sadd.s32 s2, s14  }
0x8e: {  	[smem:$0x3FBC] =	sst s2  }
0x8f: {  	_ = 	snop  }
0x90: {  	s2 =	sld [smem:$0x3FD0];
	_ =	sdelay $0x2  }
0x91: {  	s15 =	simm.s32 $0xA;
	s4 =	simm.s32 $0x10  }
0x92: {  	[smem:s4], [sflag:s15] =	dma.local [hbm:s2], $0x1  }
0x93: {  	_ =	swait.eq [sflag:s15], $0x1  }
0x94: {  	[sflag:s15] =	ssyncset.done $0x0  }
0x95: {  	[sflag:s15] =	ssyncadd.s32 $0xFFFFFFFF  }
0x96: {  	s16 =	sld [smem:$0x10];
	(tm) =	ssettm $0x1  }
0x97: {  	s17 =	sld [smem:$0x3FFB];
	_ =	sdelay $0x3  }
0x98: {  	_ =	strace s17  }
0x99: {  	s3 =	sld [smem:$0x3FFC];
	_ =	sdelay $0x3  }
0x9a: {  	_ =	strace s3  }
0x9b: {  	s3 =	sld [smem:$0x3FFD];
	_ =	sdelay $0x3  }
0x9c: {  	_ =	strace s3  }
0x9d: {  	_ =	strace $0x8FFFFFFF  }
0x9e: {  	s18 =	sld [smem:$0x3FDB];
	_ =	sdelay $0x1  }
0x9f: {  	s19 =	simm.s32 $_scs_section_size  }
0xa0: {  	s5 =	simm.s32 $_size__tile_overlayer_lowered;
	s6 =	simm.s32 $_tile_overlayer_lowered  }
0xa1: {  	s22 =	simm.s32 $0x1BFF;
	s21 =	sshll.u32 s6, $0x1;
	s3 =	sadd.s32 s19, s18  }
0xa2: {  	s7 =	simm.s32 $0x0;
	s20 =	sshll.u32 s5, $0x1;
	s5 =	sadd.s32 s21, s3  }
0xa3: {  	[timem:s7], [sflag:s22] =	dma.local [hbm:s5], s20  }
0xa4: {  	_ =	swait.ge [sflag:s22], s20  }
0xa5: {  	s4 =	ssub.s32 $0x0, s20;
	[sflag:s22] =	ssyncset.done $0x0  }
0xa6: {  	[sflag:s22] =	ssyncadd.s32 s4;
	_ =	sdelay $0x1  }
0xa7: {  	s23 =	simm.s32 $0x1B8B  }
0xa8: {  	_ =	swait.ge [sflag:s23], $0x1  }
0xa9: {  	[sflag:s23] =	ssyncset.done $0x0  }
0xaa: {  	s25 =	simm.s32 $0x1B8E;
	s24 =	sld [smem:$0x3FFE];
	[sflag:s23] =	ssyncadd.s32 $0xFFFFFFFF  }
0xab: {  	s26 =	simm.s32 $execute0_lowered;
	[smem:$0x3FD2] =	sst s25  }
0xac: {  	s5 =	sshll.u32 s26, $0x1;
	_ =	strace $0x80000049;
	[dreg:$0x1] =	wrdreg $0xFFFFFFFF  }
0xad: {  	s28 =	simm.s32 $_size_execute0_lowered;
	s3 =	sadd.s32 s3, s5;
	[dreg:$0x0] =	wrdreg $0x0  }
0xae: {  	s5 =	sshll.u32 s28, $0x1;
	[dreg:$0x2] =	wrdreg s3  }
0xaf: {  	[dreg:$0x3] =	wrdreg s5  }
0xb0: {  	[dreg:$0x4] =	wrdreg $0xC0  }
0xb1: {  	_ =	task [dreg:s7], $0x5FFFF  }
0xb2: {  	[dreg:$0x1] =	wrdreg $0xFFFFFFFF  }
0xb3: {  	[dreg:$0x0] =	wrdreg $0x60  }
0xb4: {  	[dreg:$0x2] =	wrdreg s24  }
0xb5: {  	[dreg:$0x3] =	wrdreg s16  }
0xb6: {  	[dreg:$0x4] =	wrdreg $0x94000  }
0xb7: {  	[dreg:$0x5] =	wrdreg $0x9  }
0xb8: {  	_ =	task.clear_ibuf [dreg:s7], $0x6FFFF;
	_ =	strace $0x90000049  }
0xb9: {  	s29 =	simm.s32 $0x9;
	_ =	strace $0x8000004B  }
0xba: {  	_ =	swait.ge [sflag:s29], $0x1  }
0xbb: {  	[sflag:s29] =	ssyncadd.s32 $0xFFFFFFFF  }
0xbc: {  	_ =	strace $0x9000004B  }
0xbd: {  	_ =	sfence  }
0xbe: {  	s30 =	sld [smem:$0x0];
	_ =	sdelay $0x2  }
0xbf: {  	s31 =	sshll.u32 s1, $0xD;
	s1 =	sshrl.u32 s1, $0x2  }
0xc0: {  	s3 =	sand.u32 $0x4000, s31;
	s1 =	sadd.s32 s1, s30  }
0xc1: {  	s0 =	sor.u32 s3, s0;
	s1 =	sshll.u32 s1, $0x11  }
0xc2: {  	s0 =	sor.u32 s1, s0  }
0xc3: {  	s0 =	sadd.s32 $0x8F2B, s0  }
0xc4: {  	[sflag:s0] =	ssyncadd.remote.s32 $0x1  }
0xc5: {  	_ =	sfence.sel $0xFFFF  }
0xc6: {  	[dreg:$0x0] =	wrdreg $0xFFFFFFFF;
	(pc) =	sbr.abs _section_cstart, $3  }
0xc7: {  	[dreg:$0x1] =	wrdreg $0xFFFFFFFF  }
0xc8: {  	_ =	task.clear_ibuf [dreg:s7], $0x2FFFF;
	_ =	strace $0x9FFFFFFF  }
0xc9: {  	(tm) =	ssettm $0x7FFFFFFF  }
tec
execute0_lowered:
.L_overlay_start_1:
0x0: {  	(tag) =	ssettag $0x1  }
0x1: {  	s0 =	rddreg [dreg:$0x0]  }
0x2: {  	s2 =	rddreg [dreg:$0x1]  }
0x3: {  	s1 =	rddreg [dreg:$0x2];
	s3 =	simm.s32 $0x0;
	s14 =	srdreg.scid  }
0x4: {  	s13 =	stileid.u32;
	s11 =	simm.s32 $0x5;
	s28 =	simm.s32 $0x1  }
0x5: {  	s29 =	simm.s32 $0x2;
	s30 =	simm.s32 $0x50;
	s31 =	simm.s32 $0x3  }
0x6: {  	[smem:$0x7FF] =	sst s3;
	s3 =	sand.u32 $0x1, s14;
	s6 =	sadd.s32 $0x1B600, s0  }
0x7: {  	s7 =	sshll.u32 s13, $0xE;
	s4 =	sadd.s32 $0x2400, s0;
	s20 =	smul.u32 $0x50000, s13  }
0x8: {  	s5 =	sadd.s32 $0xB7A00, s0;
	p0 =	seq.s32 s13, $0xF;
	s21 =	smul.u32 $0x14000, s13  }
0x9: {  	s26 =	sshll.u32 s13, $0x6;
	s13 =	simm.s32 $0x0;
	_ =	strace $0x8000004A  }
0xa: {  	s9 =	sshll.u32 s3, $0x12;
	s8 =	ssub.s32 $0x2, s3;
	s17 =	smul.u32 $0x4E200, s3  }
0xb: {  	s3 =	smul.u32 $0x271000, s3;
	s11 =	simm.s32 @!p0 $0x8;
	s10 =	sor.u32 s7, s9  }
0xc: {  	s15 =	sshrl.u32 s8, $0x1;
	[dreg:$0x5] =	wrdreg s11;
	s7 =	ssub.s32 s7, s9  }
0xd: {  	s22 =	sshrl.u32 s20, $0x2;
	s20 =	simm.s32 $0x7;
	s10 =	sshrl.u32 s10, $0x3  }
0xe: {  	s0 =	ssub.s32 s8, s15;
	s8 =	simm.s32 $0x5;
	s9 =	sadd.s32 s6, s17  }
0xf: {  	s18 =	sadd.s32 $0x43C00, s7;
	s19 =	sshrl.u32 s3, $0x3;
	s23 =	sadd.s32 $0x40000, s7  }
0x10: {  	s3 =	sadd.s32 s21, s3;
	s21 =	simm.s32 $0x4000;
	s16 =	sadd.s32 s2, s10  }
0x11: {  	s10 =	sshrl.u32 s18, $0x3;
	s11 =	sadd.s32 s6, s19;
	s0 =	smax.u32 s0, $0x1  }
0x12: {  	s24 =	sshrl.u32 s23, $0x3;
	[dreg:$0xa] =	wrdreg s3;
	s25 =	sadd.s32 $0x138800, s3  }
0x13: {  	s18 =	simm.s32 $0x8;
	s19 =	sor.u32 $0x1C07, s26;
	[dreg:$0x4] =	wrdreg s16  }
0x14: {  	s23 =	simm.s32 $0x4400;
	s26 =	simm.s32 $0x8000;
	[dreg:$0x6] =	wrdreg s11  }
0x15: {  	s6 =	simm.s32 $0x6;
	s3 =	simm.s32 $0x0;
	[dreg:$0x8] =	wrdreg s0  }
0x16: {  	s10 =	sadd.s32 s2, s10;
	s12 =	sadd.s32 $0x27100, s11;
	[dreg:$0xc] =	wrdreg s25  }
0x17: {  	s0 =	sadd.s32 s22, s1;
	s22 =	simm.s32 $0x28;
	[dreg:$0x7] =	wrdreg s10  }
0x18: {  	s25 =	simm.s32 $0x6C00;
	[dreg:$0x9] =	wrdreg s0;
	s0 =	sadd.s32 s24, s2  }
0x19: {  	s24 =	simm.s32 $0x5800;
	[dreg:$0xb] =	wrdreg s0;
	s0 =	simm.s32 $0x4  }
.LBB2_1:
0x1a: {  	[dreg:$0xd] =	wrdreg s3  }
0x1b: {  	s2 =	rddreg [dreg:$0x4]  }
0x1c: {  	[tilespmem:s13], [sflag:$0x8] =	stream.linear.gather [hbm4b:s2+s13], $0x4000, $0x38;
	[tilespmem:$0x1CC80] =	vst v63  }
0x1d: {  	_ =	swait.ge [sflag:s18], $0x4000  }
0x1e: {  	s17 =	rddreg [dreg:$0x5]  }
0x1f: {  	p0 =	sne.s32 s17, $0x1  }
.Ltmp0:
0x20: {  	_ = 	snop;
	(pc) =	sbr.rel @!p0 .LBB2_3-.Ltmp0, $4  }
0x21: {  	_ = 	snop  }
0x22: {  	[sflag:s18] =	ssyncset.done $0x0  }
0x23: {  	s7 =	rddreg [dreg:$0x9];
	[sflag:s18] =	ssyncadd.s32 $0xFFFFC000  }
0x24: {  	s3 =	sadd.s32 $0xFFFFFFFF, s17;
	s2 =	sshrl.u32 s7, $0x3;
	s7 =	sadd.s32 $0x2800, s7  }
.LBB2_2:
0x25: {  	[spmem:s2], [sflag:s19] =	dma.local [hbm:s4], $0x500  }
0x26: {  	p1 =	sne.s32 s3, $0x1  }
.Ltmp1:
0x27: {  	s3 =	sadd.s32 $0xFFFFFFFF, s3;
	(pc) =	sbr.rel @p1 .LBB2_2-.Ltmp1, $2  }
0x28: {  	_ =	sdelay $0x2  }
0x29: {  	s2 =	sshrl.u32 s7, $0x3;
	s7 =	sadd.s32 $0x2800, s7  }
.LBB2_3:
.Ltmp2:
0x2a: {  	(pc) =	sbr.rel @!p0 .LBB2_5-.Ltmp2, $4  }
0x2b: {  	[spmem:s2], [sflag:s19] =	dma.local [hbm:s4], $0x500  }
0x2c: {  	_ =	swait.ge [sflag:s20], $0x500  }
0x2d: {  	s17 =	rddreg [dreg:$0x5]  }
0x2e: {  	[sflag:s20] =	ssyncset.done $0x0;
	s3 =	sadd.s32 $0xFFFFFFFF, s17  }
.LBB2_4:
0x2f: {  	p1 =	sne.s32 s3, $0x1;
	s3 =	sadd.s32 $0xFFFFFFFF, s3;
	[sflag:s20] =	ssyncadd.s32 $0xFFFFFB00  }
.Ltmp3:
0x30: {  	(pc) =	sbr.rel @p1 .LBB2_4-.Ltmp3, $3  }
0x31: {  	_ =	sdelay $0x1  }
0x32: {  	_ =	swait.ge [sflag:s20], $0x500  }
0x33: {  	[sflag:s20] =	ssyncset.done $0x0  }
.LBB2_5:
0x34: {  	[sflag:s20] =	ssyncadd.s32 $0xFFFFFB00  }
0x35: {  	[bflag:$0x0] =	sbarrier.arrive $0xFFFF  }
0x36: {  	s10 =	rddreg [dreg:$0xb]  }
0x37: {  	[tilespmem:s21], [sflag:$0x8] =	stream.linear.gather [hbm4b:s10+s13], $0x400, $0x38;
	[tilespmem:$0x1CC80] =	vst v63  }
0x38: {  	_ =	swait.ge [sflag:s18], $0x400  }
0x39: {  	[sflag:s18] =	ssyncset.done $0x0  }
0x3a: {  	s2 =	simm.s32 $0x0;
	[sflag:s18] =	ssyncadd.s32 $0xFFFFFC00  }
0x3b: {  	[tilespmem:s23], [sflag:$0x1] =	stream.indirect.gather [hbm4b:s9+s22], $0x80, s2, s22, $0xb8;
	[tilespmem:$0x1CC80] =	vst v63  }
0x3c: {  	s3 =	simm.s32 $0x28  }
0x3d: {  	[tilespmem:s24], [sflag:$0x2] =	stream.indirect.gather [hbm4b:s9+s22], $0x80, s3, s22, $0xb8;
	[tilespmem:$0x1CC80] =	vst v63  }
0x3e: {  	s7 =	simm.s32 $0x80  }
0x3f: {  	[tilespmem:s25], [sflag:$0x3] =	stream.indirect.gather [hbm4b:s9+s22], $0x80, s7, s22, $0xb8;
	[tilespmem:$0x1CC80] =	vst v63  }
0x40: {  	s11 =	simm.s32 $0xA8  }
0x41: {  	[tilespmem:s26], [sflag:$0x4] =	stream.indirect.gather [hbm4b:s9+s22], $0x80, s11, s22, $0xb8;
	[tilespmem:$0x1CC80] =	vst v63  }
0x42: {  	_ =	swait.ge [sflag:s28], $0x1400  }
0x43: {  	[sflag:s28] =	ssyncset.done $0x0  }
0x44: {  	[sflag:s28] =	ssyncadd.s32 $0xFFFFEC00  }
0x45: {  	_ =	swait.ge [sflag:s29], $0x1400  }
0x46: {  	[sflag:s29] =	ssyncset.done $0x0  }
0x47: {  	[sflag:s29] =	ssyncadd.s32 $0xFFFFEC00  }
0x48: {  	[spmem:s1] =	stream.indirect.scatter.add.f32 [tilespmem:s23], [sflag:$0x5], $0x80, s21, s30, $0xb8;
	[tilespmem:$0x1CC80] =	vst v63  }
0x49: {  	_ =	swait.ge [sflag:s8], $0x2800  }
0x4a: {  	[sflag:s8] =	ssyncset.done $0x0  }
0x4b: {  	s14 =	simm.s32 $0x100;
	[sflag:s8] =	ssyncadd.s32 $0xFFFFD800  }
0x4c: {  	[tilespmem:s23], [sflag:$0x1] =	stream.indirect.gather [hbm4b:s9+s22], $0x80, s14, s22, $0xb8;
	[tilespmem:$0x1CC80] =	vst v63  }
0x4d: {  	s15 =	simm.s32 $0x128  }
0x4e: {  	[tilespmem:s24], [sflag:$0x2] =	stream.indirect.gather [hbm4b:s9+s22], $0x80, s15, s22, $0xb8;
	[tilespmem:$0x1CC80] =	vst v63  }
0x4f: {  	_ =	swait.ge [sflag:s31], $0x1400  }
0x50: {  	[sflag:s31] =	ssyncset.done $0x0  }
0x51: {  	[sflag:s31] =	ssyncadd.s32 $0xFFFFEC00  }
0x52: {  	_ =	swait.ge [sflag:s0], $0x1400  }
0x53: {  	[sflag:s0] =	ssyncset.done $0x0  }
0x54: {  	s16 =	simm.s32 $0x4080;
	[sflag:s0] =	ssyncadd.s32 $0xFFFFEC00  }
0x55: {  	[spmem:s1] =	stream.indirect.scatter.add.f32 [tilespmem:s25], [sflag:$0x6], $0x80, s16, s30, $0xb8;
	[tilespmem:$0x1CC80] =	vst v63  }
0x56: {  	_ =	swait.ge [sflag:s6], $0x2800  }
0x57: {  	[sflag:s6] =	ssyncset.done $0x0  }
0x58: {  	s17 =	simm.s32 $0x180;
	[sflag:s6] =	ssyncadd.s32 $0xFFFFD800  }
0x59: {  	[tilespmem:s25], [sflag:$0x3] =	stream.indirect.gather [hbm4b:s9+s22], $0x80, s17, s22, $0xb8;
	[tilespmem:$0x1CC80] =	vst v63  }
0x5a: {  	s3 =	simm.s32 $0x1A8  }
0x5b: {  	[tilespmem:s26], [sflag:$0x4] =	stream.indirect.gather [hbm4b:s9+s22], $0x80, s3, s22, $0xb8;
	[tilespmem:$0x1CC80] =	vst v63  }
0x5c: {  	_ =	swait.ge [sflag:s28], $0x1400  }
0x5d: {  	[sflag:s28] =	ssyncset.done $0x0  }
0x5e: {  	[sflag:s28] =	ssyncadd.s32 $0xFFFFEC00  }
0x5f: {  	_ =	swait.ge [sflag:s29], $0x1400  }
0x60: {  	[sflag:s29] =	ssyncset.done $0x0  }
0x61: {  	s7 =	simm.s32 $0x4100;
	[sflag:s29] =	ssyncadd.s32 $0xFFFFEC00  }
0x62: {  	[spmem:s1] =	stream.indirect.scatter.add.f32 [tilespmem:s23], [sflag:$0x5], $0x80, s7, s30, $0xb8;
	[tilespmem:$0x1CC80] =	vst v63  }
0x63: {  	_ =	swait.ge [sflag:s8], $0x2800  }
0x64: {  	[sflag:s8] =	ssyncset.done $0x0  }
0x65: {  	s11 =	simm.s32 $0x200;
	[sflag:s8] =	ssyncadd.s32 $0xFFFFD800  }
0x66: {  	[tilespmem:s23], [sflag:$0x1] =	stream.indirect.gather [hbm4b:s9+s22], $0x80, s11, s22, $0xb8;
	[tilespmem:$0x1CC80] =	vst v63  }
0x67: {  	s14 =	simm.s32 $0x228  }
0x68: {  	[tilespmem:s24], [sflag:$0x2] =	stream.indirect.gather [hbm4b:s9+s22], $0x80, s14, s22, $0xb8;
	[tilespmem:$0x1CC80] =	vst v63  }
0x69: {  	_ =	swait.ge [sflag:s31], $0x1400  }
0x6a: {  	[sflag:s31] =	ssyncset.done $0x0  }
0x6b: {  	[sflag:s31] =	ssyncadd.s32 $0xFFFFEC00  }
0x6c: {  	_ =	swait.ge [sflag:s0], $0x1400  }
0x6d: {  	[sflag:s0] =	ssyncset.done $0x0  }
0x6e: {  	s17 =	simm.s32 $0x4180;
	[sflag:s0] =	ssyncadd.s32 $0xFFFFEC00  }
0x6f: {  	[spmem:s1] =	stream.indirect.scatter.add.f32 [tilespmem:s25], [sflag:$0x6], $0x80, s17, s30, $0xb8;
	[tilespmem:$0x1CC80] =	vst v63  }
0x70: {  	_ =	swait.ge [sflag:s6], $0x2800  }
0x71: {  	[sflag:s6] =	ssyncset.done $0x0  }
0x72: {  	s15 =	simm.s32 $0x280;
	[sflag:s6] =	ssyncadd.s32 $0xFFFFD800  }
0x73: {  	[tilespmem:s25], [sflag:$0x3] =	stream.indirect.gather [hbm4b:s9+s22], $0x80, s15, s22, $0xb8;
	[tilespmem:$0x1CC80] =	vst v63  }
0x74: {  	s16 =	simm.s32 $0x2A8  }
0x75: {  	[tilespmem:s26], [sflag:$0x4] =	stream.indirect.gather [hbm4b:s9+s22], $0x80, s16, s22, $0xb8;
	[tilespmem:$0x1CC80] =	vst v63  }
0x76: {  	_ =	swait.ge [sflag:s28], $0x1400  }
0x77: {  	[sflag:s28] =	ssyncset.done $0x0  }
0x78: {  	[sflag:s28] =	ssyncadd.s32 $0xFFFFEC00  }
0x79: {  	_ =	swait.ge [sflag:s29], $0x1400  }
0x7a: {  	[sflag:s29] =	ssyncset.done $0x0  }
0x7b: {  	s16 =	simm.s32 $0x4200;
	[sflag:s29] =	ssyncadd.s32 $0xFFFFEC00  }
0x7c: {  	[spmem:s1] =	stream.indirect.scatter.add.f32 [tilespmem:s23], [sflag:$0x5], $0x80, s16, s30, $0xb8;
	[tilespmem:$0x1CC80] =	vst v63  }
0x7d: {  	_ =	swait.ge [sflag:s8], $0x2800  }
0x7e: {  	[sflag:s8] =	ssyncset.done $0x0  }
0x7f: {  	s3 =	simm.s32 $0x300;
	[sflag:s8] =	ssyncadd.s32 $0xFFFFD800  }
0x80: {  	[tilespmem:s23], [sflag:$0x1] =	stream.indirect.gather [hbm4b:s9+s22], $0x80, s3, s22, $0xb8;
	[tilespmem:$0x1CC80] =	vst v63  }
0x81: {  	s7 =	simm.s32 $0x328  }
0x82: {  	[tilespmem:s24], [sflag:$0x2] =	stream.indirect.gather [hbm4b:s9+s22], $0x80, s7, s22, $0xb8;
	[tilespmem:$0x1CC80] =	vst v63  }
0x83: {  	_ =	swait.ge [sflag:s31], $0x1400  }
0x84: {  	[sflag:s31] =	ssyncset.done $0x0  }
0x85: {  	[sflag:s31] =	ssyncadd.s32 $0xFFFFEC00  }
0x86: {  	_ =	swait.ge [sflag:s0], $0x1400  }
0x87: {  	[sflag:s0] =	ssyncset.done $0x0  }
0x88: {  	s14 =	simm.s32 $0x4280;
	[sflag:s0] =	ssyncadd.s32 $0xFFFFEC00  }
0x89: {  	[spmem:s1] =	stream.indirect.scatter.add.f32 [tilespmem:s25], [sflag:$0x6], $0x80, s14, s30, $0xb8;
	[tilespmem:$0x1CC80] =	vst v63  }
0x8a: {  	_ =	swait.ge [sflag:s6], $0x2800  }
0x8b: {  	[sflag:s6] =	ssyncset.done $0x0  }
0x8c: {  	s11 =	simm.s32 $0x380;
	[sflag:s6] =	ssyncadd.s32 $0xFFFFD800  }
0x8d: {  	[tilespmem:s25], [sflag:$0x3] =	stream.indirect.gather [hbm4b:s9+s22], $0x80, s11, s22, $0xb8;
	[tilespmem:$0x1CC80] =	vst v63  }
0x8e: {  	s15 =	simm.s32 $0x3A8  }
0x8f: {  	[tilespmem:s26], [sflag:$0x4] =	stream.indirect.gather [hbm4b:s9+s22], $0x80, s15, s22, $0xb8;
	[tilespmem:$0x1CC80] =	vst v63  }
0x90: {  	_ =	swait.ge [sflag:s28], $0x1400  }
0x91: {  	[sflag:s28] =	ssyncset.done $0x0  }
0x92: {  	[sflag:s28] =	ssyncadd.s32 $0xFFFFEC00  }
0x93: {  	_ =	swait.ge [sflag:s29], $0x1400  }
0x94: {  	[sflag:s29] =	ssyncset.done $0x0  }
0x95: {  	s11 =	simm.s32 $0x4300;
	[sflag:s29] =	ssyncadd.s32 $0xFFFFEC00  }
0x96: {  	[spmem:s1] =	stream.indirect.scatter.add.f32 [tilespmem:s23], [sflag:$0x5], $0x80, s11, s30, $0xb8;
	[tilespmem:$0x1CC80] =	vst v63  }
0x97: {  	_ =	swait.ge [sflag:s8], $0x2800  }
0x98: {  	[sflag:s8] =	ssyncset.done $0x0  }
0x99: {  	[sflag:s8] =	ssyncadd.s32 $0xFFFFD800  }
0x9a: {  	_ =	swait.ge [sflag:s31], $0x1400  }
0x9b: {  	[sflag:s31] =	ssyncset.done $0x0  }
0x9c: {  	[sflag:s31] =	ssyncadd.s32 $0xFFFFEC00  }
0x9d: {  	_ =	swait.ge [sflag:s0], $0x1400  }
0x9e: {  	[sflag:s0] =	ssyncset.done $0x0  }
0x9f: {  	s15 =	simm.s32 $0x4380;
	[sflag:s0] =	ssyncadd.s32 $0xFFFFEC00  }
0xa0: {  	[spmem:s1] =	stream.indirect.scatter.add.f32 [tilespmem:s25], [sflag:$0x6], $0x80, s15, s30, $0xb8;
	[tilespmem:$0x1CC80] =	vst v63  }
0xa1: {  	_ =	swait.ge [sflag:s6], $0x2800  }
0xa2: {  	s7 =	simm.s32 $0x1000;
	[sflag:s6] =	ssyncset.done $0x0  }
.LBB2_6:
0xa3: {  	p1 =	sne.s32 s7, $0xE000;
	[sflag:s6] =	ssyncadd.s32 $0xFFFFD800;
	s10 =	sadd.s32 $0x80, s10  }
0xa4: {  	[tilespmem:s21], [sflag:$0x8] =	stream.linear.gather [hbm4b:s10+s13], $0x400, $0x38;
	[tilespmem:$0x1CC80] =	vst v63  }
0xa5: {  	s2 =	smov.u32 s7;
	s7 =	sadd.s32 $0x1000, s7;
	_ =	swait.ge [sflag:s18], $0x400  }
0xa6: {  	[sflag:s18] =	ssyncset.done $0x0  }
0xa7: {  	s3 =	sshra.s32 s2, $0x2;
	[sflag:s18] =	ssyncadd.s32 $0xFFFFFC00  }
0xa8: {  	[tilespmem:s23], [sflag:$0x1] =	stream.indirect.gather [hbm4b:s9+s22], $0x80, s3, s22, $0xb8;
	[tilespmem:$0x1CC80] =	vst v63  }
0xa9: {  	s2 =	sadd.s32 $0x28, s3  }
0xaa: {  	[tilespmem:s24], [sflag:$0x2] =	stream.indirect.gather [hbm4b:s9+s22], $0x80, s2, s22, $0xb8;
	[tilespmem:$0x1CC80] =	vst v63  }
0xab: {  	s2 =	sadd.s32 $0x80, s3  }
0xac: {  	[tilespmem:s25], [sflag:$0x3] =	stream.indirect.gather [hbm4b:s9+s22], $0x80, s2, s22, $0xb8;
	[tilespmem:$0x1CC80] =	vst v63  }
0xad: {  	s2 =	sadd.s32 $0xA8, s3  }
0xae: {  	[tilespmem:s26], [sflag:$0x4] =	stream.indirect.gather [hbm4b:s9+s22], $0x80, s2, s22, $0xb8;
	[tilespmem:$0x1CC80] =	vst v63  }
0xaf: {  	_ =	swait.ge [sflag:s28], $0x1400  }
0xb0: {  	[sflag:s28] =	ssyncset.done $0x0  }
0xb1: {  	[sflag:s28] =	ssyncadd.s32 $0xFFFFEC00  }
0xb2: {  	_ =	swait.ge [sflag:s29], $0x1400  }
0xb3: {  	[sflag:s29] =	ssyncset.done $0x0  }
0xb4: {  	[sflag:s29] =	ssyncadd.s32 $0xFFFFEC00  }
0xb5: {  	[spmem:s1] =	stream.indirect.scatter.add.f32 [tilespmem:s23], [sflag:$0x5], $0x80, s21, s30, $0xb8;
	[tilespmem:$0x1CC80] =	vst v63  }
0xb6: {  	_ =	swait.ge [sflag:s8], $0x2800  }
0xb7: {  	[sflag:s8] =	ssyncset.done $0x0  }
0xb8: {  	s2 =	sadd.s32 $0x100, s3;
	[sflag:s8] =	ssyncadd.s32 $0xFFFFD800  }
0xb9: {  	[tilespmem:s23], [sflag:$0x1] =	stream.indirect.gather [hbm4b:s9+s22], $0x80, s2, s22, $0xb8;
	[tilespmem:$0x1CC80] =	vst v63  }
0xba: {  	s2 =	sadd.s32 $0x128, s3  }
0xbb: {  	[tilespmem:s24], [sflag:$0x2] =	stream.indirect.gather [hbm4b:s9+s22], $0x80, s2, s22, $0xb8;
	[tilespmem:$0x1CC80] =	vst v63  }
0xbc: {  	_ =	swait.ge [sflag:s31], $0x1400  }
0xbd: {  	[sflag:s31] =	ssyncset.done $0x0  }
0xbe: {  	[sflag:s31] =	ssyncadd.s32 $0xFFFFEC00  }
0xbf: {  	_ =	swait.ge [sflag:s0], $0x1400  }
0xc0: {  	[sflag:s0] =	ssyncset.done $0x0  }
0xc1: {  	s2 =	simm.s32 $0x4080;
	[sflag:s0] =	ssyncadd.s32 $0xFFFFEC00  }
0xc2: {  	[spmem:s1] =	stream.indirect.scatter.add.f32 [tilespmem:s25], [sflag:$0x6], $0x80, s2, s30, $0xb8;
	[tilespmem:$0x1CC80] =	vst v63  }
0xc3: {  	_ =	swait.ge [sflag:s6], $0x2800  }
0xc4: {  	[sflag:s6] =	ssyncset.done $0x0  }
0xc5: {  	s2 =	sadd.s32 $0x180, s3;
	[sflag:s6] =	ssyncadd.s32 $0xFFFFD800  }
0xc6: {  	[tilespmem:s25], [sflag:$0x3] =	stream.indirect.gather [hbm4b:s9+s22], $0x80, s2, s22, $0xb8;
	[tilespmem:$0x1CC80] =	vst v63  }
0xc7: {  	s2 =	sadd.s32 $0x1A8, s3  }
0xc8: {  	[tilespmem:s26], [sflag:$0x4] =	stream.indirect.gather [hbm4b:s9+s22], $0x80, s2, s22, $0xb8;
	[tilespmem:$0x1CC80] =	vst v63  }
0xc9: {  	_ =	swait.ge [sflag:s28], $0x1400  }
0xca: {  	[sflag:s28] =	ssyncset.done $0x0  }
0xcb: {  	[sflag:s28] =	ssyncadd.s32 $0xFFFFEC00  }
0xcc: {  	_ =	swait.ge [sflag:s29], $0x1400  }
0xcd: {  	[sflag:s29] =	ssyncset.done $0x0  }
0xce: {  	s2 =	simm.s32 $0x4100;
	[sflag:s29] =	ssyncadd.s32 $0xFFFFEC00  }
0xcf: {  	[spmem:s1] =	stream.indirect.scatter.add.f32 [tilespmem:s23], [sflag:$0x5], $0x80, s2, s30, $0xb8;
	[tilespmem:$0x1CC80] =	vst v63  }
0xd0: {  	_ =	swait.ge [sflag:s8], $0x2800  }
0xd1: {  	[sflag:s8] =	ssyncset.done $0x0  }
0xd2: {  	s2 =	sadd.s32 $0x200, s3;
	[sflag:s8] =	ssyncadd.s32 $0xFFFFD800  }
0xd3: {  	[tilespmem:s23], [sflag:$0x1] =	stream.indirect.gather [hbm4b:s9+s22], $0x80, s2, s22, $0xb8;
	[tilespmem:$0x1CC80] =	vst v63  }
0xd4: {  	s2 =	sadd.s32 $0x228, s3  }
0xd5: {  	[tilespmem:s24], [sflag:$0x2] =	stream.indirect.gather [hbm4b:s9+s22], $0x80, s2, s22, $0xb8;
	[tilespmem:$0x1CC80] =	vst v63  }
0xd6: {  	_ =	swait.ge [sflag:s31], $0x1400  }
0xd7: {  	[sflag:s31] =	ssyncset.done $0x0  }
0xd8: {  	[sflag:s31] =	ssyncadd.s32 $0xFFFFEC00  }
0xd9: {  	_ =	swait.ge [sflag:s0], $0x1400  }
0xda: {  	[sflag:s0] =	ssyncset.done $0x0  }
0xdb: {  	[sflag:s0] =	ssyncadd.s32 $0xFFFFEC00  }
0xdc: {  	[spmem:s1] =	stream.indirect.scatter.add.f32 [tilespmem:s25], [sflag:$0x6], $0x80, s17, s30, $0xb8;
	[tilespmem:$0x1CC80] =	vst v63  }
0xdd: {  	_ =	swait.ge [sflag:s6], $0x2800  }
0xde: {  	[sflag:s6] =	ssyncset.done $0x0  }
0xdf: {  	s2 =	sadd.s32 $0x280, s3;
	[sflag:s6] =	ssyncadd.s32 $0xFFFFD800  }
0xe0: {  	[tilespmem:s25], [sflag:$0x3] =	stream.indirect.gather [hbm4b:s9+s22], $0x80, s2, s22, $0xb8;
	[tilespmem:$0x1CC80] =	vst v63  }
0xe1: {  	s2 =	sadd.s32 $0x2A8, s3  }
0xe2: {  	[tilespmem:s26], [sflag:$0x4] =	stream.indirect.gather [hbm4b:s9+s22], $0x80, s2, s22, $0xb8;
	[tilespmem:$0x1CC80] =	vst v63  }
0xe3: {  	_ =	swait.ge [sflag:s28], $0x1400  }
0xe4: {  	[sflag:s28] =	ssyncset.done $0x0  }
0xe5: {  	[sflag:s28] =	ssyncadd.s32 $0xFFFFEC00  }
0xe6: {  	_ =	swait.ge [sflag:s29], $0x1400  }
0xe7: {  	[sflag:s29] =	ssyncset.done $0x0  }
0xe8: {  	[sflag:s29] =	ssyncadd.s32 $0xFFFFEC00  }
0xe9: {  	[spmem:s1] =	stream.indirect.scatter.add.f32 [tilespmem:s23], [sflag:$0x5], $0x80, s16, s30, $0xb8;
	[tilespmem:$0x1CC80] =	vst v63  }
0xea: {  	_ =	swait.ge [sflag:s8], $0x2800  }
0xeb: {  	[sflag:s8] =	ssyncset.done $0x0  }
0xec: {  	s2 =	sadd.s32 $0x300, s3;
	[sflag:s8] =	ssyncadd.s32 $0xFFFFD800  }
0xed: {  	[tilespmem:s23], [sflag:$0x1] =	stream.indirect.gather [hbm4b:s9+s22], $0x80, s2, s22, $0xb8;
	[tilespmem:$0x1CC80] =	vst v63  }
0xee: {  	s2 =	sadd.s32 $0x328, s3  }
0xef: {  	[tilespmem:s24], [sflag:$0x2] =	stream.indirect.gather [hbm4b:s9+s22], $0x80, s2, s22, $0xb8;
	[tilespmem:$0x1CC80] =	vst v63  }
0xf0: {  	_ =	swait.ge [sflag:s31], $0x1400  }
0xf1: {  	[sflag:s31] =	ssyncset.done $0x0  }
0xf2: {  	[sflag:s31] =	ssyncadd.s32 $0xFFFFEC00  }
0xf3: {  	_ =	swait.ge [sflag:s0], $0x1400  }
0xf4: {  	[sflag:s0] =	ssyncset.done $0x0  }
0xf5: {  	[sflag:s0] =	ssyncadd.s32 $0xFFFFEC00  }
0xf6: {  	[spmem:s1] =	stream.indirect.scatter.add.f32 [tilespmem:s25], [sflag:$0x6], $0x80, s14, s30, $0xb8;
	[tilespmem:$0x1CC80] =	vst v63  }
0xf7: {  	_ =	swait.ge [sflag:s6], $0x2800  }
0xf8: {  	[sflag:s6] =	ssyncset.done $0x0  }
0xf9: {  	s2 =	sadd.s32 $0x380, s3;
	[sflag:s6] =	ssyncadd.s32 $0xFFFFD800  }
0xfa: {  	[tilespmem:s25], [sflag:$0x3] =	stream.indirect.gather [hbm4b:s9+s22], $0x80, s2, s22, $0xb8;
	[tilespmem:$0x1CC80] =	vst v63  }
0xfb: {  	s2 =	sadd.s32 $0x3A8, s3  }
0xfc: {  	[tilespmem:s26], [sflag:$0x4] =	stream.indirect.gather [hbm4b:s9+s22], $0x80, s2, s22, $0xb8;
	[tilespmem:$0x1CC80] =	vst v63  }
0xfd: {  	_ =	swait.ge [sflag:s28], $0x1400  }
0xfe: {  	[sflag:s28] =	ssyncset.done $0x0  }
0xff: {  	[sflag:s28] =	ssyncadd.s32 $0xFFFFEC00  }
0x100: {  	_ =	swait.ge [sflag:s29], $0x1400  }
0x101: {  	[sflag:s29] =	ssyncset.done $0x0  }
0x102: {  	[sflag:s29] =	ssyncadd.s32 $0xFFFFEC00  }
0x103: {  	[spmem:s1] =	stream.indirect.scatter.add.f32 [tilespmem:s23], [sflag:$0x5], $0x80, s11, s30, $0xb8;
	[tilespmem:$0x1CC80] =	vst v63  }
0x104: {  	_ =	swait.ge [sflag:s8], $0x2800  }
0x105: {  	[sflag:s8] =	ssyncset.done $0x0  }
0x106: {  	[sflag:s8] =	ssyncadd.s32 $0xFFFFD800  }
0x107: {  	_ =	swait.ge [sflag:s31], $0x1400  }
0x108: {  	[sflag:s31] =	ssyncset.done $0x0  }
0x109: {  	[sflag:s31] =	ssyncadd.s32 $0xFFFFEC00  }
0x10a: {  	_ =	swait.ge [sflag:s0], $0x1400  }
.Ltmp4:
0x10b: {  	[sflag:s0] =	ssyncset.done $0x0;
	(pc) =	sbr.rel @p1 .LBB2_6-.Ltmp4, $4  }
0x10c: {  	[sflag:s0] =	ssyncadd.s32 $0xFFFFEC00  }
0x10d: {  	[spmem:s1] =	stream.indirect.scatter.add.f32 [tilespmem:s25], [sflag:$0x6], $0x80, s15, s30, $0xb8;
	[tilespmem:$0x1CC80] =	vst v63  }
0x10e: {  	_ =	swait.ge [sflag:s6], $0x2800  }
0x10f: {  	[sflag:s6] =	ssyncset.done $0x0  }
0x110: {  	[sflag:s6] =	ssyncadd.s32 $0xFFFFD800;
	s2 =	rddreg [dreg:$0x7]  }
0x111: {  	[tilespmem:s21], [sflag:$0x8] =	stream.linear.gather [hbm4b:s2+s13], $0x400, $0x38;
	[tilespmem:$0x1CC80] =	vst v63  }
0x112: {  	_ =	swait.ge [sflag:s18], $0x400  }
0x113: {  	[sflag:s18] =	ssyncset.done $0x0  }
0x114: {  	s3 =	simm.s32 $0x3C00;
	s2 =	rddreg [dreg:$0x6];
	[sflag:s18] =	ssyncadd.s32 $0xFFFFFC00  }
0x115: {  	[tilespmem:s23], [sflag:$0x1] =	stream.indirect.gather [hbm4b:s2+s22], $0x80, s3, s22, $0xb8;
	[tilespmem:$0x1CC80] =	vst v63  }
0x116: {  	s10 =	simm.s32 $0x3C28  }
0x117: {  	[tilespmem:s24], [sflag:$0x2] =	stream.indirect.gather [hbm4b:s2+s22], $0x80, s10, s22, $0xb8;
	[tilespmem:$0x1CC80] =	vst v63  }
0x118: {  	s11 =	simm.s32 $0x3C80  }
0x119: {  	[tilespmem:s25], [sflag:$0x3] =	stream.indirect.gather [hbm4b:s2+s22], $0x80, s11, s22, $0xb8;
	[tilespmem:$0x1CC80] =	vst v63  }
0x11a: {  	s13 =	simm.s32 $0x3CA8  }
0x11b: {  	[tilespmem:s26], [sflag:$0x4] =	stream.indirect.gather [hbm4b:s2+s22], $0x80, s13, s22, $0xb8;
	[tilespmem:$0x1CC80] =	vst v63  }
0x11c: {  	_ =	swait.ge [sflag:s28], $0x1400  }
0x11d: {  	[sflag:s28] =	ssyncset.done $0x0  }
0x11e: {  	[sflag:s28] =	ssyncadd.s32 $0xFFFFEC00  }
0x11f: {  	_ =	swait.ge [sflag:s29], $0x1400  }
0x120: {  	[sflag:s29] =	ssyncset.done $0x0  }
0x121: {  	[sflag:s29] =	ssyncadd.s32 $0xFFFFEC00  }
0x122: {  	[spmem:s1] =	stream.indirect.scatter.add.f32 [tilespmem:s23], [sflag:$0x5], $0x80, s21, s30, $0xb8;
	[tilespmem:$0x1CC80] =	vst v63  }
0x123: {  	_ =	swait.ge [sflag:s8], $0x2800  }
0x124: {  	[sflag:s8] =	ssyncset.done $0x0  }
0x125: {  	s14 =	simm.s32 $0x3D00;
	[sflag:s8] =	ssyncadd.s32 $0xFFFFD800  }
0x126: {  	[tilespmem:s23], [sflag:$0x1] =	stream.indirect.gather [hbm4b:s2+s22], $0x80, s14, s22, $0xb8;
	[tilespmem:$0x1CC80] =	vst v63  }
0x127: {  	s15 =	simm.s32 $0x3D28  }
0x128: {  	[tilespmem:s24], [sflag:$0x2] =	stream.indirect.gather [hbm4b:s2+s22], $0x80, s15, s22, $0xb8;
	[tilespmem:$0x1CC80] =	vst v63  }
0x129: {  	_ =	swait.ge [sflag:s31], $0x1400  }
0x12a: {  	[sflag:s31] =	ssyncset.done $0x0  }
0x12b: {  	[sflag:s31] =	ssyncadd.s32 $0xFFFFEC00  }
0x12c: {  	_ =	swait.ge [sflag:s0], $0x1400  }
0x12d: {  	[sflag:s0] =	ssyncset.done $0x0  }
0x12e: {  	s7 =	simm.s32 $0x4080;
	[sflag:s0] =	ssyncadd.s32 $0xFFFFEC00  }
0x12f: {  	[spmem:s1] =	stream.indirect.scatter.add.f32 [tilespmem:s25], [sflag:$0x6], $0x80, s7, s30, $0xb8;
	[tilespmem:$0x1CC80] =	vst v63  }
0x130: {  	_ =	swait.ge [sflag:s6], $0x2800  }
0x131: {  	[sflag:s6] =	ssyncset.done $0x0  }
0x132: {  	s10 =	simm.s32 $0x3D80;
	[sflag:s6] =	ssyncadd.s32 $0xFFFFD800  }
0x133: {  	[tilespmem:s25], [sflag:$0x3] =	stream.indirect.gather [hbm4b:s2+s22], $0x80, s10, s22, $0xb8;
	[tilespmem:$0x1CC80] =	vst v63  }
0x134: {  	s11 =	simm.s32 $0x3DA8  }
0x135: {  	[tilespmem:s26], [sflag:$0x4] =	stream.indirect.gather [hbm4b:s2+s22], $0x80, s11, s22, $0xb8;
	[tilespmem:$0x1CC80] =	vst v63  }
0x136: {  	_ =	swait.ge [sflag:s28], $0x1400  }
0x137: {  	[sflag:s28] =	ssyncset.done $0x0  }
0x138: {  	[sflag:s28] =	ssyncadd.s32 $0xFFFFEC00  }
0x139: {  	_ =	swait.ge [sflag:s29], $0x1400  }
0x13a: {  	[sflag:s29] =	ssyncset.done $0x0  }
0x13b: {  	s13 =	simm.s32 $0x4100;
	[sflag:s29] =	ssyncadd.s32 $0xFFFFEC00  }
0x13c: {  	[spmem:s1] =	stream.indirect.scatter.add.f32 [tilespmem:s23], [sflag:$0x5], $0x80, s13, s30, $0xb8;
	[tilespmem:$0x1CC80] =	vst v63  }
0x13d: {  	_ =	swait.ge [sflag:s8], $0x2800  }
0x13e: {  	[sflag:s8] =	ssyncset.done $0x0  }
0x13f: {  	s14 =	simm.s32 $0x3E00;
	[sflag:s8] =	ssyncadd.s32 $0xFFFFD800  }
0x140: {  	[tilespmem:s23], [sflag:$0x1] =	stream.indirect.gather [hbm4b:s2+s22], $0x80, s14, s22, $0xb8;
	[tilespmem:$0x1CC80] =	vst v63  }
0x141: {  	s15 =	simm.s32 $0x3E28  }
0x142: {  	[tilespmem:s24], [sflag:$0x2] =	stream.indirect.gather [hbm4b:s2+s22], $0x80, s15, s22, $0xb8;
	[tilespmem:$0x1CC80] =	vst v63  }
0x143: {  	_ =	swait.ge [sflag:s31], $0x1400  }
0x144: {  	[sflag:s31] =	ssyncset.done $0x0  }
0x145: {  	[sflag:s31] =	ssyncadd.s32 $0xFFFFEC00  }
0x146: {  	_ =	swait.ge [sflag:s0], $0x1400  }
0x147: {  	[sflag:s0] =	ssyncset.done $0x0  }
0x148: {  	[sflag:s0] =	ssyncadd.s32 $0xFFFFEC00  }
0x149: {  	[spmem:s1] =	stream.indirect.scatter.add.f32 [tilespmem:s25], [sflag:$0x6], $0x80, s17, s30, $0xb8;
	[tilespmem:$0x1CC80] =	vst v63  }
0x14a: {  	_ =	swait.ge [sflag:s6], $0x2800  }
0x14b: {  	[sflag:s6] =	ssyncset.done $0x0  }
0x14c: {  	[sflag:s6] =	ssyncadd.s32 $0xFFFFD800  }
0x14d: {  	_ =	swait.ge [sflag:s28], $0x1400  }
0x14e: {  	[sflag:s28] =	ssyncset.done $0x0  }
0x14f: {  	[sflag:s28] =	ssyncadd.s32 $0xFFFFEC00  }
0x150: {  	_ =	swait.ge [sflag:s29], $0x1400  }
0x151: {  	[sflag:s29] =	ssyncset.done $0x0  }
0x152: {  	[sflag:s29] =	ssyncadd.s32 $0xFFFFEC00  }
0x153: {  	[spmem:s1] =	stream.indirect.scatter.add.f32 [tilespmem:s23], [sflag:$0x5], $0x80, s16, s30, $0xb8;
	[tilespmem:$0x1CC80] =	vst v63  }
0x154: {  	_ =	swait.ge [sflag:s8], $0x2800  }
0x155: {  	[sflag:s8] =	ssyncset.done $0x0  }
0x156: {  	[sflag:s8] =	ssyncadd.s32 $0xFFFFD800  }
0x157: {  	[bflag:$0x0] =	sbarrier.arrive $0xFFFF  }
.Ltmp5:
0x158: {  	s16 =	rddreg [dreg:$0x5];
	(pc) =	sbr.rel @!p0 .LBB2_9-.Ltmp5, $4  }
0x159: {  	s11 =	rddreg [dreg:$0xa]  }
0x15a: {  	s10 =	rddreg [dreg:$0x9]  }
0x15b: {  	s3 =	sadd.s32 $0xFFFFFFFF, s16;
	s17 =	sshrl.u32 s11, $0x3;
	s7 =	sadd.s32 $0x2800, s10  }
0x15c: {  	s13 =	sshrl.u32 s10, $0x3;
	s10 =	sadd.s32 $0x2800, s11;
	s2 =	sadd.s32 s5, s17  }
.LBB2_8:
0x15d: {  	[hbm:s2], [sflag:s19] =	dma.local [spmem:s13], $0x500  }
0x15e: {  	p1 =	sne.s32 s3, $0x1  }
.Ltmp6:
0x15f: {  	s3 =	sadd.s32 $0xFFFFFFFF, s3;
	(pc) =	sbr.rel @p1 .LBB2_8-.Ltmp6, $3  }
0x160: {  	s13 =	smov.u32 s7;
	_ =	sdelay $0x1  }
0x161: {  	s2 =	sshrl.u32 s10, $0x3;
	s7 =	sadd.s32 $0x2800, s7  }
0x162: {  	s10 =	sadd.s32 $0x2800, s10;
	s2 =	sadd.s32 s5, s2;
	s13 =	sshrl.u32 s13, $0x3  }
.LBB2_9:
.Ltmp7:
0x163: {  	(pc) =	sbr.rel @!p0 .LBB2_11-.Ltmp7, $4  }
0x164: {  	[hbm:s2], [sflag:s19] =	dma.local [spmem:s13], $0x500  }
0x165: {  	_ =	swait.ge [sflag:s20], $0x500  }
0x166: {  	s17 =	rddreg [dreg:$0x5]  }
0x167: {  	[sflag:s20] =	ssyncset.done $0x0;
	s3 =	sadd.s32 $0xFFFFFFFF, s17  }
.LBB2_10:
0x168: {  	p1 =	sne.s32 s3, $0x1;
	s3 =	sadd.s32 $0xFFFFFFFF, s3;
	[sflag:s20] =	ssyncadd.s32 $0xFFFFFB00  }
.Ltmp8:
0x169: {  	(pc) =	sbr.rel @p1 .LBB2_10-.Ltmp8, $3  }
0x16a: {  	_ =	sdelay $0x1  }
0x16b: {  	_ =	swait.ge [sflag:s20], $0x500  }
0x16c: {  	[sflag:s20] =	ssyncset.done $0x0  }
.LBB2_11:
.Ltmp9:
0x16d: {  	[sflag:s20] =	ssyncadd.s32 $0xFFFFFB00;
	(pc) =	sbr.rel @!p0 .LBB2_13-.Ltmp9, $4  }
0x16e: {  	[bflag:$0x0] =	sbarrier.arrive $0xFFFF  }
0x16f: {  	s2 =	rddreg [dreg:$0x5]  }
0x170: {  	s7 =	rddreg [dreg:$0x9]  }
0x171: {  	s3 =	sadd.s32 $0xFFFFFFFF, s2;
	s2 =	sshrl.u32 s7, $0x3;
	s7 =	sadd.s32 $0x2800, s7  }
.LBB2_12:
0x172: {  	[spmem:s2], [sflag:s19] =	dma.local [hbm:s4], $0x500  }
0x173: {  	p1 =	sne.s32 s3, $0x1  }
.Ltmp10:
0x174: {  	s3 =	sadd.s32 $0xFFFFFFFF, s3;
	(pc) =	sbr.rel @p1 .LBB2_12-.Ltmp10, $2  }
0x175: {  	_ =	sdelay $0x2  }
0x176: {  	s2 =	sshrl.u32 s7, $0x3;
	s7 =	sadd.s32 $0x2800, s7  }
.LBB2_13:
.Ltmp11:
0x177: {  	(pc) =	sbr.rel @!p0 .LBB2_15-.Ltmp11, $4  }
0x178: {  	[spmem:s2], [sflag:s19] =	dma.local [hbm:s4], $0x500  }
0x179: {  	_ =	swait.ge [sflag:s20], $0x500  }
0x17a: {  	s17 =	rddreg [dreg:$0x5]  }
0x17b: {  	[sflag:s20] =	ssyncset.done $0x0;
	s3 =	sadd.s32 $0xFFFFFFFF, s17  }
.LBB2_14:
0x17c: {  	p1 =	sne.s32 s3, $0x1;
	s3 =	sadd.s32 $0xFFFFFFFF, s3;
	[sflag:s20] =	ssyncadd.s32 $0xFFFFFB00  }
.Ltmp12:
0x17d: {  	(pc) =	sbr.rel @p1 .LBB2_14-.Ltmp12, $3  }
0x17e: {  	_ =	sdelay $0x1  }
0x17f: {  	_ =	swait.ge [sflag:s20], $0x500  }
0x180: {  	[sflag:s20] =	ssyncset.done $0x0  }
.LBB2_15:
0x181: {  	[sflag:s20] =	ssyncadd.s32 $0xFFFFFB00  }
0x182: {  	[bflag:$0x0] =	sbarrier.arrive $0xFFFF  }
0x183: {  	s3 =	simm.s32 $0x0;
	s10 =	rddreg [dreg:$0xb]  }
0x184: {  	[tilespmem:s21], [sflag:$0x8] =	stream.linear.gather [hbm4b:s10+s3], $0x400, $0x38;
	[tilespmem:$0x1CC80] =	vst v63  }
0x185: {  	_ =	swait.ge [sflag:s18], $0x400  }
0x186: {  	[sflag:s18] =	ssyncset.done $0x0  }
0x187: {  	s2 =	simm.s32 $0x0;
	[sflag:s18] =	ssyncadd.s32 $0xFFFFFC00  }
0x188: {  	[tilespmem:s23], [sflag:$0x1] =	stream.indirect.gather [hbm4b:s12+s22], $0x80, s2, s22, $0xb8;
	[tilespmem:$0x1CC80] =	vst v63  }
0x189: {  	s16 =	simm.s32 $0x28  }
0x18a: {  	[tilespmem:s24], [sflag:$0x2] =	stream.indirect.gather [hbm4b:s12+s22], $0x80, s16, s22, $0xb8;
	[tilespmem:$0x1CC80] =	vst v63  }
0x18b: {  	s17 =	simm.s32 $0x80  }
0x18c: {  	[tilespmem:s25], [sflag:$0x3] =	stream.indirect.gather [hbm4b:s12+s22], $0x80, s17, s22, $0xb8;
	[tilespmem:$0x1CC80] =	vst v63  }
0x18d: {  	s7 =	simm.s32 $0xA8  }
0x18e: {  	[tilespmem:s26], [sflag:$0x4] =	stream.indirect.gather [hbm4b:s12+s22], $0x80, s7, s22, $0xb8;
	[tilespmem:$0x1CC80] =	vst v63  }
0x18f: {  	_ =	swait.ge [sflag:s28], $0x1400  }
0x190: {  	[sflag:s28] =	ssyncset.done $0x0  }
0x191: {  	[sflag:s28] =	ssyncadd.s32 $0xFFFFEC00  }
0x192: {  	_ =	swait.ge [sflag:s29], $0x1400  }
0x193: {  	[sflag:s29] =	ssyncset.done $0x0  }
0x194: {  	[sflag:s29] =	ssyncadd.s32 $0xFFFFEC00  }
0x195: {  	[spmem:s1] =	stream.indirect.scatter.add.f32 [tilespmem:s23], [sflag:$0x5], $0x80, s21, s30, $0xb8;
	[tilespmem:$0x1CC80] =	vst v63  }
0x196: {  	_ =	swait.ge [sflag:s8], $0x2800  }
0x197: {  	[sflag:s8] =	ssyncset.done $0x0  }
0x198: {  	s11 =	simm.s32 $0x100;
	[sflag:s8] =	ssyncadd.s32 $0xFFFFD800  }
0x199: {  	[tilespmem:s23], [sflag:$0x1] =	stream.indirect.gather [hbm4b:s12+s22], $0x80, s11, s22, $0xb8;
	[tilespmem:$0x1CC80] =	vst v63  }
0x19a: {  	s13 =	simm.s32 $0x128  }
0x19b: {  	[tilespmem:s24], [sflag:$0x2] =	stream.indirect.gather [hbm4b:s12+s22], $0x80, s13, s22, $0xb8;
	[tilespmem:$0x1CC80] =	vst v63  }
0x19c: {  	_ =	swait.ge [sflag:s31], $0x1400  }
0x19d: {  	[sflag:s31] =	ssyncset.done $0x0  }
0x19e: {  	[sflag:s31] =	ssyncadd.s32 $0xFFFFEC00  }
0x19f: {  	_ =	swait.ge [sflag:s0], $0x1400  }
0x1a0: {  	[sflag:s0] =	ssyncset.done $0x0  }
0x1a1: {  	s14 =	simm.s32 $0x4080;
	[sflag:s0] =	ssyncadd.s32 $0xFFFFEC00  }
0x1a2: {  	[spmem:s1] =	stream.indirect.scatter.add.f32 [tilespmem:s25], [sflag:$0x6], $0x80, s14, s30, $0xb8;
	[tilespmem:$0x1CC80] =	vst v63  }
0x1a3: {  	_ =	swait.ge [sflag:s6], $0x2800  }
0x1a4: {  	[sflag:s6] =	ssyncset.done $0x0  }
0x1a5: {  	s15 =	simm.s32 $0x180;
	[sflag:s6] =	ssyncadd.s32 $0xFFFFD800  }
0x1a6: {  	[tilespmem:s25], [sflag:$0x3] =	stream.indirect.gather [hbm4b:s12+s22], $0x80, s15, s22, $0xb8;
	[tilespmem:$0x1CC80] =	vst v63  }
0x1a7: {  	s16 =	simm.s32 $0x1A8  }
0x1a8: {  	[tilespmem:s26], [sflag:$0x4] =	stream.indirect.gather [hbm4b:s12+s22], $0x80, s16, s22, $0xb8;
	[tilespmem:$0x1CC80] =	vst v63  }
0x1a9: {  	_ =	swait.ge [sflag:s28], $0x1400  }
0x1aa: {  	[sflag:s28] =	ssyncset.done $0x0  }
0x1ab: {  	[sflag:s28] =	ssyncadd.s32 $0xFFFFEC00  }
0x1ac: {  	_ =	swait.ge [sflag:s29], $0x1400  }
0x1ad: {  	[sflag:s29] =	ssyncset.done $0x0  }
0x1ae: {  	s15 =	simm.s32 $0x4100;
	[sflag:s29] =	ssyncadd.s32 $0xFFFFEC00  }
0x1af: {  	[spmem:s1] =	stream.indirect.scatter.add.f32 [tilespmem:s23], [sflag:$0x5], $0x80, s15, s30, $0xb8;
	[tilespmem:$0x1CC80] =	vst v63  }
0x1b0: {  	_ =	swait.ge [sflag:s8], $0x2800  }
0x1b1: {  	[sflag:s8] =	ssyncset.done $0x0  }
0x1b2: {  	s17 =	simm.s32 $0x200;
	[sflag:s8] =	ssyncadd.s32 $0xFFFFD800  }
0x1b3: {  	[tilespmem:s23], [sflag:$0x1] =	stream.indirect.gather [hbm4b:s12+s22], $0x80, s17, s22, $0xb8;
	[tilespmem:$0x1CC80] =	vst v63  }
0x1b4: {  	s7 =	simm.s32 $0x228  }
0x1b5: {  	[tilespmem:s24], [sflag:$0x2] =	stream.indirect.gather [hbm4b:s12+s22], $0x80, s7, s22, $0xb8;
	[tilespmem:$0x1CC80] =	vst v63  }
0x1b6: {  	_ =	swait.ge [sflag:s31], $0x1400  }
0x1b7: {  	[sflag:s31] =	ssyncset.done $0x0  }
0x1b8: {  	[sflag:s31] =	ssyncadd.s32 $0xFFFFEC00  }
0x1b9: {  	_ =	swait.ge [sflag:s0], $0x1400  }
0x1ba: {  	[sflag:s0] =	ssyncset.done $0x0  }
0x1bb: {  	s17 =	simm.s32 $0x4180;
	[sflag:s0] =	ssyncadd.s32 $0xFFFFEC00  }
0x1bc: {  	[spmem:s1] =	stream.indirect.scatter.add.f32 [tilespmem:s25], [sflag:$0x6], $0x80, s17, s30, $0xb8;
	[tilespmem:$0x1CC80] =	vst v63  }
0x1bd: {  	_ =	swait.ge [sflag:s6], $0x2800  }
0x1be: {  	[sflag:s6] =	ssyncset.done $0x0  }
0x1bf: {  	s11 =	simm.s32 $0x280;
	[sflag:s6] =	ssyncadd.s32 $0xFFFFD800  }
0x1c0: {  	[tilespmem:s25], [sflag:$0x3] =	stream.indirect.gather [hbm4b:s12+s22], $0x80, s11, s22, $0xb8;
	[tilespmem:$0x1CC80] =	vst v63  }
0x1c1: {  	s13 =	simm.s32 $0x2A8  }
0x1c2: {  	[tilespmem:s26], [sflag:$0x4] =	stream.indirect.gather [hbm4b:s12+s22], $0x80, s13, s22, $0xb8;
	[tilespmem:$0x1CC80] =	vst v63  }
0x1c3: {  	_ =	swait.ge [sflag:s28], $0x1400  }
0x1c4: {  	[sflag:s28] =	ssyncset.done $0x0  }
0x1c5: {  	[sflag:s28] =	ssyncadd.s32 $0xFFFFEC00  }
0x1c6: {  	_ =	swait.ge [sflag:s29], $0x1400  }
0x1c7: {  	[sflag:s29] =	ssyncset.done $0x0  }
0x1c8: {  	s16 =	simm.s32 $0x4200;
	[sflag:s29] =	ssyncadd.s32 $0xFFFFEC00  }
0x1c9: {  	[spmem:s1] =	stream.indirect.scatter.add.f32 [tilespmem:s23], [sflag:$0x5], $0x80, s16, s30, $0xb8;
	[tilespmem:$0x1CC80] =	vst v63  }
0x1ca: {  	_ =	swait.ge [sflag:s8], $0x2800  }
0x1cb: {  	[sflag:s8] =	ssyncset.done $0x0  }
0x1cc: {  	s14 =	simm.s32 $0x300;
	[sflag:s8] =	ssyncadd.s32 $0xFFFFD800  }
0x1cd: {  	[tilespmem:s23], [sflag:$0x1] =	stream.indirect.gather [hbm4b:s12+s22], $0x80, s14, s22, $0xb8;
	[tilespmem:$0x1CC80] =	vst v63  }
0x1ce: {  	s7 =	simm.s32 $0x328  }
0x1cf: {  	[tilespmem:s24], [sflag:$0x2] =	stream.indirect.gather [hbm4b:s12+s22], $0x80, s7, s22, $0xb8;
	[tilespmem:$0x1CC80] =	vst v63  }
0x1d0: {  	_ =	swait.ge [sflag:s31], $0x1400  }
0x1d1: {  	[sflag:s31] =	ssyncset.done $0x0  }
0x1d2: {  	[sflag:s31] =	ssyncadd.s32 $0xFFFFEC00  }
0x1d3: {  	_ =	swait.ge [sflag:s0], $0x1400  }
0x1d4: {  	[sflag:s0] =	ssyncset.done $0x0  }
0x1d5: {  	s14 =	simm.s32 $0x4280;
	[sflag:s0] =	ssyncadd.s32 $0xFFFFEC00  }
0x1d6: {  	[spmem:s1] =	stream.indirect.scatter.add.f32 [tilespmem:s25], [sflag:$0x6], $0x80, s14, s30, $0xb8;
	[tilespmem:$0x1CC80] =	vst v63  }
0x1d7: {  	_ =	swait.ge [sflag:s6], $0x2800  }
0x1d8: {  	[sflag:s6] =	ssyncset.done $0x0  }
0x1d9: {  	s11 =	simm.s32 $0x380;
	[sflag:s6] =	ssyncadd.s32 $0xFFFFD800  }
0x1da: {  	[tilespmem:s25], [sflag:$0x3] =	stream.indirect.gather [hbm4b:s12+s22], $0x80, s11, s22, $0xb8;
	[tilespmem:$0x1CC80] =	vst v63  }
0x1db: {  	s13 =	simm.s32 $0x3A8  }
0x1dc: {  	[tilespmem:s26], [sflag:$0x4] =	stream.indirect.gather [hbm4b:s12+s22], $0x80, s13, s22, $0xb8;
	[tilespmem:$0x1CC80] =	vst v63  }
0x1dd: {  	_ =	swait.ge [sflag:s28], $0x1400  }
0x1de: {  	[sflag:s28] =	ssyncset.done $0x0  }
0x1df: {  	[sflag:s28] =	ssyncadd.s32 $0xFFFFEC00  }
0x1e0: {  	_ =	swait.ge [sflag:s29], $0x1400  }
0x1e1: {  	[sflag:s29] =	ssyncset.done $0x0  }
0x1e2: {  	s13 =	simm.s32 $0x4300;
	[sflag:s29] =	ssyncadd.s32 $0xFFFFEC00  }
0x1e3: {  	[spmem:s1] =	stream.indirect.scatter.add.f32 [tilespmem:s23], [sflag:$0x5], $0x80, s13, s30, $0xb8;
	[tilespmem:$0x1CC80] =	vst v63  }
0x1e4: {  	_ =	swait.ge [sflag:s8], $0x2800  }
0x1e5: {  	[sflag:s8] =	ssyncset.done $0x0  }
0x1e6: {  	[sflag:s8] =	ssyncadd.s32 $0xFFFFD800  }
0x1e7: {  	_ =	swait.ge [sflag:s31], $0x1400  }
0x1e8: {  	[sflag:s31] =	ssyncset.done $0x0  }
0x1e9: {  	[sflag:s31] =	ssyncadd.s32 $0xFFFFEC00  }
0x1ea: {  	_ =	swait.ge [sflag:s0], $0x1400  }
0x1eb: {  	[sflag:s0] =	ssyncset.done $0x0  }
0x1ec: {  	s11 =	simm.s32 $0x4380;
	[sflag:s0] =	ssyncadd.s32 $0xFFFFEC00  }
0x1ed: {  	[spmem:s1] =	stream.indirect.scatter.add.f32 [tilespmem:s25], [sflag:$0x6], $0x80, s11, s30, $0xb8;
	[tilespmem:$0x1CC80] =	vst v63  }
0x1ee: {  	_ =	swait.ge [sflag:s6], $0x2800  }
0x1ef: {  	s7 =	simm.s32 $0x1000;
	[sflag:s6] =	ssyncset.done $0x0  }
.LBB2_16:
0x1f0: {  	p1 =	sne.s32 s7, $0xE000;
	[sflag:s6] =	ssyncadd.s32 $0xFFFFD800;
	s10 =	sadd.s32 $0x80, s10  }
0x1f1: {  	[tilespmem:s21], [sflag:$0x8] =	stream.linear.gather [hbm4b:s10+s3], $0x400, $0x38;
	[tilespmem:$0x1CC80] =	vst v63  }
0x1f2: {  	s2 =	smov.u32 s7;
	s7 =	sadd.s32 $0x1000, s7;
	_ =	swait.ge [sflag:s18], $0x400  }
0x1f3: {  	[sflag:s18] =	ssyncset.done $0x0  }
0x1f4: {  	s3 =	sshra.s32 s2, $0x2;
	[sflag:s18] =	ssyncadd.s32 $0xFFFFFC00  }
0x1f5: {  	[tilespmem:s23], [sflag:$0x1] =	stream.indirect.gather [hbm4b:s12+s22], $0x80, s3, s22, $0xb8;
	[tilespmem:$0x1CC80] =	vst v63  }
0x1f6: {  	s2 =	sadd.s32 $0x28, s3  }
0x1f7: {  	[tilespmem:s24], [sflag:$0x2] =	stream.indirect.gather [hbm4b:s12+s22], $0x80, s2, s22, $0xb8;
	[tilespmem:$0x1CC80] =	vst v63  }
0x1f8: {  	s2 =	sadd.s32 $0x80, s3  }
0x1f9: {  	[tilespmem:s25], [sflag:$0x3] =	stream.indirect.gather [hbm4b:s12+s22], $0x80, s2, s22, $0xb8;
	[tilespmem:$0x1CC80] =	vst v63  }
0x1fa: {  	s2 =	sadd.s32 $0xA8, s3  }
0x1fb: {  	[tilespmem:s26], [sflag:$0x4] =	stream.indirect.gather [hbm4b:s12+s22], $0x80, s2, s22, $0xb8;
	[tilespmem:$0x1CC80] =	vst v63  }
0x1fc: {  	_ =	swait.ge [sflag:s28], $0x1400  }
0x1fd: {  	[sflag:s28] =	ssyncset.done $0x0  }
0x1fe: {  	[sflag:s28] =	ssyncadd.s32 $0xFFFFEC00  }
0x1ff: {  	_ =	swait.ge [sflag:s29], $0x1400  }
0x200: {  	[sflag:s29] =	ssyncset.done $0x0  }
0x201: {  	[sflag:s29] =	ssyncadd.s32 $0xFFFFEC00  }
0x202: {  	[spmem:s1] =	stream.indirect.scatter.add.f32 [tilespmem:s23], [sflag:$0x5], $0x80, s21, s30, $0xb8;
	[tilespmem:$0x1CC80] =	vst v63  }
0x203: {  	_ =	swait.ge [sflag:s8], $0x2800  }
0x204: {  	[sflag:s8] =	ssyncset.done $0x0  }
0x205: {  	s2 =	sadd.s32 $0x100, s3;
	[sflag:s8] =	ssyncadd.s32 $0xFFFFD800  }
0x206: {  	[tilespmem:s23], [sflag:$0x1] =	stream.indirect.gather [hbm4b:s12+s22], $0x80, s2, s22, $0xb8;
	[tilespmem:$0x1CC80] =	vst v63  }
0x207: {  	s2 =	sadd.s32 $0x128, s3  }
0x208: {  	[tilespmem:s24], [sflag:$0x2] =	stream.indirect.gather [hbm4b:s12+s22], $0x80, s2, s22, $0xb8;
	[tilespmem:$0x1CC80] =	vst v63  }
0x209: {  	_ =	swait.ge [sflag:s31], $0x1400  }
0x20a: {  	[sflag:s31] =	ssyncset.done $0x0  }
0x20b: {  	[sflag:s31] =	ssyncadd.s32 $0xFFFFEC00  }
0x20c: {  	_ =	swait.ge [sflag:s0], $0x1400  }
0x20d: {  	[sflag:s0] =	ssyncset.done $0x0  }
0x20e: {  	s2 =	simm.s32 $0x4080;
	[sflag:s0] =	ssyncadd.s32 $0xFFFFEC00  }
0x20f: {  	[spmem:s1] =	stream.indirect.scatter.add.f32 [tilespmem:s25], [sflag:$0x6], $0x80, s2, s30, $0xb8;
	[tilespmem:$0x1CC80] =	vst v63  }
0x210: {  	_ =	swait.ge [sflag:s6], $0x2800  }
0x211: {  	[sflag:s6] =	ssyncset.done $0x0  }
0x212: {  	s2 =	sadd.s32 $0x180, s3;
	[sflag:s6] =	ssyncadd.s32 $0xFFFFD800  }
0x213: {  	[tilespmem:s25], [sflag:$0x3] =	stream.indirect.gather [hbm4b:s12+s22], $0x80, s2, s22, $0xb8;
	[tilespmem:$0x1CC80] =	vst v63  }
0x214: {  	s2 =	sadd.s32 $0x1A8, s3  }
0x215: {  	[tilespmem:s26], [sflag:$0x4] =	stream.indirect.gather [hbm4b:s12+s22], $0x80, s2, s22, $0xb8;
	[tilespmem:$0x1CC80] =	vst v63  }
0x216: {  	_ =	swait.ge [sflag:s28], $0x1400  }
0x217: {  	[sflag:s28] =	ssyncset.done $0x0  }
0x218: {  	[sflag:s28] =	ssyncadd.s32 $0xFFFFEC00  }
0x219: {  	_ =	swait.ge [sflag:s29], $0x1400  }
0x21a: {  	[sflag:s29] =	ssyncset.done $0x0  }
0x21b: {  	[sflag:s29] =	ssyncadd.s32 $0xFFFFEC00  }
0x21c: {  	[spmem:s1] =	stream.indirect.scatter.add.f32 [tilespmem:s23], [sflag:$0x5], $0x80, s15, s30, $0xb8;
	[tilespmem:$0x1CC80] =	vst v63  }
0x21d: {  	_ =	swait.ge [sflag:s8], $0x2800  }
0x21e: {  	[sflag:s8] =	ssyncset.done $0x0  }
0x21f: {  	s2 =	sadd.s32 $0x200, s3;
	[sflag:s8] =	ssyncadd.s32 $0xFFFFD800  }
0x220: {  	[tilespmem:s23], [sflag:$0x1] =	stream.indirect.gather [hbm4b:s12+s22], $0x80, s2, s22, $0xb8;
	[tilespmem:$0x1CC80] =	vst v63  }
0x221: {  	s2 =	sadd.s32 $0x228, s3  }
0x222: {  	[tilespmem:s24], [sflag:$0x2] =	stream.indirect.gather [hbm4b:s12+s22], $0x80, s2, s22, $0xb8;
	[tilespmem:$0x1CC80] =	vst v63  }
0x223: {  	_ =	swait.ge [sflag:s31], $0x1400  }
0x224: {  	[sflag:s31] =	ssyncset.done $0x0  }
0x225: {  	[sflag:s31] =	ssyncadd.s32 $0xFFFFEC00  }
0x226: {  	_ =	swait.ge [sflag:s0], $0x1400  }
0x227: {  	[sflag:s0] =	ssyncset.done $0x0  }
0x228: {  	[sflag:s0] =	ssyncadd.s32 $0xFFFFEC00  }
0x229: {  	[spmem:s1] =	stream.indirect.scatter.add.f32 [tilespmem:s25], [sflag:$0x6], $0x80, s17, s30, $0xb8;
	[tilespmem:$0x1CC80] =	vst v63  }
0x22a: {  	_ =	swait.ge [sflag:s6], $0x2800  }
0x22b: {  	[sflag:s6] =	ssyncset.done $0x0  }
0x22c: {  	s2 =	sadd.s32 $0x280, s3;
	[sflag:s6] =	ssyncadd.s32 $0xFFFFD800  }
0x22d: {  	[tilespmem:s25], [sflag:$0x3] =	stream.indirect.gather [hbm4b:s12+s22], $0x80, s2, s22, $0xb8;
	[tilespmem:$0x1CC80] =	vst v63  }
0x22e: {  	s2 =	sadd.s32 $0x2A8, s3  }
0x22f: {  	[tilespmem:s26], [sflag:$0x4] =	stream.indirect.gather [hbm4b:s12+s22], $0x80, s2, s22, $0xb8;
	[tilespmem:$0x1CC80] =	vst v63  }
0x230: {  	_ =	swait.ge [sflag:s28], $0x1400  }
0x231: {  	[sflag:s28] =	ssyncset.done $0x0  }
0x232: {  	[sflag:s28] =	ssyncadd.s32 $0xFFFFEC00  }
0x233: {  	_ =	swait.ge [sflag:s29], $0x1400  }
0x234: {  	[sflag:s29] =	ssyncset.done $0x0  }
0x235: {  	[sflag:s29] =	ssyncadd.s32 $0xFFFFEC00  }
0x236: {  	[spmem:s1] =	stream.indirect.scatter.add.f32 [tilespmem:s23], [sflag:$0x5], $0x80, s16, s30, $0xb8;
	[tilespmem:$0x1CC80] =	vst v63  }
0x237: {  	_ =	swait.ge [sflag:s8], $0x2800  }
0x238: {  	[sflag:s8] =	ssyncset.done $0x0  }
0x239: {  	s2 =	sadd.s32 $0x300, s3;
	[sflag:s8] =	ssyncadd.s32 $0xFFFFD800  }
0x23a: {  	[tilespmem:s23], [sflag:$0x1] =	stream.indirect.gather [hbm4b:s12+s22], $0x80, s2, s22, $0xb8;
	[tilespmem:$0x1CC80] =	vst v63  }
0x23b: {  	s2 =	sadd.s32 $0x328, s3  }
0x23c: {  	[tilespmem:s24], [sflag:$0x2] =	stream.indirect.gather [hbm4b:s12+s22], $0x80, s2, s22, $0xb8;
	[tilespmem:$0x1CC80] =	vst v63  }
0x23d: {  	_ =	swait.ge [sflag:s31], $0x1400  }
0x23e: {  	[sflag:s31] =	ssyncset.done $0x0  }
0x23f: {  	[sflag:s31] =	ssyncadd.s32 $0xFFFFEC00  }
0x240: {  	_ =	swait.ge [sflag:s0], $0x1400  }
0x241: {  	[sflag:s0] =	ssyncset.done $0x0  }
0x242: {  	[sflag:s0] =	ssyncadd.s32 $0xFFFFEC00  }
0x243: {  	[spmem:s1] =	stream.indirect.scatter.add.f32 [tilespmem:s25], [sflag:$0x6], $0x80, s14, s30, $0xb8;
	[tilespmem:$0x1CC80] =	vst v63  }
0x244: {  	_ =	swait.ge [sflag:s6], $0x2800  }
0x245: {  	[sflag:s6] =	ssyncset.done $0x0  }
0x246: {  	s2 =	sadd.s32 $0x380, s3;
	[sflag:s6] =	ssyncadd.s32 $0xFFFFD800  }
0x247: {  	[tilespmem:s25], [sflag:$0x3] =	stream.indirect.gather [hbm4b:s12+s22], $0x80, s2, s22, $0xb8;
	[tilespmem:$0x1CC80] =	vst v63  }
0x248: {  	s2 =	sadd.s32 $0x3A8, s3;
	s3 =	simm.s32 $0x0  }
0x249: {  	[tilespmem:s26], [sflag:$0x4] =	stream.indirect.gather [hbm4b:s12+s22], $0x80, s2, s22, $0xb8;
	[tilespmem:$0x1CC80] =	vst v63  }
0x24a: {  	_ =	swait.ge [sflag:s28], $0x1400  }
0x24b: {  	[sflag:s28] =	ssyncset.done $0x0  }
0x24c: {  	[sflag:s28] =	ssyncadd.s32 $0xFFFFEC00  }
0x24d: {  	_ =	swait.ge [sflag:s29], $0x1400  }
0x24e: {  	[sflag:s29] =	ssyncset.done $0x0  }
0x24f: {  	[sflag:s29] =	ssyncadd.s32 $0xFFFFEC00  }
0x250: {  	[spmem:s1] =	stream.indirect.scatter.add.f32 [tilespmem:s23], [sflag:$0x5], $0x80, s13, s30, $0xb8;
	[tilespmem:$0x1CC80] =	vst v63  }
0x251: {  	_ =	swait.ge [sflag:s8], $0x2800  }
0x252: {  	[sflag:s8] =	ssyncset.done $0x0  }
0x253: {  	[sflag:s8] =	ssyncadd.s32 $0xFFFFD800  }
0x254: {  	_ =	swait.ge [sflag:s31], $0x1400  }
0x255: {  	[sflag:s31] =	ssyncset.done $0x0  }
0x256: {  	[sflag:s31] =	ssyncadd.s32 $0xFFFFEC00  }
0x257: {  	_ =	swait.ge [sflag:s0], $0x1400  }
.Ltmp13:
0x258: {  	[sflag:s0] =	ssyncset.done $0x0;
	(pc) =	sbr.rel @p1 .LBB2_16-.Ltmp13, $4  }
0x259: {  	[sflag:s0] =	ssyncadd.s32 $0xFFFFEC00  }
0x25a: {  	[spmem:s1] =	stream.indirect.scatter.add.f32 [tilespmem:s25], [sflag:$0x6], $0x80, s11, s30, $0xb8;
	[tilespmem:$0x1CC80] =	vst v63  }
0x25b: {  	_ =	swait.ge [sflag:s6], $0x2800  }
0x25c: {  	[sflag:s6] =	ssyncset.done $0x0  }
0x25d: {  	[sflag:s6] =	ssyncadd.s32 $0xFFFFD800;
	s2 =	rddreg [dreg:$0x7]  }
0x25e: {  	[tilespmem:s21], [sflag:$0x8] =	stream.linear.gather [hbm4b:s2+s3], $0x400, $0x38;
	[tilespmem:$0x1CC80] =	vst v63  }
0x25f: {  	_ =	swait.ge [sflag:s18], $0x400  }
0x260: {  	[sflag:s18] =	ssyncset.done $0x0  }
0x261: {  	s10 =	simm.s32 $0x3C00;
	[sflag:s18] =	ssyncadd.s32 $0xFFFFFC00  }
0x262: {  	[tilespmem:s23], [sflag:$0x1] =	stream.indirect.gather [hbm4b:s12+s22], $0x80, s10, s22, $0xb8;
	[tilespmem:$0x1CC80] =	vst v63  }
0x263: {  	s11 =	simm.s32 $0x3C28  }
0x264: {  	[tilespmem:s24], [sflag:$0x2] =	stream.indirect.gather [hbm4b:s12+s22], $0x80, s11, s22, $0xb8;
	[tilespmem:$0x1CC80] =	vst v63  }
0x265: {  	s13 =	simm.s32 $0x3C80  }
0x266: {  	[tilespmem:s25], [sflag:$0x3] =	stream.indirect.gather [hbm4b:s12+s22], $0x80, s13, s22, $0xb8;
	[tilespmem:$0x1CC80] =	vst v63  }
0x267: {  	s14 =	simm.s32 $0x3CA8  }
0x268: {  	[tilespmem:s26], [sflag:$0x4] =	stream.indirect.gather [hbm4b:s12+s22], $0x80, s14, s22, $0xb8;
	[tilespmem:$0x1CC80] =	vst v63  }
0x269: {  	_ =	swait.ge [sflag:s28], $0x1400  }
0x26a: {  	[sflag:s28] =	ssyncset.done $0x0  }
0x26b: {  	[sflag:s28] =	ssyncadd.s32 $0xFFFFEC00  }
0x26c: {  	_ =	swait.ge [sflag:s29], $0x1400  }
0x26d: {  	[sflag:s29] =	ssyncset.done $0x0  }
0x26e: {  	[sflag:s29] =	ssyncadd.s32 $0xFFFFEC00  }
0x26f: {  	[spmem:s1] =	stream.indirect.scatter.add.f32 [tilespmem:s23], [sflag:$0x5], $0x80, s21, s30, $0xb8;
	[tilespmem:$0x1CC80] =	vst v63  }
0x270: {  	_ =	swait.ge [sflag:s8], $0x2800  }
0x271: {  	[sflag:s8] =	ssyncset.done $0x0  }
0x272: {  	s3 =	simm.s32 $0x3D00;
	[sflag:s8] =	ssyncadd.s32 $0xFFFFD800  }
0x273: {  	[tilespmem:s23], [sflag:$0x1] =	stream.indirect.gather [hbm4b:s12+s22], $0x80, s3, s22, $0xb8;
	[tilespmem:$0x1CC80] =	vst v63  }
0x274: {  	s7 =	simm.s32 $0x3D28  }
0x275: {  	[tilespmem:s24], [sflag:$0x2] =	stream.indirect.gather [hbm4b:s12+s22], $0x80, s7, s22, $0xb8;
	[tilespmem:$0x1CC80] =	vst v63  }
0x276: {  	_ =	swait.ge [sflag:s31], $0x1400  }
0x277: {  	[sflag:s31] =	ssyncset.done $0x0  }
0x278: {  	[sflag:s31] =	ssyncadd.s32 $0xFFFFEC00  }
0x279: {  	_ =	swait.ge [sflag:s0], $0x1400  }
0x27a: {  	[sflag:s0] =	ssyncset.done $0x0  }
0x27b: {  	s10 =	simm.s32 $0x4080;
	[sflag:s0] =	ssyncadd.s32 $0xFFFFEC00  }
0x27c: {  	[spmem:s1] =	stream.indirect.scatter.add.f32 [tilespmem:s25], [sflag:$0x6], $0x80, s10, s30, $0xb8;
	[tilespmem:$0x1CC80] =	vst v63  }
0x27d: {  	_ =	swait.ge [sflag:s6], $0x2800  }
0x27e: {  	[sflag:s6] =	ssyncset.done $0x0  }
0x27f: {  	s11 =	simm.s32 $0x3D80;
	[sflag:s6] =	ssyncadd.s32 $0xFFFFD800  }
0x280: {  	[tilespmem:s25], [sflag:$0x3] =	stream.indirect.gather [hbm4b:s12+s22], $0x80, s11, s22, $0xb8;
	[tilespmem:$0x1CC80] =	vst v63  }
0x281: {  	s13 =	simm.s32 $0x3DA8  }
0x282: {  	[tilespmem:s26], [sflag:$0x4] =	stream.indirect.gather [hbm4b:s12+s22], $0x80, s13, s22, $0xb8;
	[tilespmem:$0x1CC80] =	vst v63  }
0x283: {  	_ =	swait.ge [sflag:s28], $0x1400  }
0x284: {  	[sflag:s28] =	ssyncset.done $0x0  }
0x285: {  	[sflag:s28] =	ssyncadd.s32 $0xFFFFEC00  }
0x286: {  	_ =	swait.ge [sflag:s29], $0x1400  }
0x287: {  	[sflag:s29] =	ssyncset.done $0x0  }
0x288: {  	[sflag:s29] =	ssyncadd.s32 $0xFFFFEC00  }
0x289: {  	[spmem:s1] =	stream.indirect.scatter.add.f32 [tilespmem:s23], [sflag:$0x5], $0x80, s15, s30, $0xb8;
	[tilespmem:$0x1CC80] =	vst v63  }
0x28a: {  	_ =	swait.ge [sflag:s8], $0x2800  }
0x28b: {  	[sflag:s8] =	ssyncset.done $0x0  }
0x28c: {  	s14 =	simm.s32 $0x3E00;
	[sflag:s8] =	ssyncadd.s32 $0xFFFFD800  }
0x28d: {  	[tilespmem:s23], [sflag:$0x1] =	stream.indirect.gather [hbm4b:s12+s22], $0x80, s14, s22, $0xb8;
	[tilespmem:$0x1CC80] =	vst v63  }
0x28e: {  	s15 =	simm.s32 $0x3E28  }
0x28f: {  	[tilespmem:s24], [sflag:$0x2] =	stream.indirect.gather [hbm4b:s12+s22], $0x80, s15, s22, $0xb8;
	[tilespmem:$0x1CC80] =	vst v63  }
0x290: {  	_ =	swait.ge [sflag:s31], $0x1400  }
0x291: {  	[sflag:s31] =	ssyncset.done $0x0  }
0x292: {  	[sflag:s31] =	ssyncadd.s32 $0xFFFFEC00  }
0x293: {  	_ =	swait.ge [sflag:s0], $0x1400  }
0x294: {  	[sflag:s0] =	ssyncset.done $0x0  }
0x295: {  	[sflag:s0] =	ssyncadd.s32 $0xFFFFEC00  }
0x296: {  	[spmem:s1] =	stream.indirect.scatter.add.f32 [tilespmem:s25], [sflag:$0x6], $0x80, s17, s30, $0xb8;
	[tilespmem:$0x1CC80] =	vst v63  }
0x297: {  	_ =	swait.ge [sflag:s6], $0x2800  }
0x298: {  	[sflag:s6] =	ssyncset.done $0x0  }
0x299: {  	[sflag:s6] =	ssyncadd.s32 $0xFFFFD800  }
0x29a: {  	_ =	swait.ge [sflag:s28], $0x1400  }
0x29b: {  	[sflag:s28] =	ssyncset.done $0x0  }
0x29c: {  	[sflag:s28] =	ssyncadd.s32 $0xFFFFEC00  }
0x29d: {  	_ =	swait.ge [sflag:s29], $0x1400  }
0x29e: {  	[sflag:s29] =	ssyncset.done $0x0  }
0x29f: {  	[sflag:s29] =	ssyncadd.s32 $0xFFFFEC00  }
0x2a0: {  	[spmem:s1] =	stream.indirect.scatter.add.f32 [tilespmem:s23], [sflag:$0x5], $0x80, s16, s30, $0xb8;
	[tilespmem:$0x1CC80] =	vst v63  }
0x2a1: {  	_ =	swait.ge [sflag:s8], $0x2800  }
0x2a2: {  	[sflag:s8] =	ssyncset.done $0x0  }
0x2a3: {  	[sflag:s8] =	ssyncadd.s32 $0xFFFFD800  }
0x2a4: {  	[bflag:$0x0] =	sbarrier.arrive $0xFFFF  }
.Ltmp14:
0x2a5: {  	s16 =	rddreg [dreg:$0x5];
	(pc) =	sbr.rel @!p0 .LBB2_19-.Ltmp14, $4  }
0x2a6: {  	s11 =	rddreg [dreg:$0xc]  }
0x2a7: {  	s10 =	rddreg [dreg:$0x9]  }
0x2a8: {  	s3 =	sadd.s32 $0xFFFFFFFF, s16;
	s17 =	sshrl.u32 s11, $0x3;
	s7 =	sadd.s32 $0x2800, s10  }
0x2a9: {  	s13 =	sshrl.u32 s10, $0x3;
	s10 =	sadd.s32 $0x2800, s11;
	s2 =	sadd.s32 s5, s17  }
.LBB2_18:
0x2aa: {  	[hbm:s2], [sflag:s19] =	dma.local [spmem:s13], $0x500  }
0x2ab: {  	p1 =	sne.s32 s3, $0x1  }
.Ltmp15:
0x2ac: {  	s3 =	sadd.s32 $0xFFFFFFFF, s3;
	(pc) =	sbr.rel @p1 .LBB2_18-.Ltmp15, $3  }
0x2ad: {  	s13 =	smov.u32 s7;
	_ =	sdelay $0x1  }
0x2ae: {  	s2 =	sshrl.u32 s10, $0x3;
	s7 =	sadd.s32 $0x2800, s7  }
0x2af: {  	s10 =	sadd.s32 $0x2800, s10;
	s2 =	sadd.s32 s5, s2;
	s13 =	sshrl.u32 s13, $0x3  }
.LBB2_19:
.Ltmp16:
0x2b0: {  	(pc) =	sbr.rel @!p0 .LBB2_21-.Ltmp16, $4  }
0x2b1: {  	[hbm:s2], [sflag:s19] =	dma.local [spmem:s13], $0x500  }
0x2b2: {  	_ =	swait.ge [sflag:s20], $0x500  }
0x2b3: {  	s17 =	rddreg [dreg:$0x5]  }
0x2b4: {  	[sflag:s20] =	ssyncset.done $0x0;
	s3 =	sadd.s32 $0xFFFFFFFF, s17  }
.LBB2_20:
0x2b5: {  	p0 =	sne.s32 s3, $0x1;
	s3 =	sadd.s32 $0xFFFFFFFF, s3;
	[sflag:s20] =	ssyncadd.s32 $0xFFFFFB00  }
.Ltmp17:
0x2b6: {  	(pc) =	sbr.rel @p0 .LBB2_20-.Ltmp17, $3  }
0x2b7: {  	_ =	sdelay $0x1  }
0x2b8: {  	_ =	swait.ge [sflag:s20], $0x500  }
0x2b9: {  	[sflag:s20] =	ssyncset.done $0x0  }
.LBB2_21:
0x2ba: {  	s3 =	rddreg [dreg:$0xd]  }
0x2bb: {  	s2 =	rddreg [dreg:$0x8];
	s3 =	sadd.s32 $0x1, s3  }
0x2bc: {  	p0 =	sne.s32 s3, s2  }
.Ltmp18:
0x2bd: {  	_ = 	snop;
	(pc) =	sbr.rel @p0 .LBB2_1-.Ltmp18, $4  }
0x2be: {  	_ = 	snop  }
0x2bf: {  	[sflag:s20] =	ssyncadd.s32 $0xFFFFFB00  }
0x2c0: {  	[bflag:$0x0] =	sbarrier.arrive $0xFFFF  }
0x2c1: {  	s13 =	simm.s32 $0x0  }
0x2c2: {  	_ =	sfence.sel $0x180000  }
0x2c3: {  	[bflag:$0x0] =	sbarrier.arrive $0xFFFF  }
0x2c4: {  	_ =	strace $0x9000004A  }
0x2c5: {  	s0 =	stileid.u32;
	[bflag:$0x2] =	sbarrier.arrive $0xFFFF  }
0x2c6: {  	p0 =	sne.s32 s0, $0x0;
	s0 =	rddreg [dreg:$0x3]  }
0x2c7: {  	s0 =	sadd.s32 @!p0 $0x100000, s0  }
0x2c8: {  	[sflag:s0] =	ssyncadd.tile.s32 @!p0 $0x1;
	_ =	shalt  }
.Lfunc_end2:
_tile_overlayer_lowered:
.L_overlay_start_2:
0x2c9: {  	(tag) =	ssettag $0x2  }
0x2ca: {  	s0 =	rddreg [dreg:$0x0];
	s2 =	stileid.u32  }
0x2cb: {  	s1 =	rddreg [dreg:$0x1];
	p0 =	sne.s32 s2, $0x0  }
0x2cc: {  	s3 =	rddreg [dreg:$0x2];
	[bflag:$0x3] =	sbarrier.arrive $0xFFFF;
	s2 =	simm.s32 @!p0 $0x1C08  }
0x2cd: {  	[timem:s3], [sflag:s2] =	dma.local @!p0 [hbm:s0], s1  }
0x2ce: {  	s0 =	simm.s32 @!p0 $0x8  }
0x2cf: {  	_ =	swait.ge @!p0 [sflag:s0], s1  }
0x2d0: {  	s1 =	ssub.s32 @!p0 $0x0, s1;
	[sflag:s0] =	ssyncset.done @!p0 $0x0  }
0x2d1: {  	[sflag:s0] =	ssyncadd.s32 @!p0 s1  }
0x2d2: {  	[bflag:$0x3] =	sbarrier.arrive $0xFFFF  }
0x2d3: {  	_ =	shalt  }

</sc_bundles>
